<compile_context>
chip_gen: v7x
topology: tpu7x:2x2x1
jax: 0.10.2.dev20260603
libtpu: 0.0.44.dev20260713+nightly
codegen_flags: <defaults>
</compile_context>

<pallas_src>
import functools

import jax
import jax.numpy as jnp
from jax import lax
from jax.experimental import pallas as pl
from jax.experimental.pallas import tpu as pltpu
from jax.experimental.pallas import tpu_sc as plsc

N = 256
CZ = 128
CS = 384
CRBF = 64
CGS = 16
H = 4
CH = 32
K = 32
NN = N * N
RB = 4096
NRB = NN // RB
CB = 8
F32 = jnp.float32


def _ln(x, g, b):
    mu = jnp.mean(x, -1, keepdims=True)
    var = jnp.mean((x - mu) ** 2, -1, keepdims=True)
    return (x - mu) / jnp.sqrt(var + 1e-5) * g + b


def _full(shape):
    return pl.BlockSpec(shape, lambda *_: (0,) * len(shape))



BIR = 16


def _bias_body(coords_ref, node_ref, wl_ref, bl_ref, wr_ref, br_ref, wg_ref,
               bg_ref, wrbf_ref, brbf_ref, wbias_ref, mu_ref,
               tb_ref, r_s):
    i = pl.program_id(0)

    @pl.when(i == 0)
    def _():
        right = jnp.dot(node_ref[...], wr_ref[...],
                        preferred_element_type=F32) + br_ref[...]
        for a in range(CGS):
            r_s[a, :, :] = jnp.dot(right, wg_ref[a * CGS:(a + 1) * CGS, :],
                                   preferred_element_type=F32)

    crows = coords_ref[pl.ds(i * BIR, BIR), :]
    nrows = node_ref[pl.ds(i * BIR, BIR), :]
    left = (jnp.dot(nrows, wl_ref[...], preferred_element_type=F32)
            + bl_ref[...]).astype(jnp.bfloat16)
    rflat = jnp.reshape(r_s[...], (CGS, N * CZ)).astype(jnp.bfloat16)
    gate_rows = jnp.dot(left, rflat, preferred_element_type=F32)
    glin = jnp.reshape(gate_rows, (BIR * N, CZ))
    dcols = []
    for r in range(BIR):
        diff = coords_ref[...] - crows[r:r + 1, :]
        dcols.append(jnp.sqrt(jnp.sum(diff * diff, axis=1, keepdims=True)
                              + 1e-12))
    d = jnp.concatenate(dcols, axis=0)
    rbf = jnp.exp(-(((d - mu_ref[...]) / 0.5) ** 2)).astype(jnp.bfloat16)
    rbf_proj = jnp.dot(rbf, wrbf_ref[...].astype(jnp.bfloat16),
                       preferred_element_type=F32) + brbf_ref[...]
    gate = jax.nn.sigmoid(glin + bg_ref[...])
    tb_ref[...] = jnp.dot((rbf_proj * gate).astype(jnp.bfloat16),
                          wbias_ref[...].astype(jnp.bfloat16),
                          preferred_element_type=F32)


def _bias_pipeline(coords, node, p):
    wbias_pad = jnp.zeros((CZ, CZ), F32).at[:, :H].set(p['W_bias'])
    mu = jnp.linspace(0.0, (CRBF - 1) * 0.5, CRBF,
                      dtype=F32).reshape(1, CRBF)
    out = pl.pallas_call(
        _bias_body,
        grid=(N // BIR,),
        in_specs=[
            _full((N, 3)), _full((N, CS)),
            _full((CS, CGS)), _full((1, CGS)),
            _full((CS, CGS)), _full((1, CGS)),
            _full((CGS * CGS, CZ)), _full((1, CZ)),
            _full((CRBF, CZ)), _full((1, CZ)),
            _full((CZ, CZ)), _full((1, CRBF)),
        ],
        out_specs=pl.BlockSpec((BIR * N, CZ), lambda i: (i, 0)),
        out_shape=jax.ShapeDtypeStruct((NN, CZ), F32),
        scratch_shapes=[pltpu.VMEM((CGS, N, CZ), F32)],
    )(coords, node,
      p['W_left'], p['b_left'].reshape(1, CGS),
      p['W_right'], p['b_right'].reshape(1, CGS),
      p['W_gate'], p['b_gate'].reshape(1, CZ),
      p['W_rbf'], p['b_rbf'].reshape(1, CZ),
      wbias_pad, mu)
    return out



def _knn_body(coords_ref, flat_ref, flat2_ref, lidx_ref):
    c = coords_ref[...]
    comps = []
    for a in range(3):
        col = c[:, a:a + 1]
        dd = col - jnp.transpose(col)
        comps.append(dd * dd)
    d2 = comps[0] + comps[1] + comps[2]
    ri = lax.broadcasted_iota(jnp.int32, (N, N), 0)
    cj = lax.broadcasted_iota(jnp.int32, (N, N), 1)
    d2 = jnp.where(ri == cj, 1e30, d2)
    d2 = jnp.where(jnp.abs(ri - cj) == 1, -1.0, d2)
    r0 = lax.broadcasted_iota(jnp.int32, (N, 1), 0)
    for k in range(K):
        m = jnp.min(d2, axis=1, keepdims=True)
        am = jnp.min(jnp.where(d2 == m, cj, jnp.int32(2 ** 30)),
                     axis=1, keepdims=True)
        d2 = jnp.where(cj == am, 1e30, d2)
        flat_ref[:, k:k + 1] = am + r0 * N
        flat2_ref[:, k:k + 1] = am * N + r0
        lidx_ref[:, k:k + 1] = am


def _knn_flat(coords):
    return pl.pallas_call(
        _knn_body,
        grid=(1,),
        in_specs=[_full((N, 3))],
        out_specs=[pl.BlockSpec((N, K), lambda i: (0, 0))] * 3,
        out_shape=[jax.ShapeDtypeStruct((N, K), jnp.int32)] * 3,
    )(coords)



def _trimul_proj_body(z_ref, lng_ref, lnb_ref, wap_ref, bap_ref, wag_ref,
                      bag_ref, wbp_ref, bbp_ref, wbg_ref, bbg_ref,
                      at_ref, bt_ref):
    zl = _ln(z_ref[...], lng_ref[...], lnb_ref[...]).astype(jnp.bfloat16)
    a = jax.nn.sigmoid(
        jnp.dot(zl, wag_ref[...].astype(jnp.bfloat16),
                preferred_element_type=F32) + bag_ref[...]
    ) * (jnp.dot(zl, wap_ref[...].astype(jnp.bfloat16),
                 preferred_element_type=F32) + bap_ref[...])
    b = jax.nn.sigmoid(
        jnp.dot(zl, wbg_ref[...].astype(jnp.bfloat16),
                preferred_element_type=F32) + bbg_ref[...]
    ) * (jnp.dot(zl, wbp_ref[...].astype(jnp.bfloat16),
                 preferred_element_type=F32) + bbp_ref[...])
    at_ref[...] = jnp.transpose(a.astype(jnp.bfloat16))
    bt_ref[...] = jnp.transpose(b.astype(jnp.bfloat16))


def _trimul_einsum_body(outgoing, at_ref, bt_ref, x_ref):
    cdim = 1 if outgoing else 0
    for c in range(CB):
        x_ref[c, :, :] = lax.dot_general(
            at_ref[c, :, :], bt_ref[c, :, :],
            (((cdim,), (cdim,)), ((), ())),
            preferred_element_type=F32)


def _trimul_out_body(z_ref, xt_ref, lng_ref, lnb_ref, log_ref, lob_ref,
                     wz_ref, bz_ref, wg_ref, bg_ref, o_ref):
    z = z_ref[...]
    zl = _ln(z, lng_ref[...], lnb_ref[...]).astype(jnp.bfloat16)
    x = jnp.transpose(xt_ref[...]).astype(F32)
    x = _ln(x, log_ref[...], lob_ref[...]).astype(jnp.bfloat16)
    x = jnp.dot(x, wz_ref[...].astype(jnp.bfloat16),
                preferred_element_type=F32) + bz_ref[...]
    g = jax.nn.sigmoid(
        jnp.dot(zl, wg_ref[...].astype(jnp.bfloat16),
                preferred_element_type=F32) + bg_ref[...])
    o_ref[...] = z + x * g


def _trimul(zf, p, pref, outgoing):
    r1 = lambda nm: p[pref + nm].reshape(1, -1)
    at, bt = pl.pallas_call(
        _trimul_proj_body,
        grid=(NRB,),
        in_specs=[pl.BlockSpec((RB, CZ), lambda i: (i, 0))]
        + [_full((1, CZ)), _full((1, CZ))]
        + [_full((CZ, CZ)), _full((1, CZ))] * 4,
        out_specs=[pl.BlockSpec((CZ, RB), lambda i: (0, i))] * 2,
        out_shape=[jax.ShapeDtypeStruct((CZ, NN), jnp.bfloat16)] * 2,
    )(zf, r1('_ln_in_g'), r1('_ln_in_b'),
      p[pref + '_W_ap'], r1('_b_ap'), p[pref + '_W_ag'], r1('_b_ag'),
      p[pref + '_W_bp'], r1('_b_bp'), p[pref + '_W_bg'], r1('_b_bg'))

    xt = pl.pallas_call(
        functools.partial(_trimul_einsum_body, outgoing),
        grid=(CZ // CB,),
        in_specs=[pl.BlockSpec((CB, N, N), lambda i: (i, 0, 0))] * 2,
        out_specs=pl.BlockSpec((CB, N, N), lambda i: (i, 0, 0)),
        out_shape=jax.ShapeDtypeStruct((CZ, N, N), F32),
    )(at.reshape(CZ, N, N), bt.reshape(CZ, N, N))

    return pl.pallas_call(
        _trimul_out_body,
        grid=(NRB,),
        in_specs=[pl.BlockSpec((RB, CZ), lambda i: (i, 0)),
                  pl.BlockSpec((CZ, RB), lambda i: (0, i))]
        + [_full((1, CZ))] * 4
        + [_full((CZ, CZ)), _full((1, CZ))] * 2,
        out_specs=pl.BlockSpec((RB, CZ), lambda i: (i, 0)),
        out_shape=jax.ShapeDtypeStruct((NN, CZ), F32),
    )(zf, xt.reshape(CZ, NN), r1('_ln_in_g'), r1('_ln_in_b'),
      r1('_ln_out_g'), r1('_ln_out_b'),
      p[pref + '_W_z'], r1('_b_z'), p[pref + '_W_g'], r1('_b_g'))



AR = 8
AQ = AR * K


def _attn_body(residual, x_ref, tb_ref, lng_ref, lnb_ref, wq_ref, wk_ref,
               wv_ref, wg_ref, bg_ref, wo_ref, bo_ref, o_ref):
    x = x_ref[...]
    xg = _ln(x, lng_ref[...], lnb_ref[...]).astype(jnp.bfloat16)
    q = (jnp.dot(xg, wq_ref[...].astype(jnp.bfloat16),
                 preferred_element_type=F32)
         * (CH ** -0.5)).astype(jnp.bfloat16)
    kk = jnp.dot(xg, wk_ref[...].astype(jnp.bfloat16),
                 preferred_element_type=F32).astype(jnp.bfloat16)
    v = jnp.dot(xg, wv_ref[...].astype(jnp.bfloat16),
                preferred_element_type=F32).astype(jnp.bfloat16)
    gt = jax.nn.sigmoid(
        jnp.dot(xg, wg_ref[...].astype(jnp.bfloat16),
                preferred_element_type=F32) + bg_ref[...])
    rg = lax.broadcasted_iota(jnp.int32, (AQ, AQ), 0) // K
    cg = lax.broadcasted_iota(jnp.int32, (AQ, AQ), 1) // K
    same = rg == cg
    outs = []
    for h in range(H):
        sl = slice(h * CH, (h + 1) * CH)
        lg = lax.dot_general(q[:, sl], kk[:, sl], (((1,), (1,)), ((), ())),
                             preferred_element_type=F32)
        lg = lg + jnp.transpose(tb_ref[:, h:h + 1])
        lg = jnp.where(same, lg, -1e30)
        m = jnp.max(lg, axis=1, keepdims=True)
        ex = jnp.exp(lg - m)
        s = jnp.sum(ex, axis=1, keepdims=True)
        outs.append(jnp.dot(ex.astype(jnp.bfloat16), v[:, sl],
                            preferred_element_type=F32) / s)
    o = (jnp.concatenate(outs, axis=1) * gt).astype(jnp.bfloat16)
    o = jnp.dot(o, wo_ref[...].astype(jnp.bfloat16),
                preferred_element_type=F32) + bo_ref[...]
    o_ref[...] = o + x if residual else o


def _attn(graw, tbg, p, pref, residual):
    r1 = lambda nm: p[pref + nm].reshape(1, -1)
    return pl.pallas_call(
        functools.partial(_attn_body, residual),
        grid=(N * K // AQ,),
        in_specs=[pl.BlockSpec((AQ, CZ), lambda i: (i, 0)),
                  pl.BlockSpec((AQ, CZ), lambda i: (i, 0)),
                  _full((1, CZ)), _full((1, CZ)),
                  _full((CZ, CZ)), _full((CZ, CZ)), _full((CZ, CZ)),
                  _full((CZ, CZ)), _full((1, CZ)),
                  _full((CZ, CZ)), _full((1, CZ))],
        out_specs=pl.BlockSpec((AQ, CZ), lambda i: (i, 0)),
        out_shape=jax.ShapeDtypeStruct((N * K, CZ), F32),
    )(graw, tbg, p['ln_g'].reshape(1, CZ), p['ln_b'].reshape(1, CZ),
      p[pref + '_Wq'], p[pref + '_Wk'], p[pref + '_Wv'],
      p[pref + '_Wg'], r1('_bg'), p[pref + '_Wo'], r1('_bo'))


JB = 8


def _scatadd_body(z_ref, dl_ref, li_ref, o_ref):
    dl = dl_ref[...].astype(jnp.bfloat16)
    bd = jnp.concatenate([dl] * JB, axis=1)
    rj = lax.broadcasted_iota(jnp.int32, (JB * K, JB * CZ), 0) // K
    cj = lax.broadcasted_iota(jnp.int32, (JB * K, JB * CZ), 1) // CZ
    bd = jnp.where(rj == cj, bd, jnp.bfloat16(0.0))
    lit = jnp.transpose(li_ref[...])
    rowi = lax.broadcasted_iota(jnp.int32, (N, JB * K), 0)
    oh = (rowi == lit).astype(jnp.bfloat16)
    res = jnp.dot(oh, bd, preferred_element_type=F32)
    for j in range(JB):
        o_ref[:, j, :] = z_ref[:, j, :] + res[:, j * CZ:(j + 1) * CZ]


def _scatter_add_cols(zf, delta, lidx_col):
    return pl.pallas_call(
        _scatadd_body,
        grid=(N // JB,),
        in_specs=[pl.BlockSpec((N, JB, CZ), lambda j: (0, j, 0)),
                  pl.BlockSpec((JB * K, CZ), lambda j: (j, 0)),
                  pl.BlockSpec((JB * K, 1), lambda j: (j, 0))],
        out_specs=pl.BlockSpec((N, JB, CZ), lambda j: (0, j, 0)),
        out_shape=jax.ShapeDtypeStruct((N, N, CZ), F32),
    )(zf.reshape(N, N, CZ), delta, lidx_col)



NTILE = 32
BPW = N * K // NTILE
IROWS = BPW // 128
ZROWS = NN // NTILE
CCH = 512


def _sc_mesh():
    return plsc.VectorSubcoreMesh(core_axis_name="c", subcore_axis_name="s")


def _sc_gather(zf, tbf, idxz2d, idxt2d):
    @functools.partial(
        pl.kernel,
        out_type=(jax.ShapeDtypeStruct((N * K, CZ), F32),
                  jax.ShapeDtypeStruct((N * K, CZ), F32)),
        mesh=_sc_mesh(),
        scratch_types=[pltpu.VMEM((IROWS, 128), jnp.int32),
                       pltpu.VMEM((IROWS, 128), jnp.int32),
                       pltpu.VMEM((BPW, CZ), F32),
                       pltpu.VMEM((BPW, CZ), F32),
                       pltpu.SemaphoreType.DMA,
                       pltpu.SemaphoreType.DMA],
    )
    def kern(z_hbm, tb_hbm, iz_hbm, it_hbm, oz_hbm, ot_hbm,
             idxz_v, idxt_v, zr_v, tr_v, s1, s2):
        wid = lax.axis_index("s") * 2 + lax.axis_index("c")
        base = wid * BPW
        pltpu.sync_copy(iz_hbm.at[pl.ds(wid * IROWS, IROWS)], idxz_v)
        pltpu.sync_copy(it_hbm.at[pl.ds(wid * IROWS, IROWS)], idxt_v)
        cps = []
        for j in range(IROWS):
            cps.append(pltpu.async_copy(
                z_hbm.at[idxz_v.at[j]], zr_v.at[pl.ds(j * 128, 128)], s1))
            cps.append(pltpu.async_copy(
                tb_hbm.at[idxt_v.at[j]], tr_v.at[pl.ds(j * 128, 128)], s2))
        for cp in cps:
            cp.wait()
        pltpu.sync_copy(zr_v, oz_hbm.at[pl.ds(base, BPW)])
        pltpu.sync_copy(tr_v, ot_hbm.at[pl.ds(base, BPW)])

    return kern(zf, tbf, idxz2d, idxt2d)


def _sc_copy_scatter(zf, xa, idx2d):
    @functools.partial(
        pl.kernel,
        out_type=jax.ShapeDtypeStruct((NN, CZ), F32),
        mesh=_sc_mesh(),
        scratch_types=[pltpu.VMEM((IROWS, 128), jnp.int32),
                       pltpu.VMEM((BPW, CZ), F32),
                       pltpu.VMEM((CCH, CZ), F32),
                       pltpu.SemaphoreType.DMA],
    )
    def kern(z_hbm, xa_hbm, i_hbm, o_hbm, idx_v, xa_v, buf_v, sem):
        wid = lax.axis_index("s") * 2 + lax.axis_index("c")
        rbase = wid * ZROWS
        for cc in range(ZROWS // CCH):
            pltpu.sync_copy(z_hbm.at[pl.ds(rbase + cc * CCH, CCH)], buf_v)
            pltpu.sync_copy(buf_v, o_hbm.at[pl.ds(rbase + cc * CCH, CCH)])
        pltpu.sync_copy(i_hbm.at[pl.ds(wid * IROWS, IROWS)], idx_v)
        pltpu.sync_copy(xa_hbm.at[pl.ds(wid * BPW, BPW)], xa_v)
        cps = []
        for j in range(IROWS):
            cps.append(pltpu.async_copy(
                xa_v.at[pl.ds(j * 128, 128)], o_hbm.at[idx_v.at[j]], sem))
        for cp in cps:
            cp.wait()

    return kern(zf, xa, idx2d)



def kernel(node_embed, edge_embed, rigids, edge_mask, contact_map, t, params):
    p = params
    node = node_embed[0]
    coords = rigids[0]
    zf = edge_embed.reshape(NN, CZ)

    tb = _bias_pipeline(coords, node, p)
    flat, flat2, lidx = _knn_flat(coords)
    idx2d = flat.reshape(N * K // 128, 128)
    idxt2d = flat2.reshape(N * K // 128, 128)

    zf = _trimul(zf, p, 'tmo', True)
    zf = _trimul(zf, p, 'tmi', False)

    g1, t1 = _sc_gather(zf, tb, idx2d, idx2d)
    xa1 = _attn(g1, t1, p, 'mhs', True)
    zf = _sc_copy_scatter(zf, xa1, idx2d)

    g2, t2 = _sc_gather(zf, tb, idxt2d, idxt2d)
    d2 = _attn(g2, t2, p, 'mhe', False)
    z4 = _scatter_add_cols(zf, d2, lidx.reshape(N * K, 1))

    return z4[None]

# --- scband reference (transcript-rebuilt; emitter-appended) ---
"""Pipeline reference for scband-local-triangle-attention-new-84731114815925 (READ-ONLY COPY).

The authoritative reference and input builder live on the scoring server;
editing this copy changes nothing except your own understanding.
"""

import jax, jax.numpy as jnp
import numpy as np

B, N = 1, 256
C_S, C_Z, C_RBF, C_GS, C_H, C_HM, H = 384, 128, 64, 16, 32, 128, 4
K_NB, K_LIN = 30, 2
INF = 1000000000.0


def _layer_norm(x, g, b):
    mu = jnp.mean(x, -1, keepdims=True)
    var = jnp.mean((x - mu) ** 2, -1, keepdims=True)
    return (x - mu) / jnp.sqrt(var + 1e-5) * g + b


def make_params(key):
    ctr = [0]
    def nk():
        ctr[0] += 1
        return jax.random.fold_in(key, ctr[0])
    def lin(i, o):
        return jax.random.normal(nk(), (i, o), jnp.float32) * 0.05
    p = {}
    p['W_left'] = lin(C_S, C_GS); p['b_left'] = jnp.zeros((C_GS,), jnp.float32)
    p['W_right'] = lin(C_S, C_GS); p['b_right'] = jnp.zeros((C_GS,), jnp.float32)
    p['W_gate'] = lin(C_GS * C_GS, C_Z); p['b_gate'] = jnp.zeros((C_Z,), jnp.float32)
    p['W_rbf'] = lin(C_RBF, C_Z); p['b_rbf'] = jnp.zeros((C_Z,), jnp.float32)
    p['W_bias'] = lin(C_Z, H)
    p['ln_g'] = jnp.ones((C_Z,), jnp.float32); p['ln_b'] = jnp.zeros((C_Z,), jnp.float32)
    for pref in ['tmo', 'tmi']:
        p[pref + '_ln_in_g'] = jnp.ones((C_Z,), jnp.float32); p[pref + '_ln_in_b'] = jnp.zeros((C_Z,), jnp.float32)
        for nm in ['ap', 'ag', 'bp', 'bg']:
            p[pref + '_W_' + nm] = lin(C_Z, C_HM); p[pref + '_b_' + nm] = jnp.zeros((C_HM,), jnp.float32)
        p[pref + '_ln_out_g'] = jnp.ones((C_HM,), jnp.float32); p[pref + '_ln_out_b'] = jnp.zeros((C_HM,), jnp.float32)
        p[pref + '_W_z'] = lin(C_HM, C_Z); p[pref + '_b_z'] = jnp.zeros((C_Z,), jnp.float32)
        p[pref + '_W_g'] = lin(C_Z, C_Z); p[pref + '_b_g'] = jnp.zeros((C_Z,), jnp.float32)
    for pref in ['mhs', 'mhe']:
        p[pref + '_Wq'] = lin(C_Z, H * C_H); p[pref + '_Wk'] = lin(C_Z, H * C_H); p[pref + '_Wv'] = lin(C_Z, H * C_H)
        p[pref + '_Wg'] = lin(C_Z, H * C_H); p[pref + '_bg'] = jnp.ones((H * C_H,), jnp.float32)
        p[pref + '_Wo'] = lin(H * C_H, C_Z); p[pref + '_bo'] = jnp.zeros((C_Z,), jnp.float32)
    return p


def setup_inputs(seed: int = 0):
    key = jax.random.key(seed)
    node_embed = jax.random.normal(jax.random.fold_in(key, 1), (B, N, C_S), jnp.float32)
    edge_embed = jax.random.normal(jax.random.fold_in(key, 2), (B, N, N, C_Z), jnp.float32)
    rigids = jax.random.normal(jax.random.fold_in(key, 3), (B, N, 3), jnp.float32) * 10.0
    edge_mask = jnp.ones((B, N, N), jnp.float32)
    contact_map = jax.random.uniform(jax.random.fold_in(key, 4), (B, N, N), jnp.float32)
    t = jax.random.uniform(jax.random.fold_in(key, 5), (B,), jnp.float32)
    params = make_params(jax.random.fold_in(key, 6))
    return {'node_embed': node_embed, 'edge_embed': edge_embed, 'rigids': rigids, 'edge_mask': edge_mask, 'contact_map': contact_map, 't': t, 'params': params}


def _knn_indices(coords, num_nb, num_lin, pair_mask):
    n = coords.shape[1]
    d = jnp.sqrt(jnp.sum((coords[:, :, None, :] - coords[:, None, :, :]) ** 2, -1) + 1e-12)
    ar = jnp.arange(n)
    d = d.at[:, ar, ar].set(INF)
    for i in range(1, num_lin // 2 + 1):
        d = d.at[:, ar[:n - i], ar[:n - i] + i].set(0.0)
        d = d.at[:, ar[i:], ar[i:] - i].set(0.0)
    d = d + INF * (pair_mask - 1.0)
    _, idx = jax.lax.top_k(-d, num_nb + num_lin)
    return idx


def _attention(qx, biases, p, pref):
    sh = qx.shape[:-2]
    K = qx.shape[-2]
    q = (qx @ p[pref + '_Wq']) * (C_H ** -0.5)
    k = qx @ p[pref + '_Wk']
    v = qx @ p[pref + '_Wv']
    def sp(x):
        return jnp.moveaxis(x.reshape(sh + (K, H, C_H)), -2, -3)
    q, k, v = sp(q), sp(k), sp(v)
    a = jnp.einsum('...hqc,...hkc->...hqk', q, k)
    for bb in biases:
        a = a + bb
    a = jax.nn.softmax(a, -1)
    o = jnp.einsum('...hqk,...hkc->...hqc', a, v)
    o = jnp.moveaxis(o, -3, -2)
    g = jax.nn.sigmoid(qx @ p[pref + '_Wg'] + p[pref + '_bg']).reshape(sh + (K, H, C_H))
    o = o * g
    o = o.reshape(sh + (K, H * C_H)) @ p[pref + '_Wo'] + p[pref + '_bo']
    return o


def _tri_mul(z, mask, p, pref, outgoing):
    zl = _layer_norm(z, p[pref + '_ln_in_g'], p[pref + '_ln_in_b'])
    m = mask[..., None]
    a = m * jax.nn.sigmoid(zl @ p[pref + '_W_ag'] + p[pref + '_b_ag']) * (zl @ p[pref + '_W_ap'] + p[pref + '_b_ap'])
    b = m * jax.nn.sigmoid(zl @ p[pref + '_W_bg'] + p[pref + '_b_bg']) * (zl @ p[pref + '_W_bp'] + p[pref + '_b_bp'])
    if outgoing:
        x = jnp.einsum('bikc,bjkc->bijc', a, b)
    else:
        x = jnp.einsum('bkic,bkjc->bijc', a, b)
    x = _layer_norm(x, p[pref + '_ln_out_g'], p[pref + '_ln_out_b'])
    x = x @ p[pref + '_W_z'] + p[pref + '_b_z']
    g = jax.nn.sigmoid(zl @ p[pref + '_W_g'] + p[pref + '_b_g'])
    return x * g


def _local_mha(x, coords, tb, mask, starting, p, pref):
    Bv, Nv = x.shape[0], x.shape[1]
    Hn = tb.shape[-1]
    if not starting:
        x = jnp.swapaxes(x, 1, 2)
        tb = jnp.swapaxes(tb, 1, 2)
        mask = jnp.swapaxes(mask, 1, 2)
    idx = _knn_indices(coords, K_NB, K_LIN, mask)
    Kv = K_NB + K_LIN
    bi = jnp.arange(Bv)[:, None, None]
    ni = jnp.arange(Nv)[None, :, None]
    xg = x[bi, ni, idx]
    xg = _layer_norm(xg, p['ln_g'], p['ln_b'])
    mg = mask[bi, ni, idx]
    mask_bias = (INF * (mg - 1.0))[:, :, None, None, :]
    tbg = tb[bi, ni, idx]
    tri_bias = jnp.broadcast_to(jnp.swapaxes(tbg, -1, -2)[:, :, :, None, :], (Bv, Nv, Hn, Kv, Kv))
    xa = _attention(xg, [mask_bias, tri_bias], p, pref)
    out = jnp.zeros_like(x).at[bi, ni, idx].set(xa)
    if not starting:
        out = jnp.swapaxes(out, 1, 2)
    return out


def _forward(node_embed, edge_embed, rigids, edge_mask, params):
    coords = rigids
    d = jnp.sqrt(jnp.sum((coords[:, :, None, :] - coords[:, None, :, :]) ** 2, -1) + 1e-12)
    D_mu = jnp.linspace(0.0, (C_RBF - 1) * 0.5, C_RBF)
    rbf = jnp.exp(-(((d[..., None] - D_mu) / 0.5) ** 2))
    bias = rbf @ params['W_rbf'] + params['b_rbf']
    left = node_embed @ params['W_left'] + params['b_left']
    right = node_embed @ params['W_right'] + params['b_right']
    gate = jnp.einsum('bli,bmj->blmij', left, right).reshape(B, N, N, C_GS * C_GS)
    gate = jax.nn.sigmoid(gate @ params['W_gate'] + params['b_gate'])
    bias = bias * gate
    bias = bias @ params['W_bias']
    z = edge_embed
    z = z + _tri_mul(z, edge_mask, params, 'tmo', True)
    z = z + _tri_mul(z, edge_mask, params, 'tmi', False)
    z = z + _local_mha(z, coords, bias, edge_mask, True, params, 'mhs')
    z = z + _local_mha(z, coords, bias, edge_mask, False, params, 'mhe')
    return z


def reference(node_embed, edge_embed, rigids, edge_mask, contact_map, t, params):
    return _forward(node_embed, edge_embed, rigids, edge_mask, params)

if __name__ == "__main__":
    import jax
    _d = setup_inputs()
    print(jax.jit(kernel)(*tuple(_d.values())))

</pallas_src>

<mosaic_0001>
#map = affine_map<(d0, d1) -> (0, 0)>
module attributes {stable_mosaic.version = 14 : i64} {
  func.func @kern(%arg0: i32, %arg1: i32, %arg2: memref<65536x128xf32, #tpu.memory_space<hbm>>, %arg3: memref<65536x128xf32, #tpu.memory_space<hbm>>, %arg4: memref<64x128xi32, #tpu.memory_space<hbm>>, %arg5: memref<64x128xi32, #tpu.memory_space<hbm>>, %arg6: memref<8192x128xf32, #tpu.memory_space<hbm>>, %arg7: memref<8192x128xf32, #tpu.memory_space<hbm>>, %arg8: memref<2x128xi32, #tpu.memory_space<vmem>>, %arg9: memref<2x128xi32, #tpu.memory_space<vmem>>, %arg10: memref<256x128xf32, #tpu.memory_space<vmem>>, %arg11: memref<256x128xf32, #tpu.memory_space<vmem>>, %arg12: memref<!tpu.dma_semaphore, #tpu.memory_space<semaphore_mem>>, %arg13: memref<!tpu.dma_semaphore, #tpu.memory_space<semaphore_mem>>) attributes {dimension_semantics = [#tpu.dimension_semantics<core_parallel>, #tpu.dimension_semantics<subcore_parallel>], iteration_bounds = array<i64: 2, 16>, scalar_prefetch = 0 : i64, scratch_operands = 6 : i64, tpu.core_type = #tpu.core_type<sc_vector_subcore>, window_params = [{transform_indices = #map}, {transform_indices = #map}, {transform_indices = #map}, {transform_indices = #map}, {transform_indices = #map}, {transform_indices = #map}]} {
    %mul3A = arith.constant 2 : i32
    %mul3A_0 = arith.muli %arg1, %mul3A : i32
    %add3A = arith.addi %mul3A_0, %arg0 : i32
    %mul3A_1 = arith.constant 256 : i32
    %mul3A_2 = arith.muli %add3A, %mul3A_1 : i32
    %mul3A_3 = arith.constant 2 : i32
    %mul3A_4 = arith.muli %add3A, %mul3A_3 : i32
    "tpu.region"() ({
      %run_scoped3A = tpu.sem_alloc : memref<!tpu.dma_semaphore, #tpu.memory_space<semaphore_mem>>
      %dma_start3A_85 = arith.constant 0 : i32
      %dma_start3A_86 = tpu.memref_slice %arg4[%mul3A_4, %dma_start3A_85] : memref<64x128xi32, #tpu.memory_space<hbm>> -> memref<2x128xi32, #tpu.memory_space<hbm>>
      %dma_start3A_87 = arith.constant 0 : i32
      %dma_start3A_88 = tpu.memref_slice %arg4[%mul3A_4, %dma_start3A_87] : memref<64x128xi32, #tpu.memory_space<hbm>> -> memref<2x128xi32, #tpu.memory_space<hbm>>
      tpu.enqueue_dma source(%dma_start3A_88 : memref<2x128xi32, #tpu.memory_space<hbm>>) target(%arg8 : memref<2x128xi32, #tpu.memory_space<vmem>>) target_semaphore(%run_scoped3A : memref<!tpu.dma_semaphore, #tpu.memory_space<semaphore_mem>>)
      %dma_wait3A_89 = arith.constant 0 : i32
      %dma_wait3A_90 = tpu.memref_slice %arg4[%mul3A_4, %dma_wait3A_89] : memref<64x128xi32, #tpu.memory_space<hbm>> -> memref<2x128xi32, #tpu.memory_space<hbm>>
      %dma_wait3A_91 = arith.constant 0 : i32
      %dma_wait3A_92 = tpu.memref_slice %arg4[%mul3A_4, %dma_wait3A_91] : memref<64x128xi32, #tpu.memory_space<hbm>> -> memref<2x128xi32, #tpu.memory_space<hbm>>
      tpu.wait_dma2 semaphore(%run_scoped3A : memref<!tpu.dma_semaphore, #tpu.memory_space<semaphore_mem>>) src(%dma_wait3A_92 : memref<2x128xi32, #tpu.memory_space<hbm>>) dst(%arg8 : memref<2x128xi32, #tpu.memory_space<vmem>>)
      tpu.yield
    }) : () -> ()
    %mul3A_5 = arith.constant 2 : i32
    %mul3A_6 = arith.muli %add3A, %mul3A_5 : i32
    "tpu.region"() ({
      %run_scoped3A = tpu.sem_alloc : memref<!tpu.dma_semaphore, #tpu.memory_space<semaphore_mem>>
      %dma_start3A_85 = arith.constant 0 : i32
      %dma_start3A_86 = tpu.memref_slice %arg5[%mul3A_6, %dma_start3A_85] : memref<64x128xi32, #tpu.memory_space<hbm>> -> memref<2x128xi32, #tpu.memory_space<hbm>>
      %dma_start3A_87 = arith.constant 0 : i32
      %dma_start3A_88 = tpu.memref_slice %arg5[%mul3A_6, %dma_start3A_87] : memref<64x128xi32, #tpu.memory_space<hbm>> -> memref<2x128xi32, #tpu.memory_space<hbm>>
      tpu.enqueue_dma source(%dma_start3A_88 : memref<2x128xi32, #tpu.memory_space<hbm>>) target(%arg9 : memref<2x128xi32, #tpu.memory_space<vmem>>) target_semaphore(%run_scoped3A : memref<!tpu.dma_semaphore, #tpu.memory_space<semaphore_mem>>)
      %dma_wait3A_89 = arith.constant 0 : i32
      %dma_wait3A_90 = tpu.memref_slice %arg5[%mul3A_6, %dma_wait3A_89] : memref<64x128xi32, #tpu.memory_space<hbm>> -> memref<2x128xi32, #tpu.memory_space<hbm>>
      %dma_wait3A_91 = arith.constant 0 : i32
      %dma_wait3A_92 = tpu.memref_slice %arg5[%mul3A_6, %dma_wait3A_91] : memref<64x128xi32, #tpu.memory_space<hbm>> -> memref<2x128xi32, #tpu.memory_space<hbm>>
      tpu.wait_dma2 semaphore(%run_scoped3A : memref<!tpu.dma_semaphore, #tpu.memory_space<semaphore_mem>>) src(%dma_wait3A_92 : memref<2x128xi32, #tpu.memory_space<hbm>>) dst(%arg9 : memref<2x128xi32, #tpu.memory_space<vmem>>)
      tpu.yield
    }) : () -> ()
    %dma_start3A = arith.constant 0 : i32
    %dma_start3A_7 = arith.constant 0 : i32
    %dma_start3A_8 = arith.constant 0 : i32
    %dma_start3A_9 = tpu.memref_slice %arg10[%dma_start3A_7, %dma_start3A_8] : memref<256x128xf32, #tpu.memory_space<vmem>> -> memref<128x128xf32, #tpu.memory_space<vmem>>
    %dma_start3A_10 = arith.constant 0 : i32
    %dma_start3A_11 = tpu.memref_slice %arg8[%dma_start3A, %dma_start3A_10] : memref<2x128xi32, #tpu.memory_space<vmem>> -> memref<1x128xi32, #tpu.memory_space<vmem>>
    %dma_start3A_12 = tpu.memref_squeeze %dma_start3A_11 : memref<1x128xi32, #tpu.memory_space<vmem>> -> memref<128xi32, #tpu.memory_space<vmem>>
    %dma_start3A_13 = arith.constant 0 : i32
    %dma_start3A_14 = arith.constant 0 : i32
    %dma_start3A_15 = tpu.memref_slice %arg2[%dma_start3A_13, %dma_start3A_14] : memref<65536x128xf32, #tpu.memory_space<hbm>> -> memref<65536x128xf32, #tpu.memory_space<hbm>>
    tpu.enqueue_indirect_dma source(%dma_start3A_15 : memref<65536x128xf32, #tpu.memory_space<hbm>>) target(%dma_start3A_9 : memref<128x128xf32, #tpu.memory_space<vmem>>) offsets(%dma_start3A_12 : memref<128xi32, #tpu.memory_space<vmem>>) semaphore(%arg12 : memref<!tpu.dma_semaphore, #tpu.memory_space<semaphore_mem>>)
    %dma_start3A_16 = arith.constant 0 : i32
    %dma_start3A_17 = arith.constant 0 : i32
    %dma_start3A_18 = arith.constant 0 : i32
    %dma_start3A_19 = tpu.memref_slice %arg11[%dma_start3A_17, %dma_start3A_18] : memref<256x128xf32, #tpu.memory_space<vmem>> -> memref<128x128xf32, #tpu.memory_space<vmem>>
    %dma_start3A_20 = arith.constant 0 : i32
    %dma_start3A_21 = tpu.memref_slice %arg9[%dma_start3A_16, %dma_start3A_20] : memref<2x128xi32, #tpu.memory_space<vmem>> -> memref<1x128xi32, #tpu.memory_space<vmem>>
    %dma_start3A_22 = tpu.memref_squeeze %dma_start3A_21 : memref<1x128xi32, #tpu.memory_space<vmem>> -> memref<128xi32, #tpu.memory_space<vmem>>
    %dma_start3A_23 = arith.constant 0 : i32
    %dma_start3A_24 = arith.constant 0 : i32
    %dma_start3A_25 = tpu.memref_slice %arg3[%dma_start3A_23, %dma_start3A_24] : memref<65536x128xf32, #tpu.memory_space<hbm>> -> memref<65536x128xf32, #tpu.memory_space<hbm>>
    tpu.enqueue_indirect_dma source(%dma_start3A_25 : memref<65536x128xf32, #tpu.memory_space<hbm>>) target(%dma_start3A_19 : memref<128x128xf32, #tpu.memory_space<vmem>>) offsets(%dma_start3A_22 : memref<128xi32, #tpu.memory_space<vmem>>) semaphore(%arg13 : memref<!tpu.dma_semaphore, #tpu.memory_space<semaphore_mem>>)
    %dma_start3A_26 = arith.constant 1 : i32
    %dma_start3A_27 = arith.constant 128 : i32
    %dma_start3A_28 = arith.constant 0 : i32
    %dma_start3A_29 = tpu.memref_slice %arg10[%dma_start3A_27, %dma_start3A_28] : memref<256x128xf32, #tpu.memory_space<vmem>> -> memref<128x128xf32, #tpu.memory_space<vmem>>
    %dma_start3A_30 = arith.constant 0 : i32
    %dma_start3A_31 = tpu.memref_slice %arg8[%dma_start3A_26, %dma_start3A_30] : memref<2x128xi32, #tpu.memory_space<vmem>> -> memref<1x128xi32, #tpu.memory_space<vmem>>
    %dma_start3A_32 = tpu.memref_squeeze %dma_start3A_31 : memref<1x128xi32, #tpu.memory_space<vmem>> -> memref<128xi32, #tpu.memory_space<vmem>>
    %dma_start3A_33 = arith.constant 0 : i32
    %dma_start3A_34 = arith.constant 0 : i32
    %dma_start3A_35 = tpu.memref_slice %arg2[%dma_start3A_33, %dma_start3A_34] : memref<65536x128xf32, #tpu.memory_space<hbm>> -> memref<65536x128xf32, #tpu.memory_space<hbm>>
    tpu.enqueue_indirect_dma source(%dma_start3A_35 : memref<65536x128xf32, #tpu.memory_space<hbm>>) target(%dma_start3A_29 : memref<128x128xf32, #tpu.memory_space<vmem>>) offsets(%dma_start3A_32 : memref<128xi32, #tpu.memory_space<vmem>>) semaphore(%arg12 : memref<!tpu.dma_semaphore, #tpu.memory_space<semaphore_mem>>)
    %dma_start3A_36 = arith.constant 1 : i32
    %dma_start3A_37 = arith.constant 128 : i32
    %dma_start3A_38 = arith.constant 0 : i32
    %dma_start3A_39 = tpu.memref_slice %arg11[%dma_start3A_37, %dma_start3A_38] : memref<256x128xf32, #tpu.memory_space<vmem>> -> memref<128x128xf32, #tpu.memory_space<vmem>>
    %dma_start3A_40 = arith.constant 0 : i32
    %dma_start3A_41 = tpu.memref_slice %arg9[%dma_start3A_36, %dma_start3A_40] : memref<2x128xi32, #tpu.memory_space<vmem>> -> memref<1x128xi32, #tpu.memory_space<vmem>>
    %dma_start3A_42 = tpu.memref_squeeze %dma_start3A_41 : memref<1x128xi32, #tpu.memory_space<vmem>> -> memref<128xi32, #tpu.memory_space<vmem>>
    %dma_start3A_43 = arith.constant 0 : i32
    %dma_start3A_44 = arith.constant 0 : i32
    %dma_start3A_45 = tpu.memref_slice %arg3[%dma_start3A_43, %dma_start3A_44] : memref<65536x128xf32, #tpu.memory_space<hbm>> -> memref<65536x128xf32, #tpu.memory_space<hbm>>
    tpu.enqueue_indirect_dma source(%dma_start3A_45 : memref<65536x128xf32, #tpu.memory_space<hbm>>) target(%dma_start3A_39 : memref<128x128xf32, #tpu.memory_space<vmem>>) offsets(%dma_start3A_42 : memref<128xi32, #tpu.memory_space<vmem>>) semaphore(%arg13 : memref<!tpu.dma_semaphore, #tpu.memory_space<semaphore_mem>>)
    %dma_wait3A = arith.constant 0 : i32
    %dma_wait3A_46 = arith.constant 0 : i32
    %dma_wait3A_47 = arith.constant 0 : i32
    %dma_wait3A_48 = tpu.memref_slice %arg10[%dma_wait3A_46, %dma_wait3A_47] : memref<256x128xf32, #tpu.memory_space<vmem>> -> memref<128x128xf32, #tpu.memory_space<vmem>>
    %dma_wait3A_49 = arith.constant 0 : i32
    %dma_wait3A_50 = tpu.memref_slice %arg8[%dma_wait3A, %dma_wait3A_49] : memref<2x128xi32, #tpu.memory_space<vmem>> -> memref<1x128xi32, #tpu.memory_space<vmem>>
    %dma_wait3A_51 = tpu.memref_squeeze %dma_wait3A_50 : memref<1x128xi32, #tpu.memory_space<vmem>> -> memref<128xi32, #tpu.memory_space<vmem>>
    %dma_wait3A_52 = arith.constant 0 : i32
    %dma_wait3A_53 = arith.constant 0 : i32
    %dma_wait3A_54 = tpu.memref_slice %arg2[%dma_wait3A_52, %dma_wait3A_53] : memref<65536x128xf32, #tpu.memory_space<hbm>> -> memref<65536x128xf32, #tpu.memory_space<hbm>>
    tpu.wait_indirect_dma semaphore(%arg12 : memref<!tpu.dma_semaphore, #tpu.memory_space<semaphore_mem>>) src(%dma_wait3A_54 : memref<65536x128xf32, #tpu.memory_space<hbm>>) dst(%dma_wait3A_48 : memref<128x128xf32, #tpu.memory_space<vmem>>)
    %dma_wait3A_55 = arith.constant 0 : i32
    %dma_wait3A_56 = arith.constant 0 : i32
    %dma_wait3A_57 = arith.constant 0 : i32
    %dma_wait3A_58 = tpu.memref_slice %arg11[%dma_wait3A_56, %dma_wait3A_57] : memref<256x128xf32, #tpu.memory_space<vmem>> -> memref<128x128xf32, #tpu.memory_space<vmem>>
    %dma_wait3A_59 = arith.constant 0 : i32
    %dma_wait3A_60 = tpu.memref_slice %arg9[%dma_wait3A_55, %dma_wait3A_59] : memref<2x128xi32, #tpu.memory_space<vmem>> -> memref<1x128xi32, #tpu.memory_space<vmem>>
    %dma_wait3A_61 = tpu.memref_squeeze %dma_wait3A_60 : memref<1x128xi32, #tpu.memory_space<vmem>> -> memref<128xi32, #tpu.memory_space<vmem>>
    %dma_wait3A_62 = arith.constant 0 : i32
    %dma_wait3A_63 = arith.constant 0 : i32
    %dma_wait3A_64 = tpu.memref_slice %arg3[%dma_wait3A_62, %dma_wait3A_63] : memref<65536x128xf32, #tpu.memory_space<hbm>> -> memref<65536x128xf32, #tpu.memory_space<hbm>>
    tpu.wait_indirect_dma semaphore(%arg13 : memref<!tpu.dma_semaphore, #tpu.memory_space<semaphore_mem>>) src(%dma_wait3A_64 : memref<65536x128xf32, #tpu.memory_space<hbm>>) dst(%dma_wait3A_58 : memref<128x128xf32, #tpu.memory_space<vmem>>)
    %dma_wait3A_65 = arith.constant 1 : i32
    %dma_wait3A_66 = arith.constant 128 : i32
    %dma_wait3A_67 = arith.constant 0 : i32
    %dma_wait3A_68 = tpu.memref_slice %arg10[%dma_wait3A_66, %dma_wait3A_67] : memref<256x128xf32, #tpu.memory_space<vmem>> -> memref<128x128xf32, #tpu.memory_space<vmem>>
    %dma_wait3A_69 = arith.constant 0 : i32
    %dma_wait3A_70 = tpu.memref_slice %arg8[%dma_wait3A_65, %dma_wait3A_69] : memref<2x128xi32, #tpu.memory_space<vmem>> -> memref<1x128xi32, #tpu.memory_space<vmem>>
    %dma_wait3A_71 = tpu.memref_squeeze %dma_wait3A_70 : memref<1x128xi32, #tpu.memory_space<vmem>> -> memref<128xi32, #tpu.memory_space<vmem>>
    %dma_wait3A_72 = arith.constant 0 : i32
    %dma_wait3A_73 = arith.constant 0 : i32
    %dma_wait3A_74 = tpu.memref_slice %arg2[%dma_wait3A_72, %dma_wait3A_73] : memref<65536x128xf32, #tpu.memory_space<hbm>> -> memref<65536x128xf32, #tpu.memory_space<hbm>>
    tpu.wait_indirect_dma semaphore(%arg12 : memref<!tpu.dma_semaphore, #tpu.memory_space<semaphore_mem>>) src(%dma_wait3A_74 : memref<65536x128xf32, #tpu.memory_space<hbm>>) dst(%dma_wait3A_68 : memref<128x128xf32, #tpu.memory_space<vmem>>)
    %dma_wait3A_75 = arith.constant 1 : i32
    %dma_wait3A_76 = arith.constant 128 : i32
    %dma_wait3A_77 = arith.constant 0 : i32
    %dma_wait3A_78 = tpu.memref_slice %arg11[%dma_wait3A_76, %dma_wait3A_77] : memref<256x128xf32, #tpu.memory_space<vmem>> -> memref<128x128xf32, #tpu.memory_space<vmem>>
    %dma_wait3A_79 = arith.constant 0 : i32
    %dma_wait3A_80 = tpu.memref_slice %arg9[%dma_wait3A_75, %dma_wait3A_79] : memref<2x128xi32, #tpu.memory_space<vmem>> -> memref<1x128xi32, #tpu.memory_space<vmem>>
    %dma_wait3A_81 = tpu.memref_squeeze %dma_wait3A_80 : memref<1x128xi32, #tpu.memory_space<vmem>> -> memref<128xi32, #tpu.memory_space<vmem>>
    %dma_wait3A_82 = arith.constant 0 : i32
    %dma_wait3A_83 = arith.constant 0 : i32
    %dma_wait3A_84 = tpu.memref_slice %arg3[%dma_wait3A_82, %dma_wait3A_83] : memref<65536x128xf32, #tpu.memory_space<hbm>> -> memref<65536x128xf32, #tpu.memory_space<hbm>>
    tpu.wait_indirect_dma semaphore(%arg13 : memref<!tpu.dma_semaphore, #tpu.memory_space<semaphore_mem>>) src(%dma_wait3A_84 : memref<65536x128xf32, #tpu.memory_space<hbm>>) dst(%dma_wait3A_78 : memref<128x128xf32, #tpu.memory_space<vmem>>)
    "tpu.region"() ({
      %run_scoped3A = tpu.sem_alloc : memref<!tpu.dma_semaphore, #tpu.memory_space<semaphore_mem>>
      %dma_start3A_85 = arith.constant 0 : i32
      %dma_start3A_86 = tpu.memref_slice %arg6[%mul3A_2, %dma_start3A_85] : memref<8192x128xf32, #tpu.memory_space<hbm>> -> memref<256x128xf32, #tpu.memory_space<hbm>>
      %dma_start3A_87 = arith.constant 0 : i32
      %dma_start3A_88 = tpu.memref_slice %arg6[%mul3A_2, %dma_start3A_87] : memref<8192x128xf32, #tpu.memory_space<hbm>> -> memref<256x128xf32, #tpu.memory_space<hbm>>
      tpu.enqueue_dma source(%arg10 : memref<256x128xf32, #tpu.memory_space<vmem>>) target(%dma_start3A_88 : memref<256x128xf32, #tpu.memory_space<hbm>>) target_semaphore(%run_scoped3A : memref<!tpu.dma_semaphore, #tpu.memory_space<semaphore_mem>>)
      %dma_wait3A_89 = arith.constant 0 : i32
      %dma_wait3A_90 = tpu.memref_slice %arg6[%mul3A_2, %dma_wait3A_89] : memref<8192x128xf32, #tpu.memory_space<hbm>> -> memref<256x128xf32, #tpu.memory_space<hbm>>
      %dma_wait3A_91 = arith.constant 0 : i32
      %dma_wait3A_92 = tpu.memref_slice %arg6[%mul3A_2, %dma_wait3A_91] : memref<8192x128xf32, #tpu.memory_space<hbm>> -> memref<256x128xf32, #tpu.memory_space<hbm>>
      tpu.wait_dma2 semaphore(%run_scoped3A : memref<!tpu.dma_semaphore, #tpu.memory_space<semaphore_mem>>) src(%arg10 : memref<256x128xf32, #tpu.memory_space<vmem>>) dst(%dma_wait3A_92 : memref<256x128xf32, #tpu.memory_space<hbm>>)
      tpu.yield
    }) : () -> ()
    "tpu.region"() ({
      %run_scoped3A = tpu.sem_alloc : memref<!tpu.dma_semaphore, #tpu.memory_space<semaphore_mem>>
      %dma_start3A_85 = arith.constant 0 : i32
      %dma_start3A_86 = tpu.memref_slice %arg7[%mul3A_2, %dma_start3A_85] : memref<8192x128xf32, #tpu.memory_space<hbm>> -> memref<256x128xf32, #tpu.memory_space<hbm>>
      %dma_start3A_87 = arith.constant 0 : i32
      %dma_start3A_88 = tpu.memref_slice %arg7[%mul3A_2, %dma_start3A_87] : memref<8192x128xf32, #tpu.memory_space<hbm>> -> memref<256x128xf32, #tpu.memory_space<hbm>>
      tpu.enqueue_dma source(%arg11 : memref<256x128xf32, #tpu.memory_space<vmem>>) target(%dma_start3A_88 : memref<256x128xf32, #tpu.memory_space<hbm>>) target_semaphore(%run_scoped3A : memref<!tpu.dma_semaphore, #tpu.memory_space<semaphore_mem>>)
      %dma_wait3A_89 = arith.constant 0 : i32
      %dma_wait3A_90 = tpu.memref_slice %arg7[%mul3A_2, %dma_wait3A_89] : memref<8192x128xf32, #tpu.memory_space<hbm>> -> memref<256x128xf32, #tpu.memory_space<hbm>>
      %dma_wait3A_91 = arith.constant 0 : i32
      %dma_wait3A_92 = tpu.memref_slice %arg7[%mul3A_2, %dma_wait3A_91] : memref<8192x128xf32, #tpu.memory_space<hbm>> -> memref<256x128xf32, #tpu.memory_space<hbm>>
      tpu.wait_dma2 semaphore(%run_scoped3A : memref<!tpu.dma_semaphore, #tpu.memory_space<semaphore_mem>>) src(%arg11 : memref<256x128xf32, #tpu.memory_space<vmem>>) dst(%dma_wait3A_92 : memref<256x128xf32, #tpu.memory_space<hbm>>)
      tpu.yield
    }) : () -> ()
    return
  }
}

#map = affine_map<(d0, d1) -> (0, 0)>
module attributes {stable_mosaic.version = 14 : i64} {
  func.func @kern(%arg0: i32, %arg1: i32, %arg2: memref<65536x128xf32, #tpu.memory_space<hbm>>, %arg3: memref<8192x128xf32, #tpu.memory_space<hbm>>, %arg4: memref<64x128xi32, #tpu.memory_space<hbm>>, %arg5: memref<65536x128xf32, #tpu.memory_space<hbm>>, %arg6: memref<2x128xi32, #tpu.memory_space<vmem>>, %arg7: memref<256x128xf32, #tpu.memory_space<vmem>>, %arg8: memref<512x128xf32, #tpu.memory_space<vmem>>, %arg9: memref<!tpu.dma_semaphore, #tpu.memory_space<semaphore_mem>>) attributes {dimension_semantics = [#tpu.dimension_semantics<core_parallel>, #tpu.dimension_semantics<subcore_parallel>], iteration_bounds = array<i64: 2, 16>, scalar_prefetch = 0 : i64, scratch_operands = 4 : i64, tpu.core_type = #tpu.core_type<sc_vector_subcore>, window_params = [{transform_indices = #map}, {transform_indices = #map}, {transform_indices = #map}, {transform_indices = #map}]} {
    %mul3A = arith.constant 2 : i32
    %mul3A_0 = arith.muli %arg1, %mul3A : i32
    %add3A = arith.addi %mul3A_0, %arg0 : i32
    %mul3A_1 = arith.constant 2048 : i32
    %mul3A_2 = arith.muli %add3A, %mul3A_1 : i32
    %add3A_3 = arith.constant 0 : i32
    %add3A_4 = arith.addi %mul3A_2, %add3A_3 : i32
    "tpu.region"() ({
      %run_scoped3A = tpu.sem_alloc : memref<!tpu.dma_semaphore, #tpu.memory_space<semaphore_mem>>
      %dma_start3A_61 = arith.constant 0 : i32
      %dma_start3A_62 = tpu.memref_slice %arg2[%add3A_4, %dma_start3A_61] : memref<65536x128xf32, #tpu.memory_space<hbm>> -> memref<512x128xf32, #tpu.memory_space<hbm>>
      %dma_start3A_63 = arith.constant 0 : i32
      %dma_start3A_64 = tpu.memref_slice %arg2[%add3A_4, %dma_start3A_63] : memref<65536x128xf32, #tpu.memory_space<hbm>> -> memref<512x128xf32, #tpu.memory_space<hbm>>
      tpu.enqueue_dma source(%dma_start3A_64 : memref<512x128xf32, #tpu.memory_space<hbm>>) target(%arg8 : memref<512x128xf32, #tpu.memory_space<vmem>>) target_semaphore(%run_scoped3A : memref<!tpu.dma_semaphore, #tpu.memory_space<semaphore_mem>>)
      %dma_wait3A_65 = arith.constant 0 : i32
      %dma_wait3A_66 = tpu.memref_slice %arg2[%add3A_4, %dma_wait3A_65] : memref<65536x128xf32, #tpu.memory_space<hbm>> -> memref<512x128xf32, #tpu.memory_space<hbm>>
      %dma_wait3A_67 = arith.constant 0 : i32
      %dma_wait3A_68 = tpu.memref_slice %arg2[%add3A_4, %dma_wait3A_67] : memref<65536x128xf32, #tpu.memory_space<hbm>> -> memref<512x128xf32, #tpu.memory_space<hbm>>
      tpu.wait_dma2 semaphore(%run_scoped3A : memref<!tpu.dma_semaphore, #tpu.memory_space<semaphore_mem>>) src(%dma_wait3A_68 : memref<512x128xf32, #tpu.memory_space<hbm>>) dst(%arg8 : memref<512x128xf32, #tpu.memory_space<vmem>>)
      tpu.yield
    }) : () -> ()
    %add3A_5 = arith.constant 0 : i32
    %add3A_6 = arith.addi %mul3A_2, %add3A_5 : i32
    "tpu.region"() ({
      %run_scoped3A = tpu.sem_alloc : memref<!tpu.dma_semaphore, #tpu.memory_space<semaphore_mem>>
      %dma_start3A_61 = arith.constant 0 : i32
      %dma_start3A_62 = tpu.memref_slice %arg5[%add3A_6, %dma_start3A_61] : memref<65536x128xf32, #tpu.memory_space<hbm>> -> memref<512x128xf32, #tpu.memory_space<hbm>>
      %dma_start3A_63 = arith.constant 0 : i32
      %dma_start3A_64 = tpu.memref_slice %arg5[%add3A_6, %dma_start3A_63] : memref<65536x128xf32, #tpu.memory_space<hbm>> -> memref<512x128xf32, #tpu.memory_space<hbm>>
      tpu.enqueue_dma source(%arg8 : memref<512x128xf32, #tpu.memory_space<vmem>>) target(%dma_start3A_64 : memref<512x128xf32, #tpu.memory_space<hbm>>) target_semaphore(%run_scoped3A : memref<!tpu.dma_semaphore, #tpu.memory_space<semaphore_mem>>)
      %dma_wait3A_65 = arith.constant 0 : i32
      %dma_wait3A_66 = tpu.memref_slice %arg5[%add3A_6, %dma_wait3A_65] : memref<65536x128xf32, #tpu.memory_space<hbm>> -> memref<512x128xf32, #tpu.memory_space<hbm>>
      %dma_wait3A_67 = arith.constant 0 : i32
      %dma_wait3A_68 = tpu.memref_slice %arg5[%add3A_6, %dma_wait3A_67] : memref<65536x128xf32, #tpu.memory_space<hbm>> -> memref<512x128xf32, #tpu.memory_space<hbm>>
      tpu.wait_dma2 semaphore(%run_scoped3A : memref<!tpu.dma_semaphore, #tpu.memory_space<semaphore_mem>>) src(%arg8 : memref<512x128xf32, #tpu.memory_space<vmem>>) dst(%dma_wait3A_68 : memref<512x128xf32, #tpu.memory_space<hbm>>)
      tpu.yield
    }) : () -> ()
    %add3A_7 = arith.constant 512 : i32
    %add3A_8 = arith.addi %mul3A_2, %add3A_7 : i32
    "tpu.region"() ({
      %run_scoped3A = tpu.sem_alloc : memref<!tpu.dma_semaphore, #tpu.memory_space<semaphore_mem>>
      %dma_start3A_61 = arith.constant 0 : i32
      %dma_start3A_62 = tpu.memref_slice %arg2[%add3A_8, %dma_start3A_61] : memref<65536x128xf32, #tpu.memory_space<hbm>> -> memref<512x128xf32, #tpu.memory_space<hbm>>
      %dma_start3A_63 = arith.constant 0 : i32
      %dma_start3A_64 = tpu.memref_slice %arg2[%add3A_8, %dma_start3A_63] : memref<65536x128xf32, #tpu.memory_space<hbm>> -> memref<512x128xf32, #tpu.memory_space<hbm>>
      tpu.enqueue_dma source(%dma_start3A_64 : memref<512x128xf32, #tpu.memory_space<hbm>>) target(%arg8 : memref<512x128xf32, #tpu.memory_space<vmem>>) target_semaphore(%run_scoped3A : memref<!tpu.dma_semaphore, #tpu.memory_space<semaphore_mem>>)
      %dma_wait3A_65 = arith.constant 0 : i32
      %dma_wait3A_66 = tpu.memref_slice %arg2[%add3A_8, %dma_wait3A_65] : memref<65536x128xf32, #tpu.memory_space<hbm>> -> memref<512x128xf32, #tpu.memory_space<hbm>>
      %dma_wait3A_67 = arith.constant 0 : i32
      %dma_wait3A_68 = tpu.memref_slice %arg2[%add3A_8, %dma_wait3A_67] : memref<65536x128xf32, #tpu.memory_space<hbm>> -> memref<512x128xf32, #tpu.memory_space<hbm>>
      tpu.wait_dma2 semaphore(%run_scoped3A : memref<!tpu.dma_semaphore, #tpu.memory_space<semaphore_mem>>) src(%dma_wait3A_68 : memref<512x128xf32, #tpu.memory_space<hbm>>) dst(%arg8 : memref<512x128xf32, #tpu.memory_space<vmem>>)
      tpu.yield
    }) : () -> ()
    %add3A_9 = arith.constant 512 : i32
    %add3A_10 = arith.addi %mul3A_2, %add3A_9 : i32
    "tpu.region"() ({
      %run_scoped3A = tpu.sem_alloc : memref<!tpu.dma_semaphore, #tpu.memory_space<semaphore_mem>>
      %dma_start3A_61 = arith.constant 0 : i32
      %dma_start3A_62 = tpu.memref_slice %arg5[%add3A_10, %dma_start3A_61] : memref<65536x128xf32, #tpu.memory_space<hbm>> -> memref<512x128xf32, #tpu.memory_space<hbm>>
      %dma_start3A_63 = arith.constant 0 : i32
      %dma_start3A_64 = tpu.memref_slice %arg5[%add3A_10, %dma_start3A_63] : memref<65536x128xf32, #tpu.memory_space<hbm>> -> memref<512x128xf32, #tpu.memory_space<hbm>>
      tpu.enqueue_dma source(%arg8 : memref<512x128xf32, #tpu.memory_space<vmem>>) target(%dma_start3A_64 : memref<512x128xf32, #tpu.memory_space<hbm>>) target_semaphore(%run_scoped3A : memref<!tpu.dma_semaphore, #tpu.memory_space<semaphore_mem>>)
      %dma_wait3A_65 = arith.constant 0 : i32
      %dma_wait3A_66 = tpu.memref_slice %arg5[%add3A_10, %dma_wait3A_65] : memref<65536x128xf32, #tpu.memory_space<hbm>> -> memref<512x128xf32, #tpu.memory_space<hbm>>
      %dma_wait3A_67 = arith.constant 0 : i32
      %dma_wait3A_68 = tpu.memref_slice %arg5[%add3A_10, %dma_wait3A_67] : memref<65536x128xf32, #tpu.memory_space<hbm>> -> memref<512x128xf32, #tpu.memory_space<hbm>>
      tpu.wait_dma2 semaphore(%run_scoped3A : memref<!tpu.dma_semaphore, #tpu.memory_space<semaphore_mem>>) src(%arg8 : memref<512x128xf32, #tpu.memory_space<vmem>>) dst(%dma_wait3A_68 : memref<512x128xf32, #tpu.memory_space<hbm>>)
      tpu.yield
    }) : () -> ()
    %add3A_11 = arith.constant 1024 : i32
    %add3A_12 = arith.addi %mul3A_2, %add3A_11 : i32
    "tpu.region"() ({
      %run_scoped3A = tpu.sem_alloc : memref<!tpu.dma_semaphore, #tpu.memory_space<semaphore_mem>>
      %dma_start3A_61 = arith.constant 0 : i32
      %dma_start3A_62 = tpu.memref_slice %arg2[%add3A_12, %dma_start3A_61] : memref<65536x128xf32, #tpu.memory_space<hbm>> -> memref<512x128xf32, #tpu.memory_space<hbm>>
      %dma_start3A_63 = arith.constant 0 : i32
      %dma_start3A_64 = tpu.memref_slice %arg2[%add3A_12, %dma_start3A_63] : memref<65536x128xf32, #tpu.memory_space<hbm>> -> memref<512x128xf32, #tpu.memory_space<hbm>>
      tpu.enqueue_dma source(%dma_start3A_64 : memref<512x128xf32, #tpu.memory_space<hbm>>) target(%arg8 : memref<512x128xf32, #tpu.memory_space<vmem>>) target_semaphore(%run_scoped3A : memref<!tpu.dma_semaphore, #tpu.memory_space<semaphore_mem>>)
      %dma_wait3A_65 = arith.constant 0 : i32
      %dma_wait3A_66 = tpu.memref_slice %arg2[%add3A_12, %dma_wait3A_65] : memref<65536x128xf32, #tpu.memory_space<hbm>> -> memref<512x128xf32, #tpu.memory_space<hbm>>
      %dma_wait3A_67 = arith.constant 0 : i32
      %dma_wait3A_68 = tpu.memref_slice %arg2[%add3A_12, %dma_wait3A_67] : memref<65536x128xf32, #tpu.memory_space<hbm>> -> memref<512x128xf32, #tpu.memory_space<hbm>>
      tpu.wait_dma2 semaphore(%run_scoped3A : memref<!tpu.dma_semaphore, #tpu.memory_space<semaphore_mem>>) src(%dma_wait3A_68 : memref<512x128xf32, #tpu.memory_space<hbm>>) dst(%arg8 : memref<512x128xf32, #tpu.memory_space<vmem>>)
      tpu.yield
    }) : () -> ()
    %add3A_13 = arith.constant 1024 : i32
    %add3A_14 = arith.addi %mul3A_2, %add3A_13 : i32
    "tpu.region"() ({
      %run_scoped3A = tpu.sem_alloc : memref<!tpu.dma_semaphore, #tpu.memory_space<semaphore_mem>>
      %dma_start3A_61 = arith.constant 0 : i32
      %dma_start3A_62 = tpu.memref_slice %arg5[%add3A_14, %dma_start3A_61] : memref<65536x128xf32, #tpu.memory_space<hbm>> -> memref<512x128xf32, #tpu.memory_space<hbm>>
      %dma_start3A_63 = arith.constant 0 : i32
      %dma_start3A_64 = tpu.memref_slice %arg5[%add3A_14, %dma_start3A_63] : memref<65536x128xf32, #tpu.memory_space<hbm>> -> memref<512x128xf32, #tpu.memory_space<hbm>>
      tpu.enqueue_dma source(%arg8 : memref<512x128xf32, #tpu.memory_space<vmem>>) target(%dma_start3A_64 : memref<512x128xf32, #tpu.memory_space<hbm>>) target_semaphore(%run_scoped3A : memref<!tpu.dma_semaphore, #tpu.memory_space<semaphore_mem>>)
      %dma_wait3A_65 = arith.constant 0 : i32
      %dma_wait3A_66 = tpu.memref_slice %arg5[%add3A_14, %dma_wait3A_65] : memref<65536x128xf32, #tpu.memory_space<hbm>> -> memref<512x128xf32, #tpu.memory_space<hbm>>
      %dma_wait3A_67 = arith.constant 0 : i32
      %dma_wait3A_68 = tpu.memref_slice %arg5[%add3A_14, %dma_wait3A_67] : memref<65536x128xf32, #tpu.memory_space<hbm>> -> memref<512x128xf32, #tpu.memory_space<hbm>>
      tpu.wait_dma2 semaphore(%run_scoped3A : memref<!tpu.dma_semaphore, #tpu.memory_space<semaphore_mem>>) src(%arg8 : memref<512x128xf32, #tpu.memory_space<vmem>>) dst(%dma_wait3A_68 : memref<512x128xf32, #tpu.memory_space<hbm>>)
      tpu.yield
    }) : () -> ()
    %add3A_15 = arith.constant 1536 : i32
    %add3A_16 = arith.addi %mul3A_2, %add3A_15 : i32
    "tpu.region"() ({
      %run_scoped3A = tpu.sem_alloc : memref<!tpu.dma_semaphore, #tpu.memory_space<semaphore_mem>>
      %dma_start3A_61 = arith.constant 0 : i32
      %dma_start3A_62 = tpu.memref_slice %arg2[%add3A_16, %dma_start3A_61] : memref<65536x128xf32, #tpu.memory_space<hbm>> -> memref<512x128xf32, #tpu.memory_space<hbm>>
      %dma_start3A_63 = arith.constant 0 : i32
      %dma_start3A_64 = tpu.memref_slice %arg2[%add3A_16, %dma_start3A_63] : memref<65536x128xf32, #tpu.memory_space<hbm>> -> memref<512x128xf32, #tpu.memory_space<hbm>>
      tpu.enqueue_dma source(%dma_start3A_64 : memref<512x128xf32, #tpu.memory_space<hbm>>) target(%arg8 : memref<512x128xf32, #tpu.memory_space<vmem>>) target_semaphore(%run_scoped3A : memref<!tpu.dma_semaphore, #tpu.memory_space<semaphore_mem>>)
      %dma_wait3A_65 = arith.constant 0 : i32
      %dma_wait3A_66 = tpu.memref_slice %arg2[%add3A_16, %dma_wait3A_65] : memref<65536x128xf32, #tpu.memory_space<hbm>> -> memref<512x128xf32, #tpu.memory_space<hbm>>
      %dma_wait3A_67 = arith.constant 0 : i32
      %dma_wait3A_68 = tpu.memref_slice %arg2[%add3A_16, %dma_wait3A_67] : memref<65536x128xf32, #tpu.memory_space<hbm>> -> memref<512x128xf32, #tpu.memory_space<hbm>>
      tpu.wait_dma2 semaphore(%run_scoped3A : memref<!tpu.dma_semaphore, #tpu.memory_space<semaphore_mem>>) src(%dma_wait3A_68 : memref<512x128xf32, #tpu.memory_space<hbm>>) dst(%arg8 : memref<512x128xf32, #tpu.memory_space<vmem>>)
      tpu.yield
    }) : () -> ()
    %add3A_17 = arith.constant 1536 : i32
    %add3A_18 = arith.addi %mul3A_2, %add3A_17 : i32
    "tpu.region"() ({
      %run_scoped3A = tpu.sem_alloc : memref<!tpu.dma_semaphore, #tpu.memory_space<semaphore_mem>>
      %dma_start3A_61 = arith.constant 0 : i32
      %dma_start3A_62 = tpu.memref_slice %arg5[%add3A_18, %dma_start3A_61] : memref<65536x128xf32, #tpu.memory_space<hbm>> -> memref<512x128xf32, #tpu.memory_space<hbm>>
      %dma_start3A_63 = arith.constant 0 : i32
      %dma_start3A_64 = tpu.memref_slice %arg5[%add3A_18, %dma_start3A_63] : memref<65536x128xf32, #tpu.memory_space<hbm>> -> memref<512x128xf32, #tpu.memory_space<hbm>>
      tpu.enqueue_dma source(%arg8 : memref<512x128xf32, #tpu.memory_space<vmem>>) target(%dma_start3A_64 : memref<512x128xf32, #tpu.memory_space<hbm>>) target_semaphore(%run_scoped3A : memref<!tpu.dma_semaphore, #tpu.memory_space<semaphore_mem>>)
      %dma_wait3A_65 = arith.constant 0 : i32
      %dma_wait3A_66 = tpu.memref_slice %arg5[%add3A_18, %dma_wait3A_65] : memref<65536x128xf32, #tpu.memory_space<hbm>> -> memref<512x128xf32, #tpu.memory_space<hbm>>
      %dma_wait3A_67 = arith.constant 0 : i32
      %dma_wait3A_68 = tpu.memref_slice %arg5[%add3A_18, %dma_wait3A_67] : memref<65536x128xf32, #tpu.memory_space<hbm>> -> memref<512x128xf32, #tpu.memory_space<hbm>>
      tpu.wait_dma2 semaphore(%run_scoped3A : memref<!tpu.dma_semaphore, #tpu.memory_space<semaphore_mem>>) src(%arg8 : memref<512x128xf32, #tpu.memory_space<vmem>>) dst(%dma_wait3A_68 : memref<512x128xf32, #tpu.memory_space<hbm>>)
      tpu.yield
    }) : () -> ()
    %mul3A_19 = arith.constant 2 : i32
    %mul3A_20 = arith.muli %add3A, %mul3A_19 : i32
    "tpu.region"() ({
      %run_scoped3A = tpu.sem_alloc : memref<!tpu.dma_semaphore, #tpu.memory_space<semaphore_mem>>
      %dma_start3A_61 = arith.constant 0 : i32
      %dma_start3A_62 = tpu.memref_slice %arg4[%mul3A_20, %dma_start3A_61] : memref<64x128xi32, #tpu.memory_space<hbm>> -> memref<2x128xi32, #tpu.memory_space<hbm>>
      %dma_start3A_63 = arith.constant 0 : i32
      %dma_start3A_64 = tpu.memref_slice %arg4[%mul3A_20, %dma_start3A_63] : memref<64x128xi32, #tpu.memory_space<hbm>> -> memref<2x128xi32, #tpu.memory_space<hbm>>
      tpu.enqueue_dma source(%dma_start3A_64 : memref<2x128xi32, #tpu.memory_space<hbm>>) target(%arg6 : memref<2x128xi32, #tpu.memory_space<vmem>>) target_semaphore(%run_scoped3A : memref<!tpu.dma_semaphore, #tpu.memory_space<semaphore_mem>>)
      %dma_wait3A_65 = arith.constant 0 : i32
      %dma_wait3A_66 = tpu.memref_slice %arg4[%mul3A_20, %dma_wait3A_65] : memref<64x128xi32, #tpu.memory_space<hbm>> -> memref<2x128xi32, #tpu.memory_space<hbm>>
      %dma_wait3A_67 = arith.constant 0 : i32
      %dma_wait3A_68 = tpu.memref_slice %arg4[%mul3A_20, %dma_wait3A_67] : memref<64x128xi32, #tpu.memory_space<hbm>> -> memref<2x128xi32, #tpu.memory_space<hbm>>
      tpu.wait_dma2 semaphore(%run_scoped3A : memref<!tpu.dma_semaphore, #tpu.memory_space<semaphore_mem>>) src(%dma_wait3A_68 : memref<2x128xi32, #tpu.memory_space<hbm>>) dst(%arg6 : memref<2x128xi32, #tpu.memory_space<vmem>>)
      tpu.yield
    }) : () -> ()
    %mul3A_21 = arith.constant 256 : i32
    %mul3A_22 = arith.muli %add3A, %mul3A_21 : i32
    "tpu.region"() ({
      %run_scoped3A = tpu.sem_alloc : memref<!tpu.dma_semaphore, #tpu.memory_space<semaphore_mem>>
      %dma_start3A_61 = arith.constant 0 : i32
      %dma_start3A_62 = tpu.memref_slice %arg3[%mul3A_22, %dma_start3A_61] : memref<8192x128xf32, #tpu.memory_space<hbm>> -> memref<256x128xf32, #tpu.memory_space<hbm>>
      %dma_start3A_63 = arith.constant 0 : i32
      %dma_start3A_64 = tpu.memref_slice %arg3[%mul3A_22, %dma_start3A_63] : memref<8192x128xf32, #tpu.memory_space<hbm>> -> memref<256x128xf32, #tpu.memory_space<hbm>>
      tpu.enqueue_dma source(%dma_start3A_64 : memref<256x128xf32, #tpu.memory_space<hbm>>) target(%arg7 : memref<256x128xf32, #tpu.memory_space<vmem>>) target_semaphore(%run_scoped3A : memref<!tpu.dma_semaphore, #tpu.memory_space<semaphore_mem>>)
      %dma_wait3A_65 = arith.constant 0 : i32
      %dma_wait3A_66 = tpu.memref_slice %arg3[%mul3A_22, %dma_wait3A_65] : memref<8192x128xf32, #tpu.memory_space<hbm>> -> memref<256x128xf32, #tpu.memory_space<hbm>>
      %dma_wait3A_67 = arith.constant 0 : i32
      %dma_wait3A_68 = tpu.memref_slice %arg3[%mul3A_22, %dma_wait3A_67] : memref<8192x128xf32, #tpu.memory_space<hbm>> -> memref<256x128xf32, #tpu.memory_space<hbm>>
      tpu.wait_dma2 semaphore(%run_scoped3A : memref<!tpu.dma_semaphore, #tpu.memory_space<semaphore_mem>>) src(%dma_wait3A_68 : memref<256x128xf32, #tpu.memory_space<hbm>>) dst(%arg7 : memref<256x128xf32, #tpu.memory_space<vmem>>)
      tpu.yield
    }) : () -> ()
    %dma_start3A = arith.constant 0 : i32
    %dma_start3A_23 = arith.constant 0 : i32
    %dma_start3A_24 = arith.constant 0 : i32
    %dma_start3A_25 = tpu.memref_slice %arg7[%dma_start3A_23, %dma_start3A_24] : memref<256x128xf32, #tpu.memory_space<vmem>> -> memref<128x128xf32, #tpu.memory_space<vmem>>
    %dma_start3A_26 = arith.constant 0 : i32
    %dma_start3A_27 = tpu.memref_slice %arg6[%dma_start3A, %dma_start3A_26] : memref<2x128xi32, #tpu.memory_space<vmem>> -> memref<1x128xi32, #tpu.memory_space<vmem>>
    %dma_start3A_28 = tpu.memref_squeeze %dma_start3A_27 : memref<1x128xi32, #tpu.memory_space<vmem>> -> memref<128xi32, #tpu.memory_space<vmem>>
    %dma_start3A_29 = arith.constant 0 : i32
    %dma_start3A_30 = arith.constant 0 : i32
    %dma_start3A_31 = tpu.memref_slice %arg5[%dma_start3A_29, %dma_start3A_30] : memref<65536x128xf32, #tpu.memory_space<hbm>> -> memref<65536x128xf32, #tpu.memory_space<hbm>>
    tpu.enqueue_indirect_dma source(%dma_start3A_25 : memref<128x128xf32, #tpu.memory_space<vmem>>) target(%dma_start3A_31 : memref<65536x128xf32, #tpu.memory_space<hbm>>) offsets(%dma_start3A_28 : memref<128xi32, #tpu.memory_space<vmem>>) semaphore(%arg9 : memref<!tpu.dma_semaphore, #tpu.memory_space<semaphore_mem>>)
    %dma_start3A_32 = arith.constant 1 : i32
    %dma_start3A_33 = arith.constant 128 : i32
    %dma_start3A_34 = arith.constant 0 : i32
    %dma_start3A_35 = tpu.memref_slice %arg7[%dma_start3A_33, %dma_start3A_34] : memref<256x128xf32, #tpu.memory_space<vmem>> -> memref<128x128xf32, #tpu.memory_space<vmem>>
    %dma_start3A_36 = arith.constant 0 : i32
    %dma_start3A_37 = tpu.memref_slice %arg6[%dma_start3A_32, %dma_start3A_36] : memref<2x128xi32, #tpu.memory_space<vmem>> -> memref<1x128xi32, #tpu.memory_space<vmem>>
    %dma_start3A_38 = tpu.memref_squeeze %dma_start3A_37 : memref<1x128xi32, #tpu.memory_space<vmem>> -> memref<128xi32, #tpu.memory_space<vmem>>
    %dma_start3A_39 = arith.constant 0 : i32
    %dma_start3A_40 = arith.constant 0 : i32
    %dma_start3A_41 = tpu.memref_slice %arg5[%dma_start3A_39, %dma_start3A_40] : memref<65536x128xf32, #tpu.memory_space<hbm>> -> memref<65536x128xf32, #tpu.memory_space<hbm>>
    tpu.enqueue_indirect_dma source(%dma_start3A_35 : memref<128x128xf32, #tpu.memory_space<vmem>>) target(%dma_start3A_41 : memref<65536x128xf32, #tpu.memory_space<hbm>>) offsets(%dma_start3A_38 : memref<128xi32, #tpu.memory_space<vmem>>) semaphore(%arg9 : memref<!tpu.dma_semaphore, #tpu.memory_space<semaphore_mem>>)
    %dma_wait3A = arith.constant 0 : i32
    %dma_wait3A_42 = arith.constant 0 : i32
    %dma_wait3A_43 = arith.constant 0 : i32
    %dma_wait3A_44 = tpu.memref_slice %arg7[%dma_wait3A_42, %dma_wait3A_43] : memref<256x128xf32, #tpu.memory_space<vmem>> -> memref<128x128xf32, #tpu.memory_space<vmem>>
    %dma_wait3A_45 = arith.constant 0 : i32
    %dma_wait3A_46 = tpu.memref_slice %arg6[%dma_wait3A, %dma_wait3A_45] : memref<2x128xi32, #tpu.memory_space<vmem>> -> memref<1x128xi32, #tpu.memory_space<vmem>>
    %dma_wait3A_47 = tpu.memref_squeeze %dma_wait3A_46 : memref<1x128xi32, #tpu.memory_space<vmem>> -> memref<128xi32, #tpu.memory_space<vmem>>
    %dma_wait3A_48 = arith.constant 0 : i32
    %dma_wait3A_49 = arith.constant 0 : i32
    %dma_wait3A_50 = tpu.memref_slice %arg5[%dma_wait3A_48, %dma_wait3A_49] : memref<65536x128xf32, #tpu.memory_space<hbm>> -> memref<65536x128xf32, #tpu.memory_space<hbm>>
    tpu.wait_indirect_dma semaphore(%arg9 : memref<!tpu.dma_semaphore, #tpu.memory_space<semaphore_mem>>) src(%dma_wait3A_44 : memref<128x128xf32, #tpu.memory_space<vmem>>) dst(%dma_wait3A_50 : memref<65536x128xf32, #tpu.memory_space<hbm>>)
    %dma_wait3A_51 = arith.constant 1 : i32
    %dma_wait3A_52 = arith.constant 128 : i32
    %dma_wait3A_53 = arith.constant 0 : i32
    %dma_wait3A_54 = tpu.memref_slice %arg7[%dma_wait3A_52, %dma_wait3A_53] : memref<256x128xf32, #tpu.memory_space<vmem>> -> memref<128x128xf32, #tpu.memory_space<vmem>>
    %dma_wait3A_55 = arith.constant 0 : i32
    %dma_wait3A_56 = tpu.memref_slice %arg6[%dma_wait3A_51, %dma_wait3A_55] : memref<2x128xi32, #tpu.memory_space<vmem>> -> memref<1x128xi32, #tpu.memory_space<vmem>>
    %dma_wait3A_57 = tpu.memref_squeeze %dma_wait3A_56 : memref<1x128xi32, #tpu.memory_space<vmem>> -> memref<128xi32, #tpu.memory_space<vmem>>
    %dma_wait3A_58 = arith.constant 0 : i32
    %dma_wait3A_59 = arith.constant 0 : i32
    %dma_wait3A_60 = tpu.memref_slice %arg5[%dma_wait3A_58, %dma_wait3A_59] : memref<65536x128xf32, #tpu.memory_space<hbm>> -> memref<65536x128xf32, #tpu.memory_space<hbm>>
    tpu.wait_indirect_dma semaphore(%arg9 : memref<!tpu.dma_semaphore, #tpu.memory_space<semaphore_mem>>) src(%dma_wait3A_54 : memref<128x128xf32, #tpu.memory_space<vmem>>) dst(%dma_wait3A_60 : memref<65536x128xf32, #tpu.memory_space<hbm>>)
    return
  }
}

#map = affine_map<(d0, d1) -> (0, 0)>
module attributes {stable_mosaic.version = 14 : i64} {
  func.func @kern(%arg0: i32, %arg1: i32, %arg2: memref<65536x128xf32, #tpu.memory_space<hbm>>, %arg3: memref<65536x128xf32, #tpu.memory_space<hbm>>, %arg4: memref<64x128xi32, #tpu.memory_space<hbm>>, %arg5: memref<64x128xi32, #tpu.memory_space<hbm>>, %arg6: memref<8192x128xf32, #tpu.memory_space<hbm>>, %arg7: memref<8192x128xf32, #tpu.memory_space<hbm>>, %arg8: memref<2x128xi32, #tpu.memory_space<vmem>>, %arg9: memref<2x128xi32, #tpu.memory_space<vmem>>, %arg10: memref<256x128xf32, #tpu.memory_space<vmem>>, %arg11: memref<256x128xf32, #tpu.memory_space<vmem>>, %arg12: memref<!tpu.dma_semaphore, #tpu.memory_space<semaphore_mem>>, %arg13: memref<!tpu.dma_semaphore, #tpu.memory_space<semaphore_mem>>) attributes {dimension_semantics = [#tpu.dimension_semantics<core_parallel>, #tpu.dimension_semantics<subcore_parallel>], iteration_bounds = array<i64: 2, 16>, scalar_prefetch = 0 : i64, scratch_operands = 6 : i64, tpu.core_type = #tpu.core_type<sc_vector_subcore>, window_params = [{transform_indices = #map}, {transform_indices = #map}, {transform_indices = #map}, {transform_indices = #map}, {transform_indices = #map}, {transform_indices = #map}]} {
    %mul3A = arith.constant 2 : i32
    %mul3A_0 = arith.muli %arg1, %mul3A : i32
    %add3A = arith.addi %mul3A_0, %arg0 : i32
    %mul3A_1 = arith.constant 256 : i32
    %mul3A_2 = arith.muli %add3A, %mul3A_1 : i32
    %mul3A_3 = arith.constant 2 : i32
    %mul3A_4 = arith.muli %add3A, %mul3A_3 : i32
    "tpu.region"() ({
      %run_scoped3A = tpu.sem_alloc : memref<!tpu.dma_semaphore, #tpu.memory_space<semaphore_mem>>
      %dma_start3A_85 = arith.constant 0 : i32
      %dma_start3A_86 = tpu.memref_slice %arg4[%mul3A_4, %dma_start3A_85] : memref<64x128xi32, #tpu.memory_space<hbm>> -> memref<2x128xi32, #tpu.memory_space<hbm>>
      %dma_start3A_87 = arith.constant 0 : i32
      %dma_start3A_88 = tpu.memref_slice %arg4[%mul3A_4, %dma_start3A_87] : memref<64x128xi32, #tpu.memory_space<hbm>> -> memref<2x128xi32, #tpu.memory_space<hbm>>
      tpu.enqueue_dma source(%dma_start3A_88 : memref<2x128xi32, #tpu.memory_space<hbm>>) target(%arg8 : memref<2x128xi32, #tpu.memory_space<vmem>>) target_semaphore(%run_scoped3A : memref<!tpu.dma_semaphore, #tpu.memory_space<semaphore_mem>>)
      %dma_wait3A_89 = arith.constant 0 : i32
      %dma_wait3A_90 = tpu.memref_slice %arg4[%mul3A_4, %dma_wait3A_89] : memref<64x128xi32, #tpu.memory_space<hbm>> -> memref<2x128xi32, #tpu.memory_space<hbm>>
      %dma_wait3A_91 = arith.constant 0 : i32
      %dma_wait3A_92 = tpu.memref_slice %arg4[%mul3A_4, %dma_wait3A_91] : memref<64x128xi32, #tpu.memory_space<hbm>> -> memref<2x128xi32, #tpu.memory_space<hbm>>
      tpu.wait_dma2 semaphore(%run_scoped3A : memref<!tpu.dma_semaphore, #tpu.memory_space<semaphore_mem>>) src(%dma_wait3A_92 : memref<2x128xi32, #tpu.memory_space<hbm>>) dst(%arg8 : memref<2x128xi32, #tpu.memory_space<vmem>>)
      tpu.yield
    }) : () -> ()
    %mul3A_5 = arith.constant 2 : i32
    %mul3A_6 = arith.muli %add3A, %mul3A_5 : i32
    "tpu.region"() ({
      %run_scoped3A = tpu.sem_alloc : memref<!tpu.dma_semaphore, #tpu.memory_space<semaphore_mem>>
      %dma_start3A_85 = arith.constant 0 : i32
      %dma_start3A_86 = tpu.memref_slice %arg5[%mul3A_6, %dma_start3A_85] : memref<64x128xi32, #tpu.memory_space<hbm>> -> memref<2x128xi32, #tpu.memory_space<hbm>>
      %dma_start3A_87 = arith.constant 0 : i32
      %dma_start3A_88 = tpu.memref_slice %arg5[%mul3A_6, %dma_start3A_87] : memref<64x128xi32, #tpu.memory_space<hbm>> -> memref<2x128xi32, #tpu.memory_space<hbm>>
      tpu.enqueue_dma source(%dma_start3A_88 : memref<2x128xi32, #tpu.memory_space<hbm>>) target(%arg9 : memref<2x128xi32, #tpu.memory_space<vmem>>) target_semaphore(%run_scoped3A : memref<!tpu.dma_semaphore, #tpu.memory_space<semaphore_mem>>)
      %dma_wait3A_89 = arith.constant 0 : i32
      %dma_wait3A_90 = tpu.memref_slice %arg5[%mul3A_6, %dma_wait3A_89] : memref<64x128xi32, #tpu.memory_space<hbm>> -> memref<2x128xi32, #tpu.memory_space<hbm>>
      %dma_wait3A_91 = arith.constant 0 : i32
      %dma_wait3A_92 = tpu.memref_slice %arg5[%mul3A_6, %dma_wait3A_91] : memref<64x128xi32, #tpu.memory_space<hbm>> -> memref<2x128xi32, #tpu.memory_space<hbm>>
      tpu.wait_dma2 semaphore(%run_scoped3A : memref<!tpu.dma_semaphore, #tpu.memory_space<semaphore_mem>>) src(%dma_wait3A_92 : memref<2x128xi32, #tpu.memory_space<hbm>>) dst(%arg9 : memref<2x128xi32, #tpu.memory_space<vmem>>)
      tpu.yield
    }) : () -> ()
    %dma_start3A = arith.constant 0 : i32
    %dma_start3A_7 = arith.constant 0 : i32
    %dma_start3A_8 = arith.constant 0 : i32
    %dma_start3A_9 = tpu.memref_slice %arg10[%dma_start3A_7, %dma_start3A_8] : memref<256x128xf32, #tpu.memory_space<vmem>> -> memref<128x128xf32, #tpu.memory_space<vmem>>
    %dma_start3A_10 = arith.constant 0 : i32
    %dma_start3A_11 = tpu.memref_slice %arg8[%dma_start3A, %dma_start3A_10] : memref<2x128xi32, #tpu.memory_space<vmem>> -> memref<1x128xi32, #tpu.memory_space<vmem>>
    %dma_start3A_12 = tpu.memref_squeeze %dma_start3A_11 : memref<1x128xi32, #tpu.memory_space<vmem>> -> memref<128xi32, #tpu.memory_space<vmem>>
    %dma_start3A_13 = arith.constant 0 : i32
    %dma_start3A_14 = arith.constant 0 : i32
    %dma_start3A_15 = tpu.memref_slice %arg2[%dma_start3A_13, %dma_start3A_14] : memref<65536x128xf32, #tpu.memory_space<hbm>> -> memref<65536x128xf32, #tpu.memory_space<hbm>>
    tpu.enqueue_indirect_dma source(%dma_start3A_15 : memref<65536x128xf32, #tpu.memory_space<hbm>>) target(%dma_start3A_9 : memref<128x128xf32, #tpu.memory_space<vmem>>) offsets(%dma_start3A_12 : memref<128xi32, #tpu.memory_space<vmem>>) semaphore(%arg12 : memref<!tpu.dma_semaphore, #tpu.memory_space<semaphore_mem>>)
    %dma_start3A_16 = arith.constant 0 : i32
    %dma_start3A_17 = arith.constant 0 : i32
    %dma_start3A_18 = arith.constant 0 : i32
    %dma_start3A_19 = tpu.memref_slice %arg11[%dma_start3A_17, %dma_start3A_18] : memref<256x128xf32, #tpu.memory_space<vmem>> -> memref<128x128xf32, #tpu.memory_space<vmem>>
    %dma_start3A_20 = arith.constant 0 : i32
    %dma_start3A_21 = tpu.memref_slice %arg9[%dma_start3A_16, %dma_start3A_20] : memref<2x128xi32, #tpu.memory_space<vmem>> -> memref<1x128xi32, #tpu.memory_space<vmem>>
    %dma_start3A_22 = tpu.memref_squeeze %dma_start3A_21 : memref<1x128xi32, #tpu.memory_space<vmem>> -> memref<128xi32, #tpu.memory_space<vmem>>
    %dma_start3A_23 = arith.constant 0 : i32
    %dma_start3A_24 = arith.constant 0 : i32
    %dma_start3A_25 = tpu.memref_slice %arg3[%dma_start3A_23, %dma_start3A_24] : memref<65536x128xf32, #tpu.memory_space<hbm>> -> memref<65536x128xf32, #tpu.memory_space<hbm>>
    tpu.enqueue_indirect_dma source(%dma_start3A_25 : memref<65536x128xf32, #tpu.memory_space<hbm>>) target(%dma_start3A_19 : memref<128x128xf32, #tpu.memory_space<vmem>>) offsets(%dma_start3A_22 : memref<128xi32, #tpu.memory_space<vmem>>) semaphore(%arg13 : memref<!tpu.dma_semaphore, #tpu.memory_space<semaphore_mem>>)
    %dma_start3A_26 = arith.constant 1 : i32
    %dma_start3A_27 = arith.constant 128 : i32
    %dma_start3A_28 = arith.constant 0 : i32
    %dma_start3A_29 = tpu.memref_slice %arg10[%dma_start3A_27, %dma_start3A_28] : memref<256x128xf32, #tpu.memory_space<vmem>> -> memref<128x128xf32, #tpu.memory_space<vmem>>
    %dma_start3A_30 = arith.constant 0 : i32
    %dma_start3A_31 = tpu.memref_slice %arg8[%dma_start3A_26, %dma_start3A_30] : memref<2x128xi32, #tpu.memory_space<vmem>> -> memref<1x128xi32, #tpu.memory_space<vmem>>
    %dma_start3A_32 = tpu.memref_squeeze %dma_start3A_31 : memref<1x128xi32, #tpu.memory_space<vmem>> -> memref<128xi32, #tpu.memory_space<vmem>>
    %dma_start3A_33 = arith.constant 0 : i32
    %dma_start3A_34 = arith.constant 0 : i32
    %dma_start3A_35 = tpu.memref_slice %arg2[%dma_start3A_33, %dma_start3A_34] : memref<65536x128xf32, #tpu.memory_space<hbm>> -> memref<65536x128xf32, #tpu.memory_space<hbm>>
    tpu.enqueue_indirect_dma source(%dma_start3A_35 : memref<65536x128xf32, #tpu.memory_space<hbm>>) target(%dma_start3A_29 : memref<128x128xf32, #tpu.memory_space<vmem>>) offsets(%dma_start3A_32 : memref<128xi32, #tpu.memory_space<vmem>>) semaphore(%arg12 : memref<!tpu.dma_semaphore, #tpu.memory_space<semaphore_mem>>)
    %dma_start3A_36 = arith.constant 1 : i32
    %dma_start3A_37 = arith.constant 128 : i32
    %dma_start3A_38 = arith.constant 0 : i32
    %dma_start3A_39 = tpu.memref_slice %arg11[%dma_start3A_37, %dma_start3A_38] : memref<256x128xf32, #tpu.memory_space<vmem>> -> memref<128x128xf32, #tpu.memory_space<vmem>>
    %dma_start3A_40 = arith.constant 0 : i32
    %dma_start3A_41 = tpu.memref_slice %arg9[%dma_start3A_36, %dma_start3A_40] : memref<2x128xi32, #tpu.memory_space<vmem>> -> memref<1x128xi32, #tpu.memory_space<vmem>>
    %dma_start3A_42 = tpu.memref_squeeze %dma_start3A_41 : memref<1x128xi32, #tpu.memory_space<vmem>> -> memref<128xi32, #tpu.memory_space<vmem>>
    %dma_start3A_43 = arith.constant 0 : i32
    %dma_start3A_44 = arith.constant 0 : i32
    %dma_start3A_45 = tpu.memref_slice %arg3[%dma_start3A_43, %dma_start3A_44] : memref<65536x128xf32, #tpu.memory_space<hbm>> -> memref<65536x128xf32, #tpu.memory_space<hbm>>
    tpu.enqueue_indirect_dma source(%dma_start3A_45 : memref<65536x128xf32, #tpu.memory_space<hbm>>) target(%dma_start3A_39 : memref<128x128xf32, #tpu.memory_space<vmem>>) offsets(%dma_start3A_42 : memref<128xi32, #tpu.memory_space<vmem>>) semaphore(%arg13 : memref<!tpu.dma_semaphore, #tpu.memory_space<semaphore_mem>>)
    %dma_wait3A = arith.constant 0 : i32
    %dma_wait3A_46 = arith.constant 0 : i32
    %dma_wait3A_47 = arith.constant 0 : i32
    %dma_wait3A_48 = tpu.memref_slice %arg10[%dma_wait3A_46, %dma_wait3A_47] : memref<256x128xf32, #tpu.memory_space<vmem>> -> memref<128x128xf32, #tpu.memory_space<vmem>>
    %dma_wait3A_49 = arith.constant 0 : i32
    %dma_wait3A_50 = tpu.memref_slice %arg8[%dma_wait3A, %dma_wait3A_49] : memref<2x128xi32, #tpu.memory_space<vmem>> -> memref<1x128xi32, #tpu.memory_space<vmem>>
    %dma_wait3A_51 = tpu.memref_squeeze %dma_wait3A_50 : memref<1x128xi32, #tpu.memory_space<vmem>> -> memref<128xi32, #tpu.memory_space<vmem>>
    %dma_wait3A_52 = arith.constant 0 : i32
    %dma_wait3A_53 = arith.constant 0 : i32
    %dma_wait3A_54 = tpu.memref_slice %arg2[%dma_wait3A_52, %dma_wait3A_53] : memref<65536x128xf32, #tpu.memory_space<hbm>> -> memref<65536x128xf32, #tpu.memory_space<hbm>>
    tpu.wait_indirect_dma semaphore(%arg12 : memref<!tpu.dma_semaphore, #tpu.memory_space<semaphore_mem>>) src(%dma_wait3A_54 : memref<65536x128xf32, #tpu.memory_space<hbm>>) dst(%dma_wait3A_48 : memref<128x128xf32, #tpu.memory_space<vmem>>)
    %dma_wait3A_55 = arith.constant 0 : i32
    %dma_wait3A_56 = arith.constant 0 : i32
    %dma_wait3A_57 = arith.constant 0 : i32
    %dma_wait3A_58 = tpu.memref_slice %arg11[%dma_wait3A_56, %dma_wait3A_57] : memref<256x128xf32, #tpu.memory_space<vmem>> -> memref<128x128xf32, #tpu.memory_space<vmem>>
    %dma_wait3A_59 = arith.constant 0 : i32
    %dma_wait3A_60 = tpu.memref_slice %arg9[%dma_wait3A_55, %dma_wait3A_59] : memref<2x128xi32, #tpu.memory_space<vmem>> -> memref<1x128xi32, #tpu.memory_space<vmem>>
    %dma_wait3A_61 = tpu.memref_squeeze %dma_wait3A_60 : memref<1x128xi32, #tpu.memory_space<vmem>> -> memref<128xi32, #tpu.memory_space<vmem>>
    %dma_wait3A_62 = arith.constant 0 : i32
    %dma_wait3A_63 = arith.constant 0 : i32
    %dma_wait3A_64 = tpu.memref_slice %arg3[%dma_wait3A_62, %dma_wait3A_63] : memref<65536x128xf32, #tpu.memory_space<hbm>> -> memref<65536x128xf32, #tpu.memory_space<hbm>>
    tpu.wait_indirect_dma semaphore(%arg13 : memref<!tpu.dma_semaphore, #tpu.memory_space<semaphore_mem>>) src(%dma_wait3A_64 : memref<65536x128xf32, #tpu.memory_space<hbm>>) dst(%dma_wait3A_58 : memref<128x128xf32, #tpu.memory_space<vmem>>)
    %dma_wait3A_65 = arith.constant 1 : i32
    %dma_wait3A_66 = arith.constant 128 : i32
    %dma_wait3A_67 = arith.constant 0 : i32
    %dma_wait3A_68 = tpu.memref_slice %arg10[%dma_wait3A_66, %dma_wait3A_67] : memref<256x128xf32, #tpu.memory_space<vmem>> -> memref<128x128xf32, #tpu.memory_space<vmem>>
    %dma_wait3A_69 = arith.constant 0 : i32
    %dma_wait3A_70 = tpu.memref_slice %arg8[%dma_wait3A_65, %dma_wait3A_69] : memref<2x128xi32, #tpu.memory_space<vmem>> -> memref<1x128xi32, #tpu.memory_space<vmem>>
    %dma_wait3A_71 = tpu.memref_squeeze %dma_wait3A_70 : memref<1x128xi32, #tpu.memory_space<vmem>> -> memref<128xi32, #tpu.memory_space<vmem>>
    %dma_wait3A_72 = arith.constant 0 : i32
    %dma_wait3A_73 = arith.constant 0 : i32
    %dma_wait3A_74 = tpu.memref_slice %arg2[%dma_wait3A_72, %dma_wait3A_73] : memref<65536x128xf32, #tpu.memory_space<hbm>> -> memref<65536x128xf32, #tpu.memory_space<hbm>>
    tpu.wait_indirect_dma semaphore(%arg12 : memref<!tpu.dma_semaphore, #tpu.memory_space<semaphore_mem>>) src(%dma_wait3A_74 : memref<65536x128xf32, #tpu.memory_space<hbm>>) dst(%dma_wait3A_68 : memref<128x128xf32, #tpu.memory_space<vmem>>)
    %dma_wait3A_75 = arith.constant 1 : i32
    %dma_wait3A_76 = arith.constant 128 : i32
    %dma_wait3A_77 = arith.constant 0 : i32
    %dma_wait3A_78 = tpu.memref_slice %arg11[%dma_wait3A_76, %dma_wait3A_77] : memref<256x128xf32, #tpu.memory_space<vmem>> -> memref<128x128xf32, #tpu.memory_space<vmem>>
    %dma_wait3A_79 = arith.constant 0 : i32
    %dma_wait3A_80 = tpu.memref_slice %arg9[%dma_wait3A_75, %dma_wait3A_79] : memref<2x128xi32, #tpu.memory_space<vmem>> -> memref<1x128xi32, #tpu.memory_space<vmem>>
    %dma_wait3A_81 = tpu.memref_squeeze %dma_wait3A_80 : memref<1x128xi32, #tpu.memory_space<vmem>> -> memref<128xi32, #tpu.memory_space<vmem>>
    %dma_wait3A_82 = arith.constant 0 : i32
    %dma_wait3A_83 = arith.constant 0 : i32
    %dma_wait3A_84 = tpu.memref_slice %arg3[%dma_wait3A_82, %dma_wait3A_83] : memref<65536x128xf32, #tpu.memory_space<hbm>> -> memref<65536x128xf32, #tpu.memory_space<hbm>>
    tpu.wait_indirect_dma semaphore(%arg13 : memref<!tpu.dma_semaphore, #tpu.memory_space<semaphore_mem>>) src(%dma_wait3A_84 : memref<65536x128xf32, #tpu.memory_space<hbm>>) dst(%dma_wait3A_78 : memref<128x128xf32, #tpu.memory_space<vmem>>)
    "tpu.region"() ({
      %run_scoped3A = tpu.sem_alloc : memref<!tpu.dma_semaphore, #tpu.memory_space<semaphore_mem>>
      %dma_start3A_85 = arith.constant 0 : i32
      %dma_start3A_86 = tpu.memref_slice %arg6[%mul3A_2, %dma_start3A_85] : memref<8192x128xf32, #tpu.memory_space<hbm>> -> memref<256x128xf32, #tpu.memory_space<hbm>>
      %dma_start3A_87 = arith.constant 0 : i32
      %dma_start3A_88 = tpu.memref_slice %arg6[%mul3A_2, %dma_start3A_87] : memref<8192x128xf32, #tpu.memory_space<hbm>> -> memref<256x128xf32, #tpu.memory_space<hbm>>
      tpu.enqueue_dma source(%arg10 : memref<256x128xf32, #tpu.memory_space<vmem>>) target(%dma_start3A_88 : memref<256x128xf32, #tpu.memory_space<hbm>>) target_semaphore(%run_scoped3A : memref<!tpu.dma_semaphore, #tpu.memory_space<semaphore_mem>>)
      %dma_wait3A_89 = arith.constant 0 : i32
      %dma_wait3A_90 = tpu.memref_slice %arg6[%mul3A_2, %dma_wait3A_89] : memref<8192x128xf32, #tpu.memory_space<hbm>> -> memref<256x128xf32, #tpu.memory_space<hbm>>
      %dma_wait3A_91 = arith.constant 0 : i32
      %dma_wait3A_92 = tpu.memref_slice %arg6[%mul3A_2, %dma_wait3A_91] : memref<8192x128xf32, #tpu.memory_space<hbm>> -> memref<256x128xf32, #tpu.memory_space<hbm>>
      tpu.wait_dma2 semaphore(%run_scoped3A : memref<!tpu.dma_semaphore, #tpu.memory_space<semaphore_mem>>) src(%arg10 : memref<256x128xf32, #tpu.memory_space<vmem>>) dst(%dma_wait3A_92 : memref<256x128xf32, #tpu.memory_space<hbm>>)
      tpu.yield
    }) : () -> ()
    "tpu.region"() ({
      %run_scoped3A = tpu.sem_alloc : memref<!tpu.dma_semaphore, #tpu.memory_space<semaphore_mem>>
      %dma_start3A_85 = arith.constant 0 : i32
      %dma_start3A_86 = tpu.memref_slice %arg7[%mul3A_2, %dma_start3A_85] : memref<8192x128xf32, #tpu.memory_space<hbm>> -> memref<256x128xf32, #tpu.memory_space<hbm>>
      %dma_start3A_87 = arith.constant 0 : i32
      %dma_start3A_88 = tpu.memref_slice %arg7[%mul3A_2, %dma_start3A_87] : memref<8192x128xf32, #tpu.memory_space<hbm>> -> memref<256x128xf32, #tpu.memory_space<hbm>>
      tpu.enqueue_dma source(%arg11 : memref<256x128xf32, #tpu.memory_space<vmem>>) target(%dma_start3A_88 : memref<256x128xf32, #tpu.memory_space<hbm>>) target_semaphore(%run_scoped3A : memref<!tpu.dma_semaphore, #tpu.memory_space<semaphore_mem>>)
      %dma_wait3A_89 = arith.constant 0 : i32
      %dma_wait3A_90 = tpu.memref_slice %arg7[%mul3A_2, %dma_wait3A_89] : memref<8192x128xf32, #tpu.memory_space<hbm>> -> memref<256x128xf32, #tpu.memory_space<hbm>>
      %dma_wait3A_91 = arith.constant 0 : i32
      %dma_wait3A_92 = tpu.memref_slice %arg7[%mul3A_2, %dma_wait3A_91] : memref<8192x128xf32, #tpu.memory_space<hbm>> -> memref<256x128xf32, #tpu.memory_space<hbm>>
      tpu.wait_dma2 semaphore(%run_scoped3A : memref<!tpu.dma_semaphore, #tpu.memory_space<semaphore_mem>>) src(%arg11 : memref<256x128xf32, #tpu.memory_space<vmem>>) dst(%dma_wait3A_92 : memref<256x128xf32, #tpu.memory_space<hbm>>)
      tpu.yield
    }) : () -> ()
    return
  }
}

module attributes {stable_mosaic.version = 14 : i64} {
  func.func @_trimul_proj_body(%arg0: i32, %arg1: memref<4096x128xf32, #tpu.memory_space<vmem>>, %arg2: memref<1x128xf32, #tpu.memory_space<vmem>>, %arg3: memref<1x128xf32, #tpu.memory_space<vmem>>, %arg4: memref<128x128xf32, #tpu.memory_space<vmem>>, %arg5: memref<1x128xf32, #tpu.memory_space<vmem>>, %arg6: memref<128x128xf32, #tpu.memory_space<vmem>>, %arg7: memref<1x128xf32, #tpu.memory_space<vmem>>, %arg8: memref<128x128xf32, #tpu.memory_space<vmem>>, %arg9: memref<1x128xf32, #tpu.memory_space<vmem>>, %arg10: memref<128x128xf32, #tpu.memory_space<vmem>>, %arg11: memref<1x128xf32, #tpu.memory_space<vmem>>, %arg12: memref<128x4096xbf16, #tpu.memory_space<vmem>>, %arg13: memref<128x4096xbf16, #tpu.memory_space<vmem>>) attributes {dimension_semantics = [#tpu.dimension_semantics<arbitrary>], iteration_bounds = array<i64: 16>, scalar_prefetch = 0 : i64, scratch_operands = 0 : i64, tpu.core_type = #tpu.core_type<tc>, window_params = [{transform_indices = @transform_0, window_bounds = array<i64: 4096, 128>}, {pipeline_mode = #tpu.pipeline_mode<synchronous>, transform_indices = @transform_1, window_bounds = array<i64: 1, 128>}, {pipeline_mode = #tpu.pipeline_mode<synchronous>, transform_indices = @transform_2, window_bounds = array<i64: 1, 128>}, {pipeline_mode = #tpu.pipeline_mode<synchronous>, transform_indices = @transform_3, window_bounds = array<i64: 128, 128>}, {pipeline_mode = #tpu.pipeline_mode<synchronous>, transform_indices = @transform_4, window_bounds = array<i64: 1, 128>}, {pipeline_mode = #tpu.pipeline_mode<synchronous>, transform_indices = @transform_5, window_bounds = array<i64: 128, 128>}, {pipeline_mode = #tpu.pipeline_mode<synchronous>, transform_indices = @transform_6, window_bounds = array<i64: 1, 128>}, {pipeline_mode = #tpu.pipeline_mode<synchronous>, transform_indices = @transform_7, window_bounds = array<i64: 128, 128>}, {pipeline_mode = #tpu.pipeline_mode<synchronous>, transform_indices = @transform_8, window_bounds = array<i64: 1, 128>}, {pipeline_mode = #tpu.pipeline_mode<synchronous>, transform_indices = @transform_9, window_bounds = array<i64: 128, 128>}, {pipeline_mode = #tpu.pipeline_mode<synchronous>, transform_indices = @transform_10, window_bounds = array<i64: 1, 128>}, {transform_indices = @transform_11, window_bounds = array<i64: 128, 4096>}, {transform_indices = @transform_12, window_bounds = array<i64: 128, 4096>}]} {
    %get3A = arith.constant 0 : index
    %get3A_0 = arith.constant 0 : index
    %get3A_1 = vector.load %arg1[%get3A, %get3A_0] : memref<4096x128xf32, #tpu.memory_space<vmem>>, vector<4096x128xf32>
    %get3A_2 = arith.constant 0 : index
    %get3A_3 = arith.constant 0 : index
    %get3A_4 = vector.load %arg2[%get3A_2, %get3A_3] : memref<1x128xf32, #tpu.memory_space<vmem>>, vector<1x128xf32>
    %get3A_5 = arith.constant 0 : index
    %get3A_6 = arith.constant 0 : index
    %get3A_7 = vector.load %arg3[%get3A_5, %get3A_6] : memref<1x128xf32, #tpu.memory_space<vmem>>, vector<1x128xf32>
    %reduce_sum3A = arith.constant dense<0.000000e+00> : vector<4096xf32>
    %reduce_sum3A_8 = vector.multi_reduction <add>, %get3A_1, %reduce_sum3A [1] : vector<4096x128xf32> to vector<4096xf32>
    %broadcast_in_dim3A = vector.shape_cast %reduce_sum3A_8 : vector<4096xf32> to vector<4096x1xf32>
    %div3A = arith.constant 1.280000e+02 : f32
    %div3A_9 = vector.broadcast %div3A : f32 to vector<4096x1xf32>
    %div3A_10 = arith.divf %broadcast_in_dim3A, %div3A_9 : vector<4096x1xf32>
    %sub3A = vector.broadcast %div3A_10 : vector<4096x1xf32> to vector<4096x128xf32>
    %sub3A_11 = arith.subf %get3A_1, %sub3A : vector<4096x128xf32>
    %integer_pow3A = arith.mulf %sub3A_11, %sub3A_11 : vector<4096x128xf32>
    %reduce_sum3A_12 = arith.constant dense<0.000000e+00> : vector<4096xf32>
    %reduce_sum3A_13 = vector.multi_reduction <add>, %integer_pow3A, %reduce_sum3A_12 [1] : vector<4096x128xf32> to vector<4096xf32>
    %broadcast_in_dim3A_14 = vector.shape_cast %reduce_sum3A_13 : vector<4096xf32> to vector<4096x1xf32>
    %div3A_15 = arith.constant 1.280000e+02 : f32
    %div3A_16 = vector.broadcast %div3A_15 : f32 to vector<4096x1xf32>
    %div3A_17 = arith.divf %broadcast_in_dim3A_14, %div3A_16 : vector<4096x1xf32>
    %sub3A_18 = vector.broadcast %div3A_10 : vector<4096x1xf32> to vector<4096x128xf32>
    %sub3A_19 = arith.subf %get3A_1, %sub3A_18 : vector<4096x128xf32>
    %add3A = arith.constant 9.99999974E-6 : f32
    %add3A_20 = vector.broadcast %add3A : f32 to vector<4096x1xf32>
    %add3A_21 = arith.addf %div3A_17, %add3A_20 : vector<4096x1xf32>
    %sqrt3A = math.sqrt %add3A_21 : vector<4096x1xf32>
    %div3A_22 = vector.broadcast %sqrt3A : vector<4096x1xf32> to vector<4096x128xf32>
    %div3A_23 = arith.divf %sub3A_19, %div3A_22 : vector<4096x128xf32>
    %mul3A = vector.broadcast %get3A_4 : vector<1x128xf32> to vector<4096x128xf32>
    %mul3A_24 = arith.mulf %div3A_23, %mul3A : vector<4096x128xf32>
    %add3A_25 = vector.broadcast %get3A_7 : vector<1x128xf32> to vector<4096x128xf32>
    %add3A_26 = arith.addf %mul3A_24, %add3A_25 : vector<4096x128xf32>
    %convert_element_type3A = arith.truncf %add3A_26 : vector<4096x128xf32> to vector<4096x128xbf16>
    %get3A_27 = arith.constant 0 : index
    %get3A_28 = arith.constant 0 : index
    %get3A_29 = vector.load %arg6[%get3A_27, %get3A_28] : memref<128x128xf32, #tpu.memory_space<vmem>>, vector<128x128xf32>
    %convert_element_type3A_30 = arith.truncf %get3A_29 : vector<128x128xf32> to vector<128x128xbf16>
    %dot_general3A = arith.constant dense<0.000000e+00> : vector<4096x128xf32>
    %dot_general3A_31 = tpu.matmul %convert_element_type3A, %convert_element_type3A_30, %dot_general3A {dimension_numbers = #tpu.dot_dimension_numbers<[1], [0], [0], [1], [0, 0, 1, 1], [], []>, transpose_lhs_hint = false} : vector<4096x128xbf16>, vector<128x128xbf16>, vector<4096x128xf32> -> vector<4096x128xf32>
    %get3A_32 = arith.constant 0 : index
    %get3A_33 = arith.constant 0 : index
    %get3A_34 = vector.load %arg7[%get3A_32, %get3A_33] : memref<1x128xf32, #tpu.memory_space<vmem>>, vector<1x128xf32>
    %add3A_35 = vector.broadcast %get3A_34 : vector<1x128xf32> to vector<4096x128xf32>
    %add3A_36 = arith.addf %dot_general3A_31, %add3A_35 : vector<4096x128xf32>
    %logistic3A = arith.negf %add3A_36 : vector<4096x128xf32>
    %logistic3A_37 = math.exp %logistic3A : vector<4096x128xf32>
    %logistic3A_38 = arith.constant 1.000000e+00 : f32
    %logistic3A_39 = vector.broadcast %logistic3A_38 : f32 to vector<4096x128xf32>
    %logistic3A_40 = arith.addf %logistic3A_39, %logistic3A_37 : vector<4096x128xf32>
    %logistic3A_41 = arith.divf %logistic3A_39, %logistic3A_40 : vector<4096x128xf32>
    %get3A_42 = arith.constant 0 : index
    %get3A_43 = arith.constant 0 : index
    %get3A_44 = vector.load %arg4[%get3A_42, %get3A_43] : memref<128x128xf32, #tpu.memory_space<vmem>>, vector<128x128xf32>
    %convert_element_type3A_45 = arith.truncf %get3A_44 : vector<128x128xf32> to vector<128x128xbf16>
    %dot_general3A_46 = arith.constant dense<0.000000e+00> : vector<4096x128xf32>
    %dot_general3A_47 = tpu.matmul %convert_element_type3A, %convert_element_type3A_45, %dot_general3A_46 {dimension_numbers = #tpu.dot_dimension_numbers<[1], [0], [0], [1], [0, 0, 1, 1], [], []>, transpose_lhs_hint = false} : vector<4096x128xbf16>, vector<128x128xbf16>, vector<4096x128xf32> -> vector<4096x128xf32>
    %get3A_48 = arith.constant 0 : index
    %get3A_49 = arith.constant 0 : index
    %get3A_50 = vector.load %arg5[%get3A_48, %get3A_49] : memref<1x128xf32, #tpu.memory_space<vmem>>, vector<1x128xf32>
    %add3A_51 = vector.broadcast %get3A_50 : vector<1x128xf32> to vector<4096x128xf32>
    %add3A_52 = arith.addf %dot_general3A_47, %add3A_51 : vector<4096x128xf32>
    %mul3A_53 = arith.mulf %logistic3A_41, %add3A_52 : vector<4096x128xf32>
    %get3A_54 = arith.constant 0 : index
    %get3A_55 = arith.constant 0 : index
    %get3A_56 = vector.load %arg10[%get3A_54, %get3A_55] : memref<128x128xf32, #tpu.memory_space<vmem>>, vector<128x128xf32>
    %convert_element_type3A_57 = arith.truncf %get3A_56 : vector<128x128xf32> to vector<128x128xbf16>
    %dot_general3A_58 = arith.constant dense<0.000000e+00> : vector<4096x128xf32>
    %dot_general3A_59 = tpu.matmul %convert_element_type3A, %convert_element_type3A_57, %dot_general3A_58 {dimension_numbers = #tpu.dot_dimension_numbers<[1], [0], [0], [1], [0, 0, 1, 1], [], []>, transpose_lhs_hint = false} : vector<4096x128xbf16>, vector<128x128xbf16>, vector<4096x128xf32> -> vector<4096x128xf32>
    %get3A_60 = arith.constant 0 : index
    %get3A_61 = arith.constant 0 : index
    %get3A_62 = vector.load %arg11[%get3A_60, %get3A_61] : memref<1x128xf32, #tpu.memory_space<vmem>>, vector<1x128xf32>
    %add3A_63 = vector.broadcast %get3A_62 : vector<1x128xf32> to vector<4096x128xf32>
    %add3A_64 = arith.addf %dot_general3A_59, %add3A_63 : vector<4096x128xf32>
    %logistic3A_65 = arith.negf %add3A_64 : vector<4096x128xf32>
    %logistic3A_66 = math.exp %logistic3A_65 : vector<4096x128xf32>
    %logistic3A_67 = arith.constant 1.000000e+00 : f32
    %logistic3A_68 = vector.broadcast %logistic3A_67 : f32 to vector<4096x128xf32>
    %logistic3A_69 = arith.addf %logistic3A_68, %logistic3A_66 : vector<4096x128xf32>
    %logistic3A_70 = arith.divf %logistic3A_68, %logistic3A_69 : vector<4096x128xf32>
    %get3A_71 = arith.constant 0 : index
    %get3A_72 = arith.constant 0 : index
    %get3A_73 = vector.load %arg8[%get3A_71, %get3A_72] : memref<128x128xf32, #tpu.memory_space<vmem>>, vector<128x128xf32>
    %convert_element_type3A_74 = arith.truncf %get3A_73 : vector<128x128xf32> to vector<128x128xbf16>
    %dot_general3A_75 = arith.constant dense<0.000000e+00> : vector<4096x128xf32>
    %dot_general3A_76 = tpu.matmul %convert_element_type3A, %convert_element_type3A_74, %dot_general3A_75 {dimension_numbers = #tpu.dot_dimension_numbers<[1], [0], [0], [1], [0, 0, 1, 1], [], []>, transpose_lhs_hint = false} : vector<4096x128xbf16>, vector<128x128xbf16>, vector<4096x128xf32> -> vector<4096x128xf32>
    %get3A_77 = arith.constant 0 : index
    %get3A_78 = arith.constant 0 : index
    %get3A_79 = vector.load %arg9[%get3A_77, %get3A_78] : memref<1x128xf32, #tpu.memory_space<vmem>>, vector<1x128xf32>
    %add3A_80 = vector.broadcast %get3A_79 : vector<1x128xf32> to vector<4096x128xf32>
    %add3A_81 = arith.addf %dot_general3A_76, %add3A_80 : vector<4096x128xf32>
    %mul3A_82 = arith.mulf %logistic3A_70, %add3A_81 : vector<4096x128xf32>
    %convert_element_type3A_83 = arith.truncf %mul3A_53 : vector<4096x128xf32> to vector<4096x128xbf16>
    %transpose3A = tpu.transpose %convert_element_type3A_83, [1, 0] : vector<4096x128xbf16> -> vector<128x4096xbf16>
    %swap3A = arith.constant 0 : index
    %swap3A_84 = arith.constant 0 : index
    %swap3A_85 = vector.load %arg12[%swap3A, %swap3A_84] : memref<128x4096xbf16, #tpu.memory_space<vmem>>, vector<128x4096xbf16>
    tpu.vector_store %arg12[%swap3A, %swap3A_84], %transpose3A {strides = array<i32>} : memref<128x4096xbf16, #tpu.memory_space<vmem>>, vector<128x4096xbf16>,
    %convert_element_type3A_86 = arith.truncf %mul3A_82 : vector<4096x128xf32> to vector<4096x128xbf16>
    %transpose3A_87 = tpu.transpose %convert_element_type3A_86, [1, 0] : vector<4096x128xbf16> -> vector<128x4096xbf16>
    %swap3A_88 = arith.constant 0 : index
    %swap3A_89 = arith.constant 0 : index
    %swap3A_90 = vector.load %arg13[%swap3A_88, %swap3A_89] : memref<128x4096xbf16, #tpu.memory_space<vmem>>, vector<128x4096xbf16>
    tpu.vector_store %arg13[%swap3A_88, %swap3A_89], %transpose3A_87 {strides = array<i32>} : memref<128x4096xbf16, #tpu.memory_space<vmem>>, vector<128x4096xbf16>,
    return
  }
  func.func @transform_0(%arg0: i32) -> (i32, i32) {
    %c0_i32 = arith.constant 0 : i32
    %c0_i32_0 = arith.constant 0 : i32
    return %arg0, %c0_i32 : i32, i32
  }
  func.func @transform_1(%arg0: i32) -> (i32, i32) {
    %c0_i32 = arith.constant 0 : i32
    %c0_i32_0 = arith.constant 0 : i32
    %c0_i32_1 = arith.constant 0 : i32
    return %c0_i32, %c0_i32_0 : i32, i32
  }
  func.func @transform_2(%arg0: i32) -> (i32, i32) {
    %c0_i32 = arith.constant 0 : i32
    %c0_i32_0 = arith.constant 0 : i32
    %c0_i32_1 = arith.constant 0 : i32
    return %c0_i32, %c0_i32_0 : i32, i32
  }
  func.func @transform_3(%arg0: i32) -> (i32, i32) {
    %c0_i32 = arith.constant 0 : i32
    %c0_i32_0 = arith.constant 0 : i32
    %c0_i32_1 = arith.constant 0 : i32
    return %c0_i32, %c0_i32_0 : i32, i32
  }
  func.func @transform_4(%arg0: i32) -> (i32, i32) {
    %c0_i32 = arith.constant 0 : i32
    %c0_i32_0 = arith.constant 0 : i32
    %c0_i32_1 = arith.constant 0 : i32
    return %c0_i32, %c0_i32_0 : i32, i32
  }
  func.func @transform_5(%arg0: i32) -> (i32, i32) {
    %c0_i32 = arith.constant 0 : i32
    %c0_i32_0 = arith.constant 0 : i32
    %c0_i32_1 = arith.constant 0 : i32
    return %c0_i32, %c0_i32_0 : i32, i32
  }
  func.func @transform_6(%arg0: i32) -> (i32, i32) {
    %c0_i32 = arith.constant 0 : i32
    %c0_i32_0 = arith.constant 0 : i32
    %c0_i32_1 = arith.constant 0 : i32
    return %c0_i32, %c0_i32_0 : i32, i32
  }
  func.func @transform_7(%arg0: i32) -> (i32, i32) {
    %c0_i32 = arith.constant 0 : i32
    %c0_i32_0 = arith.constant 0 : i32
    %c0_i32_1 = arith.constant 0 : i32
    return %c0_i32, %c0_i32_0 : i32, i32
  }
  func.func @transform_8(%arg0: i32) -> (i32, i32) {
    %c0_i32 = arith.constant 0 : i32
    %c0_i32_0 = arith.constant 0 : i32
    %c0_i32_1 = arith.constant 0 : i32
    return %c0_i32, %c0_i32_0 : i32, i32
  }
  func.func @transform_9(%arg0: i32) -> (i32, i32) {
    %c0_i32 = arith.constant 0 : i32
    %c0_i32_0 = arith.constant 0 : i32
    %c0_i32_1 = arith.constant 0 : i32
    return %c0_i32, %c0_i32_0 : i32, i32
  }
  func.func @transform_10(%arg0: i32) -> (i32, i32) {
    %c0_i32 = arith.constant 0 : i32
    %c0_i32_0 = arith.constant 0 : i32
    %c0_i32_1 = arith.constant 0 : i32
    return %c0_i32, %c0_i32_0 : i32, i32
  }
  func.func @transform_11(%arg0: i32) -> (i32, i32) {
    %c0_i32 = arith.constant 0 : i32
    %c0_i32_0 = arith.constant 0 : i32
    return %c0_i32, %arg0 : i32, i32
  }
  func.func @transform_12(%arg0: i32) -> (i32, i32) {
    %c0_i32 = arith.constant 0 : i32
    %c0_i32_0 = arith.constant 0 : i32
    return %c0_i32, %arg0 : i32, i32
  }
}

module attributes {stable_mosaic.version = 14 : i64} {
  func.func @_trimul_einsum_body(%arg0: i32, %arg1: memref<8x256x256xbf16, #tpu.memory_space<vmem>>, %arg2: memref<8x256x256xbf16, #tpu.memory_space<vmem>>, %arg3: memref<8x256x256xf32, #tpu.memory_space<vmem>>) attributes {dimension_semantics = [#tpu.dimension_semantics<arbitrary>], iteration_bounds = array<i64: 16>, scalar_prefetch = 0 : i64, scratch_operands = 0 : i64, tpu.core_type = #tpu.core_type<tc>, window_params = [{transform_indices = @transform_0, window_bounds = array<i64: 8, 256, 256>}, {transform_indices = @transform_1, window_bounds = array<i64: 8, 256, 256>}, {transform_indices = @transform_2, window_bounds = array<i64: 8, 256, 256>}]} {
    %get3A = arith.constant 0 : index
    %get3A_0 = arith.constant 0 : index
    %get3A_1 = arith.constant 0 : index
    %get3A_2 = vector.load %arg1[%get3A, %get3A_0, %get3A_1] : memref<8x256x256xbf16, #tpu.memory_space<vmem>>, vector<1x256x256xbf16>
    %get3A_3 = vector.shape_cast %get3A_2 : vector<1x256x256xbf16> to vector<256x256xbf16>
    %get3A_4 = arith.constant 0 : index
    %get3A_5 = arith.constant 0 : index
    %get3A_6 = arith.constant 0 : index
    %get3A_7 = vector.load %arg2[%get3A_4, %get3A_5, %get3A_6] : memref<8x256x256xbf16, #tpu.memory_space<vmem>>, vector<1x256x256xbf16>
    %get3A_8 = vector.shape_cast %get3A_7 : vector<1x256x256xbf16> to vector<256x256xbf16>
    %dot_general3A = arith.constant dense<0.000000e+00> : vector<256x256xf32>
    %dot_general3A_9 = tpu.matmul %get3A_3, %get3A_8, %dot_general3A {dimension_numbers = #tpu.dot_dimension_numbers<[1], [1], [0], [0], [0, 0, 1, 0], [], []>, transpose_lhs_hint = false} : vector<256x256xbf16>, vector<256x256xbf16>, vector<256x256xf32> -> vector<256x256xf32>
    %swap3A = arith.constant 0 : index
    %swap3A_10 = arith.constant 0 : index
    %swap3A_11 = arith.constant 0 : index
    %swap3A_12 = vector.load %arg3[%swap3A, %swap3A_10, %swap3A_11] : memref<8x256x256xf32, #tpu.memory_space<vmem>>, vector<1x256x256xf32>
    %swap3A_13 = vector.shape_cast %swap3A_12 : vector<1x256x256xf32> to vector<256x256xf32>
    %swap3A_14 = vector.shape_cast %dot_general3A_9 : vector<256x256xf32> to vector<1x256x256xf32>
    tpu.vector_store %arg3[%swap3A, %swap3A_10, %swap3A_11], %swap3A_14 {strides = array<i32>} : memref<8x256x256xf32, #tpu.memory_space<vmem>>, vector<1x256x256xf32>,
    %get3A_15 = arith.constant 1 : index
    %get3A_16 = arith.constant 0 : index
    %get3A_17 = arith.constant 0 : index
    %get3A_18 = vector.load %arg1[%get3A_15, %get3A_16, %get3A_17] : memref<8x256x256xbf16, #tpu.memory_space<vmem>>, vector<1x256x256xbf16>
    %get3A_19 = vector.shape_cast %get3A_18 : vector<1x256x256xbf16> to vector<256x256xbf16>
    %get3A_20 = arith.constant 1 : index
    %get3A_21 = arith.constant 0 : index
    %get3A_22 = arith.constant 0 : index
    %get3A_23 = vector.load %arg2[%get3A_20, %get3A_21, %get3A_22] : memref<8x256x256xbf16, #tpu.memory_space<vmem>>, vector<1x256x256xbf16>
    %get3A_24 = vector.shape_cast %get3A_23 : vector<1x256x256xbf16> to vector<256x256xbf16>
    %dot_general3A_25 = arith.constant dense<0.000000e+00> : vector<256x256xf32>
    %dot_general3A_26 = tpu.matmul %get3A_19, %get3A_24, %dot_general3A_25 {dimension_numbers = #tpu.dot_dimension_numbers<[1], [1], [0], [0], [0, 0, 1, 0], [], []>, transpose_lhs_hint = false} : vector<256x256xbf16>, vector<256x256xbf16>, vector<256x256xf32> -> vector<256x256xf32>
    %swap3A_27 = arith.constant 1 : index
    %swap3A_28 = arith.constant 0 : index
    %swap3A_29 = arith.constant 0 : index
    %swap3A_30 = vector.load %arg3[%swap3A_27, %swap3A_28, %swap3A_29] : memref<8x256x256xf32, #tpu.memory_space<vmem>>, vector<1x256x256xf32>
    %swap3A_31 = vector.shape_cast %swap3A_30 : vector<1x256x256xf32> to vector<256x256xf32>
    %swap3A_32 = vector.shape_cast %dot_general3A_26 : vector<256x256xf32> to vector<1x256x256xf32>
    tpu.vector_store %arg3[%swap3A_27, %swap3A_28, %swap3A_29], %swap3A_32 {strides = array<i32>} : memref<8x256x256xf32, #tpu.memory_space<vmem>>, vector<1x256x256xf32>,
    %get3A_33 = arith.constant 2 : index
    %get3A_34 = arith.constant 0 : index
    %get3A_35 = arith.constant 0 : index
    %get3A_36 = vector.load %arg1[%get3A_33, %get3A_34, %get3A_35] : memref<8x256x256xbf16, #tpu.memory_space<vmem>>, vector<1x256x256xbf16>
    %get3A_37 = vector.shape_cast %get3A_36 : vector<1x256x256xbf16> to vector<256x256xbf16>
    %get3A_38 = arith.constant 2 : index
    %get3A_39 = arith.constant 0 : index
    %get3A_40 = arith.constant 0 : index
    %get3A_41 = vector.load %arg2[%get3A_38, %get3A_39, %get3A_40] : memref<8x256x256xbf16, #tpu.memory_space<vmem>>, vector<1x256x256xbf16>
    %get3A_42 = vector.shape_cast %get3A_41 : vector<1x256x256xbf16> to vector<256x256xbf16>
    %dot_general3A_43 = arith.constant dense<0.000000e+00> : vector<256x256xf32>
    %dot_general3A_44 = tpu.matmul %get3A_37, %get3A_42, %dot_general3A_43 {dimension_numbers = #tpu.dot_dimension_numbers<[1], [1], [0], [0], [0, 0, 1, 0], [], []>, transpose_lhs_hint = false} : vector<256x256xbf16>, vector<256x256xbf16>, vector<256x256xf32> -> vector<256x256xf32>
    %swap3A_45 = arith.constant 2 : index
    %swap3A_46 = arith.constant 0 : index
    %swap3A_47 = arith.constant 0 : index
    %swap3A_48 = vector.load %arg3[%swap3A_45, %swap3A_46, %swap3A_47] : memref<8x256x256xf32, #tpu.memory_space<vmem>>, vector<1x256x256xf32>
    %swap3A_49 = vector.shape_cast %swap3A_48 : vector<1x256x256xf32> to vector<256x256xf32>
    %swap3A_50 = vector.shape_cast %dot_general3A_44 : vector<256x256xf32> to vector<1x256x256xf32>
    tpu.vector_store %arg3[%swap3A_45, %swap3A_46, %swap3A_47], %swap3A_50 {strides = array<i32>} : memref<8x256x256xf32, #tpu.memory_space<vmem>>, vector<1x256x256xf32>,
    %get3A_51 = arith.constant 3 : index
    %get3A_52 = arith.constant 0 : index
    %get3A_53 = arith.constant 0 : index
    %get3A_54 = vector.load %arg1[%get3A_51, %get3A_52, %get3A_53] : memref<8x256x256xbf16, #tpu.memory_space<vmem>>, vector<1x256x256xbf16>
    %get3A_55 = vector.shape_cast %get3A_54 : vector<1x256x256xbf16> to vector<256x256xbf16>
    %get3A_56 = arith.constant 3 : index
    %get3A_57 = arith.constant 0 : index
    %get3A_58 = arith.constant 0 : index
    %get3A_59 = vector.load %arg2[%get3A_56, %get3A_57, %get3A_58] : memref<8x256x256xbf16, #tpu.memory_space<vmem>>, vector<1x256x256xbf16>
    %get3A_60 = vector.shape_cast %get3A_59 : vector<1x256x256xbf16> to vector<256x256xbf16>
    %dot_general3A_61 = arith.constant dense<0.000000e+00> : vector<256x256xf32>
    %dot_general3A_62 = tpu.matmul %get3A_55, %get3A_60, %dot_general3A_61 {dimension_numbers = #tpu.dot_dimension_numbers<[1], [1], [0], [0], [0, 0, 1, 0], [], []>, transpose_lhs_hint = false} : vector<256x256xbf16>, vector<256x256xbf16>, vector<256x256xf32> -> vector<256x256xf32>
    %swap3A_63 = arith.constant 3 : index
    %swap3A_64 = arith.constant 0 : index
    %swap3A_65 = arith.constant 0 : index
    %swap3A_66 = vector.load %arg3[%swap3A_63, %swap3A_64, %swap3A_65] : memref<8x256x256xf32, #tpu.memory_space<vmem>>, vector<1x256x256xf32>
    %swap3A_67 = vector.shape_cast %swap3A_66 : vector<1x256x256xf32> to vector<256x256xf32>
    %swap3A_68 = vector.shape_cast %dot_general3A_62 : vector<256x256xf32> to vector<1x256x256xf32>
    tpu.vector_store %arg3[%swap3A_63, %swap3A_64, %swap3A_65], %swap3A_68 {strides = array<i32>} : memref<8x256x256xf32, #tpu.memory_space<vmem>>, vector<1x256x256xf32>,
    %get3A_69 = arith.constant 4 : index
    %get3A_70 = arith.constant 0 : index
    %get3A_71 = arith.constant 0 : index
    %get3A_72 = vector.load %arg1[%get3A_69, %get3A_70, %get3A_71] : memref<8x256x256xbf16, #tpu.memory_space<vmem>>, vector<1x256x256xbf16>
    %get3A_73 = vector.shape_cast %get3A_72 : vector<1x256x256xbf16> to vector<256x256xbf16>
    %get3A_74 = arith.constant 4 : index
    %get3A_75 = arith.constant 0 : index
    %get3A_76 = arith.constant 0 : index
    %get3A_77 = vector.load %arg2[%get3A_74, %get3A_75, %get3A_76] : memref<8x256x256xbf16, #tpu.memory_space<vmem>>, vector<1x256x256xbf16>
    %get3A_78 = vector.shape_cast %get3A_77 : vector<1x256x256xbf16> to vector<256x256xbf16>
    %dot_general3A_79 = arith.constant dense<0.000000e+00> : vector<256x256xf32>
    %dot_general3A_80 = tpu.matmul %get3A_73, %get3A_78, %dot_general3A_79 {dimension_numbers = #tpu.dot_dimension_numbers<[1], [1], [0], [0], [0, 0, 1, 0], [], []>, transpose_lhs_hint = false} : vector<256x256xbf16>, vector<256x256xbf16>, vector<256x256xf32> -> vector<256x256xf32>
    %swap3A_81 = arith.constant 4 : index
    %swap3A_82 = arith.constant 0 : index
    %swap3A_83 = arith.constant 0 : index
    %swap3A_84 = vector.load %arg3[%swap3A_81, %swap3A_82, %swap3A_83] : memref<8x256x256xf32, #tpu.memory_space<vmem>>, vector<1x256x256xf32>
    %swap3A_85 = vector.shape_cast %swap3A_84 : vector<1x256x256xf32> to vector<256x256xf32>
    %swap3A_86 = vector.shape_cast %dot_general3A_80 : vector<256x256xf32> to vector<1x256x256xf32>
    tpu.vector_store %arg3[%swap3A_81, %swap3A_82, %swap3A_83], %swap3A_86 {strides = array<i32>} : memref<8x256x256xf32, #tpu.memory_space<vmem>>, vector<1x256x256xf32>,
    %get3A_87 = arith.constant 5 : index
    %get3A_88 = arith.constant 0 : index
    %get3A_89 = arith.constant 0 : index
    %get3A_90 = vector.load %arg1[%get3A_87, %get3A_88, %get3A_89] : memref<8x256x256xbf16, #tpu.memory_space<vmem>>, vector<1x256x256xbf16>
    %get3A_91 = vector.shape_cast %get3A_90 : vector<1x256x256xbf16> to vector<256x256xbf16>
    %get3A_92 = arith.constant 5 : index
    %get3A_93 = arith.constant 0 : index
    %get3A_94 = arith.constant 0 : index
    %get3A_95 = vector.load %arg2[%get3A_92, %get3A_93, %get3A_94] : memref<8x256x256xbf16, #tpu.memory_space<vmem>>, vector<1x256x256xbf16>
    %get3A_96 = vector.shape_cast %get3A_95 : vector<1x256x256xbf16> to vector<256x256xbf16>
    %dot_general3A_97 = arith.constant dense<0.000000e+00> : vector<256x256xf32>
    %dot_general3A_98 = tpu.matmul %get3A_91, %get3A_96, %dot_general3A_97 {dimension_numbers = #tpu.dot_dimension_numbers<[1], [1], [0], [0], [0, 0, 1, 0], [], []>, transpose_lhs_hint = false} : vector<256x256xbf16>, vector<256x256xbf16>, vector<256x256xf32> -> vector<256x256xf32>
    %swap3A_99 = arith.constant 5 : index
    %swap3A_100 = arith.constant 0 : index
    %swap3A_101 = arith.constant 0 : index
    %swap3A_102 = vector.load %arg3[%swap3A_99, %swap3A_100, %swap3A_101] : memref<8x256x256xf32, #tpu.memory_space<vmem>>, vector<1x256x256xf32>
    %swap3A_103 = vector.shape_cast %swap3A_102 : vector<1x256x256xf32> to vector<256x256xf32>
    %swap3A_104 = vector.shape_cast %dot_general3A_98 : vector<256x256xf32> to vector<1x256x256xf32>
    tpu.vector_store %arg3[%swap3A_99, %swap3A_100, %swap3A_101], %swap3A_104 {strides = array<i32>} : memref<8x256x256xf32, #tpu.memory_space<vmem>>, vector<1x256x256xf32>,
    %get3A_105 = arith.constant 6 : index
    %get3A_106 = arith.constant 0 : index
    %get3A_107 = arith.constant 0 : index
    %get3A_108 = vector.load %arg1[%get3A_105, %get3A_106, %get3A_107] : memref<8x256x256xbf16, #tpu.memory_space<vmem>>, vector<1x256x256xbf16>
    %get3A_109 = vector.shape_cast %get3A_108 : vector<1x256x256xbf16> to vector<256x256xbf16>
    %get3A_110 = arith.constant 6 : index
    %get3A_111 = arith.constant 0 : index
    %get3A_112 = arith.constant 0 : index
    %get3A_113 = vector.load %arg2[%get3A_110, %get3A_111, %get3A_112] : memref<8x256x256xbf16, #tpu.memory_space<vmem>>, vector<1x256x256xbf16>
    %get3A_114 = vector.shape_cast %get3A_113 : vector<1x256x256xbf16> to vector<256x256xbf16>
    %dot_general3A_115 = arith.constant dense<0.000000e+00> : vector<256x256xf32>
    %dot_general3A_116 = tpu.matmul %get3A_109, %get3A_114, %dot_general3A_115 {dimension_numbers = #tpu.dot_dimension_numbers<[1], [1], [0], [0], [0, 0, 1, 0], [], []>, transpose_lhs_hint = false} : vector<256x256xbf16>, vector<256x256xbf16>, vector<256x256xf32> -> vector<256x256xf32>
    %swap3A_117 = arith.constant 6 : index
    %swap3A_118 = arith.constant 0 : index
    %swap3A_119 = arith.constant 0 : index
    %swap3A_120 = vector.load %arg3[%swap3A_117, %swap3A_118, %swap3A_119] : memref<8x256x256xf32, #tpu.memory_space<vmem>>, vector<1x256x256xf32>
    %swap3A_121 = vector.shape_cast %swap3A_120 : vector<1x256x256xf32> to vector<256x256xf32>
    %swap3A_122 = vector.shape_cast %dot_general3A_116 : vector<256x256xf32> to vector<1x256x256xf32>
    tpu.vector_store %arg3[%swap3A_117, %swap3A_118, %swap3A_119], %swap3A_122 {strides = array<i32>} : memref<8x256x256xf32, #tpu.memory_space<vmem>>, vector<1x256x256xf32>,
    %get3A_123 = arith.constant 7 : index
    %get3A_124 = arith.constant 0 : index
    %get3A_125 = arith.constant 0 : index
    %get3A_126 = vector.load %arg1[%get3A_123, %get3A_124, %get3A_125] : memref<8x256x256xbf16, #tpu.memory_space<vmem>>, vector<1x256x256xbf16>
    %get3A_127 = vector.shape_cast %get3A_126 : vector<1x256x256xbf16> to vector<256x256xbf16>
    %get3A_128 = arith.constant 7 : index
    %get3A_129 = arith.constant 0 : index
    %get3A_130 = arith.constant 0 : index
    %get3A_131 = vector.load %arg2[%get3A_128, %get3A_129, %get3A_130] : memref<8x256x256xbf16, #tpu.memory_space<vmem>>, vector<1x256x256xbf16>
    %get3A_132 = vector.shape_cast %get3A_131 : vector<1x256x256xbf16> to vector<256x256xbf16>
    %dot_general3A_133 = arith.constant dense<0.000000e+00> : vector<256x256xf32>
    %dot_general3A_134 = tpu.matmul %get3A_127, %get3A_132, %dot_general3A_133 {dimension_numbers = #tpu.dot_dimension_numbers<[1], [1], [0], [0], [0, 0, 1, 0], [], []>, transpose_lhs_hint = false} : vector<256x256xbf16>, vector<256x256xbf16>, vector<256x256xf32> -> vector<256x256xf32>
    %swap3A_135 = arith.constant 7 : index
    %swap3A_136 = arith.constant 0 : index
    %swap3A_137 = arith.constant 0 : index
    %swap3A_138 = vector.load %arg3[%swap3A_135, %swap3A_136, %swap3A_137] : memref<8x256x256xf32, #tpu.memory_space<vmem>>, vector<1x256x256xf32>
    %swap3A_139 = vector.shape_cast %swap3A_138 : vector<1x256x256xf32> to vector<256x256xf32>
    %swap3A_140 = vector.shape_cast %dot_general3A_134 : vector<256x256xf32> to vector<1x256x256xf32>
    tpu.vector_store %arg3[%swap3A_135, %swap3A_136, %swap3A_137], %swap3A_140 {strides = array<i32>} : memref<8x256x256xf32, #tpu.memory_space<vmem>>, vector<1x256x256xf32>,
    return
  }
  func.func @transform_0(%arg0: i32) -> (i32, i32, i32) {
    %c0_i32 = arith.constant 0 : i32
    %c0_i32_0 = arith.constant 0 : i32
    %c0_i32_1 = arith.constant 0 : i32
    return %arg0, %c0_i32, %c0_i32_0 : i32, i32, i32
  }
  func.func @transform_1(%arg0: i32) -> (i32, i32, i32) {
    %c0_i32 = arith.constant 0 : i32
    %c0_i32_0 = arith.constant 0 : i32
    %c0_i32_1 = arith.constant 0 : i32
    return %arg0, %c0_i32, %c0_i32_0 : i32, i32, i32
  }
  func.func @transform_2(%arg0: i32) -> (i32, i32, i32) {
    %c0_i32 = arith.constant 0 : i32
    %c0_i32_0 = arith.constant 0 : i32
    %c0_i32_1 = arith.constant 0 : i32
    return %arg0, %c0_i32, %c0_i32_0 : i32, i32, i32
  }
}

module attributes {stable_mosaic.version = 14 : i64} {
  func.func @_trimul_out_body(%arg0: i32, %arg1: memref<4096x128xf32, #tpu.memory_space<vmem>>, %arg2: memref<128x4096xf32, #tpu.memory_space<vmem>>, %arg3: memref<1x128xf32, #tpu.memory_space<vmem>>, %arg4: memref<1x128xf32, #tpu.memory_space<vmem>>, %arg5: memref<1x128xf32, #tpu.memory_space<vmem>>, %arg6: memref<1x128xf32, #tpu.memory_space<vmem>>, %arg7: memref<128x128xf32, #tpu.memory_space<vmem>>, %arg8: memref<1x128xf32, #tpu.memory_space<vmem>>, %arg9: memref<128x128xf32, #tpu.memory_space<vmem>>, %arg10: memref<1x128xf32, #tpu.memory_space<vmem>>, %arg11: memref<4096x128xf32, #tpu.memory_space<vmem>>) attributes {dimension_semantics = [#tpu.dimension_semantics<arbitrary>], iteration_bounds = array<i64: 16>, scalar_prefetch = 0 : i64, scratch_operands = 0 : i64, tpu.core_type = #tpu.core_type<tc>, window_params = [{transform_indices = @transform_0, window_bounds = array<i64: 4096, 128>}, {transform_indices = @transform_1, window_bounds = array<i64: 128, 4096>}, {pipeline_mode = #tpu.pipeline_mode<synchronous>, transform_indices = @transform_2, window_bounds = array<i64: 1, 128>}, {pipeline_mode = #tpu.pipeline_mode<synchronous>, transform_indices = @transform_3, window_bounds = array<i64: 1, 128>}, {pipeline_mode = #tpu.pipeline_mode<synchronous>, transform_indices = @transform_4, window_bounds = array<i64: 1, 128>}, {pipeline_mode = #tpu.pipeline_mode<synchronous>, transform_indices = @transform_5, window_bounds = array<i64: 1, 128>}, {pipeline_mode = #tpu.pipeline_mode<synchronous>, transform_indices = @transform_6, window_bounds = array<i64: 128, 128>}, {pipeline_mode = #tpu.pipeline_mode<synchronous>, transform_indices = @transform_7, window_bounds = array<i64: 1, 128>}, {pipeline_mode = #tpu.pipeline_mode<synchronous>, transform_indices = @transform_8, window_bounds = array<i64: 128, 128>}, {pipeline_mode = #tpu.pipeline_mode<synchronous>, transform_indices = @transform_9, window_bounds = array<i64: 1, 128>}, {transform_indices = @transform_10, window_bounds = array<i64: 4096, 128>}]} {
    %get3A = arith.constant 0 : index
    %get3A_0 = arith.constant 0 : index
    %get3A_1 = vector.load %arg1[%get3A, %get3A_0] : memref<4096x128xf32, #tpu.memory_space<vmem>>, vector<4096x128xf32>
    %get3A_2 = arith.constant 0 : index
    %get3A_3 = arith.constant 0 : index
    %get3A_4 = vector.load %arg3[%get3A_2, %get3A_3] : memref<1x128xf32, #tpu.memory_space<vmem>>, vector<1x128xf32>
    %get3A_5 = arith.constant 0 : index
    %get3A_6 = arith.constant 0 : index
    %get3A_7 = vector.load %arg4[%get3A_5, %get3A_6] : memref<1x128xf32, #tpu.memory_space<vmem>>, vector<1x128xf32>
    %reduce_sum3A = arith.constant dense<0.000000e+00> : vector<4096xf32>
    %reduce_sum3A_8 = vector.multi_reduction <add>, %get3A_1, %reduce_sum3A [1] : vector<4096x128xf32> to vector<4096xf32>
    %broadcast_in_dim3A = vector.shape_cast %reduce_sum3A_8 : vector<4096xf32> to vector<4096x1xf32>
    %div3A = arith.constant 1.280000e+02 : f32
    %div3A_9 = vector.broadcast %div3A : f32 to vector<4096x1xf32>
    %div3A_10 = arith.divf %broadcast_in_dim3A, %div3A_9 : vector<4096x1xf32>
    %sub3A = vector.broadcast %div3A_10 : vector<4096x1xf32> to vector<4096x128xf32>
    %sub3A_11 = arith.subf %get3A_1, %sub3A : vector<4096x128xf32>
    %integer_pow3A = arith.mulf %sub3A_11, %sub3A_11 : vector<4096x128xf32>
    %reduce_sum3A_12 = arith.constant dense<0.000000e+00> : vector<4096xf32>
    %reduce_sum3A_13 = vector.multi_reduction <add>, %integer_pow3A, %reduce_sum3A_12 [1] : vector<4096x128xf32> to vector<4096xf32>
    %broadcast_in_dim3A_14 = vector.shape_cast %reduce_sum3A_13 : vector<4096xf32> to vector<4096x1xf32>
    %div3A_15 = arith.constant 1.280000e+02 : f32
    %div3A_16 = vector.broadcast %div3A_15 : f32 to vector<4096x1xf32>
    %div3A_17 = arith.divf %broadcast_in_dim3A_14, %div3A_16 : vector<4096x1xf32>
    %sub3A_18 = vector.broadcast %div3A_10 : vector<4096x1xf32> to vector<4096x128xf32>
    %sub3A_19 = arith.subf %get3A_1, %sub3A_18 : vector<4096x128xf32>
    %add3A = arith.constant 9.99999974E-6 : f32
    %add3A_20 = vector.broadcast %add3A : f32 to vector<4096x1xf32>
    %add3A_21 = arith.addf %div3A_17, %add3A_20 : vector<4096x1xf32>
    %sqrt3A = math.sqrt %add3A_21 : vector<4096x1xf32>
    %div3A_22 = vector.broadcast %sqrt3A : vector<4096x1xf32> to vector<4096x128xf32>
    %div3A_23 = arith.divf %sub3A_19, %div3A_22 : vector<4096x128xf32>
    %mul3A = vector.broadcast %get3A_4 : vector<1x128xf32> to vector<4096x128xf32>
    %mul3A_24 = arith.mulf %div3A_23, %mul3A : vector<4096x128xf32>
    %add3A_25 = vector.broadcast %get3A_7 : vector<1x128xf32> to vector<4096x128xf32>
    %add3A_26 = arith.addf %mul3A_24, %add3A_25 : vector<4096x128xf32>
    %convert_element_type3A = arith.truncf %add3A_26 : vector<4096x128xf32> to vector<4096x128xbf16>
    %get3A_27 = arith.constant 0 : index
    %get3A_28 = arith.constant 0 : index
    %get3A_29 = vector.load %arg2[%get3A_27, %get3A_28] : memref<128x4096xf32, #tpu.memory_space<vmem>>, vector<128x4096xf32>
    %transpose3A = tpu.transpose %get3A_29, [1, 0] : vector<128x4096xf32> -> vector<4096x128xf32>
    %get3A_30 = arith.constant 0 : index
    %get3A_31 = arith.constant 0 : index
    %get3A_32 = vector.load %arg5[%get3A_30, %get3A_31] : memref<1x128xf32, #tpu.memory_space<vmem>>, vector<1x128xf32>
    %get3A_33 = arith.constant 0 : index
    %get3A_34 = arith.constant 0 : index
    %get3A_35 = vector.load %arg6[%get3A_33, %get3A_34] : memref<1x128xf32, #tpu.memory_space<vmem>>, vector<1x128xf32>
    %reduce_sum3A_36 = arith.constant dense<0.000000e+00> : vector<4096xf32>
    %reduce_sum3A_37 = vector.multi_reduction <add>, %transpose3A, %reduce_sum3A_36 [1] : vector<4096x128xf32> to vector<4096xf32>
    %broadcast_in_dim3A_38 = vector.shape_cast %reduce_sum3A_37 : vector<4096xf32> to vector<4096x1xf32>
    %div3A_39 = arith.constant 1.280000e+02 : f32
    %div3A_40 = vector.broadcast %div3A_39 : f32 to vector<4096x1xf32>
    %div3A_41 = arith.divf %broadcast_in_dim3A_38, %div3A_40 : vector<4096x1xf32>
    %sub3A_42 = vector.broadcast %div3A_41 : vector<4096x1xf32> to vector<4096x128xf32>
    %sub3A_43 = arith.subf %transpose3A, %sub3A_42 : vector<4096x128xf32>
    %integer_pow3A_44 = arith.mulf %sub3A_43, %sub3A_43 : vector<4096x128xf32>
    %reduce_sum3A_45 = arith.constant dense<0.000000e+00> : vector<4096xf32>
    %reduce_sum3A_46 = vector.multi_reduction <add>, %integer_pow3A_44, %reduce_sum3A_45 [1] : vector<4096x128xf32> to vector<4096xf32>
    %broadcast_in_dim3A_47 = vector.shape_cast %reduce_sum3A_46 : vector<4096xf32> to vector<4096x1xf32>
    %div3A_48 = arith.constant 1.280000e+02 : f32
    %div3A_49 = vector.broadcast %div3A_48 : f32 to vector<4096x1xf32>
    %div3A_50 = arith.divf %broadcast_in_dim3A_47, %div3A_49 : vector<4096x1xf32>
    %sub3A_51 = vector.broadcast %div3A_41 : vector<4096x1xf32> to vector<4096x128xf32>
    %sub3A_52 = arith.subf %transpose3A, %sub3A_51 : vector<4096x128xf32>
    %add3A_53 = arith.constant 9.99999974E-6 : f32
    %add3A_54 = vector.broadcast %add3A_53 : f32 to vector<4096x1xf32>
    %add3A_55 = arith.addf %div3A_50, %add3A_54 : vector<4096x1xf32>
    %sqrt3A_56 = math.sqrt %add3A_55 : vector<4096x1xf32>
    %div3A_57 = vector.broadcast %sqrt3A_56 : vector<4096x1xf32> to vector<4096x128xf32>
    %div3A_58 = arith.divf %sub3A_52, %div3A_57 : vector<4096x128xf32>
    %mul3A_59 = vector.broadcast %get3A_32 : vector<1x128xf32> to vector<4096x128xf32>
    %mul3A_60 = arith.mulf %div3A_58, %mul3A_59 : vector<4096x128xf32>
    %add3A_61 = vector.broadcast %get3A_35 : vector<1x128xf32> to vector<4096x128xf32>
    %add3A_62 = arith.addf %mul3A_60, %add3A_61 : vector<4096x128xf32>
    %convert_element_type3A_63 = arith.truncf %add3A_62 : vector<4096x128xf32> to vector<4096x128xbf16>
    %get3A_64 = arith.constant 0 : index
    %get3A_65 = arith.constant 0 : index
    %get3A_66 = vector.load %arg7[%get3A_64, %get3A_65] : memref<128x128xf32, #tpu.memory_space<vmem>>, vector<128x128xf32>
    %convert_element_type3A_67 = arith.truncf %get3A_66 : vector<128x128xf32> to vector<128x128xbf16>
    %dot_general3A = arith.constant dense<0.000000e+00> : vector<4096x128xf32>
    %dot_general3A_68 = tpu.matmul %convert_element_type3A_63, %convert_element_type3A_67, %dot_general3A {dimension_numbers = #tpu.dot_dimension_numbers<[1], [0], [0], [1], [0, 0, 1, 1], [], []>, transpose_lhs_hint = false} : vector<4096x128xbf16>, vector<128x128xbf16>, vector<4096x128xf32> -> vector<4096x128xf32>
    %get3A_69 = arith.constant 0 : index
    %get3A_70 = arith.constant 0 : index
    %get3A_71 = vector.load %arg8[%get3A_69, %get3A_70] : memref<1x128xf32, #tpu.memory_space<vmem>>, vector<1x128xf32>
    %add3A_72 = vector.broadcast %get3A_71 : vector<1x128xf32> to vector<4096x128xf32>
    %add3A_73 = arith.addf %dot_general3A_68, %add3A_72 : vector<4096x128xf32>
    %get3A_74 = arith.constant 0 : index
    %get3A_75 = arith.constant 0 : index
    %get3A_76 = vector.load %arg9[%get3A_74, %get3A_75] : memref<128x128xf32, #tpu.memory_space<vmem>>, vector<128x128xf32>
    %convert_element_type3A_77 = arith.truncf %get3A_76 : vector<128x128xf32> to vector<128x128xbf16>
    %dot_general3A_78 = arith.constant dense<0.000000e+00> : vector<4096x128xf32>
    %dot_general3A_79 = tpu.matmul %convert_element_type3A, %convert_element_type3A_77, %dot_general3A_78 {dimension_numbers = #tpu.dot_dimension_numbers<[1], [0], [0], [1], [0, 0, 1, 1], [], []>, transpose_lhs_hint = false} : vector<4096x128xbf16>, vector<128x128xbf16>, vector<4096x128xf32> -> vector<4096x128xf32>
    %get3A_80 = arith.constant 0 : index
    %get3A_81 = arith.constant 0 : index
    %get3A_82 = vector.load %arg10[%get3A_80, %get3A_81] : memref<1x128xf32, #tpu.memory_space<vmem>>, vector<1x128xf32>
    %add3A_83 = vector.broadcast %get3A_82 : vector<1x128xf32> to vector<4096x128xf32>
    %add3A_84 = arith.addf %dot_general3A_79, %add3A_83 : vector<4096x128xf32>
    %logistic3A = arith.negf %add3A_84 : vector<4096x128xf32>
    %logistic3A_85 = math.exp %logistic3A : vector<4096x128xf32>
    %logistic3A_86 = arith.constant 1.000000e+00 : f32
    %logistic3A_87 = vector.broadcast %logistic3A_86 : f32 to vector<4096x128xf32>
    %logistic3A_88 = arith.addf %logistic3A_87, %logistic3A_85 : vector<4096x128xf32>
    %logistic3A_89 = arith.divf %logistic3A_87, %logistic3A_88 : vector<4096x128xf32>
    %mul3A_90 = arith.mulf %add3A_73, %logistic3A_89 : vector<4096x128xf32>
    %add3A_91 = arith.addf %get3A_1, %mul3A_90 : vector<4096x128xf32>
    %swap3A = arith.constant 0 : index
    %swap3A_92 = arith.constant 0 : index
    %swap3A_93 = vector.load %arg11[%swap3A, %swap3A_92] : memref<4096x128xf32, #tpu.memory_space<vmem>>, vector<4096x128xf32>
    tpu.vector_store %arg11[%swap3A, %swap3A_92], %add3A_91 {strides = array<i32>} : memref<4096x128xf32, #tpu.memory_space<vmem>>, vector<4096x128xf32>,
    return
  }
  func.func @transform_0(%arg0: i32) -> (i32, i32) {
    %c0_i32 = arith.constant 0 : i32
    %c0_i32_0 = arith.constant 0 : i32
    return %arg0, %c0_i32 : i32, i32
  }
  func.func @transform_1(%arg0: i32) -> (i32, i32) {
    %c0_i32 = arith.constant 0 : i32
    %c0_i32_0 = arith.constant 0 : i32
    return %c0_i32, %arg0 : i32, i32
  }
  func.func @transform_2(%arg0: i32) -> (i32, i32) {
    %c0_i32 = arith.constant 0 : i32
    %c0_i32_0 = arith.constant 0 : i32
    %c0_i32_1 = arith.constant 0 : i32
    return %c0_i32, %c0_i32_0 : i32, i32
  }
  func.func @transform_3(%arg0: i32) -> (i32, i32) {
    %c0_i32 = arith.constant 0 : i32
    %c0_i32_0 = arith.constant 0 : i32
    %c0_i32_1 = arith.constant 0 : i32
    return %c0_i32, %c0_i32_0 : i32, i32
  }
  func.func @transform_4(%arg0: i32) -> (i32, i32) {
    %c0_i32 = arith.constant 0 : i32
    %c0_i32_0 = arith.constant 0 : i32
    %c0_i32_1 = arith.constant 0 : i32
    return %c0_i32, %c0_i32_0 : i32, i32
  }
  func.func @transform_5(%arg0: i32) -> (i32, i32) {
    %c0_i32 = arith.constant 0 : i32
    %c0_i32_0 = arith.constant 0 : i32
    %c0_i32_1 = arith.constant 0 : i32
    return %c0_i32, %c0_i32_0 : i32, i32
  }
  func.func @transform_6(%arg0: i32) -> (i32, i32) {
    %c0_i32 = arith.constant 0 : i32
    %c0_i32_0 = arith.constant 0 : i32
    %c0_i32_1 = arith.constant 0 : i32
    return %c0_i32, %c0_i32_0 : i32, i32
  }
  func.func @transform_7(%arg0: i32) -> (i32, i32) {
    %c0_i32 = arith.constant 0 : i32
    %c0_i32_0 = arith.constant 0 : i32
    %c0_i32_1 = arith.constant 0 : i32
    return %c0_i32, %c0_i32_0 : i32, i32
  }
  func.func @transform_8(%arg0: i32) -> (i32, i32) {
    %c0_i32 = arith.constant 0 : i32
    %c0_i32_0 = arith.constant 0 : i32
    %c0_i32_1 = arith.constant 0 : i32
    return %c0_i32, %c0_i32_0 : i32, i32
  }
  func.func @transform_9(%arg0: i32) -> (i32, i32) {
    %c0_i32 = arith.constant 0 : i32
    %c0_i32_0 = arith.constant 0 : i32
    %c0_i32_1 = arith.constant 0 : i32
    return %c0_i32, %c0_i32_0 : i32, i32
  }
  func.func @transform_10(%arg0: i32) -> (i32, i32) {
    %c0_i32 = arith.constant 0 : i32
    %c0_i32_0 = arith.constant 0 : i32
    return %arg0, %c0_i32 : i32, i32
  }
}

module attributes {stable_mosaic.version = 14 : i64} {
  func.func @_trimul_einsum_body(%arg0: i32, %arg1: memref<8x256x256xbf16, #tpu.memory_space<vmem>>, %arg2: memref<8x256x256xbf16, #tpu.memory_space<vmem>>, %arg3: memref<8x256x256xf32, #tpu.memory_space<vmem>>) attributes {dimension_semantics = [#tpu.dimension_semantics<arbitrary>], iteration_bounds = array<i64: 16>, scalar_prefetch = 0 : i64, scratch_operands = 0 : i64, tpu.core_type = #tpu.core_type<tc>, window_params = [{transform_indices = @transform_0, window_bounds = array<i64: 8, 256, 256>}, {transform_indices = @transform_1, window_bounds = array<i64: 8, 256, 256>}, {transform_indices = @transform_2, window_bounds = array<i64: 8, 256, 256>}]} {
    %get3A = arith.constant 0 : index
    %get3A_0 = arith.constant 0 : index
    %get3A_1 = arith.constant 0 : index
    %get3A_2 = vector.load %arg1[%get3A, %get3A_0, %get3A_1] : memref<8x256x256xbf16, #tpu.memory_space<vmem>>, vector<1x256x256xbf16>
    %get3A_3 = vector.shape_cast %get3A_2 : vector<1x256x256xbf16> to vector<256x256xbf16>
    %get3A_4 = arith.constant 0 : index
    %get3A_5 = arith.constant 0 : index
    %get3A_6 = arith.constant 0 : index
    %get3A_7 = vector.load %arg2[%get3A_4, %get3A_5, %get3A_6] : memref<8x256x256xbf16, #tpu.memory_space<vmem>>, vector<1x256x256xbf16>
    %get3A_8 = vector.shape_cast %get3A_7 : vector<1x256x256xbf16> to vector<256x256xbf16>
    %dot_general3A = arith.constant dense<0.000000e+00> : vector<256x256xf32>
    %dot_general3A_9 = tpu.matmul %get3A_3, %get3A_8, %dot_general3A {dimension_numbers = #tpu.dot_dimension_numbers<[0], [0], [1], [1], [0, 1, 1, 1], [], []>, transpose_lhs_hint = false} : vector<256x256xbf16>, vector<256x256xbf16>, vector<256x256xf32> -> vector<256x256xf32>
    %swap3A = arith.constant 0 : index
    %swap3A_10 = arith.constant 0 : index
    %swap3A_11 = arith.constant 0 : index
    %swap3A_12 = vector.load %arg3[%swap3A, %swap3A_10, %swap3A_11] : memref<8x256x256xf32, #tpu.memory_space<vmem>>, vector<1x256x256xf32>
    %swap3A_13 = vector.shape_cast %swap3A_12 : vector<1x256x256xf32> to vector<256x256xf32>
    %swap3A_14 = vector.shape_cast %dot_general3A_9 : vector<256x256xf32> to vector<1x256x256xf32>
    tpu.vector_store %arg3[%swap3A, %swap3A_10, %swap3A_11], %swap3A_14 {strides = array<i32>} : memref<8x256x256xf32, #tpu.memory_space<vmem>>, vector<1x256x256xf32>,
    %get3A_15 = arith.constant 1 : index
    %get3A_16 = arith.constant 0 : index
    %get3A_17 = arith.constant 0 : index
    %get3A_18 = vector.load %arg1[%get3A_15, %get3A_16, %get3A_17] : memref<8x256x256xbf16, #tpu.memory_space<vmem>>, vector<1x256x256xbf16>
    %get3A_19 = vector.shape_cast %get3A_18 : vector<1x256x256xbf16> to vector<256x256xbf16>
    %get3A_20 = arith.constant 1 : index
    %get3A_21 = arith.constant 0 : index
    %get3A_22 = arith.constant 0 : index
    %get3A_23 = vector.load %arg2[%get3A_20, %get3A_21, %get3A_22] : memref<8x256x256xbf16, #tpu.memory_space<vmem>>, vector<1x256x256xbf16>
    %get3A_24 = vector.shape_cast %get3A_23 : vector<1x256x256xbf16> to vector<256x256xbf16>
    %dot_general3A_25 = arith.constant dense<0.000000e+00> : vector<256x256xf32>
    %dot_general3A_26 = tpu.matmul %get3A_19, %get3A_24, %dot_general3A_25 {dimension_numbers = #tpu.dot_dimension_numbers<[0], [0], [1], [1], [0, 1, 1, 1], [], []>, transpose_lhs_hint = false} : vector<256x256xbf16>, vector<256x256xbf16>, vector<256x256xf32> -> vector<256x256xf32>
    %swap3A_27 = arith.constant 1 : index
    %swap3A_28 = arith.constant 0 : index
    %swap3A_29 = arith.constant 0 : index
    %swap3A_30 = vector.load %arg3[%swap3A_27, %swap3A_28, %swap3A_29] : memref<8x256x256xf32, #tpu.memory_space<vmem>>, vector<1x256x256xf32>
    %swap3A_31 = vector.shape_cast %swap3A_30 : vector<1x256x256xf32> to vector<256x256xf32>
    %swap3A_32 = vector.shape_cast %dot_general3A_26 : vector<256x256xf32> to vector<1x256x256xf32>
    tpu.vector_store %arg3[%swap3A_27, %swap3A_28, %swap3A_29], %swap3A_32 {strides = array<i32>} : memref<8x256x256xf32, #tpu.memory_space<vmem>>, vector<1x256x256xf32>,
    %get3A_33 = arith.constant 2 : index
    %get3A_34 = arith.constant 0 : index
    %get3A_35 = arith.constant 0 : index
    %get3A_36 = vector.load %arg1[%get3A_33, %get3A_34, %get3A_35] : memref<8x256x256xbf16, #tpu.memory_space<vmem>>, vector<1x256x256xbf16>
    %get3A_37 = vector.shape_cast %get3A_36 : vector<1x256x256xbf16> to vector<256x256xbf16>
    %get3A_38 = arith.constant 2 : index
    %get3A_39 = arith.constant 0 : index
    %get3A_40 = arith.constant 0 : index
    %get3A_41 = vector.load %arg2[%get3A_38, %get3A_39, %get3A_40] : memref<8x256x256xbf16, #tpu.memory_space<vmem>>, vector<1x256x256xbf16>
    %get3A_42 = vector.shape_cast %get3A_41 : vector<1x256x256xbf16> to vector<256x256xbf16>
    %dot_general3A_43 = arith.constant dense<0.000000e+00> : vector<256x256xf32>
    %dot_general3A_44 = tpu.matmul %get3A_37, %get3A_42, %dot_general3A_43 {dimension_numbers = #tpu.dot_dimension_numbers<[0], [0], [1], [1], [0, 1, 1, 1], [], []>, transpose_lhs_hint = false} : vector<256x256xbf16>, vector<256x256xbf16>, vector<256x256xf32> -> vector<256x256xf32>
    %swap3A_45 = arith.constant 2 : index
    %swap3A_46 = arith.constant 0 : index
    %swap3A_47 = arith.constant 0 : index
    %swap3A_48 = vector.load %arg3[%swap3A_45, %swap3A_46, %swap3A_47] : memref<8x256x256xf32, #tpu.memory_space<vmem>>, vector<1x256x256xf32>
    %swap3A_49 = vector.shape_cast %swap3A_48 : vector<1x256x256xf32> to vector<256x256xf32>
    %swap3A_50 = vector.shape_cast %dot_general3A_44 : vector<256x256xf32> to vector<1x256x256xf32>
    tpu.vector_store %arg3[%swap3A_45, %swap3A_46, %swap3A_47], %swap3A_50 {strides = array<i32>} : memref<8x256x256xf32, #tpu.memory_space<vmem>>, vector<1x256x256xf32>,
    %get3A_51 = arith.constant 3 : index
    %get3A_52 = arith.constant 0 : index
    %get3A_53 = arith.constant 0 : index
    %get3A_54 = vector.load %arg1[%get3A_51, %get3A_52, %get3A_53] : memref<8x256x256xbf16, #tpu.memory_space<vmem>>, vector<1x256x256xbf16>
    %get3A_55 = vector.shape_cast %get3A_54 : vector<1x256x256xbf16> to vector<256x256xbf16>
    %get3A_56 = arith.constant 3 : index
    %get3A_57 = arith.constant 0 : index
    %get3A_58 = arith.constant 0 : index
    %get3A_59 = vector.load %arg2[%get3A_56, %get3A_57, %get3A_58] : memref<8x256x256xbf16, #tpu.memory_space<vmem>>, vector<1x256x256xbf16>
    %get3A_60 = vector.shape_cast %get3A_59 : vector<1x256x256xbf16> to vector<256x256xbf16>
    %dot_general3A_61 = arith.constant dense<0.000000e+00> : vector<256x256xf32>
    %dot_general3A_62 = tpu.matmul %get3A_55, %get3A_60, %dot_general3A_61 {dimension_numbers = #tpu.dot_dimension_numbers<[0], [0], [1], [1], [0, 1, 1, 1], [], []>, transpose_lhs_hint = false} : vector<256x256xbf16>, vector<256x256xbf16>, vector<256x256xf32> -> vector<256x256xf32>
    %swap3A_63 = arith.constant 3 : index
    %swap3A_64 = arith.constant 0 : index
    %swap3A_65 = arith.constant 0 : index
    %swap3A_66 = vector.load %arg3[%swap3A_63, %swap3A_64, %swap3A_65] : memref<8x256x256xf32, #tpu.memory_space<vmem>>, vector<1x256x256xf32>
    %swap3A_67 = vector.shape_cast %swap3A_66 : vector<1x256x256xf32> to vector<256x256xf32>
    %swap3A_68 = vector.shape_cast %dot_general3A_62 : vector<256x256xf32> to vector<1x256x256xf32>
    tpu.vector_store %arg3[%swap3A_63, %swap3A_64, %swap3A_65], %swap3A_68 {strides = array<i32>} : memref<8x256x256xf32, #tpu.memory_space<vmem>>, vector<1x256x256xf32>,
    %get3A_69 = arith.constant 4 : index
    %get3A_70 = arith.constant 0 : index
    %get3A_71 = arith.constant 0 : index
    %get3A_72 = vector.load %arg1[%get3A_69, %get3A_70, %get3A_71] : memref<8x256x256xbf16, #tpu.memory_space<vmem>>, vector<1x256x256xbf16>
    %get3A_73 = vector.shape_cast %get3A_72 : vector<1x256x256xbf16> to vector<256x256xbf16>
    %get3A_74 = arith.constant 4 : index
    %get3A_75 = arith.constant 0 : index
    %get3A_76 = arith.constant 0 : index
    %get3A_77 = vector.load %arg2[%get3A_74, %get3A_75, %get3A_76] : memref<8x256x256xbf16, #tpu.memory_space<vmem>>, vector<1x256x256xbf16>
    %get3A_78 = vector.shape_cast %get3A_77 : vector<1x256x256xbf16> to vector<256x256xbf16>
    %dot_general3A_79 = arith.constant dense<0.000000e+00> : vector<256x256xf32>
    %dot_general3A_80 = tpu.matmul %get3A_73, %get3A_78, %dot_general3A_79 {dimension_numbers = #tpu.dot_dimension_numbers<[0], [0], [1], [1], [0, 1, 1, 1], [], []>, transpose_lhs_hint = false} : vector<256x256xbf16>, vector<256x256xbf16>, vector<256x256xf32> -> vector<256x256xf32>
    %swap3A_81 = arith.constant 4 : index
    %swap3A_82 = arith.constant 0 : index
    %swap3A_83 = arith.constant 0 : index
    %swap3A_84 = vector.load %arg3[%swap3A_81, %swap3A_82, %swap3A_83] : memref<8x256x256xf32, #tpu.memory_space<vmem>>, vector<1x256x256xf32>
    %swap3A_85 = vector.shape_cast %swap3A_84 : vector<1x256x256xf32> to vector<256x256xf32>
    %swap3A_86 = vector.shape_cast %dot_general3A_80 : vector<256x256xf32> to vector<1x256x256xf32>
    tpu.vector_store %arg3[%swap3A_81, %swap3A_82, %swap3A_83], %swap3A_86 {strides = array<i32>} : memref<8x256x256xf32, #tpu.memory_space<vmem>>, vector<1x256x256xf32>,
    %get3A_87 = arith.constant 5 : index
    %get3A_88 = arith.constant 0 : index
    %get3A_89 = arith.constant 0 : index
    %get3A_90 = vector.load %arg1[%get3A_87, %get3A_88, %get3A_89] : memref<8x256x256xbf16, #tpu.memory_space<vmem>>, vector<1x256x256xbf16>
    %get3A_91 = vector.shape_cast %get3A_90 : vector<1x256x256xbf16> to vector<256x256xbf16>
    %get3A_92 = arith.constant 5 : index
    %get3A_93 = arith.constant 0 : index
    %get3A_94 = arith.constant 0 : index
    %get3A_95 = vector.load %arg2[%get3A_92, %get3A_93, %get3A_94] : memref<8x256x256xbf16, #tpu.memory_space<vmem>>, vector<1x256x256xbf16>
    %get3A_96 = vector.shape_cast %get3A_95 : vector<1x256x256xbf16> to vector<256x256xbf16>
    %dot_general3A_97 = arith.constant dense<0.000000e+00> : vector<256x256xf32>
    %dot_general3A_98 = tpu.matmul %get3A_91, %get3A_96, %dot_general3A_97 {dimension_numbers = #tpu.dot_dimension_numbers<[0], [0], [1], [1], [0, 1, 1, 1], [], []>, transpose_lhs_hint = false} : vector<256x256xbf16>, vector<256x256xbf16>, vector<256x256xf32> -> vector<256x256xf32>
    %swap3A_99 = arith.constant 5 : index
    %swap3A_100 = arith.constant 0 : index
    %swap3A_101 = arith.constant 0 : index
    %swap3A_102 = vector.load %arg3[%swap3A_99, %swap3A_100, %swap3A_101] : memref<8x256x256xf32, #tpu.memory_space<vmem>>, vector<1x256x256xf32>
    %swap3A_103 = vector.shape_cast %swap3A_102 : vector<1x256x256xf32> to vector<256x256xf32>
    %swap3A_104 = vector.shape_cast %dot_general3A_98 : vector<256x256xf32> to vector<1x256x256xf32>
    tpu.vector_store %arg3[%swap3A_99, %swap3A_100, %swap3A_101], %swap3A_104 {strides = array<i32>} : memref<8x256x256xf32, #tpu.memory_space<vmem>>, vector<1x256x256xf32>,
    %get3A_105 = arith.constant 6 : index
    %get3A_106 = arith.constant 0 : index
    %get3A_107 = arith.constant 0 : index
    %get3A_108 = vector.load %arg1[%get3A_105, %get3A_106, %get3A_107] : memref<8x256x256xbf16, #tpu.memory_space<vmem>>, vector<1x256x256xbf16>
    %get3A_109 = vector.shape_cast %get3A_108 : vector<1x256x256xbf16> to vector<256x256xbf16>
    %get3A_110 = arith.constant 6 : index
    %get3A_111 = arith.constant 0 : index
    %get3A_112 = arith.constant 0 : index
    %get3A_113 = vector.load %arg2[%get3A_110, %get3A_111, %get3A_112] : memref<8x256x256xbf16, #tpu.memory_space<vmem>>, vector<1x256x256xbf16>
    %get3A_114 = vector.shape_cast %get3A_113 : vector<1x256x256xbf16> to vector<256x256xbf16>
    %dot_general3A_115 = arith.constant dense<0.000000e+00> : vector<256x256xf32>
    %dot_general3A_116 = tpu.matmul %get3A_109, %get3A_114, %dot_general3A_115 {dimension_numbers = #tpu.dot_dimension_numbers<[0], [0], [1], [1], [0, 1, 1, 1], [], []>, transpose_lhs_hint = false} : vector<256x256xbf16>, vector<256x256xbf16>, vector<256x256xf32> -> vector<256x256xf32>
    %swap3A_117 = arith.constant 6 : index
    %swap3A_118 = arith.constant 0 : index
    %swap3A_119 = arith.constant 0 : index
    %swap3A_120 = vector.load %arg3[%swap3A_117, %swap3A_118, %swap3A_119] : memref<8x256x256xf32, #tpu.memory_space<vmem>>, vector<1x256x256xf32>
    %swap3A_121 = vector.shape_cast %swap3A_120 : vector<1x256x256xf32> to vector<256x256xf32>
    %swap3A_122 = vector.shape_cast %dot_general3A_116 : vector<256x256xf32> to vector<1x256x256xf32>
    tpu.vector_store %arg3[%swap3A_117, %swap3A_118, %swap3A_119], %swap3A_122 {strides = array<i32>} : memref<8x256x256xf32, #tpu.memory_space<vmem>>, vector<1x256x256xf32>,
    %get3A_123 = arith.constant 7 : index
    %get3A_124 = arith.constant 0 : index
    %get3A_125 = arith.constant 0 : index
    %get3A_126 = vector.load %arg1[%get3A_123, %get3A_124, %get3A_125] : memref<8x256x256xbf16, #tpu.memory_space<vmem>>, vector<1x256x256xbf16>
    %get3A_127 = vector.shape_cast %get3A_126 : vector<1x256x256xbf16> to vector<256x256xbf16>
    %get3A_128 = arith.constant 7 : index
    %get3A_129 = arith.constant 0 : index
    %get3A_130 = arith.constant 0 : index
    %get3A_131 = vector.load %arg2[%get3A_128, %get3A_129, %get3A_130] : memref<8x256x256xbf16, #tpu.memory_space<vmem>>, vector<1x256x256xbf16>
    %get3A_132 = vector.shape_cast %get3A_131 : vector<1x256x256xbf16> to vector<256x256xbf16>
    %dot_general3A_133 = arith.constant dense<0.000000e+00> : vector<256x256xf32>
    %dot_general3A_134 = tpu.matmul %get3A_127, %get3A_132, %dot_general3A_133 {dimension_numbers = #tpu.dot_dimension_numbers<[0], [0], [1], [1], [0, 1, 1, 1], [], []>, transpose_lhs_hint = false} : vector<256x256xbf16>, vector<256x256xbf16>, vector<256x256xf32> -> vector<256x256xf32>
    %swap3A_135 = arith.constant 7 : index
    %swap3A_136 = arith.constant 0 : index
    %swap3A_137 = arith.constant 0 : index
    %swap3A_138 = vector.load %arg3[%swap3A_135, %swap3A_136, %swap3A_137] : memref<8x256x256xf32, #tpu.memory_space<vmem>>, vector<1x256x256xf32>
    %swap3A_139 = vector.shape_cast %swap3A_138 : vector<1x256x256xf32> to vector<256x256xf32>
    %swap3A_140 = vector.shape_cast %dot_general3A_134 : vector<256x256xf32> to vector<1x256x256xf32>
    tpu.vector_store %arg3[%swap3A_135, %swap3A_136, %swap3A_137], %swap3A_140 {strides = array<i32>} : memref<8x256x256xf32, #tpu.memory_space<vmem>>, vector<1x256x256xf32>,
    return
  }
  func.func @transform_0(%arg0: i32) -> (i32, i32, i32) {
    %c0_i32 = arith.constant 0 : i32
    %c0_i32_0 = arith.constant 0 : i32
    %c0_i32_1 = arith.constant 0 : i32
    return %arg0, %c0_i32, %c0_i32_0 : i32, i32, i32
  }
  func.func @transform_1(%arg0: i32) -> (i32, i32, i32) {
    %c0_i32 = arith.constant 0 : i32
    %c0_i32_0 = arith.constant 0 : i32
    %c0_i32_1 = arith.constant 0 : i32
    return %arg0, %c0_i32, %c0_i32_0 : i32, i32, i32
  }
  func.func @transform_2(%arg0: i32) -> (i32, i32, i32) {
    %c0_i32 = arith.constant 0 : i32
    %c0_i32_0 = arith.constant 0 : i32
    %c0_i32_1 = arith.constant 0 : i32
    return %arg0, %c0_i32, %c0_i32_0 : i32, i32, i32
  }
}

module attributes {stable_mosaic.version = 14 : i64} {
  func.func @_knn_body(%arg0: i32, %arg1: memref<256x3xf32, #tpu.memory_space<vmem>>, %arg2: memref<256x32xi32, #tpu.memory_space<vmem>>, %arg3: memref<256x32xi32, #tpu.memory_space<vmem>>, %arg4: memref<256x32xi32, #tpu.memory_space<vmem>>) attributes {dimension_semantics = [#tpu.dimension_semantics<arbitrary>], iteration_bounds = array<i64: 1>, scalar_prefetch = 0 : i64, scratch_operands = 0 : i64, tpu.core_type = #tpu.core_type<tc>, window_params = [{pipeline_mode = #tpu.pipeline_mode<synchronous>, transform_indices = @transform_0, window_bounds = array<i64: 256, 3>}, {pipeline_mode = #tpu.pipeline_mode<synchronous>, transform_indices = @transform_1, window_bounds = array<i64: 256, 32>}, {pipeline_mode = #tpu.pipeline_mode<synchronous>, transform_indices = @transform_2, window_bounds = array<i64: 256, 32>}, {pipeline_mode = #tpu.pipeline_mode<synchronous>, transform_indices = @transform_3, window_bounds = array<i64: 256, 32>}]} {
    %get3A = arith.constant 0 : index
    %get3A_0 = arith.constant 0 : index
    %get3A_1 = vector.load %arg1[%get3A, %get3A_0] : memref<256x3xf32, #tpu.memory_space<vmem>>, vector<256x3xf32>
    %slice3A = vector.extract_strided_slice %get3A_1 {offsets = [0, 0], sizes = [256, 1], strides = [1, 1]} : vector<256x3xf32> to vector<256x1xf32>
    %transpose3A = tpu.transpose %slice3A, [1, 0] : vector<256x1xf32> -> vector<1x256xf32>
    %sub3A = vector.broadcast %slice3A : vector<256x1xf32> to vector<256x256xf32>
    %sub3A_2 = vector.broadcast %transpose3A : vector<1x256xf32> to vector<256x256xf32>
    %sub3A_3 = arith.subf %sub3A, %sub3A_2 : vector<256x256xf32>
    %mul3A = arith.mulf %sub3A_3, %sub3A_3 : vector<256x256xf32>
    %slice3A_4 = vector.extract_strided_slice %get3A_1 {offsets = [0, 1], sizes = [256, 1], strides = [1, 1]} : vector<256x3xf32> to vector<256x1xf32>
    %transpose3A_5 = tpu.transpose %slice3A_4, [1, 0] : vector<256x1xf32> -> vector<1x256xf32>
    %sub3A_6 = vector.broadcast %slice3A_4 : vector<256x1xf32> to vector<256x256xf32>
    %sub3A_7 = vector.broadcast %transpose3A_5 : vector<1x256xf32> to vector<256x256xf32>
    %sub3A_8 = arith.subf %sub3A_6, %sub3A_7 : vector<256x256xf32>
    %mul3A_9 = arith.mulf %sub3A_8, %sub3A_8 : vector<256x256xf32>
    %slice3A_10 = vector.extract_strided_slice %get3A_1 {offsets = [0, 2], sizes = [256, 1], strides = [1, 1]} : vector<256x3xf32> to vector<256x1xf32>
    %transpose3A_11 = tpu.transpose %slice3A_10, [1, 0] : vector<256x1xf32> -> vector<1x256xf32>
    %sub3A_12 = vector.broadcast %slice3A_10 : vector<256x1xf32> to vector<256x256xf32>
    %sub3A_13 = vector.broadcast %transpose3A_11 : vector<1x256xf32> to vector<256x256xf32>
    %sub3A_14 = arith.subf %sub3A_12, %sub3A_13 : vector<256x256xf32>
    %mul3A_15 = arith.mulf %sub3A_14, %sub3A_14 : vector<256x256xf32>
    %add3A = arith.addf %mul3A, %mul3A_9 : vector<256x256xf32>
    %add3A_16 = arith.addf %add3A, %mul3A_15 : vector<256x256xf32>
    %iota3A = tpu.iota {dimensions = array<i32: 0>} : vector<256x256xi32>
    %iota3A_17 = tpu.iota {dimensions = array<i32: 1>} : vector<256x256xi32>
    %eq3A = arith.cmpi eq, %iota3A, %iota3A_17 : vector<256x256xi32>
    %jit3A = arith.constant 1.000000e+30 : f32
    %broadcast_in_dim3A = vector.broadcast %jit3A : f32 to vector<256x256xf32>
    %select_n3A = arith.select %eq3A, %broadcast_in_dim3A, %add3A_16 : vector<256x256xi1>, vector<256x256xf32>
    %sub3A_18 = arith.subi %iota3A, %iota3A_17 : vector<256x256xi32>
    %abs3A = math.absi %sub3A_18 : vector<256x256xi32>
    %eq3A_19 = arith.constant 1 : i32
    %eq3A_20 = vector.broadcast %eq3A_19 : i32 to vector<256x256xi32>
    %eq3A_21 = arith.cmpi eq, %abs3A, %eq3A_20 : vector<256x256xi32>
    %jit3A_22 = arith.constant -1.000000e+00 : f32
    %broadcast_in_dim3A_23 = vector.broadcast %jit3A_22 : f32 to vector<256x256xf32>
    %select_n3A_24 = arith.select %eq3A_21, %broadcast_in_dim3A_23, %select_n3A : vector<256x256xi1>, vector<256x256xf32>
    %iota3A_25 = tpu.iota {dimensions = array<i32: 0>} : vector<256x1xi32>
    %reduce_min3A = arith.constant dense<0x7F800000> : vector<256xf32>
    %reduce_min3A_26 = vector.multi_reduction <minimumf>, %select_n3A_24, %reduce_min3A [1] : vector<256x256xf32> to vector<256xf32>
    %broadcast_in_dim3A_27 = vector.shape_cast %reduce_min3A_26 : vector<256xf32> to vector<256x1xf32>
    %eq3A_28 = vector.broadcast %broadcast_in_dim3A_27 : vector<256x1xf32> to vector<256x256xf32>
    %eq3A_29 = arith.cmpf oeq, %select_n3A_24, %eq3A_28 : vector<256x256xf32>
    %jit3A_30 = arith.constant 1073741824 : i32
    %broadcast_in_dim3A_31 = vector.broadcast %jit3A_30 : i32 to vector<256x256xi32>
    %select_n3A_32 = arith.select %eq3A_29, %iota3A_17, %broadcast_in_dim3A_31 : vector<256x256xi1>, vector<256x256xi32>
    %reduce_min3A_33 = arith.constant dense<2147483647> : vector<256xi32>
    %reduce_min3A_34 = vector.multi_reduction <minsi>, %select_n3A_32, %reduce_min3A_33 [1] : vector<256x256xi32> to vector<256xi32>
    %broadcast_in_dim3A_35 = vector.shape_cast %reduce_min3A_34 : vector<256xi32> to vector<256x1xi32>
    %eq3A_36 = vector.broadcast %broadcast_in_dim3A_35 : vector<256x1xi32> to vector<256x256xi32>
    %eq3A_37 = arith.cmpi eq, %iota3A_17, %eq3A_36 : vector<256x256xi32>
    %jit3A_38 = arith.constant 1.000000e+30 : f32
    %broadcast_in_dim3A_39 = vector.broadcast %jit3A_38 : f32 to vector<256x256xf32>
    %select_n3A_40 = arith.select %eq3A_37, %broadcast_in_dim3A_39, %select_n3A_24 : vector<256x256xi1>, vector<256x256xf32>
    %mul3A_41 = arith.constant 256 : i32
    %mul3A_42 = vector.broadcast %mul3A_41 : i32 to vector<256x1xi32>
    %mul3A_43 = arith.muli %iota3A_25, %mul3A_42 : vector<256x1xi32>
    %add3A_44 = arith.addi %broadcast_in_dim3A_35, %mul3A_43 : vector<256x1xi32>
    %swap3A = arith.constant 0 : index
    %swap3A_45 = arith.constant 0 : index
    %swap3A_46 = vector.load %arg2[%swap3A, %swap3A_45] : memref<256x32xi32, #tpu.memory_space<vmem>>, vector<256x1xi32>
    tpu.vector_store %arg2[%swap3A, %swap3A_45], %add3A_44 {strides = array<i32>} : memref<256x32xi32, #tpu.memory_space<vmem>>, vector<256x1xi32>,
    %mul3A_47 = arith.constant 256 : i32
    %mul3A_48 = vector.broadcast %mul3A_47 : i32 to vector<256x1xi32>
    %mul3A_49 = arith.muli %broadcast_in_dim3A_35, %mul3A_48 : vector<256x1xi32>
    %add3A_50 = arith.addi %mul3A_49, %iota3A_25 : vector<256x1xi32>
    %swap3A_51 = arith.constant 0 : index
    %swap3A_52 = arith.constant 0 : index
    %swap3A_53 = vector.load %arg3[%swap3A_51, %swap3A_52] : memref<256x32xi32, #tpu.memory_space<vmem>>, vector<256x1xi32>
    tpu.vector_store %arg3[%swap3A_51, %swap3A_52], %add3A_50 {strides = array<i32>} : memref<256x32xi32, #tpu.memory_space<vmem>>, vector<256x1xi32>,
    %swap3A_54 = arith.constant 0 : index
    %swap3A_55 = arith.constant 0 : index
    %swap3A_56 = vector.load %arg4[%swap3A_54, %swap3A_55] : memref<256x32xi32, #tpu.memory_space<vmem>>, vector<256x1xi32>
    tpu.vector_store %arg4[%swap3A_54, %swap3A_55], %broadcast_in_dim3A_35 {strides = array<i32>} : memref<256x32xi32, #tpu.memory_space<vmem>>, vector<256x1xi32>,
    %reduce_min3A_57 = arith.constant dense<0x7F800000> : vector<256xf32>
    %reduce_min3A_58 = vector.multi_reduction <minimumf>, %select_n3A_40, %reduce_min3A_57 [1] : vector<256x256xf32> to vector<256xf32>
    %broadcast_in_dim3A_59 = vector.shape_cast %reduce_min3A_58 : vector<256xf32> to vector<256x1xf32>
    %eq3A_60 = vector.broadcast %broadcast_in_dim3A_59 : vector<256x1xf32> to vector<256x256xf32>
    %eq3A_61 = arith.cmpf oeq, %select_n3A_40, %eq3A_60 : vector<256x256xf32>
    %jit3A_62 = arith.constant 1073741824 : i32
    %broadcast_in_dim3A_63 = vector.broadcast %jit3A_62 : i32 to vector<256x256xi32>
    %select_n3A_64 = arith.select %eq3A_61, %iota3A_17, %broadcast_in_dim3A_63 : vector<256x256xi1>, vector<256x256xi32>
    %reduce_min3A_65 = arith.constant dense<2147483647> : vector<256xi32>
    %reduce_min3A_66 = vector.multi_reduction <minsi>, %select_n3A_64, %reduce_min3A_65 [1] : vector<256x256xi32> to vector<256xi32>
    %broadcast_in_dim3A_67 = vector.shape_cast %reduce_min3A_66 : vector<256xi32> to vector<256x1xi32>
    %eq3A_68 = vector.broadcast %broadcast_in_dim3A_67 : vector<256x1xi32> to vector<256x256xi32>
    %eq3A_69 = arith.cmpi eq, %iota3A_17, %eq3A_68 : vector<256x256xi32>
    %jit3A_70 = arith.constant 1.000000e+30 : f32
    %broadcast_in_dim3A_71 = vector.broadcast %jit3A_70 : f32 to vector<256x256xf32>
    %select_n3A_72 = arith.select %eq3A_69, %broadcast_in_dim3A_71, %select_n3A_40 : vector<256x256xi1>, vector<256x256xf32>
    %mul3A_73 = arith.constant 256 : i32
    %mul3A_74 = vector.broadcast %mul3A_73 : i32 to vector<256x1xi32>
    %mul3A_75 = arith.muli %iota3A_25, %mul3A_74 : vector<256x1xi32>
    %add3A_76 = arith.addi %broadcast_in_dim3A_67, %mul3A_75 : vector<256x1xi32>
    %swap3A_77 = arith.constant 0 : index
    %swap3A_78 = arith.constant 1 : index
    %swap3A_79 = vector.load %arg2[%swap3A_77, %swap3A_78] : memref<256x32xi32, #tpu.memory_space<vmem>>, vector<256x1xi32>
    tpu.vector_store %arg2[%swap3A_77, %swap3A_78], %add3A_76 {strides = array<i32>} : memref<256x32xi32, #tpu.memory_space<vmem>>, vector<256x1xi32>,
    %mul3A_80 = arith.constant 256 : i32
    %mul3A_81 = vector.broadcast %mul3A_80 : i32 to vector<256x1xi32>
    %mul3A_82 = arith.muli %broadcast_in_dim3A_67, %mul3A_81 : vector<256x1xi32>
    %add3A_83 = arith.addi %mul3A_82, %iota3A_25 : vector<256x1xi32>
    %swap3A_84 = arith.constant 0 : index
    %swap3A_85 = arith.constant 1 : index
    %swap3A_86 = vector.load %arg3[%swap3A_84, %swap3A_85] : memref<256x32xi32, #tpu.memory_space<vmem>>, vector<256x1xi32>
    tpu.vector_store %arg3[%swap3A_84, %swap3A_85], %add3A_83 {strides = array<i32>} : memref<256x32xi32, #tpu.memory_space<vmem>>, vector<256x1xi32>,
    %swap3A_87 = arith.constant 0 : index
    %swap3A_88 = arith.constant 1 : index
    %swap3A_89 = vector.load %arg4[%swap3A_87, %swap3A_88] : memref<256x32xi32, #tpu.memory_space<vmem>>, vector<256x1xi32>
    tpu.vector_store %arg4[%swap3A_87, %swap3A_88], %broadcast_in_dim3A_67 {strides = array<i32>} : memref<256x32xi32, #tpu.memory_space<vmem>>, vector<256x1xi32>,
    %reduce_min3A_90 = arith.constant dense<0x7F800000> : vector<256xf32>
    %reduce_min3A_91 = vector.multi_reduction <minimumf>, %select_n3A_72, %reduce_min3A_90 [1] : vector<256x256xf32> to vector<256xf32>
    %broadcast_in_dim3A_92 = vector.shape_cast %reduce_min3A_91 : vector<256xf32> to vector<256x1xf32>
    %eq3A_93 = vector.broadcast %broadcast_in_dim3A_92 : vector<256x1xf32> to vector<256x256xf32>
    %eq3A_94 = arith.cmpf oeq, %select_n3A_72, %eq3A_93 : vector<256x256xf32>
    %jit3A_95 = arith.constant 1073741824 : i32
    %broadcast_in_dim3A_96 = vector.broadcast %jit3A_95 : i32 to vector<256x256xi32>
    %select_n3A_97 = arith.select %eq3A_94, %iota3A_17, %broadcast_in_dim3A_96 : vector<256x256xi1>, vector<256x256xi32>
    %reduce_min3A_98 = arith.constant dense<2147483647> : vector<256xi32>
    %reduce_min3A_99 = vector.multi_reduction <minsi>, %select_n3A_97, %reduce_min3A_98 [1] : vector<256x256xi32> to vector<256xi32>
    %broadcast_in_dim3A_100 = vector.shape_cast %reduce_min3A_99 : vector<256xi32> to vector<256x1xi32>
    %eq3A_101 = vector.broadcast %broadcast_in_dim3A_100 : vector<256x1xi32> to vector<256x256xi32>
    %eq3A_102 = arith.cmpi eq, %iota3A_17, %eq3A_101 : vector<256x256xi32>
    %jit3A_103 = arith.constant 1.000000e+30 : f32
    %broadcast_in_dim3A_104 = vector.broadcast %jit3A_103 : f32 to vector<256x256xf32>
    %select_n3A_105 = arith.select %eq3A_102, %broadcast_in_dim3A_104, %select_n3A_72 : vector<256x256xi1>, vector<256x256xf32>
    %mul3A_106 = arith.constant 256 : i32
    %mul3A_107 = vector.broadcast %mul3A_106 : i32 to vector<256x1xi32>
    %mul3A_108 = arith.muli %iota3A_25, %mul3A_107 : vector<256x1xi32>
    %add3A_109 = arith.addi %broadcast_in_dim3A_100, %mul3A_108 : vector<256x1xi32>
    %swap3A_110 = arith.constant 0 : index
    %swap3A_111 = arith.constant 2 : index
    %swap3A_112 = vector.load %arg2[%swap3A_110, %swap3A_111] : memref<256x32xi32, #tpu.memory_space<vmem>>, vector<256x1xi32>
    tpu.vector_store %arg2[%swap3A_110, %swap3A_111], %add3A_109 {strides = array<i32>} : memref<256x32xi32, #tpu.memory_space<vmem>>, vector<256x1xi32>,
    %mul3A_113 = arith.constant 256 : i32
    %mul3A_114 = vector.broadcast %mul3A_113 : i32 to vector<256x1xi32>
    %mul3A_115 = arith.muli %broadcast_in_dim3A_100, %mul3A_114 : vector<256x1xi32>
    %add3A_116 = arith.addi %mul3A_115, %iota3A_25 : vector<256x1xi32>
    %swap3A_117 = arith.constant 0 : index
    %swap3A_118 = arith.constant 2 : index
    %swap3A_119 = vector.load %arg3[%swap3A_117, %swap3A_118] : memref<256x32xi32, #tpu.memory_space<vmem>>, vector<256x1xi32>
    tpu.vector_store %arg3[%swap3A_117, %swap3A_118], %add3A_116 {strides = array<i32>} : memref<256x32xi32, #tpu.memory_space<vmem>>, vector<256x1xi32>,
    %swap3A_120 = arith.constant 0 : index
    %swap3A_121 = arith.constant 2 : index
    %swap3A_122 = vector.load %arg4[%swap3A_120, %swap3A_121] : memref<256x32xi32, #tpu.memory_space<vmem>>, vector<256x1xi32>
    tpu.vector_store %arg4[%swap3A_120, %swap3A_121], %broadcast_in_dim3A_100 {strides = array<i32>} : memref<256x32xi32, #tpu.memory_space<vmem>>, vector<256x1xi32>,
    %reduce_min3A_123 = arith.constant dense<0x7F800000> : vector<256xf32>
    %reduce_min3A_124 = vector.multi_reduction <minimumf>, %select_n3A_105, %reduce_min3A_123 [1] : vector<256x256xf32> to vector<256xf32>
    %broadcast_in_dim3A_125 = vector.shape_cast %reduce_min3A_124 : vector<256xf32> to vector<256x1xf32>
    %eq3A_126 = vector.broadcast %broadcast_in_dim3A_125 : vector<256x1xf32> to vector<256x256xf32>
    %eq3A_127 = arith.cmpf oeq, %select_n3A_105, %eq3A_126 : vector<256x256xf32>
    %jit3A_128 = arith.constant 1073741824 : i32
    %broadcast_in_dim3A_129 = vector.broadcast %jit3A_128 : i32 to vector<256x256xi32>
    %select_n3A_130 = arith.select %eq3A_127, %iota3A_17, %broadcast_in_dim3A_129 : vector<256x256xi1>, vector<256x256xi32>
    %reduce_min3A_131 = arith.constant dense<2147483647> : vector<256xi32>
    %reduce_min3A_132 = vector.multi_reduction <minsi>, %select_n3A_130, %reduce_min3A_131 [1] : vector<256x256xi32> to vector<256xi32>
    %broadcast_in_dim3A_133 = vector.shape_cast %reduce_min3A_132 : vector<256xi32> to vector<256x1xi32>
    %eq3A_134 = vector.broadcast %broadcast_in_dim3A_133 : vector<256x1xi32> to vector<256x256xi32>
    %eq3A_135 = arith.cmpi eq, %iota3A_17, %eq3A_134 : vector<256x256xi32>
    %jit3A_136 = arith.constant 1.000000e+30 : f32
    %broadcast_in_dim3A_137 = vector.broadcast %jit3A_136 : f32 to vector<256x256xf32>
    %select_n3A_138 = arith.select %eq3A_135, %broadcast_in_dim3A_137, %select_n3A_105 : vector<256x256xi1>, vector<256x256xf32>
    %mul3A_139 = arith.constant 256 : i32
    %mul3A_140 = vector.broadcast %mul3A_139 : i32 to vector<256x1xi32>
    %mul3A_141 = arith.muli %iota3A_25, %mul3A_140 : vector<256x1xi32>
    %add3A_142 = arith.addi %broadcast_in_dim3A_133, %mul3A_141 : vector<256x1xi32>
    %swap3A_143 = arith.constant 0 : index
    %swap3A_144 = arith.constant 3 : index
    %swap3A_145 = vector.load %arg2[%swap3A_143, %swap3A_144] : memref<256x32xi32, #tpu.memory_space<vmem>>, vector<256x1xi32>
    tpu.vector_store %arg2[%swap3A_143, %swap3A_144], %add3A_142 {strides = array<i32>} : memref<256x32xi32, #tpu.memory_space<vmem>>, vector<256x1xi32>,
    %mul3A_146 = arith.constant 256 : i32
    %mul3A_147 = vector.broadcast %mul3A_146 : i32 to vector<256x1xi32>
    %mul3A_148 = arith.muli %broadcast_in_dim3A_133, %mul3A_147 : vector<256x1xi32>
    %add3A_149 = arith.addi %mul3A_148, %iota3A_25 : vector<256x1xi32>
    %swap3A_150 = arith.constant 0 : index
    %swap3A_151 = arith.constant 3 : index
    %swap3A_152 = vector.load %arg3[%swap3A_150, %swap3A_151] : memref<256x32xi32, #tpu.memory_space<vmem>>, vector<256x1xi32>
    tpu.vector_store %arg3[%swap3A_150, %swap3A_151], %add3A_149 {strides = array<i32>} : memref<256x32xi32, #tpu.memory_space<vmem>>, vector<256x1xi32>,
    %swap3A_153 = arith.constant 0 : index
    %swap3A_154 = arith.constant 3 : index
    %swap3A_155 = vector.load %arg4[%swap3A_153, %swap3A_154] : memref<256x32xi32, #tpu.memory_space<vmem>>, vector<256x1xi32>
    tpu.vector_store %arg4[%swap3A_153, %swap3A_154], %broadcast_in_dim3A_133 {strides = array<i32>} : memref<256x32xi32, #tpu.memory_space<vmem>>, vector<256x1xi32>,
    %reduce_min3A_156 = arith.constant dense<0x7F800000> : vector<256xf32>
    %reduce_min3A_157 = vector.multi_reduction <minimumf>, %select_n3A_138, %reduce_min3A_156 [1] : vector<256x256xf32> to vector<256xf32>
    %broadcast_in_dim3A_158 = vector.shape_cast %reduce_min3A_157 : vector<256xf32> to vector<256x1xf32>
    %eq3A_159 = vector.broadcast %broadcast_in_dim3A_158 : vector<256x1xf32> to vector<256x256xf32>
    %eq3A_160 = arith.cmpf oeq, %select_n3A_138, %eq3A_159 : vector<256x256xf32>
    %jit3A_161 = arith.constant 1073741824 : i32
    %broadcast_in_dim3A_162 = vector.broadcast %jit3A_161 : i32 to vector<256x256xi32>
    %select_n3A_163 = arith.select %eq3A_160, %iota3A_17, %broadcast_in_dim3A_162 : vector<256x256xi1>, vector<256x256xi32>
    %reduce_min3A_164 = arith.constant dense<2147483647> : vector<256xi32>
    %reduce_min3A_165 = vector.multi_reduction <minsi>, %select_n3A_163, %reduce_min3A_164 [1] : vector<256x256xi32> to vector<256xi32>
    %broadcast_in_dim3A_166 = vector.shape_cast %reduce_min3A_165 : vector<256xi32> to vector<256x1xi32>
    %eq3A_167 = vector.broadcast %broadcast_in_dim3A_166 : vector<256x1xi32> to vector<256x256xi32>
    %eq3A_168 = arith.cmpi eq, %iota3A_17, %eq3A_167 : vector<256x256xi32>
    %jit3A_169 = arith.constant 1.000000e+30 : f32
    %broadcast_in_dim3A_170 = vector.broadcast %jit3A_169 : f32 to vector<256x256xf32>
    %select_n3A_171 = arith.select %eq3A_168, %broadcast_in_dim3A_170, %select_n3A_138 : vector<256x256xi1>, vector<256x256xf32>
    %mul3A_172 = arith.constant 256 : i32
    %mul3A_173 = vector.broadcast %mul3A_172 : i32 to vector<256x1xi32>
    %mul3A_174 = arith.muli %iota3A_25, %mul3A_173 : vector<256x1xi32>
    %add3A_175 = arith.addi %broadcast_in_dim3A_166, %mul3A_174 : vector<256x1xi32>
    %swap3A_176 = arith.constant 0 : index
    %swap3A_177 = arith.constant 4 : index
    %swap3A_178 = vector.load %arg2[%swap3A_176, %swap3A_177] : memref<256x32xi32, #tpu.memory_space<vmem>>, vector<256x1xi32>
    tpu.vector_store %arg2[%swap3A_176, %swap3A_177], %add3A_175 {strides = array<i32>} : memref<256x32xi32, #tpu.memory_space<vmem>>, vector<256x1xi32>,
    %mul3A_179 = arith.constant 256 : i32
    %mul3A_180 = vector.broadcast %mul3A_179 : i32 to vector<256x1xi32>
    %mul3A_181 = arith.muli %broadcast_in_dim3A_166, %mul3A_180 : vector<256x1xi32>
    %add3A_182 = arith.addi %mul3A_181, %iota3A_25 : vector<256x1xi32>
    %swap3A_183 = arith.constant 0 : index
    %swap3A_184 = arith.constant 4 : index
    %swap3A_185 = vector.load %arg3[%swap3A_183, %swap3A_184] : memref<256x32xi32, #tpu.memory_space<vmem>>, vector<256x1xi32>
    tpu.vector_store %arg3[%swap3A_183, %swap3A_184], %add3A_182 {strides = array<i32>} : memref<256x32xi32, #tpu.memory_space<vmem>>, vector<256x1xi32>,
    %swap3A_186 = arith.constant 0 : index
    %swap3A_187 = arith.constant 4 : index
    %swap3A_188 = vector.load %arg4[%swap3A_186, %swap3A_187] : memref<256x32xi32, #tpu.memory_space<vmem>>, vector<256x1xi32>
    tpu.vector_store %arg4[%swap3A_186, %swap3A_187], %broadcast_in_dim3A_166 {strides = array<i32>} : memref<256x32xi32, #tpu.memory_space<vmem>>, vector<256x1xi32>,
    %reduce_min3A_189 = arith.constant dense<0x7F800000> : vector<256xf32>
    %reduce_min3A_190 = vector.multi_reduction <minimumf>, %select_n3A_171, %reduce_min3A_189 [1] : vector<256x256xf32> to vector<256xf32>
    %broadcast_in_dim3A_191 = vector.shape_cast %reduce_min3A_190 : vector<256xf32> to vector<256x1xf32>
    %eq3A_192 = vector.broadcast %broadcast_in_dim3A_191 : vector<256x1xf32> to vector<256x256xf32>
    %eq3A_193 = arith.cmpf oeq, %select_n3A_171, %eq3A_192 : vector<256x256xf32>
    %jit3A_194 = arith.constant 1073741824 : i32
    %broadcast_in_dim3A_195 = vector.broadcast %jit3A_194 : i32 to vector<256x256xi32>
    %select_n3A_196 = arith.select %eq3A_193, %iota3A_17, %broadcast_in_dim3A_195 : vector<256x256xi1>, vector<256x256xi32>
    %reduce_min3A_197 = arith.constant dense<2147483647> : vector<256xi32>
    %reduce_min3A_198 = vector.multi_reduction <minsi>, %select_n3A_196, %reduce_min3A_197 [1] : vector<256x256xi32> to vector<256xi32>
    %broadcast_in_dim3A_199 = vector.shape_cast %reduce_min3A_198 : vector<256xi32> to vector<256x1xi32>
    %eq3A_200 = vector.broadcast %broadcast_in_dim3A_199 : vector<256x1xi32> to vector<256x256xi32>
    %eq3A_201 = arith.cmpi eq, %iota3A_17, %eq3A_200 : vector<256x256xi32>
    %jit3A_202 = arith.constant 1.000000e+30 : f32
    %broadcast_in_dim3A_203 = vector.broadcast %jit3A_202 : f32 to vector<256x256xf32>
    %select_n3A_204 = arith.select %eq3A_201, %broadcast_in_dim3A_203, %select_n3A_171 : vector<256x256xi1>, vector<256x256xf32>
    %mul3A_205 = arith.constant 256 : i32
    %mul3A_206 = vector.broadcast %mul3A_205 : i32 to vector<256x1xi32>
    %mul3A_207 = arith.muli %iota3A_25, %mul3A_206 : vector<256x1xi32>
    %add3A_208 = arith.addi %broadcast_in_dim3A_199, %mul3A_207 : vector<256x1xi32>
    %swap3A_209 = arith.constant 0 : index
    %swap3A_210 = arith.constant 5 : index
    %swap3A_211 = vector.load %arg2[%swap3A_209, %swap3A_210] : memref<256x32xi32, #tpu.memory_space<vmem>>, vector<256x1xi32>
    tpu.vector_store %arg2[%swap3A_209, %swap3A_210], %add3A_208 {strides = array<i32>} : memref<256x32xi32, #tpu.memory_space<vmem>>, vector<256x1xi32>,
    %mul3A_212 = arith.constant 256 : i32
    %mul3A_213 = vector.broadcast %mul3A_212 : i32 to vector<256x1xi32>
    %mul3A_214 = arith.muli %broadcast_in_dim3A_199, %mul3A_213 : vector<256x1xi32>
    %add3A_215 = arith.addi %mul3A_214, %iota3A_25 : vector<256x1xi32>
    %swap3A_216 = arith.constant 0 : index
    %swap3A_217 = arith.constant 5 : index
    %swap3A_218 = vector.load %arg3[%swap3A_216, %swap3A_217] : memref<256x32xi32, #tpu.memory_space<vmem>>, vector<256x1xi32>
    tpu.vector_store %arg3[%swap3A_216, %swap3A_217], %add3A_215 {strides = array<i32>} : memref<256x32xi32, #tpu.memory_space<vmem>>, vector<256x1xi32>,
    %swap3A_219 = arith.constant 0 : index
    %swap3A_220 = arith.constant 5 : index
    %swap3A_221 = vector.load %arg4[%swap3A_219, %swap3A_220] : memref<256x32xi32, #tpu.memory_space<vmem>>, vector<256x1xi32>
    tpu.vector_store %arg4[%swap3A_219, %swap3A_220], %broadcast_in_dim3A_199 {strides = array<i32>} : memref<256x32xi32, #tpu.memory_space<vmem>>, vector<256x1xi32>,
    %reduce_min3A_222 = arith.constant dense<0x7F800000> : vector<256xf32>
    %reduce_min3A_223 = vector.multi_reduction <minimumf>, %select_n3A_204, %reduce_min3A_222 [1] : vector<256x256xf32> to vector<256xf32>
    %broadcast_in_dim3A_224 = vector.shape_cast %reduce_min3A_223 : vector<256xf32> to vector<256x1xf32>
    %eq3A_225 = vector.broadcast %broadcast_in_dim3A_224 : vector<256x1xf32> to vector<256x256xf32>
    %eq3A_226 = arith.cmpf oeq, %select_n3A_204, %eq3A_225 : vector<256x256xf32>
    %jit3A_227 = arith.constant 1073741824 : i32
    %broadcast_in_dim3A_228 = vector.broadcast %jit3A_227 : i32 to vector<256x256xi32>
    %select_n3A_229 = arith.select %eq3A_226, %iota3A_17, %broadcast_in_dim3A_228 : vector<256x256xi1>, vector<256x256xi32>
    %reduce_min3A_230 = arith.constant dense<2147483647> : vector<256xi32>
    %reduce_min3A_231 = vector.multi_reduction <minsi>, %select_n3A_229, %reduce_min3A_230 [1] : vector<256x256xi32> to vector<256xi32>
    %broadcast_in_dim3A_232 = vector.shape_cast %reduce_min3A_231 : vector<256xi32> to vector<256x1xi32>
    %eq3A_233 = vector.broadcast %broadcast_in_dim3A_232 : vector<256x1xi32> to vector<256x256xi32>
    %eq3A_234 = arith.cmpi eq, %iota3A_17, %eq3A_233 : vector<256x256xi32>
    %jit3A_235 = arith.constant 1.000000e+30 : f32
    %broadcast_in_dim3A_236 = vector.broadcast %jit3A_235 : f32 to vector<256x256xf32>
    %select_n3A_237 = arith.select %eq3A_234, %broadcast_in_dim3A_236, %select_n3A_204 : vector<256x256xi1>, vector<256x256xf32>
    %mul3A_238 = arith.constant 256 : i32
    %mul3A_239 = vector.broadcast %mul3A_238 : i32 to vector<256x1xi32>
    %mul3A_240 = arith.muli %iota3A_25, %mul3A_239 : vector<256x1xi32>
    %add3A_241 = arith.addi %broadcast_in_dim3A_232, %mul3A_240 : vector<256x1xi32>
    %swap3A_242 = arith.constant 0 : index
    %swap3A_243 = arith.constant 6 : index
    %swap3A_244 = vector.load %arg2[%swap3A_242, %swap3A_243] : memref<256x32xi32, #tpu.memory_space<vmem>>, vector<256x1xi32>
    tpu.vector_store %arg2[%swap3A_242, %swap3A_243], %add3A_241 {strides = array<i32>} : memref<256x32xi32, #tpu.memory_space<vmem>>, vector<256x1xi32>,
    %mul3A_245 = arith.constant 256 : i32
    %mul3A_246 = vector.broadcast %mul3A_245 : i32 to vector<256x1xi32>
    %mul3A_247 = arith.muli %broadcast_in_dim3A_232, %mul3A_246 : vector<256x1xi32>
    %add3A_248 = arith.addi %mul3A_247, %iota3A_25 : vector<256x1xi32>
    %swap3A_249 = arith.constant 0 : index
    %swap3A_250 = arith.constant 6 : index
    %swap3A_251 = vector.load %arg3[%swap3A_249, %swap3A_250] : memref<256x32xi32, #tpu.memory_space<vmem>>, vector<256x1xi32>
    tpu.vector_store %arg3[%swap3A_249, %swap3A_250], %add3A_248 {strides = array<i32>} : memref<256x32xi32, #tpu.memory_space<vmem>>, vector<256x1xi32>,
    %swap3A_252 = arith.constant 0 : index
    %swap3A_253 = arith.constant 6 : index
    %swap3A_254 = vector.load %arg4[%swap3A_252, %swap3A_253] : memref<256x32xi32, #tpu.memory_space<vmem>>, vector<256x1xi32>
    tpu.vector_store %arg4[%swap3A_252, %swap3A_253], %broadcast_in_dim3A_232 {strides = array<i32>} : memref<256x32xi32, #tpu.memory_space<vmem>>, vector<256x1xi32>,
    %reduce_min3A_255 = arith.constant dense<0x7F800000> : vector<256xf32>
    %reduce_min3A_256 = vector.multi_reduction <minimumf>, %select_n3A_237, %reduce_min3A_255 [1] : vector<256x256xf32> to vector<256xf32>
    %broadcast_in_dim3A_257 = vector.shape_cast %reduce_min3A_256 : vector<256xf32> to vector<256x1xf32>
    %eq3A_258 = vector.broadcast %broadcast_in_dim3A_257 : vector<256x1xf32> to vector<256x256xf32>
    %eq3A_259 = arith.cmpf oeq, %select_n3A_237, %eq3A_258 : vector<256x256xf32>
    %jit3A_260 = arith.constant 1073741824 : i32
    %broadcast_in_dim3A_261 = vector.broadcast %jit3A_260 : i32 to vector<256x256xi32>
    %select_n3A_262 = arith.select %eq3A_259, %iota3A_17, %broadcast_in_dim3A_261 : vector<256x256xi1>, vector<256x256xi32>
    %reduce_min3A_263 = arith.constant dense<2147483647> : vector<256xi32>
    %reduce_min3A_264 = vector.multi_reduction <minsi>, %select_n3A_262, %reduce_min3A_263 [1] : vector<256x256xi32> to vector<256xi32>
    %broadcast_in_dim3A_265 = vector.shape_cast %reduce_min3A_264 : vector<256xi32> to vector<256x1xi32>
    %eq3A_266 = vector.broadcast %broadcast_in_dim3A_265 : vector<256x1xi32> to vector<256x256xi32>
    %eq3A_267 = arith.cmpi eq, %iota3A_17, %eq3A_266 : vector<256x256xi32>
    %jit3A_268 = arith.constant 1.000000e+30 : f32
    %broadcast_in_dim3A_269 = vector.broadcast %jit3A_268 : f32 to vector<256x256xf32>
    %select_n3A_270 = arith.select %eq3A_267, %broadcast_in_dim3A_269, %select_n3A_237 : vector<256x256xi1>, vector<256x256xf32>
    %mul3A_271 = arith.constant 256 : i32
    %mul3A_272 = vector.broadcast %mul3A_271 : i32 to vector<256x1xi32>
    %mul3A_273 = arith.muli %iota3A_25, %mul3A_272 : vector<256x1xi32>
    %add3A_274 = arith.addi %broadcast_in_dim3A_265, %mul3A_273 : vector<256x1xi32>
    %swap3A_275 = arith.constant 0 : index
    %swap3A_276 = arith.constant 7 : index
    %swap3A_277 = vector.load %arg2[%swap3A_275, %swap3A_276] : memref<256x32xi32, #tpu.memory_space<vmem>>, vector<256x1xi32>
    tpu.vector_store %arg2[%swap3A_275, %swap3A_276], %add3A_274 {strides = array<i32>} : memref<256x32xi32, #tpu.memory_space<vmem>>, vector<256x1xi32>,
    %mul3A_278 = arith.constant 256 : i32
    %mul3A_279 = vector.broadcast %mul3A_278 : i32 to vector<256x1xi32>
    %mul3A_280 = arith.muli %broadcast_in_dim3A_265, %mul3A_279 : vector<256x1xi32>
    %add3A_281 = arith.addi %mul3A_280, %iota3A_25 : vector<256x1xi32>
    %swap3A_282 = arith.constant 0 : index
    %swap3A_283 = arith.constant 7 : index
    %swap3A_284 = vector.load %arg3[%swap3A_282, %swap3A_283] : memref<256x32xi32, #tpu.memory_space<vmem>>, vector<256x1xi32>
    tpu.vector_store %arg3[%swap3A_282, %swap3A_283], %add3A_281 {strides = array<i32>} : memref<256x32xi32, #tpu.memory_space<vmem>>, vector<256x1xi32>,
    %swap3A_285 = arith.constant 0 : index
    %swap3A_286 = arith.constant 7 : index
    %swap3A_287 = vector.load %arg4[%swap3A_285, %swap3A_286] : memref<256x32xi32, #tpu.memory_space<vmem>>, vector<256x1xi32>
    tpu.vector_store %arg4[%swap3A_285, %swap3A_286], %broadcast_in_dim3A_265 {strides = array<i32>} : memref<256x32xi32, #tpu.memory_space<vmem>>, vector<256x1xi32>,
    %reduce_min3A_288 = arith.constant dense<0x7F800000> : vector<256xf32>
    %reduce_min3A_289 = vector.multi_reduction <minimumf>, %select_n3A_270, %reduce_min3A_288 [1] : vector<256x256xf32> to vector<256xf32>
    %broadcast_in_dim3A_290 = vector.shape_cast %reduce_min3A_289 : vector<256xf32> to vector<256x1xf32>
    %eq3A_291 = vector.broadcast %broadcast_in_dim3A_290 : vector<256x1xf32> to vector<256x256xf32>
    %eq3A_292 = arith.cmpf oeq, %select_n3A_270, %eq3A_291 : vector<256x256xf32>
    %jit3A_293 = arith.constant 1073741824 : i32
    %broadcast_in_dim3A_294 = vector.broadcast %jit3A_293 : i32 to vector<256x256xi32>
    %select_n3A_295 = arith.select %eq3A_292, %iota3A_17, %broadcast_in_dim3A_294 : vector<256x256xi1>, vector<256x256xi32>
    %reduce_min3A_296 = arith.constant dense<2147483647> : vector<256xi32>
    %reduce_min3A_297 = vector.multi_reduction <minsi>, %select_n3A_295, %reduce_min3A_296 [1] : vector<256x256xi32> to vector<256xi32>
    %broadcast_in_dim3A_298 = vector.shape_cast %reduce_min3A_297 : vector<256xi32> to vector<256x1xi32>
    %eq3A_299 = vector.broadcast %broadcast_in_dim3A_298 : vector<256x1xi32> to vector<256x256xi32>
    %eq3A_300 = arith.cmpi eq, %iota3A_17, %eq3A_299 : vector<256x256xi32>
    %jit3A_301 = arith.constant 1.000000e+30 : f32
    %broadcast_in_dim3A_302 = vector.broadcast %jit3A_301 : f32 to vector<256x256xf32>
    %select_n3A_303 = arith.select %eq3A_300, %broadcast_in_dim3A_302, %select_n3A_270 : vector<256x256xi1>, vector<256x256xf32>
    %mul3A_304 = arith.constant 256 : i32
    %mul3A_305 = vector.broadcast %mul3A_304 : i32 to vector<256x1xi32>
    %mul3A_306 = arith.muli %iota3A_25, %mul3A_305 : vector<256x1xi32>
    %add3A_307 = arith.addi %broadcast_in_dim3A_298, %mul3A_306 : vector<256x1xi32>
    %swap3A_308 = arith.constant 0 : index
    %swap3A_309 = arith.constant 8 : index
    %swap3A_310 = vector.load %arg2[%swap3A_308, %swap3A_309] : memref<256x32xi32, #tpu.memory_space<vmem>>, vector<256x1xi32>
    tpu.vector_store %arg2[%swap3A_308, %swap3A_309], %add3A_307 {strides = array<i32>} : memref<256x32xi32, #tpu.memory_space<vmem>>, vector<256x1xi32>,
    %mul3A_311 = arith.constant 256 : i32
    %mul3A_312 = vector.broadcast %mul3A_311 : i32 to vector<256x1xi32>
    %mul3A_313 = arith.muli %broadcast_in_dim3A_298, %mul3A_312 : vector<256x1xi32>
    %add3A_314 = arith.addi %mul3A_313, %iota3A_25 : vector<256x1xi32>
    %swap3A_315 = arith.constant 0 : index
    %swap3A_316 = arith.constant 8 : index
    %swap3A_317 = vector.load %arg3[%swap3A_315, %swap3A_316] : memref<256x32xi32, #tpu.memory_space<vmem>>, vector<256x1xi32>
    tpu.vector_store %arg3[%swap3A_315, %swap3A_316], %add3A_314 {strides = array<i32>} : memref<256x32xi32, #tpu.memory_space<vmem>>, vector<256x1xi32>,
    %swap3A_318 = arith.constant 0 : index
    %swap3A_319 = arith.constant 8 : index
    %swap3A_320 = vector.load %arg4[%swap3A_318, %swap3A_319] : memref<256x32xi32, #tpu.memory_space<vmem>>, vector<256x1xi32>
    tpu.vector_store %arg4[%swap3A_318, %swap3A_319], %broadcast_in_dim3A_298 {strides = array<i32>} : memref<256x32xi32, #tpu.memory_space<vmem>>, vector<256x1xi32>,
    %reduce_min3A_321 = arith.constant dense<0x7F800000> : vector<256xf32>
    %reduce_min3A_322 = vector.multi_reduction <minimumf>, %select_n3A_303, %reduce_min3A_321 [1] : vector<256x256xf32> to vector<256xf32>
    %broadcast_in_dim3A_323 = vector.shape_cast %reduce_min3A_322 : vector<256xf32> to vector<256x1xf32>
    %eq3A_324 = vector.broadcast %broadcast_in_dim3A_323 : vector<256x1xf32> to vector<256x256xf32>
    %eq3A_325 = arith.cmpf oeq, %select_n3A_303, %eq3A_324 : vector<256x256xf32>
    %jit3A_326 = arith.constant 1073741824 : i32
    %broadcast_in_dim3A_327 = vector.broadcast %jit3A_326 : i32 to vector<256x256xi32>
    %select_n3A_328 = arith.select %eq3A_325, %iota3A_17, %broadcast_in_dim3A_327 : vector<256x256xi1>, vector<256x256xi32>
    %reduce_min3A_329 = arith.constant dense<2147483647> : vector<256xi32>
    %reduce_min3A_330 = vector.multi_reduction <minsi>, %select_n3A_328, %reduce_min3A_329 [1] : vector<256x256xi32> to vector<256xi32>
    %broadcast_in_dim3A_331 = vector.shape_cast %reduce_min3A_330 : vector<256xi32> to vector<256x1xi32>
    %eq3A_332 = vector.broadcast %broadcast_in_dim3A_331 : vector<256x1xi32> to vector<256x256xi32>
    %eq3A_333 = arith.cmpi eq, %iota3A_17, %eq3A_332 : vector<256x256xi32>
    %jit3A_334 = arith.constant 1.000000e+30 : f32
    %broadcast_in_dim3A_335 = vector.broadcast %jit3A_334 : f32 to vector<256x256xf32>
    %select_n3A_336 = arith.select %eq3A_333, %broadcast_in_dim3A_335, %select_n3A_303 : vector<256x256xi1>, vector<256x256xf32>
    %mul3A_337 = arith.constant 256 : i32
    %mul3A_338 = vector.broadcast %mul3A_337 : i32 to vector<256x1xi32>
    %mul3A_339 = arith.muli %iota3A_25, %mul3A_338 : vector<256x1xi32>
    %add3A_340 = arith.addi %broadcast_in_dim3A_331, %mul3A_339 : vector<256x1xi32>
    %swap3A_341 = arith.constant 0 : index
    %swap3A_342 = arith.constant 9 : index
    %swap3A_343 = vector.load %arg2[%swap3A_341, %swap3A_342] : memref<256x32xi32, #tpu.memory_space<vmem>>, vector<256x1xi32>
    tpu.vector_store %arg2[%swap3A_341, %swap3A_342], %add3A_340 {strides = array<i32>} : memref<256x32xi32, #tpu.memory_space<vmem>>, vector<256x1xi32>,
    %mul3A_344 = arith.constant 256 : i32
    %mul3A_345 = vector.broadcast %mul3A_344 : i32 to vector<256x1xi32>
    %mul3A_346 = arith.muli %broadcast_in_dim3A_331, %mul3A_345 : vector<256x1xi32>
    %add3A_347 = arith.addi %mul3A_346, %iota3A_25 : vector<256x1xi32>
    %swap3A_348 = arith.constant 0 : index
    %swap3A_349 = arith.constant 9 : index
    %swap3A_350 = vector.load %arg3[%swap3A_348, %swap3A_349] : memref<256x32xi32, #tpu.memory_space<vmem>>, vector<256x1xi32>
    tpu.vector_store %arg3[%swap3A_348, %swap3A_349], %add3A_347 {strides = array<i32>} : memref<256x32xi32, #tpu.memory_space<vmem>>, vector<256x1xi32>,
    %swap3A_351 = arith.constant 0 : index
    %swap3A_352 = arith.constant 9 : index
    %swap3A_353 = vector.load %arg4[%swap3A_351, %swap3A_352] : memref<256x32xi32, #tpu.memory_space<vmem>>, vector<256x1xi32>
    tpu.vector_store %arg4[%swap3A_351, %swap3A_352], %broadcast_in_dim3A_331 {strides = array<i32>} : memref<256x32xi32, #tpu.memory_space<vmem>>, vector<256x1xi32>,
    %reduce_min3A_354 = arith.constant dense<0x7F800000> : vector<256xf32>
    %reduce_min3A_355 = vector.multi_reduction <minimumf>, %select_n3A_336, %reduce_min3A_354 [1] : vector<256x256xf32> to vector<256xf32>
    %broadcast_in_dim3A_356 = vector.shape_cast %reduce_min3A_355 : vector<256xf32> to vector<256x1xf32>
    %eq3A_357 = vector.broadcast %broadcast_in_dim3A_356 : vector<256x1xf32> to vector<256x256xf32>
    %eq3A_358 = arith.cmpf oeq, %select_n3A_336, %eq3A_357 : vector<256x256xf32>
    %jit3A_359 = arith.constant 1073741824 : i32
    %broadcast_in_dim3A_360 = vector.broadcast %jit3A_359 : i32 to vector<256x256xi32>
    %select_n3A_361 = arith.select %eq3A_358, %iota3A_17, %broadcast_in_dim3A_360 : vector<256x256xi1>, vector<256x256xi32>
    %reduce_min3A_362 = arith.constant dense<2147483647> : vector<256xi32>
    %reduce_min3A_363 = vector.multi_reduction <minsi>, %select_n3A_361, %reduce_min3A_362 [1] : vector<256x256xi32> to vector<256xi32>
    %broadcast_in_dim3A_364 = vector.shape_cast %reduce_min3A_363 : vector<256xi32> to vector<256x1xi32>
    %eq3A_365 = vector.broadcast %broadcast_in_dim3A_364 : vector<256x1xi32> to vector<256x256xi32>
    %eq3A_366 = arith.cmpi eq, %iota3A_17, %eq3A_365 : vector<256x256xi32>
    %jit3A_367 = arith.constant 1.000000e+30 : f32
    %broadcast_in_dim3A_368 = vector.broadcast %jit3A_367 : f32 to vector<256x256xf32>
    %select_n3A_369 = arith.select %eq3A_366, %broadcast_in_dim3A_368, %select_n3A_336 : vector<256x256xi1>, vector<256x256xf32>
    %mul3A_370 = arith.constant 256 : i32
    %mul3A_371 = vector.broadcast %mul3A_370 : i32 to vector<256x1xi32>
    %mul3A_372 = arith.muli %iota3A_25, %mul3A_371 : vector<256x1xi32>
    %add3A_373 = arith.addi %broadcast_in_dim3A_364, %mul3A_372 : vector<256x1xi32>
    %swap3A_374 = arith.constant 0 : index
    %swap3A_375 = arith.constant 10 : index
    %swap3A_376 = vector.load %arg2[%swap3A_374, %swap3A_375] : memref<256x32xi32, #tpu.memory_space<vmem>>, vector<256x1xi32>
    tpu.vector_store %arg2[%swap3A_374, %swap3A_375], %add3A_373 {strides = array<i32>} : memref<256x32xi32, #tpu.memory_space<vmem>>, vector<256x1xi32>,
    %mul3A_377 = arith.constant 256 : i32
    %mul3A_378 = vector.broadcast %mul3A_377 : i32 to vector<256x1xi32>
    %mul3A_379 = arith.muli %broadcast_in_dim3A_364, %mul3A_378 : vector<256x1xi32>
    %add3A_380 = arith.addi %mul3A_379, %iota3A_25 : vector<256x1xi32>
    %swap3A_381 = arith.constant 0 : index
    %swap3A_382 = arith.constant 10 : index
    %swap3A_383 = vector.load %arg3[%swap3A_381, %swap3A_382] : memref<256x32xi32, #tpu.memory_space<vmem>>, vector<256x1xi32>
    tpu.vector_store %arg3[%swap3A_381, %swap3A_382], %add3A_380 {strides = array<i32>} : memref<256x32xi32, #tpu.memory_space<vmem>>, vector<256x1xi32>,
    %swap3A_384 = arith.constant 0 : index
    %swap3A_385 = arith.constant 10 : index
    %swap3A_386 = vector.load %arg4[%swap3A_384, %swap3A_385] : memref<256x32xi32, #tpu.memory_space<vmem>>, vector<256x1xi32>
    tpu.vector_store %arg4[%swap3A_384, %swap3A_385], %broadcast_in_dim3A_364 {strides = array<i32>} : memref<256x32xi32, #tpu.memory_space<vmem>>, vector<256x1xi32>,
    %reduce_min3A_387 = arith.constant dense<0x7F800000> : vector<256xf32>
    %reduce_min3A_388 = vector.multi_reduction <minimumf>, %select_n3A_369, %reduce_min3A_387 [1] : vector<256x256xf32> to vector<256xf32>
    %broadcast_in_dim3A_389 = vector.shape_cast %reduce_min3A_388 : vector<256xf32> to vector<256x1xf32>
    %eq3A_390 = vector.broadcast %broadcast_in_dim3A_389 : vector<256x1xf32> to vector<256x256xf32>
    %eq3A_391 = arith.cmpf oeq, %select_n3A_369, %eq3A_390 : vector<256x256xf32>
    %jit3A_392 = arith.constant 1073741824 : i32
    %broadcast_in_dim3A_393 = vector.broadcast %jit3A_392 : i32 to vector<256x256xi32>
    %select_n3A_394 = arith.select %eq3A_391, %iota3A_17, %broadcast_in_dim3A_393 : vector<256x256xi1>, vector<256x256xi32>
    %reduce_min3A_395 = arith.constant dense<2147483647> : vector<256xi32>
    %reduce_min3A_396 = vector.multi_reduction <minsi>, %select_n3A_394, %reduce_min3A_395 [1] : vector<256x256xi32> to vector<256xi32>
    %broadcast_in_dim3A_397 = vector.shape_cast %reduce_min3A_396 : vector<256xi32> to vector<256x1xi32>
    %eq3A_398 = vector.broadcast %broadcast_in_dim3A_397 : vector<256x1xi32> to vector<256x256xi32>
    %eq3A_399 = arith.cmpi eq, %iota3A_17, %eq3A_398 : vector<256x256xi32>
    %jit3A_400 = arith.constant 1.000000e+30 : f32
    %broadcast_in_dim3A_401 = vector.broadcast %jit3A_400 : f32 to vector<256x256xf32>
    %select_n3A_402 = arith.select %eq3A_399, %broadcast_in_dim3A_401, %select_n3A_369 : vector<256x256xi1>, vector<256x256xf32>
    %mul3A_403 = arith.constant 256 : i32
    %mul3A_404 = vector.broadcast %mul3A_403 : i32 to vector<256x1xi32>
    %mul3A_405 = arith.muli %iota3A_25, %mul3A_404 : vector<256x1xi32>
    %add3A_406 = arith.addi %broadcast_in_dim3A_397, %mul3A_405 : vector<256x1xi32>
    %swap3A_407 = arith.constant 0 : index
    %swap3A_408 = arith.constant 11 : index
    %swap3A_409 = vector.load %arg2[%swap3A_407, %swap3A_408] : memref<256x32xi32, #tpu.memory_space<vmem>>, vector<256x1xi32>
    tpu.vector_store %arg2[%swap3A_407, %swap3A_408], %add3A_406 {strides = array<i32>} : memref<256x32xi32, #tpu.memory_space<vmem>>, vector<256x1xi32>,
    %mul3A_410 = arith.constant 256 : i32
    %mul3A_411 = vector.broadcast %mul3A_410 : i32 to vector<256x1xi32>
    %mul3A_412 = arith.muli %broadcast_in_dim3A_397, %mul3A_411 : vector<256x1xi32>
    %add3A_413 = arith.addi %mul3A_412, %iota3A_25 : vector<256x1xi32>
    %swap3A_414 = arith.constant 0 : index
    %swap3A_415 = arith.constant 11 : index
    %swap3A_416 = vector.load %arg3[%swap3A_414, %swap3A_415] : memref<256x32xi32, #tpu.memory_space<vmem>>, vector<256x1xi32>
    tpu.vector_store %arg3[%swap3A_414, %swap3A_415], %add3A_413 {strides = array<i32>} : memref<256x32xi32, #tpu.memory_space<vmem>>, vector<256x1xi32>,
    %swap3A_417 = arith.constant 0 : index
    %swap3A_418 = arith.constant 11 : index
    %swap3A_419 = vector.load %arg4[%swap3A_417, %swap3A_418] : memref<256x32xi32, #tpu.memory_space<vmem>>, vector<256x1xi32>
    tpu.vector_store %arg4[%swap3A_417, %swap3A_418], %broadcast_in_dim3A_397 {strides = array<i32>} : memref<256x32xi32, #tpu.memory_space<vmem>>, vector<256x1xi32>,
    %reduce_min3A_420 = arith.constant dense<0x7F800000> : vector<256xf32>
    %reduce_min3A_421 = vector.multi_reduction <minimumf>, %select_n3A_402, %reduce_min3A_420 [1] : vector<256x256xf32> to vector<256xf32>
    %broadcast_in_dim3A_422 = vector.shape_cast %reduce_min3A_421 : vector<256xf32> to vector<256x1xf32>
    %eq3A_423 = vector.broadcast %broadcast_in_dim3A_422 : vector<256x1xf32> to vector<256x256xf32>
    %eq3A_424 = arith.cmpf oeq, %select_n3A_402, %eq3A_423 : vector<256x256xf32>
    %jit3A_425 = arith.constant 1073741824 : i32
    %broadcast_in_dim3A_426 = vector.broadcast %jit3A_425 : i32 to vector<256x256xi32>
    %select_n3A_427 = arith.select %eq3A_424, %iota3A_17, %broadcast_in_dim3A_426 : vector<256x256xi1>, vector<256x256xi32>
    %reduce_min3A_428 = arith.constant dense<2147483647> : vector<256xi32>
    %reduce_min3A_429 = vector.multi_reduction <minsi>, %select_n3A_427, %reduce_min3A_428 [1] : vector<256x256xi32> to vector<256xi32>
    %broadcast_in_dim3A_430 = vector.shape_cast %reduce_min3A_429 : vector<256xi32> to vector<256x1xi32>
    %eq3A_431 = vector.broadcast %broadcast_in_dim3A_430 : vector<256x1xi32> to vector<256x256xi32>
    %eq3A_432 = arith.cmpi eq, %iota3A_17, %eq3A_431 : vector<256x256xi32>
    %jit3A_433 = arith.constant 1.000000e+30 : f32
    %broadcast_in_dim3A_434 = vector.broadcast %jit3A_433 : f32 to vector<256x256xf32>
    %select_n3A_435 = arith.select %eq3A_432, %broadcast_in_dim3A_434, %select_n3A_402 : vector<256x256xi1>, vector<256x256xf32>
    %mul3A_436 = arith.constant 256 : i32
    %mul3A_437 = vector.broadcast %mul3A_436 : i32 to vector<256x1xi32>
    %mul3A_438 = arith.muli %iota3A_25, %mul3A_437 : vector<256x1xi32>
    %add3A_439 = arith.addi %broadcast_in_dim3A_430, %mul3A_438 : vector<256x1xi32>
    %swap3A_440 = arith.constant 0 : index
    %swap3A_441 = arith.constant 12 : index
    %swap3A_442 = vector.load %arg2[%swap3A_440, %swap3A_441] : memref<256x32xi32, #tpu.memory_space<vmem>>, vector<256x1xi32>
    tpu.vector_store %arg2[%swap3A_440, %swap3A_441], %add3A_439 {strides = array<i32>} : memref<256x32xi32, #tpu.memory_space<vmem>>, vector<256x1xi32>,
    %mul3A_443 = arith.constant 256 : i32
    %mul3A_444 = vector.broadcast %mul3A_443 : i32 to vector<256x1xi32>
    %mul3A_445 = arith.muli %broadcast_in_dim3A_430, %mul3A_444 : vector<256x1xi32>
    %add3A_446 = arith.addi %mul3A_445, %iota3A_25 : vector<256x1xi32>
    %swap3A_447 = arith.constant 0 : index
    %swap3A_448 = arith.constant 12 : index
    %swap3A_449 = vector.load %arg3[%swap3A_447, %swap3A_448] : memref<256x32xi32, #tpu.memory_space<vmem>>, vector<256x1xi32>
    tpu.vector_store %arg3[%swap3A_447, %swap3A_448], %add3A_446 {strides = array<i32>} : memref<256x32xi32, #tpu.memory_space<vmem>>, vector<256x1xi32>,
    %swap3A_450 = arith.constant 0 : index
    %swap3A_451 = arith.constant 12 : index
    %swap3A_452 = vector.load %arg4[%swap3A_450, %swap3A_451] : memref<256x32xi32, #tpu.memory_space<vmem>>, vector<256x1xi32>
    tpu.vector_store %arg4[%swap3A_450, %swap3A_451], %broadcast_in_dim3A_430 {strides = array<i32>} : memref<256x32xi32, #tpu.memory_space<vmem>>, vector<256x1xi32>,
    %reduce_min3A_453 = arith.constant dense<0x7F800000> : vector<256xf32>
    %reduce_min3A_454 = vector.multi_reduction <minimumf>, %select_n3A_435, %reduce_min3A_453 [1] : vector<256x256xf32> to vector<256xf32>
    %broadcast_in_dim3A_455 = vector.shape_cast %reduce_min3A_454 : vector<256xf32> to vector<256x1xf32>
    %eq3A_456 = vector.broadcast %broadcast_in_dim3A_455 : vector<256x1xf32> to vector<256x256xf32>
    %eq3A_457 = arith.cmpf oeq, %select_n3A_435, %eq3A_456 : vector<256x256xf32>
    %jit3A_458 = arith.constant 1073741824 : i32
    %broadcast_in_dim3A_459 = vector.broadcast %jit3A_458 : i32 to vector<256x256xi32>
    %select_n3A_460 = arith.select %eq3A_457, %iota3A_17, %broadcast_in_dim3A_459 : vector<256x256xi1>, vector<256x256xi32>
    %reduce_min3A_461 = arith.constant dense<2147483647> : vector<256xi32>
    %reduce_min3A_462 = vector.multi_reduction <minsi>, %select_n3A_460, %reduce_min3A_461 [1] : vector<256x256xi32> to vector<256xi32>
    %broadcast_in_dim3A_463 = vector.shape_cast %reduce_min3A_462 : vector<256xi32> to vector<256x1xi32>
    %eq3A_464 = vector.broadcast %broadcast_in_dim3A_463 : vector<256x1xi32> to vector<256x256xi32>
    %eq3A_465 = arith.cmpi eq, %iota3A_17, %eq3A_464 : vector<256x256xi32>
    %jit3A_466 = arith.constant 1.000000e+30 : f32
    %broadcast_in_dim3A_467 = vector.broadcast %jit3A_466 : f32 to vector<256x256xf32>
    %select_n3A_468 = arith.select %eq3A_465, %broadcast_in_dim3A_467, %select_n3A_435 : vector<256x256xi1>, vector<256x256xf32>
    %mul3A_469 = arith.constant 256 : i32
    %mul3A_470 = vector.broadcast %mul3A_469 : i32 to vector<256x1xi32>
    %mul3A_471 = arith.muli %iota3A_25, %mul3A_470 : vector<256x1xi32>
    %add3A_472 = arith.addi %broadcast_in_dim3A_463, %mul3A_471 : vector<256x1xi32>
    %swap3A_473 = arith.constant 0 : index
    %swap3A_474 = arith.constant 13 : index
    %swap3A_475 = vector.load %arg2[%swap3A_473, %swap3A_474] : memref<256x32xi32, #tpu.memory_space<vmem>>, vector<256x1xi32>
    tpu.vector_store %arg2[%swap3A_473, %swap3A_474], %add3A_472 {strides = array<i32>} : memref<256x32xi32, #tpu.memory_space<vmem>>, vector<256x1xi32>,
    %mul3A_476 = arith.constant 256 : i32
    %mul3A_477 = vector.broadcast %mul3A_476 : i32 to vector<256x1xi32>
    %mul3A_478 = arith.muli %broadcast_in_dim3A_463, %mul3A_477 : vector<256x1xi32>
    %add3A_479 = arith.addi %mul3A_478, %iota3A_25 : vector<256x1xi32>
    %swap3A_480 = arith.constant 0 : index
    %swap3A_481 = arith.constant 13 : index
    %swap3A_482 = vector.load %arg3[%swap3A_480, %swap3A_481] : memref<256x32xi32, #tpu.memory_space<vmem>>, vector<256x1xi32>
    tpu.vector_store %arg3[%swap3A_480, %swap3A_481], %add3A_479 {strides = array<i32>} : memref<256x32xi32, #tpu.memory_space<vmem>>, vector<256x1xi32>,
    %swap3A_483 = arith.constant 0 : index
    %swap3A_484 = arith.constant 13 : index
    %swap3A_485 = vector.load %arg4[%swap3A_483, %swap3A_484] : memref<256x32xi32, #tpu.memory_space<vmem>>, vector<256x1xi32>
    tpu.vector_store %arg4[%swap3A_483, %swap3A_484], %broadcast_in_dim3A_463 {strides = array<i32>} : memref<256x32xi32, #tpu.memory_space<vmem>>, vector<256x1xi32>,
    %reduce_min3A_486 = arith.constant dense<0x7F800000> : vector<256xf32>
    %reduce_min3A_487 = vector.multi_reduction <minimumf>, %select_n3A_468, %reduce_min3A_486 [1] : vector<256x256xf32> to vector<256xf32>
    %broadcast_in_dim3A_488 = vector.shape_cast %reduce_min3A_487 : vector<256xf32> to vector<256x1xf32>
    %eq3A_489 = vector.broadcast %broadcast_in_dim3A_488 : vector<256x1xf32> to vector<256x256xf32>
    %eq3A_490 = arith.cmpf oeq, %select_n3A_468, %eq3A_489 : vector<256x256xf32>
    %jit3A_491 = arith.constant 1073741824 : i32
    %broadcast_in_dim3A_492 = vector.broadcast %jit3A_491 : i32 to vector<256x256xi32>
    %select_n3A_493 = arith.select %eq3A_490, %iota3A_17, %broadcast_in_dim3A_492 : vector<256x256xi1>, vector<256x256xi32>
    %reduce_min3A_494 = arith.constant dense<2147483647> : vector<256xi32>
    %reduce_min3A_495 = vector.multi_reduction <minsi>, %select_n3A_493, %reduce_min3A_494 [1] : vector<256x256xi32> to vector<256xi32>
    %broadcast_in_dim3A_496 = vector.shape_cast %reduce_min3A_495 : vector<256xi32> to vector<256x1xi32>
    %eq3A_497 = vector.broadcast %broadcast_in_dim3A_496 : vector<256x1xi32> to vector<256x256xi32>
    %eq3A_498 = arith.cmpi eq, %iota3A_17, %eq3A_497 : vector<256x256xi32>
    %jit3A_499 = arith.constant 1.000000e+30 : f32
    %broadcast_in_dim3A_500 = vector.broadcast %jit3A_499 : f32 to vector<256x256xf32>
    %select_n3A_501 = arith.select %eq3A_498, %broadcast_in_dim3A_500, %select_n3A_468 : vector<256x256xi1>, vector<256x256xf32>
    %mul3A_502 = arith.constant 256 : i32
    %mul3A_503 = vector.broadcast %mul3A_502 : i32 to vector<256x1xi32>
    %mul3A_504 = arith.muli %iota3A_25, %mul3A_503 : vector<256x1xi32>
    %add3A_505 = arith.addi %broadcast_in_dim3A_496, %mul3A_504 : vector<256x1xi32>
    %swap3A_506 = arith.constant 0 : index
    %swap3A_507 = arith.constant 14 : index
    %swap3A_508 = vector.load %arg2[%swap3A_506, %swap3A_507] : memref<256x32xi32, #tpu.memory_space<vmem>>, vector<256x1xi32>
    tpu.vector_store %arg2[%swap3A_506, %swap3A_507], %add3A_505 {strides = array<i32>} : memref<256x32xi32, #tpu.memory_space<vmem>>, vector<256x1xi32>,
    %mul3A_509 = arith.constant 256 : i32
    %mul3A_510 = vector.broadcast %mul3A_509 : i32 to vector<256x1xi32>
    %mul3A_511 = arith.muli %broadcast_in_dim3A_496, %mul3A_510 : vector<256x1xi32>
    %add3A_512 = arith.addi %mul3A_511, %iota3A_25 : vector<256x1xi32>
    %swap3A_513 = arith.constant 0 : index
    %swap3A_514 = arith.constant 14 : index
    %swap3A_515 = vector.load %arg3[%swap3A_513, %swap3A_514] : memref<256x32xi32, #tpu.memory_space<vmem>>, vector<256x1xi32>
    tpu.vector_store %arg3[%swap3A_513, %swap3A_514], %add3A_512 {strides = array<i32>} : memref<256x32xi32, #tpu.memory_space<vmem>>, vector<256x1xi32>,
    %swap3A_516 = arith.constant 0 : index
    %swap3A_517 = arith.constant 14 : index
    %swap3A_518 = vector.load %arg4[%swap3A_516, %swap3A_517] : memref<256x32xi32, #tpu.memory_space<vmem>>, vector<256x1xi32>
    tpu.vector_store %arg4[%swap3A_516, %swap3A_517], %broadcast_in_dim3A_496 {strides = array<i32>} : memref<256x32xi32, #tpu.memory_space<vmem>>, vector<256x1xi32>,
    %reduce_min3A_519 = arith.constant dense<0x7F800000> : vector<256xf32>
    %reduce_min3A_520 = vector.multi_reduction <minimumf>, %select_n3A_501, %reduce_min3A_519 [1] : vector<256x256xf32> to vector<256xf32>
    %broadcast_in_dim3A_521 = vector.shape_cast %reduce_min3A_520 : vector<256xf32> to vector<256x1xf32>
    %eq3A_522 = vector.broadcast %broadcast_in_dim3A_521 : vector<256x1xf32> to vector<256x256xf32>
    %eq3A_523 = arith.cmpf oeq, %select_n3A_501, %eq3A_522 : vector<256x256xf32>
    %jit3A_524 = arith.constant 1073741824 : i32
    %broadcast_in_dim3A_525 = vector.broadcast %jit3A_524 : i32 to vector<256x256xi32>
    %select_n3A_526 = arith.select %eq3A_523, %iota3A_17, %broadcast_in_dim3A_525 : vector<256x256xi1>, vector<256x256xi32>
    %reduce_min3A_527 = arith.constant dense<2147483647> : vector<256xi32>
    %reduce_min3A_528 = vector.multi_reduction <minsi>, %select_n3A_526, %reduce_min3A_527 [1] : vector<256x256xi32> to vector<256xi32>
    %broadcast_in_dim3A_529 = vector.shape_cast %reduce_min3A_528 : vector<256xi32> to vector<256x1xi32>
    %eq3A_530 = vector.broadcast %broadcast_in_dim3A_529 : vector<256x1xi32> to vector<256x256xi32>
    %eq3A_531 = arith.cmpi eq, %iota3A_17, %eq3A_530 : vector<256x256xi32>
    %jit3A_532 = arith.constant 1.000000e+30 : f32
    %broadcast_in_dim3A_533 = vector.broadcast %jit3A_532 : f32 to vector<256x256xf32>
    %select_n3A_534 = arith.select %eq3A_531, %broadcast_in_dim3A_533, %select_n3A_501 : vector<256x256xi1>, vector<256x256xf32>
    %mul3A_535 = arith.constant 256 : i32
    %mul3A_536 = vector.broadcast %mul3A_535 : i32 to vector<256x1xi32>
    %mul3A_537 = arith.muli %iota3A_25, %mul3A_536 : vector<256x1xi32>
    %add3A_538 = arith.addi %broadcast_in_dim3A_529, %mul3A_537 : vector<256x1xi32>
    %swap3A_539 = arith.constant 0 : index
    %swap3A_540 = arith.constant 15 : index
    %swap3A_541 = vector.load %arg2[%swap3A_539, %swap3A_540] : memref<256x32xi32, #tpu.memory_space<vmem>>, vector<256x1xi32>
    tpu.vector_store %arg2[%swap3A_539, %swap3A_540], %add3A_538 {strides = array<i32>} : memref<256x32xi32, #tpu.memory_space<vmem>>, vector<256x1xi32>,
    %mul3A_542 = arith.constant 256 : i32
    %mul3A_543 = vector.broadcast %mul3A_542 : i32 to vector<256x1xi32>
    %mul3A_544 = arith.muli %broadcast_in_dim3A_529, %mul3A_543 : vector<256x1xi32>
    %add3A_545 = arith.addi %mul3A_544, %iota3A_25 : vector<256x1xi32>
    %swap3A_546 = arith.constant 0 : index
    %swap3A_547 = arith.constant 15 : index
    %swap3A_548 = vector.load %arg3[%swap3A_546, %swap3A_547] : memref<256x32xi32, #tpu.memory_space<vmem>>, vector<256x1xi32>
    tpu.vector_store %arg3[%swap3A_546, %swap3A_547], %add3A_545 {strides = array<i32>} : memref<256x32xi32, #tpu.memory_space<vmem>>, vector<256x1xi32>,
    %swap3A_549 = arith.constant 0 : index
    %swap3A_550 = arith.constant 15 : index
    %swap3A_551 = vector.load %arg4[%swap3A_549, %swap3A_550] : memref<256x32xi32, #tpu.memory_space<vmem>>, vector<256x1xi32>
    tpu.vector_store %arg4[%swap3A_549, %swap3A_550], %broadcast_in_dim3A_529 {strides = array<i32>} : memref<256x32xi32, #tpu.memory_space<vmem>>, vector<256x1xi32>,
    %reduce_min3A_552 = arith.constant dense<0x7F800000> : vector<256xf32>
    %reduce_min3A_553 = vector.multi_reduction <minimumf>, %select_n3A_534, %reduce_min3A_552 [1] : vector<256x256xf32> to vector<256xf32>
    %broadcast_in_dim3A_554 = vector.shape_cast %reduce_min3A_553 : vector<256xf32> to vector<256x1xf32>
    %eq3A_555 = vector.broadcast %broadcast_in_dim3A_554 : vector<256x1xf32> to vector<256x256xf32>
    %eq3A_556 = arith.cmpf oeq, %select_n3A_534, %eq3A_555 : vector<256x256xf32>
    %jit3A_557 = arith.constant 1073741824 : i32
    %broadcast_in_dim3A_558 = vector.broadcast %jit3A_557 : i32 to vector<256x256xi32>
    %select_n3A_559 = arith.select %eq3A_556, %iota3A_17, %broadcast_in_dim3A_558 : vector<256x256xi1>, vector<256x256xi32>
    %reduce_min3A_560 = arith.constant dense<2147483647> : vector<256xi32>
    %reduce_min3A_561 = vector.multi_reduction <minsi>, %select_n3A_559, %reduce_min3A_560 [1] : vector<256x256xi32> to vector<256xi32>
    %broadcast_in_dim3A_562 = vector.shape_cast %reduce_min3A_561 : vector<256xi32> to vector<256x1xi32>
    %eq3A_563 = vector.broadcast %broadcast_in_dim3A_562 : vector<256x1xi32> to vector<256x256xi32>
    %eq3A_564 = arith.cmpi eq, %iota3A_17, %eq3A_563 : vector<256x256xi32>
    %jit3A_565 = arith.constant 1.000000e+30 : f32
    %broadcast_in_dim3A_566 = vector.broadcast %jit3A_565 : f32 to vector<256x256xf32>
    %select_n3A_567 = arith.select %eq3A_564, %broadcast_in_dim3A_566, %select_n3A_534 : vector<256x256xi1>, vector<256x256xf32>
    %mul3A_568 = arith.constant 256 : i32
    %mul3A_569 = vector.broadcast %mul3A_568 : i32 to vector<256x1xi32>
    %mul3A_570 = arith.muli %iota3A_25, %mul3A_569 : vector<256x1xi32>
    %add3A_571 = arith.addi %broadcast_in_dim3A_562, %mul3A_570 : vector<256x1xi32>
    %swap3A_572 = arith.constant 0 : index
    %swap3A_573 = arith.constant 16 : index
    %swap3A_574 = vector.load %arg2[%swap3A_572, %swap3A_573] : memref<256x32xi32, #tpu.memory_space<vmem>>, vector<256x1xi32>
    tpu.vector_store %arg2[%swap3A_572, %swap3A_573], %add3A_571 {strides = array<i32>} : memref<256x32xi32, #tpu.memory_space<vmem>>, vector<256x1xi32>,
    %mul3A_575 = arith.constant 256 : i32
    %mul3A_576 = vector.broadcast %mul3A_575 : i32 to vector<256x1xi32>
    %mul3A_577 = arith.muli %broadcast_in_dim3A_562, %mul3A_576 : vector<256x1xi32>
    %add3A_578 = arith.addi %mul3A_577, %iota3A_25 : vector<256x1xi32>
    %swap3A_579 = arith.constant 0 : index
    %swap3A_580 = arith.constant 16 : index
    %swap3A_581 = vector.load %arg3[%swap3A_579, %swap3A_580] : memref<256x32xi32, #tpu.memory_space<vmem>>, vector<256x1xi32>
    tpu.vector_store %arg3[%swap3A_579, %swap3A_580], %add3A_578 {strides = array<i32>} : memref<256x32xi32, #tpu.memory_space<vmem>>, vector<256x1xi32>,
    %swap3A_582 = arith.constant 0 : index
    %swap3A_583 = arith.constant 16 : index
    %swap3A_584 = vector.load %arg4[%swap3A_582, %swap3A_583] : memref<256x32xi32, #tpu.memory_space<vmem>>, vector<256x1xi32>
    tpu.vector_store %arg4[%swap3A_582, %swap3A_583], %broadcast_in_dim3A_562 {strides = array<i32>} : memref<256x32xi32, #tpu.memory_space<vmem>>, vector<256x1xi32>,
    %reduce_min3A_585 = arith.constant dense<0x7F800000> : vector<256xf32>
    %reduce_min3A_586 = vector.multi_reduction <minimumf>, %select_n3A_567, %reduce_min3A_585 [1] : vector<256x256xf32> to vector<256xf32>
    %broadcast_in_dim3A_587 = vector.shape_cast %reduce_min3A_586 : vector<256xf32> to vector<256x1xf32>
    %eq3A_588 = vector.broadcast %broadcast_in_dim3A_587 : vector<256x1xf32> to vector<256x256xf32>
    %eq3A_589 = arith.cmpf oeq, %select_n3A_567, %eq3A_588 : vector<256x256xf32>
    %jit3A_590 = arith.constant 1073741824 : i32
    %broadcast_in_dim3A_591 = vector.broadcast %jit3A_590 : i32 to vector<256x256xi32>
    %select_n3A_592 = arith.select %eq3A_589, %iota3A_17, %broadcast_in_dim3A_591 : vector<256x256xi1>, vector<256x256xi32>
    %reduce_min3A_593 = arith.constant dense<2147483647> : vector<256xi32>
    %reduce_min3A_594 = vector.multi_reduction <minsi>, %select_n3A_592, %reduce_min3A_593 [1] : vector<256x256xi32> to vector<256xi32>
    %broadcast_in_dim3A_595 = vector.shape_cast %reduce_min3A_594 : vector<256xi32> to vector<256x1xi32>
    %eq3A_596 = vector.broadcast %broadcast_in_dim3A_595 : vector<256x1xi32> to vector<256x256xi32>
    %eq3A_597 = arith.cmpi eq, %iota3A_17, %eq3A_596 : vector<256x256xi32>
    %jit3A_598 = arith.constant 1.000000e+30 : f32
    %broadcast_in_dim3A_599 = vector.broadcast %jit3A_598 : f32 to vector<256x256xf32>
    %select_n3A_600 = arith.select %eq3A_597, %broadcast_in_dim3A_599, %select_n3A_567 : vector<256x256xi1>, vector<256x256xf32>
    %mul3A_601 = arith.constant 256 : i32
    %mul3A_602 = vector.broadcast %mul3A_601 : i32 to vector<256x1xi32>
    %mul3A_603 = arith.muli %iota3A_25, %mul3A_602 : vector<256x1xi32>
    %add3A_604 = arith.addi %broadcast_in_dim3A_595, %mul3A_603 : vector<256x1xi32>
    %swap3A_605 = arith.constant 0 : index
    %swap3A_606 = arith.constant 17 : index
    %swap3A_607 = vector.load %arg2[%swap3A_605, %swap3A_606] : memref<256x32xi32, #tpu.memory_space<vmem>>, vector<256x1xi32>
    tpu.vector_store %arg2[%swap3A_605, %swap3A_606], %add3A_604 {strides = array<i32>} : memref<256x32xi32, #tpu.memory_space<vmem>>, vector<256x1xi32>,
    %mul3A_608 = arith.constant 256 : i32
    %mul3A_609 = vector.broadcast %mul3A_608 : i32 to vector<256x1xi32>
    %mul3A_610 = arith.muli %broadcast_in_dim3A_595, %mul3A_609 : vector<256x1xi32>
    %add3A_611 = arith.addi %mul3A_610, %iota3A_25 : vector<256x1xi32>
    %swap3A_612 = arith.constant 0 : index
    %swap3A_613 = arith.constant 17 : index
    %swap3A_614 = vector.load %arg3[%swap3A_612, %swap3A_613] : memref<256x32xi32, #tpu.memory_space<vmem>>, vector<256x1xi32>
    tpu.vector_store %arg3[%swap3A_612, %swap3A_613], %add3A_611 {strides = array<i32>} : memref<256x32xi32, #tpu.memory_space<vmem>>, vector<256x1xi32>,
    %swap3A_615 = arith.constant 0 : index
    %swap3A_616 = arith.constant 17 : index
    %swap3A_617 = vector.load %arg4[%swap3A_615, %swap3A_616] : memref<256x32xi32, #tpu.memory_space<vmem>>, vector<256x1xi32>
    tpu.vector_store %arg4[%swap3A_615, %swap3A_616], %broadcast_in_dim3A_595 {strides = array<i32>} : memref<256x32xi32, #tpu.memory_space<vmem>>, vector<256x1xi32>,
    %reduce_min3A_618 = arith.constant dense<0x7F800000> : vector<256xf32>
    %reduce_min3A_619 = vector.multi_reduction <minimumf>, %select_n3A_600, %reduce_min3A_618 [1] : vector<256x256xf32> to vector<256xf32>
    %broadcast_in_dim3A_620 = vector.shape_cast %reduce_min3A_619 : vector<256xf32> to vector<256x1xf32>
    %eq3A_621 = vector.broadcast %broadcast_in_dim3A_620 : vector<256x1xf32> to vector<256x256xf32>
    %eq3A_622 = arith.cmpf oeq, %select_n3A_600, %eq3A_621 : vector<256x256xf32>
    %jit3A_623 = arith.constant 1073741824 : i32
    %broadcast_in_dim3A_624 = vector.broadcast %jit3A_623 : i32 to vector<256x256xi32>
    %select_n3A_625 = arith.select %eq3A_622, %iota3A_17, %broadcast_in_dim3A_624 : vector<256x256xi1>, vector<256x256xi32>
    %reduce_min3A_626 = arith.constant dense<2147483647> : vector<256xi32>
    %reduce_min3A_627 = vector.multi_reduction <minsi>, %select_n3A_625, %reduce_min3A_626 [1] : vector<256x256xi32> to vector<256xi32>
    %broadcast_in_dim3A_628 = vector.shape_cast %reduce_min3A_627 : vector<256xi32> to vector<256x1xi32>
    %eq3A_629 = vector.broadcast %broadcast_in_dim3A_628 : vector<256x1xi32> to vector<256x256xi32>
    %eq3A_630 = arith.cmpi eq, %iota3A_17, %eq3A_629 : vector<256x256xi32>
    %jit3A_631 = arith.constant 1.000000e+30 : f32
    %broadcast_in_dim3A_632 = vector.broadcast %jit3A_631 : f32 to vector<256x256xf32>
    %select_n3A_633 = arith.select %eq3A_630, %broadcast_in_dim3A_632, %select_n3A_600 : vector<256x256xi1>, vector<256x256xf32>
    %mul3A_634 = arith.constant 256 : i32
    %mul3A_635 = vector.broadcast %mul3A_634 : i32 to vector<256x1xi32>
    %mul3A_636 = arith.muli %iota3A_25, %mul3A_635 : vector<256x1xi32>
    %add3A_637 = arith.addi %broadcast_in_dim3A_628, %mul3A_636 : vector<256x1xi32>
    %swap3A_638 = arith.constant 0 : index
    %swap3A_639 = arith.constant 18 : index
    %swap3A_640 = vector.load %arg2[%swap3A_638, %swap3A_639] : memref<256x32xi32, #tpu.memory_space<vmem>>, vector<256x1xi32>
    tpu.vector_store %arg2[%swap3A_638, %swap3A_639], %add3A_637 {strides = array<i32>} : memref<256x32xi32, #tpu.memory_space<vmem>>, vector<256x1xi32>,
    %mul3A_641 = arith.constant 256 : i32
    %mul3A_642 = vector.broadcast %mul3A_641 : i32 to vector<256x1xi32>
    %mul3A_643 = arith.muli %broadcast_in_dim3A_628, %mul3A_642 : vector<256x1xi32>
    %add3A_644 = arith.addi %mul3A_643, %iota3A_25 : vector<256x1xi32>
    %swap3A_645 = arith.constant 0 : index
    %swap3A_646 = arith.constant 18 : index
    %swap3A_647 = vector.load %arg3[%swap3A_645, %swap3A_646] : memref<256x32xi32, #tpu.memory_space<vmem>>, vector<256x1xi32>
    tpu.vector_store %arg3[%swap3A_645, %swap3A_646], %add3A_644 {strides = array<i32>} : memref<256x32xi32, #tpu.memory_space<vmem>>, vector<256x1xi32>,
    %swap3A_648 = arith.constant 0 : index
    %swap3A_649 = arith.constant 18 : index
    %swap3A_650 = vector.load %arg4[%swap3A_648, %swap3A_649] : memref<256x32xi32, #tpu.memory_space<vmem>>, vector<256x1xi32>
    tpu.vector_store %arg4[%swap3A_648, %swap3A_649], %broadcast_in_dim3A_628 {strides = array<i32>} : memref<256x32xi32, #tpu.memory_space<vmem>>, vector<256x1xi32>,
    %reduce_min3A_651 = arith.constant dense<0x7F800000> : vector<256xf32>
    %reduce_min3A_652 = vector.multi_reduction <minimumf>, %select_n3A_633, %reduce_min3A_651 [1] : vector<256x256xf32> to vector<256xf32>
    %broadcast_in_dim3A_653 = vector.shape_cast %reduce_min3A_652 : vector<256xf32> to vector<256x1xf32>
    %eq3A_654 = vector.broadcast %broadcast_in_dim3A_653 : vector<256x1xf32> to vector<256x256xf32>
    %eq3A_655 = arith.cmpf oeq, %select_n3A_633, %eq3A_654 : vector<256x256xf32>
    %jit3A_656 = arith.constant 1073741824 : i32
    %broadcast_in_dim3A_657 = vector.broadcast %jit3A_656 : i32 to vector<256x256xi32>
    %select_n3A_658 = arith.select %eq3A_655, %iota3A_17, %broadcast_in_dim3A_657 : vector<256x256xi1>, vector<256x256xi32>
    %reduce_min3A_659 = arith.constant dense<2147483647> : vector<256xi32>
    %reduce_min3A_660 = vector.multi_reduction <minsi>, %select_n3A_658, %reduce_min3A_659 [1] : vector<256x256xi32> to vector<256xi32>
    %broadcast_in_dim3A_661 = vector.shape_cast %reduce_min3A_660 : vector<256xi32> to vector<256x1xi32>
    %eq3A_662 = vector.broadcast %broadcast_in_dim3A_661 : vector<256x1xi32> to vector<256x256xi32>
    %eq3A_663 = arith.cmpi eq, %iota3A_17, %eq3A_662 : vector<256x256xi32>
    %jit3A_664 = arith.constant 1.000000e+30 : f32
    %broadcast_in_dim3A_665 = vector.broadcast %jit3A_664 : f32 to vector<256x256xf32>
    %select_n3A_666 = arith.select %eq3A_663, %broadcast_in_dim3A_665, %select_n3A_633 : vector<256x256xi1>, vector<256x256xf32>
    %mul3A_667 = arith.constant 256 : i32
    %mul3A_668 = vector.broadcast %mul3A_667 : i32 to vector<256x1xi32>
    %mul3A_669 = arith.muli %iota3A_25, %mul3A_668 : vector<256x1xi32>
    %add3A_670 = arith.addi %broadcast_in_dim3A_661, %mul3A_669 : vector<256x1xi32>
    %swap3A_671 = arith.constant 0 : index
    %swap3A_672 = arith.constant 19 : index
    %swap3A_673 = vector.load %arg2[%swap3A_671, %swap3A_672] : memref<256x32xi32, #tpu.memory_space<vmem>>, vector<256x1xi32>
    tpu.vector_store %arg2[%swap3A_671, %swap3A_672], %add3A_670 {strides = array<i32>} : memref<256x32xi32, #tpu.memory_space<vmem>>, vector<256x1xi32>,
    %mul3A_674 = arith.constant 256 : i32
    %mul3A_675 = vector.broadcast %mul3A_674 : i32 to vector<256x1xi32>
    %mul3A_676 = arith.muli %broadcast_in_dim3A_661, %mul3A_675 : vector<256x1xi32>
    %add3A_677 = arith.addi %mul3A_676, %iota3A_25 : vector<256x1xi32>
    %swap3A_678 = arith.constant 0 : index
    %swap3A_679 = arith.constant 19 : index
    %swap3A_680 = vector.load %arg3[%swap3A_678, %swap3A_679] : memref<256x32xi32, #tpu.memory_space<vmem>>, vector<256x1xi32>
    tpu.vector_store %arg3[%swap3A_678, %swap3A_679], %add3A_677 {strides = array<i32>} : memref<256x32xi32, #tpu.memory_space<vmem>>, vector<256x1xi32>,
    %swap3A_681 = arith.constant 0 : index
    %swap3A_682 = arith.constant 19 : index
    %swap3A_683 = vector.load %arg4[%swap3A_681, %swap3A_682] : memref<256x32xi32, #tpu.memory_space<vmem>>, vector<256x1xi32>
    tpu.vector_store %arg4[%swap3A_681, %swap3A_682], %broadcast_in_dim3A_661 {strides = array<i32>} : memref<256x32xi32, #tpu.memory_space<vmem>>, vector<256x1xi32>,
    %reduce_min3A_684 = arith.constant dense<0x7F800000> : vector<256xf32>
    %reduce_min3A_685 = vector.multi_reduction <minimumf>, %select_n3A_666, %reduce_min3A_684 [1] : vector<256x256xf32> to vector<256xf32>
    %broadcast_in_dim3A_686 = vector.shape_cast %reduce_min3A_685 : vector<256xf32> to vector<256x1xf32>
    %eq3A_687 = vector.broadcast %broadcast_in_dim3A_686 : vector<256x1xf32> to vector<256x256xf32>
    %eq3A_688 = arith.cmpf oeq, %select_n3A_666, %eq3A_687 : vector<256x256xf32>
    %jit3A_689 = arith.constant 1073741824 : i32
    %broadcast_in_dim3A_690 = vector.broadcast %jit3A_689 : i32 to vector<256x256xi32>
    %select_n3A_691 = arith.select %eq3A_688, %iota3A_17, %broadcast_in_dim3A_690 : vector<256x256xi1>, vector<256x256xi32>
    %reduce_min3A_692 = arith.constant dense<2147483647> : vector<256xi32>
    %reduce_min3A_693 = vector.multi_reduction <minsi>, %select_n3A_691, %reduce_min3A_692 [1] : vector<256x256xi32> to vector<256xi32>
    %broadcast_in_dim3A_694 = vector.shape_cast %reduce_min3A_693 : vector<256xi32> to vector<256x1xi32>
    %eq3A_695 = vector.broadcast %broadcast_in_dim3A_694 : vector<256x1xi32> to vector<256x256xi32>
    %eq3A_696 = arith.cmpi eq, %iota3A_17, %eq3A_695 : vector<256x256xi32>
    %jit3A_697 = arith.constant 1.000000e+30 : f32
    %broadcast_in_dim3A_698 = vector.broadcast %jit3A_697 : f32 to vector<256x256xf32>
    %select_n3A_699 = arith.select %eq3A_696, %broadcast_in_dim3A_698, %select_n3A_666 : vector<256x256xi1>, vector<256x256xf32>
    %mul3A_700 = arith.constant 256 : i32
    %mul3A_701 = vector.broadcast %mul3A_700 : i32 to vector<256x1xi32>
    %mul3A_702 = arith.muli %iota3A_25, %mul3A_701 : vector<256x1xi32>
    %add3A_703 = arith.addi %broadcast_in_dim3A_694, %mul3A_702 : vector<256x1xi32>
    %swap3A_704 = arith.constant 0 : index
    %swap3A_705 = arith.constant 20 : index
    %swap3A_706 = vector.load %arg2[%swap3A_704, %swap3A_705] : memref<256x32xi32, #tpu.memory_space<vmem>>, vector<256x1xi32>
    tpu.vector_store %arg2[%swap3A_704, %swap3A_705], %add3A_703 {strides = array<i32>} : memref<256x32xi32, #tpu.memory_space<vmem>>, vector<256x1xi32>,
    %mul3A_707 = arith.constant 256 : i32
    %mul3A_708 = vector.broadcast %mul3A_707 : i32 to vector<256x1xi32>
    %mul3A_709 = arith.muli %broadcast_in_dim3A_694, %mul3A_708 : vector<256x1xi32>
    %add3A_710 = arith.addi %mul3A_709, %iota3A_25 : vector<256x1xi32>
    %swap3A_711 = arith.constant 0 : index
    %swap3A_712 = arith.constant 20 : index
    %swap3A_713 = vector.load %arg3[%swap3A_711, %swap3A_712] : memref<256x32xi32, #tpu.memory_space<vmem>>, vector<256x1xi32>
    tpu.vector_store %arg3[%swap3A_711, %swap3A_712], %add3A_710 {strides = array<i32>} : memref<256x32xi32, #tpu.memory_space<vmem>>, vector<256x1xi32>,
    %swap3A_714 = arith.constant 0 : index
    %swap3A_715 = arith.constant 20 : index
    %swap3A_716 = vector.load %arg4[%swap3A_714, %swap3A_715] : memref<256x32xi32, #tpu.memory_space<vmem>>, vector<256x1xi32>
    tpu.vector_store %arg4[%swap3A_714, %swap3A_715], %broadcast_in_dim3A_694 {strides = array<i32>} : memref<256x32xi32, #tpu.memory_space<vmem>>, vector<256x1xi32>,
    %reduce_min3A_717 = arith.constant dense<0x7F800000> : vector<256xf32>
    %reduce_min3A_718 = vector.multi_reduction <minimumf>, %select_n3A_699, %reduce_min3A_717 [1] : vector<256x256xf32> to vector<256xf32>
    %broadcast_in_dim3A_719 = vector.shape_cast %reduce_min3A_718 : vector<256xf32> to vector<256x1xf32>
    %eq3A_720 = vector.broadcast %broadcast_in_dim3A_719 : vector<256x1xf32> to vector<256x256xf32>
    %eq3A_721 = arith.cmpf oeq, %select_n3A_699, %eq3A_720 : vector<256x256xf32>
    %jit3A_722 = arith.constant 1073741824 : i32
    %broadcast_in_dim3A_723 = vector.broadcast %jit3A_722 : i32 to vector<256x256xi32>
    %select_n3A_724 = arith.select %eq3A_721, %iota3A_17, %broadcast_in_dim3A_723 : vector<256x256xi1>, vector<256x256xi32>
    %reduce_min3A_725 = arith.constant dense<2147483647> : vector<256xi32>
    %reduce_min3A_726 = vector.multi_reduction <minsi>, %select_n3A_724, %reduce_min3A_725 [1] : vector<256x256xi32> to vector<256xi32>
    %broadcast_in_dim3A_727 = vector.shape_cast %reduce_min3A_726 : vector<256xi32> to vector<256x1xi32>
    %eq3A_728 = vector.broadcast %broadcast_in_dim3A_727 : vector<256x1xi32> to vector<256x256xi32>
    %eq3A_729 = arith.cmpi eq, %iota3A_17, %eq3A_728 : vector<256x256xi32>
    %jit3A_730 = arith.constant 1.000000e+30 : f32
    %broadcast_in_dim3A_731 = vector.broadcast %jit3A_730 : f32 to vector<256x256xf32>
    %select_n3A_732 = arith.select %eq3A_729, %broadcast_in_dim3A_731, %select_n3A_699 : vector<256x256xi1>, vector<256x256xf32>
    %mul3A_733 = arith.constant 256 : i32
    %mul3A_734 = vector.broadcast %mul3A_733 : i32 to vector<256x1xi32>
    %mul3A_735 = arith.muli %iota3A_25, %mul3A_734 : vector<256x1xi32>
    %add3A_736 = arith.addi %broadcast_in_dim3A_727, %mul3A_735 : vector<256x1xi32>
    %swap3A_737 = arith.constant 0 : index
    %swap3A_738 = arith.constant 21 : index
    %swap3A_739 = vector.load %arg2[%swap3A_737, %swap3A_738] : memref<256x32xi32, #tpu.memory_space<vmem>>, vector<256x1xi32>
    tpu.vector_store %arg2[%swap3A_737, %swap3A_738], %add3A_736 {strides = array<i32>} : memref<256x32xi32, #tpu.memory_space<vmem>>, vector<256x1xi32>,
    %mul3A_740 = arith.constant 256 : i32
    %mul3A_741 = vector.broadcast %mul3A_740 : i32 to vector<256x1xi32>
    %mul3A_742 = arith.muli %broadcast_in_dim3A_727, %mul3A_741 : vector<256x1xi32>
    %add3A_743 = arith.addi %mul3A_742, %iota3A_25 : vector<256x1xi32>
    %swap3A_744 = arith.constant 0 : index
    %swap3A_745 = arith.constant 21 : index
    %swap3A_746 = vector.load %arg3[%swap3A_744, %swap3A_745] : memref<256x32xi32, #tpu.memory_space<vmem>>, vector<256x1xi32>
    tpu.vector_store %arg3[%swap3A_744, %swap3A_745], %add3A_743 {strides = array<i32>} : memref<256x32xi32, #tpu.memory_space<vmem>>, vector<256x1xi32>,
    %swap3A_747 = arith.constant 0 : index
    %swap3A_748 = arith.constant 21 : index
    %swap3A_749 = vector.load %arg4[%swap3A_747, %swap3A_748] : memref<256x32xi32, #tpu.memory_space<vmem>>, vector<256x1xi32>
    tpu.vector_store %arg4[%swap3A_747, %swap3A_748], %broadcast_in_dim3A_727 {strides = array<i32>} : memref<256x32xi32, #tpu.memory_space<vmem>>, vector<256x1xi32>,
    %reduce_min3A_750 = arith.constant dense<0x7F800000> : vector<256xf32>
    %reduce_min3A_751 = vector.multi_reduction <minimumf>, %select_n3A_732, %reduce_min3A_750 [1] : vector<256x256xf32> to vector<256xf32>
    %broadcast_in_dim3A_752 = vector.shape_cast %reduce_min3A_751 : vector<256xf32> to vector<256x1xf32>
    %eq3A_753 = vector.broadcast %broadcast_in_dim3A_752 : vector<256x1xf32> to vector<256x256xf32>
    %eq3A_754 = arith.cmpf oeq, %select_n3A_732, %eq3A_753 : vector<256x256xf32>
    %jit3A_755 = arith.constant 1073741824 : i32
    %broadcast_in_dim3A_756 = vector.broadcast %jit3A_755 : i32 to vector<256x256xi32>
    %select_n3A_757 = arith.select %eq3A_754, %iota3A_17, %broadcast_in_dim3A_756 : vector<256x256xi1>, vector<256x256xi32>
    %reduce_min3A_758 = arith.constant dense<2147483647> : vector<256xi32>
    %reduce_min3A_759 = vector.multi_reduction <minsi>, %select_n3A_757, %reduce_min3A_758 [1] : vector<256x256xi32> to vector<256xi32>
    %broadcast_in_dim3A_760 = vector.shape_cast %reduce_min3A_759 : vector<256xi32> to vector<256x1xi32>
    %eq3A_761 = vector.broadcast %broadcast_in_dim3A_760 : vector<256x1xi32> to vector<256x256xi32>
    %eq3A_762 = arith.cmpi eq, %iota3A_17, %eq3A_761 : vector<256x256xi32>
    %jit3A_763 = arith.constant 1.000000e+30 : f32
    %broadcast_in_dim3A_764 = vector.broadcast %jit3A_763 : f32 to vector<256x256xf32>
    %select_n3A_765 = arith.select %eq3A_762, %broadcast_in_dim3A_764, %select_n3A_732 : vector<256x256xi1>, vector<256x256xf32>
    %mul3A_766 = arith.constant 256 : i32
    %mul3A_767 = vector.broadcast %mul3A_766 : i32 to vector<256x1xi32>
    %mul3A_768 = arith.muli %iota3A_25, %mul3A_767 : vector<256x1xi32>
    %add3A_769 = arith.addi %broadcast_in_dim3A_760, %mul3A_768 : vector<256x1xi32>
    %swap3A_770 = arith.constant 0 : index
    %swap3A_771 = arith.constant 22 : index
    %swap3A_772 = vector.load %arg2[%swap3A_770, %swap3A_771] : memref<256x32xi32, #tpu.memory_space<vmem>>, vector<256x1xi32>
    tpu.vector_store %arg2[%swap3A_770, %swap3A_771], %add3A_769 {strides = array<i32>} : memref<256x32xi32, #tpu.memory_space<vmem>>, vector<256x1xi32>,
    %mul3A_773 = arith.constant 256 : i32
    %mul3A_774 = vector.broadcast %mul3A_773 : i32 to vector<256x1xi32>
    %mul3A_775 = arith.muli %broadcast_in_dim3A_760, %mul3A_774 : vector<256x1xi32>
    %add3A_776 = arith.addi %mul3A_775, %iota3A_25 : vector<256x1xi32>
    %swap3A_777 = arith.constant 0 : index
    %swap3A_778 = arith.constant 22 : index
    %swap3A_779 = vector.load %arg3[%swap3A_777, %swap3A_778] : memref<256x32xi32, #tpu.memory_space<vmem>>, vector<256x1xi32>
    tpu.vector_store %arg3[%swap3A_777, %swap3A_778], %add3A_776 {strides = array<i32>} : memref<256x32xi32, #tpu.memory_space<vmem>>, vector<256x1xi32>,
    %swap3A_780 = arith.constant 0 : index
    %swap3A_781 = arith.constant 22 : index
    %swap3A_782 = vector.load %arg4[%swap3A_780, %swap3A_781] : memref<256x32xi32, #tpu.memory_space<vmem>>, vector<256x1xi32>
    tpu.vector_store %arg4[%swap3A_780, %swap3A_781], %broadcast_in_dim3A_760 {strides = array<i32>} : memref<256x32xi32, #tpu.memory_space<vmem>>, vector<256x1xi32>,
    %reduce_min3A_783 = arith.constant dense<0x7F800000> : vector<256xf32>
    %reduce_min3A_784 = vector.multi_reduction <minimumf>, %select_n3A_765, %reduce_min3A_783 [1] : vector<256x256xf32> to vector<256xf32>
    %broadcast_in_dim3A_785 = vector.shape_cast %reduce_min3A_784 : vector<256xf32> to vector<256x1xf32>
    %eq3A_786 = vector.broadcast %broadcast_in_dim3A_785 : vector<256x1xf32> to vector<256x256xf32>
    %eq3A_787 = arith.cmpf oeq, %select_n3A_765, %eq3A_786 : vector<256x256xf32>
    %jit3A_788 = arith.constant 1073741824 : i32
    %broadcast_in_dim3A_789 = vector.broadcast %jit3A_788 : i32 to vector<256x256xi32>
    %select_n3A_790 = arith.select %eq3A_787, %iota3A_17, %broadcast_in_dim3A_789 : vector<256x256xi1>, vector<256x256xi32>
    %reduce_min3A_791 = arith.constant dense<2147483647> : vector<256xi32>
    %reduce_min3A_792 = vector.multi_reduction <minsi>, %select_n3A_790, %reduce_min3A_791 [1] : vector<256x256xi32> to vector<256xi32>
    %broadcast_in_dim3A_793 = vector.shape_cast %reduce_min3A_792 : vector<256xi32> to vector<256x1xi32>
    %eq3A_794 = vector.broadcast %broadcast_in_dim3A_793 : vector<256x1xi32> to vector<256x256xi32>
    %eq3A_795 = arith.cmpi eq, %iota3A_17, %eq3A_794 : vector<256x256xi32>
    %jit3A_796 = arith.constant 1.000000e+30 : f32
    %broadcast_in_dim3A_797 = vector.broadcast %jit3A_796 : f32 to vector<256x256xf32>
    %select_n3A_798 = arith.select %eq3A_795, %broadcast_in_dim3A_797, %select_n3A_765 : vector<256x256xi1>, vector<256x256xf32>
    %mul3A_799 = arith.constant 256 : i32
    %mul3A_800 = vector.broadcast %mul3A_799 : i32 to vector<256x1xi32>
    %mul3A_801 = arith.muli %iota3A_25, %mul3A_800 : vector<256x1xi32>
    %add3A_802 = arith.addi %broadcast_in_dim3A_793, %mul3A_801 : vector<256x1xi32>
    %swap3A_803 = arith.constant 0 : index
    %swap3A_804 = arith.constant 23 : index
    %swap3A_805 = vector.load %arg2[%swap3A_803, %swap3A_804] : memref<256x32xi32, #tpu.memory_space<vmem>>, vector<256x1xi32>
    tpu.vector_store %arg2[%swap3A_803, %swap3A_804], %add3A_802 {strides = array<i32>} : memref<256x32xi32, #tpu.memory_space<vmem>>, vector<256x1xi32>,
    %mul3A_806 = arith.constant 256 : i32
    %mul3A_807 = vector.broadcast %mul3A_806 : i32 to vector<256x1xi32>
    %mul3A_808 = arith.muli %broadcast_in_dim3A_793, %mul3A_807 : vector<256x1xi32>
    %add3A_809 = arith.addi %mul3A_808, %iota3A_25 : vector<256x1xi32>
    %swap3A_810 = arith.constant 0 : index
    %swap3A_811 = arith.constant 23 : index
    %swap3A_812 = vector.load %arg3[%swap3A_810, %swap3A_811] : memref<256x32xi32, #tpu.memory_space<vmem>>, vector<256x1xi32>
    tpu.vector_store %arg3[%swap3A_810, %swap3A_811], %add3A_809 {strides = array<i32>} : memref<256x32xi32, #tpu.memory_space<vmem>>, vector<256x1xi32>,
    %swap3A_813 = arith.constant 0 : index
    %swap3A_814 = arith.constant 23 : index
    %swap3A_815 = vector.load %arg4[%swap3A_813, %swap3A_814] : memref<256x32xi32, #tpu.memory_space<vmem>>, vector<256x1xi32>
    tpu.vector_store %arg4[%swap3A_813, %swap3A_814], %broadcast_in_dim3A_793 {strides = array<i32>} : memref<256x32xi32, #tpu.memory_space<vmem>>, vector<256x1xi32>,
    %reduce_min3A_816 = arith.constant dense<0x7F800000> : vector<256xf32>
    %reduce_min3A_817 = vector.multi_reduction <minimumf>, %select_n3A_798, %reduce_min3A_816 [1] : vector<256x256xf32> to vector<256xf32>
    %broadcast_in_dim3A_818 = vector.shape_cast %reduce_min3A_817 : vector<256xf32> to vector<256x1xf32>
    %eq3A_819 = vector.broadcast %broadcast_in_dim3A_818 : vector<256x1xf32> to vector<256x256xf32>
    %eq3A_820 = arith.cmpf oeq, %select_n3A_798, %eq3A_819 : vector<256x256xf32>
    %jit3A_821 = arith.constant 1073741824 : i32
    %broadcast_in_dim3A_822 = vector.broadcast %jit3A_821 : i32 to vector<256x256xi32>
    %select_n3A_823 = arith.select %eq3A_820, %iota3A_17, %broadcast_in_dim3A_822 : vector<256x256xi1>, vector<256x256xi32>
    %reduce_min3A_824 = arith.constant dense<2147483647> : vector<256xi32>
    %reduce_min3A_825 = vector.multi_reduction <minsi>, %select_n3A_823, %reduce_min3A_824 [1] : vector<256x256xi32> to vector<256xi32>
    %broadcast_in_dim3A_826 = vector.shape_cast %reduce_min3A_825 : vector<256xi32> to vector<256x1xi32>
    %eq3A_827 = vector.broadcast %broadcast_in_dim3A_826 : vector<256x1xi32> to vector<256x256xi32>
    %eq3A_828 = arith.cmpi eq, %iota3A_17, %eq3A_827 : vector<256x256xi32>
    %jit3A_829 = arith.constant 1.000000e+30 : f32
    %broadcast_in_dim3A_830 = vector.broadcast %jit3A_829 : f32 to vector<256x256xf32>
    %select_n3A_831 = arith.select %eq3A_828, %broadcast_in_dim3A_830, %select_n3A_798 : vector<256x256xi1>, vector<256x256xf32>
    %mul3A_832 = arith.constant 256 : i32
    %mul3A_833 = vector.broadcast %mul3A_832 : i32 to vector<256x1xi32>
    %mul3A_834 = arith.muli %iota3A_25, %mul3A_833 : vector<256x1xi32>
    %add3A_835 = arith.addi %broadcast_in_dim3A_826, %mul3A_834 : vector<256x1xi32>
    %swap3A_836 = arith.constant 0 : index
    %swap3A_837 = arith.constant 24 : index
    %swap3A_838 = vector.load %arg2[%swap3A_836, %swap3A_837] : memref<256x32xi32, #tpu.memory_space<vmem>>, vector<256x1xi32>
    tpu.vector_store %arg2[%swap3A_836, %swap3A_837], %add3A_835 {strides = array<i32>} : memref<256x32xi32, #tpu.memory_space<vmem>>, vector<256x1xi32>,
    %mul3A_839 = arith.constant 256 : i32
    %mul3A_840 = vector.broadcast %mul3A_839 : i32 to vector<256x1xi32>
    %mul3A_841 = arith.muli %broadcast_in_dim3A_826, %mul3A_840 : vector<256x1xi32>
    %add3A_842 = arith.addi %mul3A_841, %iota3A_25 : vector<256x1xi32>
    %swap3A_843 = arith.constant 0 : index
    %swap3A_844 = arith.constant 24 : index
    %swap3A_845 = vector.load %arg3[%swap3A_843, %swap3A_844] : memref<256x32xi32, #tpu.memory_space<vmem>>, vector<256x1xi32>
    tpu.vector_store %arg3[%swap3A_843, %swap3A_844], %add3A_842 {strides = array<i32>} : memref<256x32xi32, #tpu.memory_space<vmem>>, vector<256x1xi32>,
    %swap3A_846 = arith.constant 0 : index
    %swap3A_847 = arith.constant 24 : index
    %swap3A_848 = vector.load %arg4[%swap3A_846, %swap3A_847] : memref<256x32xi32, #tpu.memory_space<vmem>>, vector<256x1xi32>
    tpu.vector_store %arg4[%swap3A_846, %swap3A_847], %broadcast_in_dim3A_826 {strides = array<i32>} : memref<256x32xi32, #tpu.memory_space<vmem>>, vector<256x1xi32>,
    %reduce_min3A_849 = arith.constant dense<0x7F800000> : vector<256xf32>
    %reduce_min3A_850 = vector.multi_reduction <minimumf>, %select_n3A_831, %reduce_min3A_849 [1] : vector<256x256xf32> to vector<256xf32>
    %broadcast_in_dim3A_851 = vector.shape_cast %reduce_min3A_850 : vector<256xf32> to vector<256x1xf32>
    %eq3A_852 = vector.broadcast %broadcast_in_dim3A_851 : vector<256x1xf32> to vector<256x256xf32>
    %eq3A_853 = arith.cmpf oeq, %select_n3A_831, %eq3A_852 : vector<256x256xf32>
    %jit3A_854 = arith.constant 1073741824 : i32
    %broadcast_in_dim3A_855 = vector.broadcast %jit3A_854 : i32 to vector<256x256xi32>
    %select_n3A_856 = arith.select %eq3A_853, %iota3A_17, %broadcast_in_dim3A_855 : vector<256x256xi1>, vector<256x256xi32>
    %reduce_min3A_857 = arith.constant dense<2147483647> : vector<256xi32>
    %reduce_min3A_858 = vector.multi_reduction <minsi>, %select_n3A_856, %reduce_min3A_857 [1] : vector<256x256xi32> to vector<256xi32>
    %broadcast_in_dim3A_859 = vector.shape_cast %reduce_min3A_858 : vector<256xi32> to vector<256x1xi32>
    %eq3A_860 = vector.broadcast %broadcast_in_dim3A_859 : vector<256x1xi32> to vector<256x256xi32>
    %eq3A_861 = arith.cmpi eq, %iota3A_17, %eq3A_860 : vector<256x256xi32>
    %jit3A_862 = arith.constant 1.000000e+30 : f32
    %broadcast_in_dim3A_863 = vector.broadcast %jit3A_862 : f32 to vector<256x256xf32>
    %select_n3A_864 = arith.select %eq3A_861, %broadcast_in_dim3A_863, %select_n3A_831 : vector<256x256xi1>, vector<256x256xf32>
    %mul3A_865 = arith.constant 256 : i32
    %mul3A_866 = vector.broadcast %mul3A_865 : i32 to vector<256x1xi32>
    %mul3A_867 = arith.muli %iota3A_25, %mul3A_866 : vector<256x1xi32>
    %add3A_868 = arith.addi %broadcast_in_dim3A_859, %mul3A_867 : vector<256x1xi32>
    %swap3A_869 = arith.constant 0 : index
    %swap3A_870 = arith.constant 25 : index
    %swap3A_871 = vector.load %arg2[%swap3A_869, %swap3A_870] : memref<256x32xi32, #tpu.memory_space<vmem>>, vector<256x1xi32>
    tpu.vector_store %arg2[%swap3A_869, %swap3A_870], %add3A_868 {strides = array<i32>} : memref<256x32xi32, #tpu.memory_space<vmem>>, vector<256x1xi32>,
    %mul3A_872 = arith.constant 256 : i32
    %mul3A_873 = vector.broadcast %mul3A_872 : i32 to vector<256x1xi32>
    %mul3A_874 = arith.muli %broadcast_in_dim3A_859, %mul3A_873 : vector<256x1xi32>
    %add3A_875 = arith.addi %mul3A_874, %iota3A_25 : vector<256x1xi32>
    %swap3A_876 = arith.constant 0 : index
    %swap3A_877 = arith.constant 25 : index
    %swap3A_878 = vector.load %arg3[%swap3A_876, %swap3A_877] : memref<256x32xi32, #tpu.memory_space<vmem>>, vector<256x1xi32>
    tpu.vector_store %arg3[%swap3A_876, %swap3A_877], %add3A_875 {strides = array<i32>} : memref<256x32xi32, #tpu.memory_space<vmem>>, vector<256x1xi32>,
    %swap3A_879 = arith.constant 0 : index
    %swap3A_880 = arith.constant 25 : index
    %swap3A_881 = vector.load %arg4[%swap3A_879, %swap3A_880] : memref<256x32xi32, #tpu.memory_space<vmem>>, vector<256x1xi32>
    tpu.vector_store %arg4[%swap3A_879, %swap3A_880], %broadcast_in_dim3A_859 {strides = array<i32>} : memref<256x32xi32, #tpu.memory_space<vmem>>, vector<256x1xi32>,
    %reduce_min3A_882 = arith.constant dense<0x7F800000> : vector<256xf32>
    %reduce_min3A_883 = vector.multi_reduction <minimumf>, %select_n3A_864, %reduce_min3A_882 [1] : vector<256x256xf32> to vector<256xf32>
    %broadcast_in_dim3A_884 = vector.shape_cast %reduce_min3A_883 : vector<256xf32> to vector<256x1xf32>
    %eq3A_885 = vector.broadcast %broadcast_in_dim3A_884 : vector<256x1xf32> to vector<256x256xf32>
    %eq3A_886 = arith.cmpf oeq, %select_n3A_864, %eq3A_885 : vector<256x256xf32>
    %jit3A_887 = arith.constant 1073741824 : i32
    %broadcast_in_dim3A_888 = vector.broadcast %jit3A_887 : i32 to vector<256x256xi32>
    %select_n3A_889 = arith.select %eq3A_886, %iota3A_17, %broadcast_in_dim3A_888 : vector<256x256xi1>, vector<256x256xi32>
    %reduce_min3A_890 = arith.constant dense<2147483647> : vector<256xi32>
    %reduce_min3A_891 = vector.multi_reduction <minsi>, %select_n3A_889, %reduce_min3A_890 [1] : vector<256x256xi32> to vector<256xi32>
    %broadcast_in_dim3A_892 = vector.shape_cast %reduce_min3A_891 : vector<256xi32> to vector<256x1xi32>
    %eq3A_893 = vector.broadcast %broadcast_in_dim3A_892 : vector<256x1xi32> to vector<256x256xi32>
    %eq3A_894 = arith.cmpi eq, %iota3A_17, %eq3A_893 : vector<256x256xi32>
    %jit3A_895 = arith.constant 1.000000e+30 : f32
    %broadcast_in_dim3A_896 = vector.broadcast %jit3A_895 : f32 to vector<256x256xf32>
    %select_n3A_897 = arith.select %eq3A_894, %broadcast_in_dim3A_896, %select_n3A_864 : vector<256x256xi1>, vector<256x256xf32>
    %mul3A_898 = arith.constant 256 : i32
    %mul3A_899 = vector.broadcast %mul3A_898 : i32 to vector<256x1xi32>
    %mul3A_900 = arith.muli %iota3A_25, %mul3A_899 : vector<256x1xi32>
    %add3A_901 = arith.addi %broadcast_in_dim3A_892, %mul3A_900 : vector<256x1xi32>
    %swap3A_902 = arith.constant 0 : index
    %swap3A_903 = arith.constant 26 : index
    %swap3A_904 = vector.load %arg2[%swap3A_902, %swap3A_903] : memref<256x32xi32, #tpu.memory_space<vmem>>, vector<256x1xi32>
    tpu.vector_store %arg2[%swap3A_902, %swap3A_903], %add3A_901 {strides = array<i32>} : memref<256x32xi32, #tpu.memory_space<vmem>>, vector<256x1xi32>,
    %mul3A_905 = arith.constant 256 : i32
    %mul3A_906 = vector.broadcast %mul3A_905 : i32 to vector<256x1xi32>
    %mul3A_907 = arith.muli %broadcast_in_dim3A_892, %mul3A_906 : vector<256x1xi32>
    %add3A_908 = arith.addi %mul3A_907, %iota3A_25 : vector<256x1xi32>
    %swap3A_909 = arith.constant 0 : index
    %swap3A_910 = arith.constant 26 : index
    %swap3A_911 = vector.load %arg3[%swap3A_909, %swap3A_910] : memref<256x32xi32, #tpu.memory_space<vmem>>, vector<256x1xi32>
    tpu.vector_store %arg3[%swap3A_909, %swap3A_910], %add3A_908 {strides = array<i32>} : memref<256x32xi32, #tpu.memory_space<vmem>>, vector<256x1xi32>,
    %swap3A_912 = arith.constant 0 : index
    %swap3A_913 = arith.constant 26 : index
    %swap3A_914 = vector.load %arg4[%swap3A_912, %swap3A_913] : memref<256x32xi32, #tpu.memory_space<vmem>>, vector<256x1xi32>
    tpu.vector_store %arg4[%swap3A_912, %swap3A_913], %broadcast_in_dim3A_892 {strides = array<i32>} : memref<256x32xi32, #tpu.memory_space<vmem>>, vector<256x1xi32>,
    %reduce_min3A_915 = arith.constant dense<0x7F800000> : vector<256xf32>
    %reduce_min3A_916 = vector.multi_reduction <minimumf>, %select_n3A_897, %reduce_min3A_915 [1] : vector<256x256xf32> to vector<256xf32>
    %broadcast_in_dim3A_917 = vector.shape_cast %reduce_min3A_916 : vector<256xf32> to vector<256x1xf32>
    %eq3A_918 = vector.broadcast %broadcast_in_dim3A_917 : vector<256x1xf32> to vector<256x256xf32>
    %eq3A_919 = arith.cmpf oeq, %select_n3A_897, %eq3A_918 : vector<256x256xf32>
    %jit3A_920 = arith.constant 1073741824 : i32
    %broadcast_in_dim3A_921 = vector.broadcast %jit3A_920 : i32 to vector<256x256xi32>
    %select_n3A_922 = arith.select %eq3A_919, %iota3A_17, %broadcast_in_dim3A_921 : vector<256x256xi1>, vector<256x256xi32>
    %reduce_min3A_923 = arith.constant dense<2147483647> : vector<256xi32>
    %reduce_min3A_924 = vector.multi_reduction <minsi>, %select_n3A_922, %reduce_min3A_923 [1] : vector<256x256xi32> to vector<256xi32>
    %broadcast_in_dim3A_925 = vector.shape_cast %reduce_min3A_924 : vector<256xi32> to vector<256x1xi32>
    %eq3A_926 = vector.broadcast %broadcast_in_dim3A_925 : vector<256x1xi32> to vector<256x256xi32>
    %eq3A_927 = arith.cmpi eq, %iota3A_17, %eq3A_926 : vector<256x256xi32>
    %jit3A_928 = arith.constant 1.000000e+30 : f32
    %broadcast_in_dim3A_929 = vector.broadcast %jit3A_928 : f32 to vector<256x256xf32>
    %select_n3A_930 = arith.select %eq3A_927, %broadcast_in_dim3A_929, %select_n3A_897 : vector<256x256xi1>, vector<256x256xf32>
    %mul3A_931 = arith.constant 256 : i32
    %mul3A_932 = vector.broadcast %mul3A_931 : i32 to vector<256x1xi32>
    %mul3A_933 = arith.muli %iota3A_25, %mul3A_932 : vector<256x1xi32>
    %add3A_934 = arith.addi %broadcast_in_dim3A_925, %mul3A_933 : vector<256x1xi32>
    %swap3A_935 = arith.constant 0 : index
    %swap3A_936 = arith.constant 27 : index
    %swap3A_937 = vector.load %arg2[%swap3A_935, %swap3A_936] : memref<256x32xi32, #tpu.memory_space<vmem>>, vector<256x1xi32>
    tpu.vector_store %arg2[%swap3A_935, %swap3A_936], %add3A_934 {strides = array<i32>} : memref<256x32xi32, #tpu.memory_space<vmem>>, vector<256x1xi32>,
    %mul3A_938 = arith.constant 256 : i32
    %mul3A_939 = vector.broadcast %mul3A_938 : i32 to vector<256x1xi32>
    %mul3A_940 = arith.muli %broadcast_in_dim3A_925, %mul3A_939 : vector<256x1xi32>
    %add3A_941 = arith.addi %mul3A_940, %iota3A_25 : vector<256x1xi32>
    %swap3A_942 = arith.constant 0 : index
    %swap3A_943 = arith.constant 27 : index
    %swap3A_944 = vector.load %arg3[%swap3A_942, %swap3A_943] : memref<256x32xi32, #tpu.memory_space<vmem>>, vector<256x1xi32>
    tpu.vector_store %arg3[%swap3A_942, %swap3A_943], %add3A_941 {strides = array<i32>} : memref<256x32xi32, #tpu.memory_space<vmem>>, vector<256x1xi32>,
    %swap3A_945 = arith.constant 0 : index
    %swap3A_946 = arith.constant 27 : index
    %swap3A_947 = vector.load %arg4[%swap3A_945, %swap3A_946] : memref<256x32xi32, #tpu.memory_space<vmem>>, vector<256x1xi32>
    tpu.vector_store %arg4[%swap3A_945, %swap3A_946], %broadcast_in_dim3A_925 {strides = array<i32>} : memref<256x32xi32, #tpu.memory_space<vmem>>, vector<256x1xi32>,
    %reduce_min3A_948 = arith.constant dense<0x7F800000> : vector<256xf32>
    %reduce_min3A_949 = vector.multi_reduction <minimumf>, %select_n3A_930, %reduce_min3A_948 [1] : vector<256x256xf32> to vector<256xf32>
    %broadcast_in_dim3A_950 = vector.shape_cast %reduce_min3A_949 : vector<256xf32> to vector<256x1xf32>
    %eq3A_951 = vector.broadcast %broadcast_in_dim3A_950 : vector<256x1xf32> to vector<256x256xf32>
    %eq3A_952 = arith.cmpf oeq, %select_n3A_930, %eq3A_951 : vector<256x256xf32>
    %jit3A_953 = arith.constant 1073741824 : i32
    %broadcast_in_dim3A_954 = vector.broadcast %jit3A_953 : i32 to vector<256x256xi32>
    %select_n3A_955 = arith.select %eq3A_952, %iota3A_17, %broadcast_in_dim3A_954 : vector<256x256xi1>, vector<256x256xi32>
    %reduce_min3A_956 = arith.constant dense<2147483647> : vector<256xi32>
    %reduce_min3A_957 = vector.multi_reduction <minsi>, %select_n3A_955, %reduce_min3A_956 [1] : vector<256x256xi32> to vector<256xi32>
    %broadcast_in_dim3A_958 = vector.shape_cast %reduce_min3A_957 : vector<256xi32> to vector<256x1xi32>
    %eq3A_959 = vector.broadcast %broadcast_in_dim3A_958 : vector<256x1xi32> to vector<256x256xi32>
    %eq3A_960 = arith.cmpi eq, %iota3A_17, %eq3A_959 : vector<256x256xi32>
    %jit3A_961 = arith.constant 1.000000e+30 : f32
    %broadcast_in_dim3A_962 = vector.broadcast %jit3A_961 : f32 to vector<256x256xf32>
    %select_n3A_963 = arith.select %eq3A_960, %broadcast_in_dim3A_962, %select_n3A_930 : vector<256x256xi1>, vector<256x256xf32>
    %mul3A_964 = arith.constant 256 : i32
    %mul3A_965 = vector.broadcast %mul3A_964 : i32 to vector<256x1xi32>
    %mul3A_966 = arith.muli %iota3A_25, %mul3A_965 : vector<256x1xi32>
    %add3A_967 = arith.addi %broadcast_in_dim3A_958, %mul3A_966 : vector<256x1xi32>
    %swap3A_968 = arith.constant 0 : index
    %swap3A_969 = arith.constant 28 : index
    %swap3A_970 = vector.load %arg2[%swap3A_968, %swap3A_969] : memref<256x32xi32, #tpu.memory_space<vmem>>, vector<256x1xi32>
    tpu.vector_store %arg2[%swap3A_968, %swap3A_969], %add3A_967 {strides = array<i32>} : memref<256x32xi32, #tpu.memory_space<vmem>>, vector<256x1xi32>,
    %mul3A_971 = arith.constant 256 : i32
    %mul3A_972 = vector.broadcast %mul3A_971 : i32 to vector<256x1xi32>
    %mul3A_973 = arith.muli %broadcast_in_dim3A_958, %mul3A_972 : vector<256x1xi32>
    %add3A_974 = arith.addi %mul3A_973, %iota3A_25 : vector<256x1xi32>
    %swap3A_975 = arith.constant 0 : index
    %swap3A_976 = arith.constant 28 : index
    %swap3A_977 = vector.load %arg3[%swap3A_975, %swap3A_976] : memref<256x32xi32, #tpu.memory_space<vmem>>, vector<256x1xi32>
    tpu.vector_store %arg3[%swap3A_975, %swap3A_976], %add3A_974 {strides = array<i32>} : memref<256x32xi32, #tpu.memory_space<vmem>>, vector<256x1xi32>,
    %swap3A_978 = arith.constant 0 : index
    %swap3A_979 = arith.constant 28 : index
    %swap3A_980 = vector.load %arg4[%swap3A_978, %swap3A_979] : memref<256x32xi32, #tpu.memory_space<vmem>>, vector<256x1xi32>
    tpu.vector_store %arg4[%swap3A_978, %swap3A_979], %broadcast_in_dim3A_958 {strides = array<i32>} : memref<256x32xi32, #tpu.memory_space<vmem>>, vector<256x1xi32>,
    %reduce_min3A_981 = arith.constant dense<0x7F800000> : vector<256xf32>
    %reduce_min3A_982 = vector.multi_reduction <minimumf>, %select_n3A_963, %reduce_min3A_981 [1] : vector<256x256xf32> to vector<256xf32>
    %broadcast_in_dim3A_983 = vector.shape_cast %reduce_min3A_982 : vector<256xf32> to vector<256x1xf32>
    %eq3A_984 = vector.broadcast %broadcast_in_dim3A_983 : vector<256x1xf32> to vector<256x256xf32>
    %eq3A_985 = arith.cmpf oeq, %select_n3A_963, %eq3A_984 : vector<256x256xf32>
    %jit3A_986 = arith.constant 1073741824 : i32
    %broadcast_in_dim3A_987 = vector.broadcast %jit3A_986 : i32 to vector<256x256xi32>
    %select_n3A_988 = arith.select %eq3A_985, %iota3A_17, %broadcast_in_dim3A_987 : vector<256x256xi1>, vector<256x256xi32>
    %reduce_min3A_989 = arith.constant dense<2147483647> : vector<256xi32>
    %reduce_min3A_990 = vector.multi_reduction <minsi>, %select_n3A_988, %reduce_min3A_989 [1] : vector<256x256xi32> to vector<256xi32>
    %broadcast_in_dim3A_991 = vector.shape_cast %reduce_min3A_990 : vector<256xi32> to vector<256x1xi32>
    %eq3A_992 = vector.broadcast %broadcast_in_dim3A_991 : vector<256x1xi32> to vector<256x256xi32>
    %eq3A_993 = arith.cmpi eq, %iota3A_17, %eq3A_992 : vector<256x256xi32>
    %jit3A_994 = arith.constant 1.000000e+30 : f32
    %broadcast_in_dim3A_995 = vector.broadcast %jit3A_994 : f32 to vector<256x256xf32>
    %select_n3A_996 = arith.select %eq3A_993, %broadcast_in_dim3A_995, %select_n3A_963 : vector<256x256xi1>, vector<256x256xf32>
    %mul3A_997 = arith.constant 256 : i32
    %mul3A_998 = vector.broadcast %mul3A_997 : i32 to vector<256x1xi32>
    %mul3A_999 = arith.muli %iota3A_25, %mul3A_998 : vector<256x1xi32>
    %add3A_1000 = arith.addi %broadcast_in_dim3A_991, %mul3A_999 : vector<256x1xi32>
    %swap3A_1001 = arith.constant 0 : index
    %swap3A_1002 = arith.constant 29 : index
    %swap3A_1003 = vector.load %arg2[%swap3A_1001, %swap3A_1002] : memref<256x32xi32, #tpu.memory_space<vmem>>, vector<256x1xi32>
    tpu.vector_store %arg2[%swap3A_1001, %swap3A_1002], %add3A_1000 {strides = array<i32>} : memref<256x32xi32, #tpu.memory_space<vmem>>, vector<256x1xi32>,
    %mul3A_1004 = arith.constant 256 : i32
    %mul3A_1005 = vector.broadcast %mul3A_1004 : i32 to vector<256x1xi32>
    %mul3A_1006 = arith.muli %broadcast_in_dim3A_991, %mul3A_1005 : vector<256x1xi32>
    %add3A_1007 = arith.addi %mul3A_1006, %iota3A_25 : vector<256x1xi32>
    %swap3A_1008 = arith.constant 0 : index
    %swap3A_1009 = arith.constant 29 : index
    %swap3A_1010 = vector.load %arg3[%swap3A_1008, %swap3A_1009] : memref<256x32xi32, #tpu.memory_space<vmem>>, vector<256x1xi32>
    tpu.vector_store %arg3[%swap3A_1008, %swap3A_1009], %add3A_1007 {strides = array<i32>} : memref<256x32xi32, #tpu.memory_space<vmem>>, vector<256x1xi32>,
    %swap3A_1011 = arith.constant 0 : index
    %swap3A_1012 = arith.constant 29 : index
    %swap3A_1013 = vector.load %arg4[%swap3A_1011, %swap3A_1012] : memref<256x32xi32, #tpu.memory_space<vmem>>, vector<256x1xi32>
    tpu.vector_store %arg4[%swap3A_1011, %swap3A_1012], %broadcast_in_dim3A_991 {strides = array<i32>} : memref<256x32xi32, #tpu.memory_space<vmem>>, vector<256x1xi32>,
    %reduce_min3A_1014 = arith.constant dense<0x7F800000> : vector<256xf32>
    %reduce_min3A_1015 = vector.multi_reduction <minimumf>, %select_n3A_996, %reduce_min3A_1014 [1] : vector<256x256xf32> to vector<256xf32>
    %broadcast_in_dim3A_1016 = vector.shape_cast %reduce_min3A_1015 : vector<256xf32> to vector<256x1xf32>
    %eq3A_1017 = vector.broadcast %broadcast_in_dim3A_1016 : vector<256x1xf32> to vector<256x256xf32>
    %eq3A_1018 = arith.cmpf oeq, %select_n3A_996, %eq3A_1017 : vector<256x256xf32>
    %jit3A_1019 = arith.constant 1073741824 : i32
    %broadcast_in_dim3A_1020 = vector.broadcast %jit3A_1019 : i32 to vector<256x256xi32>
    %select_n3A_1021 = arith.select %eq3A_1018, %iota3A_17, %broadcast_in_dim3A_1020 : vector<256x256xi1>, vector<256x256xi32>
    %reduce_min3A_1022 = arith.constant dense<2147483647> : vector<256xi32>
    %reduce_min3A_1023 = vector.multi_reduction <minsi>, %select_n3A_1021, %reduce_min3A_1022 [1] : vector<256x256xi32> to vector<256xi32>
    %broadcast_in_dim3A_1024 = vector.shape_cast %reduce_min3A_1023 : vector<256xi32> to vector<256x1xi32>
    %eq3A_1025 = vector.broadcast %broadcast_in_dim3A_1024 : vector<256x1xi32> to vector<256x256xi32>
    %eq3A_1026 = arith.cmpi eq, %iota3A_17, %eq3A_1025 : vector<256x256xi32>
    %jit3A_1027 = arith.constant 1.000000e+30 : f32
    %broadcast_in_dim3A_1028 = vector.broadcast %jit3A_1027 : f32 to vector<256x256xf32>
    %select_n3A_1029 = arith.select %eq3A_1026, %broadcast_in_dim3A_1028, %select_n3A_996 : vector<256x256xi1>, vector<256x256xf32>
    %mul3A_1030 = arith.constant 256 : i32
    %mul3A_1031 = vector.broadcast %mul3A_1030 : i32 to vector<256x1xi32>
    %mul3A_1032 = arith.muli %iota3A_25, %mul3A_1031 : vector<256x1xi32>
    %add3A_1033 = arith.addi %broadcast_in_dim3A_1024, %mul3A_1032 : vector<256x1xi32>
    %swap3A_1034 = arith.constant 0 : index
    %swap3A_1035 = arith.constant 30 : index
    %swap3A_1036 = vector.load %arg2[%swap3A_1034, %swap3A_1035] : memref<256x32xi32, #tpu.memory_space<vmem>>, vector<256x1xi32>
    tpu.vector_store %arg2[%swap3A_1034, %swap3A_1035], %add3A_1033 {strides = array<i32>} : memref<256x32xi32, #tpu.memory_space<vmem>>, vector<256x1xi32>,
    %mul3A_1037 = arith.constant 256 : i32
    %mul3A_1038 = vector.broadcast %mul3A_1037 : i32 to vector<256x1xi32>
    %mul3A_1039 = arith.muli %broadcast_in_dim3A_1024, %mul3A_1038 : vector<256x1xi32>
    %add3A_1040 = arith.addi %mul3A_1039, %iota3A_25 : vector<256x1xi32>
    %swap3A_1041 = arith.constant 0 : index
    %swap3A_1042 = arith.constant 30 : index
    %swap3A_1043 = vector.load %arg3[%swap3A_1041, %swap3A_1042] : memref<256x32xi32, #tpu.memory_space<vmem>>, vector<256x1xi32>
    tpu.vector_store %arg3[%swap3A_1041, %swap3A_1042], %add3A_1040 {strides = array<i32>} : memref<256x32xi32, #tpu.memory_space<vmem>>, vector<256x1xi32>,
    %swap3A_1044 = arith.constant 0 : index
    %swap3A_1045 = arith.constant 30 : index
    %swap3A_1046 = vector.load %arg4[%swap3A_1044, %swap3A_1045] : memref<256x32xi32, #tpu.memory_space<vmem>>, vector<256x1xi32>
    tpu.vector_store %arg4[%swap3A_1044, %swap3A_1045], %broadcast_in_dim3A_1024 {strides = array<i32>} : memref<256x32xi32, #tpu.memory_space<vmem>>, vector<256x1xi32>,
    %reduce_min3A_1047 = arith.constant dense<0x7F800000> : vector<256xf32>
    %reduce_min3A_1048 = vector.multi_reduction <minimumf>, %select_n3A_1029, %reduce_min3A_1047 [1] : vector<256x256xf32> to vector<256xf32>
    %broadcast_in_dim3A_1049 = vector.shape_cast %reduce_min3A_1048 : vector<256xf32> to vector<256x1xf32>
    %eq3A_1050 = vector.broadcast %broadcast_in_dim3A_1049 : vector<256x1xf32> to vector<256x256xf32>
    %eq3A_1051 = arith.cmpf oeq, %select_n3A_1029, %eq3A_1050 : vector<256x256xf32>
    %jit3A_1052 = arith.constant 1073741824 : i32
    %broadcast_in_dim3A_1053 = vector.broadcast %jit3A_1052 : i32 to vector<256x256xi32>
    %select_n3A_1054 = arith.select %eq3A_1051, %iota3A_17, %broadcast_in_dim3A_1053 : vector<256x256xi1>, vector<256x256xi32>
    %reduce_min3A_1055 = arith.constant dense<2147483647> : vector<256xi32>
    %reduce_min3A_1056 = vector.multi_reduction <minsi>, %select_n3A_1054, %reduce_min3A_1055 [1] : vector<256x256xi32> to vector<256xi32>
    %broadcast_in_dim3A_1057 = vector.shape_cast %reduce_min3A_1056 : vector<256xi32> to vector<256x1xi32>
    %mul3A_1058 = arith.constant 256 : i32
    %mul3A_1059 = vector.broadcast %mul3A_1058 : i32 to vector<256x1xi32>
    %mul3A_1060 = arith.muli %iota3A_25, %mul3A_1059 : vector<256x1xi32>
    %add3A_1061 = arith.addi %broadcast_in_dim3A_1057, %mul3A_1060 : vector<256x1xi32>
    %swap3A_1062 = arith.constant 0 : index
    %swap3A_1063 = arith.constant 31 : index
    %swap3A_1064 = vector.load %arg2[%swap3A_1062, %swap3A_1063] : memref<256x32xi32, #tpu.memory_space<vmem>>, vector<256x1xi32>
    tpu.vector_store %arg2[%swap3A_1062, %swap3A_1063], %add3A_1061 {strides = array<i32>} : memref<256x32xi32, #tpu.memory_space<vmem>>, vector<256x1xi32>,
    %mul3A_1065 = arith.constant 256 : i32
    %mul3A_1066 = vector.broadcast %mul3A_1065 : i32 to vector<256x1xi32>
    %mul3A_1067 = arith.muli %broadcast_in_dim3A_1057, %mul3A_1066 : vector<256x1xi32>
    %add3A_1068 = arith.addi %mul3A_1067, %iota3A_25 : vector<256x1xi32>
    %swap3A_1069 = arith.constant 0 : index
    %swap3A_1070 = arith.constant 31 : index
    %swap3A_1071 = vector.load %arg3[%swap3A_1069, %swap3A_1070] : memref<256x32xi32, #tpu.memory_space<vmem>>, vector<256x1xi32>
    tpu.vector_store %arg3[%swap3A_1069, %swap3A_1070], %add3A_1068 {strides = array<i32>} : memref<256x32xi32, #tpu.memory_space<vmem>>, vector<256x1xi32>,
    %swap3A_1072 = arith.constant 0 : index
    %swap3A_1073 = arith.constant 31 : index
    %swap3A_1074 = vector.load %arg4[%swap3A_1072, %swap3A_1073] : memref<256x32xi32, #tpu.memory_space<vmem>>, vector<256x1xi32>
    tpu.vector_store %arg4[%swap3A_1072, %swap3A_1073], %broadcast_in_dim3A_1057 {strides = array<i32>} : memref<256x32xi32, #tpu.memory_space<vmem>>, vector<256x1xi32>,
    return
  }
  func.func @transform_0(%arg0: i32) -> (i32, i32) {
    %c0_i32 = arith.constant 0 : i32
    %c0_i32_0 = arith.constant 0 : i32
    %c0_i32_1 = arith.constant 0 : i32
    return %c0_i32, %c0_i32_0 : i32, i32
  }
  func.func @transform_1(%arg0: i32) -> (i32, i32) {
    %c0_i32 = arith.constant 0 : i32
    %c0_i32_0 = arith.constant 0 : i32
    %c0_i32_1 = arith.constant 0 : i32
    return %c0_i32, %c0_i32_0 : i32, i32
  }
  func.func @transform_2(%arg0: i32) -> (i32, i32) {
    %c0_i32 = arith.constant 0 : i32
    %c0_i32_0 = arith.constant 0 : i32
    %c0_i32_1 = arith.constant 0 : i32
    return %c0_i32, %c0_i32_0 : i32, i32
  }
  func.func @transform_3(%arg0: i32) -> (i32, i32) {
    %c0_i32 = arith.constant 0 : i32
    %c0_i32_0 = arith.constant 0 : i32
    %c0_i32_1 = arith.constant 0 : i32
    return %c0_i32, %c0_i32_0 : i32, i32
  }
}

module attributes {stable_mosaic.version = 14 : i64} {
  func.func @_bias_body(%arg0: i32, %arg1: memref<256x3xf32, #tpu.memory_space<vmem>>, %arg2: memref<256x384xf32, #tpu.memory_space<vmem>>, %arg3: memref<384x16xf32, #tpu.memory_space<vmem>>, %arg4: memref<1x16xf32, #tpu.memory_space<vmem>>, %arg5: memref<384x16xf32, #tpu.memory_space<vmem>>, %arg6: memref<1x16xf32, #tpu.memory_space<vmem>>, %arg7: memref<256x128xf32, #tpu.memory_space<vmem>>, %arg8: memref<1x128xf32, #tpu.memory_space<vmem>>, %arg9: memref<64x128xf32, #tpu.memory_space<vmem>>, %arg10: memref<1x128xf32, #tpu.memory_space<vmem>>, %arg11: memref<128x128xf32, #tpu.memory_space<vmem>>, %arg12: memref<1x64xf32, #tpu.memory_space<vmem>>, %arg13: memref<4096x128xf32, #tpu.memory_space<vmem>>, %arg14: memref<16x256x128xf32, #tpu.memory_space<vmem>>) attributes {dimension_semantics = [#tpu.dimension_semantics<arbitrary>], iteration_bounds = array<i64: 16>, scalar_prefetch = 0 : i64, scratch_operands = 1 : i64, tpu.core_type = #tpu.core_type<tc>, window_params = [{pipeline_mode = #tpu.pipeline_mode<synchronous>, transform_indices = @transform_0, window_bounds = array<i64: 256, 3>}, {pipeline_mode = #tpu.pipeline_mode<synchronous>, transform_indices = @transform_1, window_bounds = array<i64: 256, 384>}, {pipeline_mode = #tpu.pipeline_mode<synchronous>, transform_indices = @transform_2, window_bounds = array<i64: 384, 16>}, {pipeline_mode = #tpu.pipeline_mode<synchronous>, transform_indices = @transform_3, window_bounds = array<i64: 1, 16>}, {pipeline_mode = #tpu.pipeline_mode<synchronous>, transform_indices = @transform_4, window_bounds = array<i64: 384, 16>}, {pipeline_mode = #tpu.pipeline_mode<synchronous>, transform_indices = @transform_5, window_bounds = array<i64: 1, 16>}, {pipeline_mode = #tpu.pipeline_mode<synchronous>, transform_indices = @transform_6, window_bounds = array<i64: 256, 128>}, {pipeline_mode = #tpu.pipeline_mode<synchronous>, transform_indices = @transform_7, window_bounds = array<i64: 1, 128>}, {pipeline_mode = #tpu.pipeline_mode<synchronous>, transform_indices = @transform_8, window_bounds = array<i64: 64, 128>}, {pipeline_mode = #tpu.pipeline_mode<synchronous>, transform_indices = @transform_9, window_bounds = array<i64: 1, 128>}, {pipeline_mode = #tpu.pipeline_mode<synchronous>, transform_indices = @transform_10, window_bounds = array<i64: 128, 128>}, {pipeline_mode = #tpu.pipeline_mode<synchronous>, transform_indices = @transform_11, window_bounds = array<i64: 1, 64>}, {transform_indices = @transform_12, window_bounds = array<i64: 4096, 128>}]} {
    %eq3A = arith.constant 0 : i32
    %eq3A_0 = arith.cmpi eq, %arg0, %eq3A : i32
    %convert_element_type3A = arith.extui %eq3A_0 : i1 to i32
    %cond3A = arith.constant 0 : i32
    %cond3A_1 = arith.cmpi ne, %convert_element_type3A, %cond3A : i32
    scf.if %cond3A_1 {
      %get3A_288 = arith.constant 0 : index
      %get3A_289 = arith.constant 0 : index
      %get3A_290 = vector.load %arg2[%get3A_288, %get3A_289] : memref<256x384xf32, #tpu.memory_space<vmem>>, vector<256x384xf32>
      %get3A_291 = arith.constant 0 : index
      %get3A_292 = arith.constant 0 : index
      %get3A_293 = vector.load %arg5[%get3A_291, %get3A_292] : memref<384x16xf32, #tpu.memory_space<vmem>>, vector<384x16xf32>
      %dot_general3A_294 = arith.constant dense<0.000000e+00> : vector<256x16xf32>
      %dot_general3A_295 = tpu.matmul %get3A_290, %get3A_293, %dot_general3A_294 {dimension_numbers = #tpu.dot_dimension_numbers<[1], [0], [0], [1], [0, 0, 1, 1], [], []>, transpose_lhs_hint = false} : vector<256x384xf32>, vector<384x16xf32>, vector<256x16xf32> -> vector<256x16xf32>
      %get3A_296 = arith.constant 0 : index
      %get3A_297 = arith.constant 0 : index
      %get3A_298 = vector.load %arg6[%get3A_296, %get3A_297] : memref<1x16xf32, #tpu.memory_space<vmem>>, vector<1x16xf32>
      %add3A_299 = vector.broadcast %get3A_298 : vector<1x16xf32> to vector<256x16xf32>
      %add3A_300 = arith.addf %dot_general3A_295, %add3A_299 : vector<256x16xf32>
      %get3A_301 = arith.constant 0 : index
      %get3A_302 = arith.constant 0 : index
      %get3A_303 = vector.load %arg7[%get3A_301, %get3A_302] : memref<256x128xf32, #tpu.memory_space<vmem>>, vector<16x128xf32>
      %dot_general3A_304 = arith.constant dense<0.000000e+00> : vector<256x128xf32>
      %dot_general3A_305 = tpu.matmul %add3A_300, %get3A_303, %dot_general3A_304 {dimension_numbers = #tpu.dot_dimension_numbers<[1], [0], [0], [1], [0, 0, 1, 1], [], []>, transpose_lhs_hint = false} : vector<256x16xf32>, vector<16x128xf32>, vector<256x128xf32> -> vector<256x128xf32>
      %swap3A_306 = arith.constant 0 : index
      %swap3A_307 = arith.constant 0 : index
      %swap3A_308 = arith.constant 0 : index
      %swap3A_309 = vector.load %arg14[%swap3A_306, %swap3A_307, %swap3A_308] : memref<16x256x128xf32, #tpu.memory_space<vmem>>, vector<1x256x128xf32>
      %swap3A_310 = vector.shape_cast %swap3A_309 : vector<1x256x128xf32> to vector<256x128xf32>
      %swap3A_311 = vector.shape_cast %dot_general3A_305 : vector<256x128xf32> to vector<1x256x128xf32>
      tpu.vector_store %arg14[%swap3A_306, %swap3A_307, %swap3A_308], %swap3A_311 {strides = array<i32>} : memref<16x256x128xf32, #tpu.memory_space<vmem>>, vector<1x256x128xf32>,
      %get3A_312 = arith.constant 16 : index
      %get3A_313 = arith.constant 0 : index
      %get3A_314 = vector.load %arg7[%get3A_312, %get3A_313] : memref<256x128xf32, #tpu.memory_space<vmem>>, vector<16x128xf32>
      %dot_general3A_315 = arith.constant dense<0.000000e+00> : vector<256x128xf32>
      %dot_general3A_316 = tpu.matmul %add3A_300, %get3A_314, %dot_general3A_315 {dimension_numbers = #tpu.dot_dimension_numbers<[1], [0], [0], [1], [0, 0, 1, 1], [], []>, transpose_lhs_hint = false} : vector<256x16xf32>, vector<16x128xf32>, vector<256x128xf32> -> vector<256x128xf32>
      %swap3A_317 = arith.constant 1 : index
      %swap3A_318 = arith.constant 0 : index
      %swap3A_319 = arith.constant 0 : index
      %swap3A_320 = vector.load %arg14[%swap3A_317, %swap3A_318, %swap3A_319] : memref<16x256x128xf32, #tpu.memory_space<vmem>>, vector<1x256x128xf32>
      %swap3A_321 = vector.shape_cast %swap3A_320 : vector<1x256x128xf32> to vector<256x128xf32>
      %swap3A_322 = vector.shape_cast %dot_general3A_316 : vector<256x128xf32> to vector<1x256x128xf32>
      tpu.vector_store %arg14[%swap3A_317, %swap3A_318, %swap3A_319], %swap3A_322 {strides = array<i32>} : memref<16x256x128xf32, #tpu.memory_space<vmem>>, vector<1x256x128xf32>,
      %get3A_323 = arith.constant 32 : index
      %get3A_324 = arith.constant 0 : index
      %get3A_325 = vector.load %arg7[%get3A_323, %get3A_324] : memref<256x128xf32, #tpu.memory_space<vmem>>, vector<16x128xf32>
      %dot_general3A_326 = arith.constant dense<0.000000e+00> : vector<256x128xf32>
      %dot_general3A_327 = tpu.matmul %add3A_300, %get3A_325, %dot_general3A_326 {dimension_numbers = #tpu.dot_dimension_numbers<[1], [0], [0], [1], [0, 0, 1, 1], [], []>, transpose_lhs_hint = false} : vector<256x16xf32>, vector<16x128xf32>, vector<256x128xf32> -> vector<256x128xf32>
      %swap3A_328 = arith.constant 2 : index
      %swap3A_329 = arith.constant 0 : index
      %swap3A_330 = arith.constant 0 : index
      %swap3A_331 = vector.load %arg14[%swap3A_328, %swap3A_329, %swap3A_330] : memref<16x256x128xf32, #tpu.memory_space<vmem>>, vector<1x256x128xf32>
      %swap3A_332 = vector.shape_cast %swap3A_331 : vector<1x256x128xf32> to vector<256x128xf32>
      %swap3A_333 = vector.shape_cast %dot_general3A_327 : vector<256x128xf32> to vector<1x256x128xf32>
      tpu.vector_store %arg14[%swap3A_328, %swap3A_329, %swap3A_330], %swap3A_333 {strides = array<i32>} : memref<16x256x128xf32, #tpu.memory_space<vmem>>, vector<1x256x128xf32>,
      %get3A_334 = arith.constant 48 : index
      %get3A_335 = arith.constant 0 : index
      %get3A_336 = vector.load %arg7[%get3A_334, %get3A_335] : memref<256x128xf32, #tpu.memory_space<vmem>>, vector<16x128xf32>
      %dot_general3A_337 = arith.constant dense<0.000000e+00> : vector<256x128xf32>
      %dot_general3A_338 = tpu.matmul %add3A_300, %get3A_336, %dot_general3A_337 {dimension_numbers = #tpu.dot_dimension_numbers<[1], [0], [0], [1], [0, 0, 1, 1], [], []>, transpose_lhs_hint = false} : vector<256x16xf32>, vector<16x128xf32>, vector<256x128xf32> -> vector<256x128xf32>
      %swap3A_339 = arith.constant 3 : index
      %swap3A_340 = arith.constant 0 : index
      %swap3A_341 = arith.constant 0 : index
      %swap3A_342 = vector.load %arg14[%swap3A_339, %swap3A_340, %swap3A_341] : memref<16x256x128xf32, #tpu.memory_space<vmem>>, vector<1x256x128xf32>
      %swap3A_343 = vector.shape_cast %swap3A_342 : vector<1x256x128xf32> to vector<256x128xf32>
      %swap3A_344 = vector.shape_cast %dot_general3A_338 : vector<256x128xf32> to vector<1x256x128xf32>
      tpu.vector_store %arg14[%swap3A_339, %swap3A_340, %swap3A_341], %swap3A_344 {strides = array<i32>} : memref<16x256x128xf32, #tpu.memory_space<vmem>>, vector<1x256x128xf32>,
      %get3A_345 = arith.constant 64 : index
      %get3A_346 = arith.constant 0 : index
      %get3A_347 = vector.load %arg7[%get3A_345, %get3A_346] : memref<256x128xf32, #tpu.memory_space<vmem>>, vector<16x128xf32>
      %dot_general3A_348 = arith.constant dense<0.000000e+00> : vector<256x128xf32>
      %dot_general3A_349 = tpu.matmul %add3A_300, %get3A_347, %dot_general3A_348 {dimension_numbers = #tpu.dot_dimension_numbers<[1], [0], [0], [1], [0, 0, 1, 1], [], []>, transpose_lhs_hint = false} : vector<256x16xf32>, vector<16x128xf32>, vector<256x128xf32> -> vector<256x128xf32>
      %swap3A_350 = arith.constant 4 : index
      %swap3A_351 = arith.constant 0 : index
      %swap3A_352 = arith.constant 0 : index
      %swap3A_353 = vector.load %arg14[%swap3A_350, %swap3A_351, %swap3A_352] : memref<16x256x128xf32, #tpu.memory_space<vmem>>, vector<1x256x128xf32>
      %swap3A_354 = vector.shape_cast %swap3A_353 : vector<1x256x128xf32> to vector<256x128xf32>
      %swap3A_355 = vector.shape_cast %dot_general3A_349 : vector<256x128xf32> to vector<1x256x128xf32>
      tpu.vector_store %arg14[%swap3A_350, %swap3A_351, %swap3A_352], %swap3A_355 {strides = array<i32>} : memref<16x256x128xf32, #tpu.memory_space<vmem>>, vector<1x256x128xf32>,
      %get3A_356 = arith.constant 80 : index
      %get3A_357 = arith.constant 0 : index
      %get3A_358 = vector.load %arg7[%get3A_356, %get3A_357] : memref<256x128xf32, #tpu.memory_space<vmem>>, vector<16x128xf32>
      %dot_general3A_359 = arith.constant dense<0.000000e+00> : vector<256x128xf32>
      %dot_general3A_360 = tpu.matmul %add3A_300, %get3A_358, %dot_general3A_359 {dimension_numbers = #tpu.dot_dimension_numbers<[1], [0], [0], [1], [0, 0, 1, 1], [], []>, transpose_lhs_hint = false} : vector<256x16xf32>, vector<16x128xf32>, vector<256x128xf32> -> vector<256x128xf32>
      %swap3A_361 = arith.constant 5 : index
      %swap3A_362 = arith.constant 0 : index
      %swap3A_363 = arith.constant 0 : index
      %swap3A_364 = vector.load %arg14[%swap3A_361, %swap3A_362, %swap3A_363] : memref<16x256x128xf32, #tpu.memory_space<vmem>>, vector<1x256x128xf32>
      %swap3A_365 = vector.shape_cast %swap3A_364 : vector<1x256x128xf32> to vector<256x128xf32>
      %swap3A_366 = vector.shape_cast %dot_general3A_360 : vector<256x128xf32> to vector<1x256x128xf32>
      tpu.vector_store %arg14[%swap3A_361, %swap3A_362, %swap3A_363], %swap3A_366 {strides = array<i32>} : memref<16x256x128xf32, #tpu.memory_space<vmem>>, vector<1x256x128xf32>,
      %get3A_367 = arith.constant 96 : index
      %get3A_368 = arith.constant 0 : index
      %get3A_369 = vector.load %arg7[%get3A_367, %get3A_368] : memref<256x128xf32, #tpu.memory_space<vmem>>, vector<16x128xf32>
      %dot_general3A_370 = arith.constant dense<0.000000e+00> : vector<256x128xf32>
      %dot_general3A_371 = tpu.matmul %add3A_300, %get3A_369, %dot_general3A_370 {dimension_numbers = #tpu.dot_dimension_numbers<[1], [0], [0], [1], [0, 0, 1, 1], [], []>, transpose_lhs_hint = false} : vector<256x16xf32>, vector<16x128xf32>, vector<256x128xf32> -> vector<256x128xf32>
      %swap3A_372 = arith.constant 6 : index
      %swap3A_373 = arith.constant 0 : index
      %swap3A_374 = arith.constant 0 : index
      %swap3A_375 = vector.load %arg14[%swap3A_372, %swap3A_373, %swap3A_374] : memref<16x256x128xf32, #tpu.memory_space<vmem>>, vector<1x256x128xf32>
      %swap3A_376 = vector.shape_cast %swap3A_375 : vector<1x256x128xf32> to vector<256x128xf32>
      %swap3A_377 = vector.shape_cast %dot_general3A_371 : vector<256x128xf32> to vector<1x256x128xf32>
      tpu.vector_store %arg14[%swap3A_372, %swap3A_373, %swap3A_374], %swap3A_377 {strides = array<i32>} : memref<16x256x128xf32, #tpu.memory_space<vmem>>, vector<1x256x128xf32>,
      %get3A_378 = arith.constant 112 : index
      %get3A_379 = arith.constant 0 : index
      %get3A_380 = vector.load %arg7[%get3A_378, %get3A_379] : memref<256x128xf32, #tpu.memory_space<vmem>>, vector<16x128xf32>
      %dot_general3A_381 = arith.constant dense<0.000000e+00> : vector<256x128xf32>
      %dot_general3A_382 = tpu.matmul %add3A_300, %get3A_380, %dot_general3A_381 {dimension_numbers = #tpu.dot_dimension_numbers<[1], [0], [0], [1], [0, 0, 1, 1], [], []>, transpose_lhs_hint = false} : vector<256x16xf32>, vector<16x128xf32>, vector<256x128xf32> -> vector<256x128xf32>
      %swap3A_383 = arith.constant 7 : index
      %swap3A_384 = arith.constant 0 : index
      %swap3A_385 = arith.constant 0 : index
      %swap3A_386 = vector.load %arg14[%swap3A_383, %swap3A_384, %swap3A_385] : memref<16x256x128xf32, #tpu.memory_space<vmem>>, vector<1x256x128xf32>
      %swap3A_387 = vector.shape_cast %swap3A_386 : vector<1x256x128xf32> to vector<256x128xf32>
      %swap3A_388 = vector.shape_cast %dot_general3A_382 : vector<256x128xf32> to vector<1x256x128xf32>
      tpu.vector_store %arg14[%swap3A_383, %swap3A_384, %swap3A_385], %swap3A_388 {strides = array<i32>} : memref<16x256x128xf32, #tpu.memory_space<vmem>>, vector<1x256x128xf32>,
      %get3A_389 = arith.constant 128 : index
      %get3A_390 = arith.constant 0 : index
      %get3A_391 = vector.load %arg7[%get3A_389, %get3A_390] : memref<256x128xf32, #tpu.memory_space<vmem>>, vector<16x128xf32>
      %dot_general3A_392 = arith.constant dense<0.000000e+00> : vector<256x128xf32>
      %dot_general3A_393 = tpu.matmul %add3A_300, %get3A_391, %dot_general3A_392 {dimension_numbers = #tpu.dot_dimension_numbers<[1], [0], [0], [1], [0, 0, 1, 1], [], []>, transpose_lhs_hint = false} : vector<256x16xf32>, vector<16x128xf32>, vector<256x128xf32> -> vector<256x128xf32>
      %swap3A_394 = arith.constant 8 : index
      %swap3A_395 = arith.constant 0 : index
      %swap3A_396 = arith.constant 0 : index
      %swap3A_397 = vector.load %arg14[%swap3A_394, %swap3A_395, %swap3A_396] : memref<16x256x128xf32, #tpu.memory_space<vmem>>, vector<1x256x128xf32>
      %swap3A_398 = vector.shape_cast %swap3A_397 : vector<1x256x128xf32> to vector<256x128xf32>
      %swap3A_399 = vector.shape_cast %dot_general3A_393 : vector<256x128xf32> to vector<1x256x128xf32>
      tpu.vector_store %arg14[%swap3A_394, %swap3A_395, %swap3A_396], %swap3A_399 {strides = array<i32>} : memref<16x256x128xf32, #tpu.memory_space<vmem>>, vector<1x256x128xf32>,
      %get3A_400 = arith.constant 144 : index
      %get3A_401 = arith.constant 0 : index
      %get3A_402 = vector.load %arg7[%get3A_400, %get3A_401] : memref<256x128xf32, #tpu.memory_space<vmem>>, vector<16x128xf32>
      %dot_general3A_403 = arith.constant dense<0.000000e+00> : vector<256x128xf32>
      %dot_general3A_404 = tpu.matmul %add3A_300, %get3A_402, %dot_general3A_403 {dimension_numbers = #tpu.dot_dimension_numbers<[1], [0], [0], [1], [0, 0, 1, 1], [], []>, transpose_lhs_hint = false} : vector<256x16xf32>, vector<16x128xf32>, vector<256x128xf32> -> vector<256x128xf32>
      %swap3A_405 = arith.constant 9 : index
      %swap3A_406 = arith.constant 0 : index
      %swap3A_407 = arith.constant 0 : index
      %swap3A_408 = vector.load %arg14[%swap3A_405, %swap3A_406, %swap3A_407] : memref<16x256x128xf32, #tpu.memory_space<vmem>>, vector<1x256x128xf32>
      %swap3A_409 = vector.shape_cast %swap3A_408 : vector<1x256x128xf32> to vector<256x128xf32>
      %swap3A_410 = vector.shape_cast %dot_general3A_404 : vector<256x128xf32> to vector<1x256x128xf32>
      tpu.vector_store %arg14[%swap3A_405, %swap3A_406, %swap3A_407], %swap3A_410 {strides = array<i32>} : memref<16x256x128xf32, #tpu.memory_space<vmem>>, vector<1x256x128xf32>,
      %get3A_411 = arith.constant 160 : index
      %get3A_412 = arith.constant 0 : index
      %get3A_413 = vector.load %arg7[%get3A_411, %get3A_412] : memref<256x128xf32, #tpu.memory_space<vmem>>, vector<16x128xf32>
      %dot_general3A_414 = arith.constant dense<0.000000e+00> : vector<256x128xf32>
      %dot_general3A_415 = tpu.matmul %add3A_300, %get3A_413, %dot_general3A_414 {dimension_numbers = #tpu.dot_dimension_numbers<[1], [0], [0], [1], [0, 0, 1, 1], [], []>, transpose_lhs_hint = false} : vector<256x16xf32>, vector<16x128xf32>, vector<256x128xf32> -> vector<256x128xf32>
      %swap3A_416 = arith.constant 10 : index
      %swap3A_417 = arith.constant 0 : index
      %swap3A_418 = arith.constant 0 : index
      %swap3A_419 = vector.load %arg14[%swap3A_416, %swap3A_417, %swap3A_418] : memref<16x256x128xf32, #tpu.memory_space<vmem>>, vector<1x256x128xf32>
      %swap3A_420 = vector.shape_cast %swap3A_419 : vector<1x256x128xf32> to vector<256x128xf32>
      %swap3A_421 = vector.shape_cast %dot_general3A_415 : vector<256x128xf32> to vector<1x256x128xf32>
      tpu.vector_store %arg14[%swap3A_416, %swap3A_417, %swap3A_418], %swap3A_421 {strides = array<i32>} : memref<16x256x128xf32, #tpu.memory_space<vmem>>, vector<1x256x128xf32>,
      %get3A_422 = arith.constant 176 : index
      %get3A_423 = arith.constant 0 : index
      %get3A_424 = vector.load %arg7[%get3A_422, %get3A_423] : memref<256x128xf32, #tpu.memory_space<vmem>>, vector<16x128xf32>
      %dot_general3A_425 = arith.constant dense<0.000000e+00> : vector<256x128xf32>
      %dot_general3A_426 = tpu.matmul %add3A_300, %get3A_424, %dot_general3A_425 {dimension_numbers = #tpu.dot_dimension_numbers<[1], [0], [0], [1], [0, 0, 1, 1], [], []>, transpose_lhs_hint = false} : vector<256x16xf32>, vector<16x128xf32>, vector<256x128xf32> -> vector<256x128xf32>
      %swap3A_427 = arith.constant 11 : index
      %swap3A_428 = arith.constant 0 : index
      %swap3A_429 = arith.constant 0 : index
      %swap3A_430 = vector.load %arg14[%swap3A_427, %swap3A_428, %swap3A_429] : memref<16x256x128xf32, #tpu.memory_space<vmem>>, vector<1x256x128xf32>
      %swap3A_431 = vector.shape_cast %swap3A_430 : vector<1x256x128xf32> to vector<256x128xf32>
      %swap3A_432 = vector.shape_cast %dot_general3A_426 : vector<256x128xf32> to vector<1x256x128xf32>
      tpu.vector_store %arg14[%swap3A_427, %swap3A_428, %swap3A_429], %swap3A_432 {strides = array<i32>} : memref<16x256x128xf32, #tpu.memory_space<vmem>>, vector<1x256x128xf32>,
      %get3A_433 = arith.constant 192 : index
      %get3A_434 = arith.constant 0 : index
      %get3A_435 = vector.load %arg7[%get3A_433, %get3A_434] : memref<256x128xf32, #tpu.memory_space<vmem>>, vector<16x128xf32>
      %dot_general3A_436 = arith.constant dense<0.000000e+00> : vector<256x128xf32>
      %dot_general3A_437 = tpu.matmul %add3A_300, %get3A_435, %dot_general3A_436 {dimension_numbers = #tpu.dot_dimension_numbers<[1], [0], [0], [1], [0, 0, 1, 1], [], []>, transpose_lhs_hint = false} : vector<256x16xf32>, vector<16x128xf32>, vector<256x128xf32> -> vector<256x128xf32>
      %swap3A_438 = arith.constant 12 : index
      %swap3A_439 = arith.constant 0 : index
      %swap3A_440 = arith.constant 0 : index
      %swap3A_441 = vector.load %arg14[%swap3A_438, %swap3A_439, %swap3A_440] : memref<16x256x128xf32, #tpu.memory_space<vmem>>, vector<1x256x128xf32>
      %swap3A_442 = vector.shape_cast %swap3A_441 : vector<1x256x128xf32> to vector<256x128xf32>
      %swap3A_443 = vector.shape_cast %dot_general3A_437 : vector<256x128xf32> to vector<1x256x128xf32>
      tpu.vector_store %arg14[%swap3A_438, %swap3A_439, %swap3A_440], %swap3A_443 {strides = array<i32>} : memref<16x256x128xf32, #tpu.memory_space<vmem>>, vector<1x256x128xf32>,
      %get3A_444 = arith.constant 208 : index
      %get3A_445 = arith.constant 0 : index
      %get3A_446 = vector.load %arg7[%get3A_444, %get3A_445] : memref<256x128xf32, #tpu.memory_space<vmem>>, vector<16x128xf32>
      %dot_general3A_447 = arith.constant dense<0.000000e+00> : vector<256x128xf32>
      %dot_general3A_448 = tpu.matmul %add3A_300, %get3A_446, %dot_general3A_447 {dimension_numbers = #tpu.dot_dimension_numbers<[1], [0], [0], [1], [0, 0, 1, 1], [], []>, transpose_lhs_hint = false} : vector<256x16xf32>, vector<16x128xf32>, vector<256x128xf32> -> vector<256x128xf32>
      %swap3A_449 = arith.constant 13 : index
      %swap3A_450 = arith.constant 0 : index
      %swap3A_451 = arith.constant 0 : index
      %swap3A_452 = vector.load %arg14[%swap3A_449, %swap3A_450, %swap3A_451] : memref<16x256x128xf32, #tpu.memory_space<vmem>>, vector<1x256x128xf32>
      %swap3A_453 = vector.shape_cast %swap3A_452 : vector<1x256x128xf32> to vector<256x128xf32>
      %swap3A_454 = vector.shape_cast %dot_general3A_448 : vector<256x128xf32> to vector<1x256x128xf32>
      tpu.vector_store %arg14[%swap3A_449, %swap3A_450, %swap3A_451], %swap3A_454 {strides = array<i32>} : memref<16x256x128xf32, #tpu.memory_space<vmem>>, vector<1x256x128xf32>,
      %get3A_455 = arith.constant 224 : index
      %get3A_456 = arith.constant 0 : index
      %get3A_457 = vector.load %arg7[%get3A_455, %get3A_456] : memref<256x128xf32, #tpu.memory_space<vmem>>, vector<16x128xf32>
      %dot_general3A_458 = arith.constant dense<0.000000e+00> : vector<256x128xf32>
      %dot_general3A_459 = tpu.matmul %add3A_300, %get3A_457, %dot_general3A_458 {dimension_numbers = #tpu.dot_dimension_numbers<[1], [0], [0], [1], [0, 0, 1, 1], [], []>, transpose_lhs_hint = false} : vector<256x16xf32>, vector<16x128xf32>, vector<256x128xf32> -> vector<256x128xf32>
      %swap3A_460 = arith.constant 14 : index
      %swap3A_461 = arith.constant 0 : index
      %swap3A_462 = arith.constant 0 : index
      %swap3A_463 = vector.load %arg14[%swap3A_460, %swap3A_461, %swap3A_462] : memref<16x256x128xf32, #tpu.memory_space<vmem>>, vector<1x256x128xf32>
      %swap3A_464 = vector.shape_cast %swap3A_463 : vector<1x256x128xf32> to vector<256x128xf32>
      %swap3A_465 = vector.shape_cast %dot_general3A_459 : vector<256x128xf32> to vector<1x256x128xf32>
      tpu.vector_store %arg14[%swap3A_460, %swap3A_461, %swap3A_462], %swap3A_465 {strides = array<i32>} : memref<16x256x128xf32, #tpu.memory_space<vmem>>, vector<1x256x128xf32>,
      %get3A_466 = arith.constant 240 : index
      %get3A_467 = arith.constant 0 : index
      %get3A_468 = vector.load %arg7[%get3A_466, %get3A_467] : memref<256x128xf32, #tpu.memory_space<vmem>>, vector<16x128xf32>
      %dot_general3A_469 = arith.constant dense<0.000000e+00> : vector<256x128xf32>
      %dot_general3A_470 = tpu.matmul %add3A_300, %get3A_468, %dot_general3A_469 {dimension_numbers = #tpu.dot_dimension_numbers<[1], [0], [0], [1], [0, 0, 1, 1], [], []>, transpose_lhs_hint = false} : vector<256x16xf32>, vector<16x128xf32>, vector<256x128xf32> -> vector<256x128xf32>
      %swap3A_471 = arith.constant 15 : index
      %swap3A_472 = arith.constant 0 : index
      %swap3A_473 = arith.constant 0 : index
      %swap3A_474 = vector.load %arg14[%swap3A_471, %swap3A_472, %swap3A_473] : memref<16x256x128xf32, #tpu.memory_space<vmem>>, vector<1x256x128xf32>
      %swap3A_475 = vector.shape_cast %swap3A_474 : vector<1x256x128xf32> to vector<256x128xf32>
      %swap3A_476 = vector.shape_cast %dot_general3A_470 : vector<256x128xf32> to vector<1x256x128xf32>
      tpu.vector_store %arg14[%swap3A_471, %swap3A_472, %swap3A_473], %swap3A_476 {strides = array<i32>} : memref<16x256x128xf32, #tpu.memory_space<vmem>>, vector<1x256x128xf32>,
    } else {
    }
    %mul3A = arith.constant 16 : i32
    %mul3A_2 = arith.muli %arg0, %mul3A : i32
    %get3A = arith.index_cast %mul3A_2 : i32 to index
    %get3A_3 = arith.constant 0 : index
    %get3A_4 = vector.load %arg1[%get3A, %get3A_3] : memref<256x3xf32, #tpu.memory_space<vmem>>, vector<16x3xf32>
    %mul3A_5 = arith.constant 16 : i32
    %mul3A_6 = arith.muli %arg0, %mul3A_5 : i32
    %get3A_7 = arith.index_cast %mul3A_6 : i32 to index
    %get3A_8 = arith.constant 0 : index
    %get3A_9 = vector.load %arg2[%get3A_7, %get3A_8] : memref<256x384xf32, #tpu.memory_space<vmem>>, vector<16x384xf32>
    %get3A_10 = arith.constant 0 : index
    %get3A_11 = arith.constant 0 : index
    %get3A_12 = vector.load %arg3[%get3A_10, %get3A_11] : memref<384x16xf32, #tpu.memory_space<vmem>>, vector<384x16xf32>
    %dot_general3A = arith.constant dense<0.000000e+00> : vector<16x16xf32>
    %dot_general3A_13 = tpu.matmul %get3A_9, %get3A_12, %dot_general3A {dimension_numbers = #tpu.dot_dimension_numbers<[1], [0], [0], [1], [0, 0, 1, 1], [], []>, transpose_lhs_hint = false} : vector<16x384xf32>, vector<384x16xf32>, vector<16x16xf32> -> vector<16x16xf32>
    %get3A_14 = arith.constant 0 : index
    %get3A_15 = arith.constant 0 : index
    %get3A_16 = vector.load %arg4[%get3A_14, %get3A_15] : memref<1x16xf32, #tpu.memory_space<vmem>>, vector<1x16xf32>
    %add3A = vector.broadcast %get3A_16 : vector<1x16xf32> to vector<16x16xf32>
    %add3A_17 = arith.addf %dot_general3A_13, %add3A : vector<16x16xf32>
    %convert_element_type3A_18 = arith.truncf %add3A_17 : vector<16x16xf32> to vector<16x16xbf16>
    %get3A_19 = arith.constant 0 : index
    %get3A_20 = arith.constant 0 : index
    %get3A_21 = arith.constant 0 : index
    %get3A_22 = vector.load %arg14[%get3A_19, %get3A_20, %get3A_21] : memref<16x256x128xf32, #tpu.memory_space<vmem>>, vector<16x256x128xf32>
    %reshape3A = vector.shape_cast %get3A_22 : vector<16x256x128xf32> to vector<16x32768xf32>
    %convert_element_type3A_23 = arith.truncf %reshape3A : vector<16x32768xf32> to vector<16x32768xbf16>
    %dot_general3A_24 = arith.constant dense<0.000000e+00> : vector<16x32768xf32>
    %dot_general3A_25 = tpu.matmul %convert_element_type3A_18, %convert_element_type3A_23, %dot_general3A_24 {dimension_numbers = #tpu.dot_dimension_numbers<[1], [0], [0], [1], [0, 0, 1, 1], [], []>, transpose_lhs_hint = false} : vector<16x16xbf16>, vector<16x32768xbf16>, vector<16x32768xf32> -> vector<16x32768xf32>
    %reshape3A_26 = vector.shape_cast %dot_general3A_25 : vector<16x32768xf32> to vector<4096x128xf32>
    %get3A_27 = arith.constant 0 : index
    %get3A_28 = arith.constant 0 : index
    %get3A_29 = vector.load %arg1[%get3A_27, %get3A_28] : memref<256x3xf32, #tpu.memory_space<vmem>>, vector<256x3xf32>
    %slice3A = vector.extract_strided_slice %get3A_4 {offsets = [0, 0], sizes = [1, 3], strides = [1, 1]} : vector<16x3xf32> to vector<1x3xf32>
    %sub3A = vector.broadcast %slice3A : vector<1x3xf32> to vector<256x3xf32>
    %sub3A_30 = arith.subf %get3A_29, %sub3A : vector<256x3xf32>
    %mul3A_31 = arith.mulf %sub3A_30, %sub3A_30 : vector<256x3xf32>
    %reduce_sum3A = arith.constant dense<0.000000e+00> : vector<256xf32>
    %reduce_sum3A_32 = vector.multi_reduction <add>, %mul3A_31, %reduce_sum3A [1] : vector<256x3xf32> to vector<256xf32>
    %broadcast_in_dim3A = vector.shape_cast %reduce_sum3A_32 : vector<256xf32> to vector<256x1xf32>
    %add3A_33 = arith.constant 9.99999996E-13 : f32
    %add3A_34 = vector.broadcast %add3A_33 : f32 to vector<256x1xf32>
    %add3A_35 = arith.addf %broadcast_in_dim3A, %add3A_34 : vector<256x1xf32>
    %sqrt3A = math.sqrt %add3A_35 : vector<256x1xf32>
    %get3A_36 = arith.constant 0 : index
    %get3A_37 = arith.constant 0 : index
    %get3A_38 = vector.load %arg1[%get3A_36, %get3A_37] : memref<256x3xf32, #tpu.memory_space<vmem>>, vector<256x3xf32>
    %slice3A_39 = vector.extract_strided_slice %get3A_4 {offsets = [1, 0], sizes = [1, 3], strides = [1, 1]} : vector<16x3xf32> to vector<1x3xf32>
    %sub3A_40 = vector.broadcast %slice3A_39 : vector<1x3xf32> to vector<256x3xf32>
    %sub3A_41 = arith.subf %get3A_38, %sub3A_40 : vector<256x3xf32>
    %mul3A_42 = arith.mulf %sub3A_41, %sub3A_41 : vector<256x3xf32>
    %reduce_sum3A_43 = arith.constant dense<0.000000e+00> : vector<256xf32>
    %reduce_sum3A_44 = vector.multi_reduction <add>, %mul3A_42, %reduce_sum3A_43 [1] : vector<256x3xf32> to vector<256xf32>
    %broadcast_in_dim3A_45 = vector.shape_cast %reduce_sum3A_44 : vector<256xf32> to vector<256x1xf32>
    %add3A_46 = arith.constant 9.99999996E-13 : f32
    %add3A_47 = vector.broadcast %add3A_46 : f32 to vector<256x1xf32>
    %add3A_48 = arith.addf %broadcast_in_dim3A_45, %add3A_47 : vector<256x1xf32>
    %sqrt3A_49 = math.sqrt %add3A_48 : vector<256x1xf32>
    %get3A_50 = arith.constant 0 : index
    %get3A_51 = arith.constant 0 : index
    %get3A_52 = vector.load %arg1[%get3A_50, %get3A_51] : memref<256x3xf32, #tpu.memory_space<vmem>>, vector<256x3xf32>
    %slice3A_53 = vector.extract_strided_slice %get3A_4 {offsets = [2, 0], sizes = [1, 3], strides = [1, 1]} : vector<16x3xf32> to vector<1x3xf32>
    %sub3A_54 = vector.broadcast %slice3A_53 : vector<1x3xf32> to vector<256x3xf32>
    %sub3A_55 = arith.subf %get3A_52, %sub3A_54 : vector<256x3xf32>
    %mul3A_56 = arith.mulf %sub3A_55, %sub3A_55 : vector<256x3xf32>
    %reduce_sum3A_57 = arith.constant dense<0.000000e+00> : vector<256xf32>
    %reduce_sum3A_58 = vector.multi_reduction <add>, %mul3A_56, %reduce_sum3A_57 [1] : vector<256x3xf32> to vector<256xf32>
    %broadcast_in_dim3A_59 = vector.shape_cast %reduce_sum3A_58 : vector<256xf32> to vector<256x1xf32>
    %add3A_60 = arith.constant 9.99999996E-13 : f32
    %add3A_61 = vector.broadcast %add3A_60 : f32 to vector<256x1xf32>
    %add3A_62 = arith.addf %broadcast_in_dim3A_59, %add3A_61 : vector<256x1xf32>
    %sqrt3A_63 = math.sqrt %add3A_62 : vector<256x1xf32>
    %get3A_64 = arith.constant 0 : index
    %get3A_65 = arith.constant 0 : index
    %get3A_66 = vector.load %arg1[%get3A_64, %get3A_65] : memref<256x3xf32, #tpu.memory_space<vmem>>, vector<256x3xf32>
    %slice3A_67 = vector.extract_strided_slice %get3A_4 {offsets = [3, 0], sizes = [1, 3], strides = [1, 1]} : vector<16x3xf32> to vector<1x3xf32>
    %sub3A_68 = vector.broadcast %slice3A_67 : vector<1x3xf32> to vector<256x3xf32>
    %sub3A_69 = arith.subf %get3A_66, %sub3A_68 : vector<256x3xf32>
    %mul3A_70 = arith.mulf %sub3A_69, %sub3A_69 : vector<256x3xf32>
    %reduce_sum3A_71 = arith.constant dense<0.000000e+00> : vector<256xf32>
    %reduce_sum3A_72 = vector.multi_reduction <add>, %mul3A_70, %reduce_sum3A_71 [1] : vector<256x3xf32> to vector<256xf32>
    %broadcast_in_dim3A_73 = vector.shape_cast %reduce_sum3A_72 : vector<256xf32> to vector<256x1xf32>
    %add3A_74 = arith.constant 9.99999996E-13 : f32
    %add3A_75 = vector.broadcast %add3A_74 : f32 to vector<256x1xf32>
    %add3A_76 = arith.addf %broadcast_in_dim3A_73, %add3A_75 : vector<256x1xf32>
    %sqrt3A_77 = math.sqrt %add3A_76 : vector<256x1xf32>
    %get3A_78 = arith.constant 0 : index
    %get3A_79 = arith.constant 0 : index
    %get3A_80 = vector.load %arg1[%get3A_78, %get3A_79] : memref<256x3xf32, #tpu.memory_space<vmem>>, vector<256x3xf32>
    %slice3A_81 = vector.extract_strided_slice %get3A_4 {offsets = [4, 0], sizes = [1, 3], strides = [1, 1]} : vector<16x3xf32> to vector<1x3xf32>
    %sub3A_82 = vector.broadcast %slice3A_81 : vector<1x3xf32> to vector<256x3xf32>
    %sub3A_83 = arith.subf %get3A_80, %sub3A_82 : vector<256x3xf32>
    %mul3A_84 = arith.mulf %sub3A_83, %sub3A_83 : vector<256x3xf32>
    %reduce_sum3A_85 = arith.constant dense<0.000000e+00> : vector<256xf32>
    %reduce_sum3A_86 = vector.multi_reduction <add>, %mul3A_84, %reduce_sum3A_85 [1] : vector<256x3xf32> to vector<256xf32>
    %broadcast_in_dim3A_87 = vector.shape_cast %reduce_sum3A_86 : vector<256xf32> to vector<256x1xf32>
    %add3A_88 = arith.constant 9.99999996E-13 : f32
    %add3A_89 = vector.broadcast %add3A_88 : f32 to vector<256x1xf32>
    %add3A_90 = arith.addf %broadcast_in_dim3A_87, %add3A_89 : vector<256x1xf32>
    %sqrt3A_91 = math.sqrt %add3A_90 : vector<256x1xf32>
    %get3A_92 = arith.constant 0 : index
    %get3A_93 = arith.constant 0 : index
    %get3A_94 = vector.load %arg1[%get3A_92, %get3A_93] : memref<256x3xf32, #tpu.memory_space<vmem>>, vector<256x3xf32>
    %slice3A_95 = vector.extract_strided_slice %get3A_4 {offsets = [5, 0], sizes = [1, 3], strides = [1, 1]} : vector<16x3xf32> to vector<1x3xf32>
    %sub3A_96 = vector.broadcast %slice3A_95 : vector<1x3xf32> to vector<256x3xf32>
    %sub3A_97 = arith.subf %get3A_94, %sub3A_96 : vector<256x3xf32>
    %mul3A_98 = arith.mulf %sub3A_97, %sub3A_97 : vector<256x3xf32>
    %reduce_sum3A_99 = arith.constant dense<0.000000e+00> : vector<256xf32>
    %reduce_sum3A_100 = vector.multi_reduction <add>, %mul3A_98, %reduce_sum3A_99 [1] : vector<256x3xf32> to vector<256xf32>
    %broadcast_in_dim3A_101 = vector.shape_cast %reduce_sum3A_100 : vector<256xf32> to vector<256x1xf32>
    %add3A_102 = arith.constant 9.99999996E-13 : f32
    %add3A_103 = vector.broadcast %add3A_102 : f32 to vector<256x1xf32>
    %add3A_104 = arith.addf %broadcast_in_dim3A_101, %add3A_103 : vector<256x1xf32>
    %sqrt3A_105 = math.sqrt %add3A_104 : vector<256x1xf32>
    %get3A_106 = arith.constant 0 : index
    %get3A_107 = arith.constant 0 : index
    %get3A_108 = vector.load %arg1[%get3A_106, %get3A_107] : memref<256x3xf32, #tpu.memory_space<vmem>>, vector<256x3xf32>
    %slice3A_109 = vector.extract_strided_slice %get3A_4 {offsets = [6, 0], sizes = [1, 3], strides = [1, 1]} : vector<16x3xf32> to vector<1x3xf32>
    %sub3A_110 = vector.broadcast %slice3A_109 : vector<1x3xf32> to vector<256x3xf32>
    %sub3A_111 = arith.subf %get3A_108, %sub3A_110 : vector<256x3xf32>
    %mul3A_112 = arith.mulf %sub3A_111, %sub3A_111 : vector<256x3xf32>
    %reduce_sum3A_113 = arith.constant dense<0.000000e+00> : vector<256xf32>
    %reduce_sum3A_114 = vector.multi_reduction <add>, %mul3A_112, %reduce_sum3A_113 [1] : vector<256x3xf32> to vector<256xf32>
    %broadcast_in_dim3A_115 = vector.shape_cast %reduce_sum3A_114 : vector<256xf32> to vector<256x1xf32>
    %add3A_116 = arith.constant 9.99999996E-13 : f32
    %add3A_117 = vector.broadcast %add3A_116 : f32 to vector<256x1xf32>
    %add3A_118 = arith.addf %broadcast_in_dim3A_115, %add3A_117 : vector<256x1xf32>
    %sqrt3A_119 = math.sqrt %add3A_118 : vector<256x1xf32>
    %get3A_120 = arith.constant 0 : index
    %get3A_121 = arith.constant 0 : index
    %get3A_122 = vector.load %arg1[%get3A_120, %get3A_121] : memref<256x3xf32, #tpu.memory_space<vmem>>, vector<256x3xf32>
    %slice3A_123 = vector.extract_strided_slice %get3A_4 {offsets = [7, 0], sizes = [1, 3], strides = [1, 1]} : vector<16x3xf32> to vector<1x3xf32>
    %sub3A_124 = vector.broadcast %slice3A_123 : vector<1x3xf32> to vector<256x3xf32>
    %sub3A_125 = arith.subf %get3A_122, %sub3A_124 : vector<256x3xf32>
    %mul3A_126 = arith.mulf %sub3A_125, %sub3A_125 : vector<256x3xf32>
    %reduce_sum3A_127 = arith.constant dense<0.000000e+00> : vector<256xf32>
    %reduce_sum3A_128 = vector.multi_reduction <add>, %mul3A_126, %reduce_sum3A_127 [1] : vector<256x3xf32> to vector<256xf32>
    %broadcast_in_dim3A_129 = vector.shape_cast %reduce_sum3A_128 : vector<256xf32> to vector<256x1xf32>
    %add3A_130 = arith.constant 9.99999996E-13 : f32
    %add3A_131 = vector.broadcast %add3A_130 : f32 to vector<256x1xf32>
    %add3A_132 = arith.addf %broadcast_in_dim3A_129, %add3A_131 : vector<256x1xf32>
    %sqrt3A_133 = math.sqrt %add3A_132 : vector<256x1xf32>
    %get3A_134 = arith.constant 0 : index
    %get3A_135 = arith.constant 0 : index
    %get3A_136 = vector.load %arg1[%get3A_134, %get3A_135] : memref<256x3xf32, #tpu.memory_space<vmem>>, vector<256x3xf32>
    %slice3A_137 = vector.extract_strided_slice %get3A_4 {offsets = [8, 0], sizes = [1, 3], strides = [1, 1]} : vector<16x3xf32> to vector<1x3xf32>
    %sub3A_138 = vector.broadcast %slice3A_137 : vector<1x3xf32> to vector<256x3xf32>
    %sub3A_139 = arith.subf %get3A_136, %sub3A_138 : vector<256x3xf32>
    %mul3A_140 = arith.mulf %sub3A_139, %sub3A_139 : vector<256x3xf32>
    %reduce_sum3A_141 = arith.constant dense<0.000000e+00> : vector<256xf32>
    %reduce_sum3A_142 = vector.multi_reduction <add>, %mul3A_140, %reduce_sum3A_141 [1] : vector<256x3xf32> to vector<256xf32>
    %broadcast_in_dim3A_143 = vector.shape_cast %reduce_sum3A_142 : vector<256xf32> to vector<256x1xf32>
    %add3A_144 = arith.constant 9.99999996E-13 : f32
    %add3A_145 = vector.broadcast %add3A_144 : f32 to vector<256x1xf32>
    %add3A_146 = arith.addf %broadcast_in_dim3A_143, %add3A_145 : vector<256x1xf32>
    %sqrt3A_147 = math.sqrt %add3A_146 : vector<256x1xf32>
    %get3A_148 = arith.constant 0 : index
    %get3A_149 = arith.constant 0 : index
    %get3A_150 = vector.load %arg1[%get3A_148, %get3A_149] : memref<256x3xf32, #tpu.memory_space<vmem>>, vector<256x3xf32>
    %slice3A_151 = vector.extract_strided_slice %get3A_4 {offsets = [9, 0], sizes = [1, 3], strides = [1, 1]} : vector<16x3xf32> to vector<1x3xf32>
    %sub3A_152 = vector.broadcast %slice3A_151 : vector<1x3xf32> to vector<256x3xf32>
    %sub3A_153 = arith.subf %get3A_150, %sub3A_152 : vector<256x3xf32>
    %mul3A_154 = arith.mulf %sub3A_153, %sub3A_153 : vector<256x3xf32>
    %reduce_sum3A_155 = arith.constant dense<0.000000e+00> : vector<256xf32>
    %reduce_sum3A_156 = vector.multi_reduction <add>, %mul3A_154, %reduce_sum3A_155 [1] : vector<256x3xf32> to vector<256xf32>
    %broadcast_in_dim3A_157 = vector.shape_cast %reduce_sum3A_156 : vector<256xf32> to vector<256x1xf32>
    %add3A_158 = arith.constant 9.99999996E-13 : f32
    %add3A_159 = vector.broadcast %add3A_158 : f32 to vector<256x1xf32>
    %add3A_160 = arith.addf %broadcast_in_dim3A_157, %add3A_159 : vector<256x1xf32>
    %sqrt3A_161 = math.sqrt %add3A_160 : vector<256x1xf32>
    %get3A_162 = arith.constant 0 : index
    %get3A_163 = arith.constant 0 : index
    %get3A_164 = vector.load %arg1[%get3A_162, %get3A_163] : memref<256x3xf32, #tpu.memory_space<vmem>>, vector<256x3xf32>
    %slice3A_165 = vector.extract_strided_slice %get3A_4 {offsets = [10, 0], sizes = [1, 3], strides = [1, 1]} : vector<16x3xf32> to vector<1x3xf32>
    %sub3A_166 = vector.broadcast %slice3A_165 : vector<1x3xf32> to vector<256x3xf32>
    %sub3A_167 = arith.subf %get3A_164, %sub3A_166 : vector<256x3xf32>
    %mul3A_168 = arith.mulf %sub3A_167, %sub3A_167 : vector<256x3xf32>
    %reduce_sum3A_169 = arith.constant dense<0.000000e+00> : vector<256xf32>
    %reduce_sum3A_170 = vector.multi_reduction <add>, %mul3A_168, %reduce_sum3A_169 [1] : vector<256x3xf32> to vector<256xf32>
    %broadcast_in_dim3A_171 = vector.shape_cast %reduce_sum3A_170 : vector<256xf32> to vector<256x1xf32>
    %add3A_172 = arith.constant 9.99999996E-13 : f32
    %add3A_173 = vector.broadcast %add3A_172 : f32 to vector<256x1xf32>
    %add3A_174 = arith.addf %broadcast_in_dim3A_171, %add3A_173 : vector<256x1xf32>
    %sqrt3A_175 = math.sqrt %add3A_174 : vector<256x1xf32>
    %get3A_176 = arith.constant 0 : index
    %get3A_177 = arith.constant 0 : index
    %get3A_178 = vector.load %arg1[%get3A_176, %get3A_177] : memref<256x3xf32, #tpu.memory_space<vmem>>, vector<256x3xf32>
    %slice3A_179 = vector.extract_strided_slice %get3A_4 {offsets = [11, 0], sizes = [1, 3], strides = [1, 1]} : vector<16x3xf32> to vector<1x3xf32>
    %sub3A_180 = vector.broadcast %slice3A_179 : vector<1x3xf32> to vector<256x3xf32>
    %sub3A_181 = arith.subf %get3A_178, %sub3A_180 : vector<256x3xf32>
    %mul3A_182 = arith.mulf %sub3A_181, %sub3A_181 : vector<256x3xf32>
    %reduce_sum3A_183 = arith.constant dense<0.000000e+00> : vector<256xf32>
    %reduce_sum3A_184 = vector.multi_reduction <add>, %mul3A_182, %reduce_sum3A_183 [1] : vector<256x3xf32> to vector<256xf32>
    %broadcast_in_dim3A_185 = vector.shape_cast %reduce_sum3A_184 : vector<256xf32> to vector<256x1xf32>
    %add3A_186 = arith.constant 9.99999996E-13 : f32
    %add3A_187 = vector.broadcast %add3A_186 : f32 to vector<256x1xf32>
    %add3A_188 = arith.addf %broadcast_in_dim3A_185, %add3A_187 : vector<256x1xf32>
    %sqrt3A_189 = math.sqrt %add3A_188 : vector<256x1xf32>
    %get3A_190 = arith.constant 0 : index
    %get3A_191 = arith.constant 0 : index
    %get3A_192 = vector.load %arg1[%get3A_190, %get3A_191] : memref<256x3xf32, #tpu.memory_space<vmem>>, vector<256x3xf32>
    %slice3A_193 = vector.extract_strided_slice %get3A_4 {offsets = [12, 0], sizes = [1, 3], strides = [1, 1]} : vector<16x3xf32> to vector<1x3xf32>
    %sub3A_194 = vector.broadcast %slice3A_193 : vector<1x3xf32> to vector<256x3xf32>
    %sub3A_195 = arith.subf %get3A_192, %sub3A_194 : vector<256x3xf32>
    %mul3A_196 = arith.mulf %sub3A_195, %sub3A_195 : vector<256x3xf32>
    %reduce_sum3A_197 = arith.constant dense<0.000000e+00> : vector<256xf32>
    %reduce_sum3A_198 = vector.multi_reduction <add>, %mul3A_196, %reduce_sum3A_197 [1] : vector<256x3xf32> to vector<256xf32>
    %broadcast_in_dim3A_199 = vector.shape_cast %reduce_sum3A_198 : vector<256xf32> to vector<256x1xf32>
    %add3A_200 = arith.constant 9.99999996E-13 : f32
    %add3A_201 = vector.broadcast %add3A_200 : f32 to vector<256x1xf32>
    %add3A_202 = arith.addf %broadcast_in_dim3A_199, %add3A_201 : vector<256x1xf32>
    %sqrt3A_203 = math.sqrt %add3A_202 : vector<256x1xf32>
    %get3A_204 = arith.constant 0 : index
    %get3A_205 = arith.constant 0 : index
    %get3A_206 = vector.load %arg1[%get3A_204, %get3A_205] : memref<256x3xf32, #tpu.memory_space<vmem>>, vector<256x3xf32>
    %slice3A_207 = vector.extract_strided_slice %get3A_4 {offsets = [13, 0], sizes = [1, 3], strides = [1, 1]} : vector<16x3xf32> to vector<1x3xf32>
    %sub3A_208 = vector.broadcast %slice3A_207 : vector<1x3xf32> to vector<256x3xf32>
    %sub3A_209 = arith.subf %get3A_206, %sub3A_208 : vector<256x3xf32>
    %mul3A_210 = arith.mulf %sub3A_209, %sub3A_209 : vector<256x3xf32>
    %reduce_sum3A_211 = arith.constant dense<0.000000e+00> : vector<256xf32>
    %reduce_sum3A_212 = vector.multi_reduction <add>, %mul3A_210, %reduce_sum3A_211 [1] : vector<256x3xf32> to vector<256xf32>
    %broadcast_in_dim3A_213 = vector.shape_cast %reduce_sum3A_212 : vector<256xf32> to vector<256x1xf32>
    %add3A_214 = arith.constant 9.99999996E-13 : f32
    %add3A_215 = vector.broadcast %add3A_214 : f32 to vector<256x1xf32>
    %add3A_216 = arith.addf %broadcast_in_dim3A_213, %add3A_215 : vector<256x1xf32>
    %sqrt3A_217 = math.sqrt %add3A_216 : vector<256x1xf32>
    %get3A_218 = arith.constant 0 : index
    %get3A_219 = arith.constant 0 : index
    %get3A_220 = vector.load %arg1[%get3A_218, %get3A_219] : memref<256x3xf32, #tpu.memory_space<vmem>>, vector<256x3xf32>
    %slice3A_221 = vector.extract_strided_slice %get3A_4 {offsets = [14, 0], sizes = [1, 3], strides = [1, 1]} : vector<16x3xf32> to vector<1x3xf32>
    %sub3A_222 = vector.broadcast %slice3A_221 : vector<1x3xf32> to vector<256x3xf32>
    %sub3A_223 = arith.subf %get3A_220, %sub3A_222 : vector<256x3xf32>
    %mul3A_224 = arith.mulf %sub3A_223, %sub3A_223 : vector<256x3xf32>
    %reduce_sum3A_225 = arith.constant dense<0.000000e+00> : vector<256xf32>
    %reduce_sum3A_226 = vector.multi_reduction <add>, %mul3A_224, %reduce_sum3A_225 [1] : vector<256x3xf32> to vector<256xf32>
    %broadcast_in_dim3A_227 = vector.shape_cast %reduce_sum3A_226 : vector<256xf32> to vector<256x1xf32>
    %add3A_228 = arith.constant 9.99999996E-13 : f32
    %add3A_229 = vector.broadcast %add3A_228 : f32 to vector<256x1xf32>
    %add3A_230 = arith.addf %broadcast_in_dim3A_227, %add3A_229 : vector<256x1xf32>
    %sqrt3A_231 = math.sqrt %add3A_230 : vector<256x1xf32>
    %get3A_232 = arith.constant 0 : index
    %get3A_233 = arith.constant 0 : index
    %get3A_234 = vector.load %arg1[%get3A_232, %get3A_233] : memref<256x3xf32, #tpu.memory_space<vmem>>, vector<256x3xf32>
    %slice3A_235 = vector.extract_strided_slice %get3A_4 {offsets = [15, 0], sizes = [1, 3], strides = [1, 1]} : vector<16x3xf32> to vector<1x3xf32>
    %sub3A_236 = vector.broadcast %slice3A_235 : vector<1x3xf32> to vector<256x3xf32>
    %sub3A_237 = arith.subf %get3A_234, %sub3A_236 : vector<256x3xf32>
    %mul3A_238 = arith.mulf %sub3A_237, %sub3A_237 : vector<256x3xf32>
    %reduce_sum3A_239 = arith.constant dense<0.000000e+00> : vector<256xf32>
    %reduce_sum3A_240 = vector.multi_reduction <add>, %mul3A_238, %reduce_sum3A_239 [1] : vector<256x3xf32> to vector<256xf32>
    %broadcast_in_dim3A_241 = vector.shape_cast %reduce_sum3A_240 : vector<256xf32> to vector<256x1xf32>
    %add3A_242 = arith.constant 9.99999996E-13 : f32
    %add3A_243 = vector.broadcast %add3A_242 : f32 to vector<256x1xf32>
    %add3A_244 = arith.addf %broadcast_in_dim3A_241, %add3A_243 : vector<256x1xf32>
    %sqrt3A_245 = math.sqrt %add3A_244 : vector<256x1xf32>
    %concatenate3A = tpu.concatenate %sqrt3A, %sqrt3A_49, %sqrt3A_63, %sqrt3A_77, %sqrt3A_91, %sqrt3A_105, %sqrt3A_119, %sqrt3A_133, %sqrt3A_147, %sqrt3A_161, %sqrt3A_175, %sqrt3A_189, %sqrt3A_203, %sqrt3A_217, %sqrt3A_231, %sqrt3A_245 in 0 : vector<256x1xf32>, vector<256x1xf32>, vector<256x1xf32>, vector<256x1xf32>, vector<256x1xf32>, vector<256x1xf32>, vector<256x1xf32>, vector<256x1xf32>, vector<256x1xf32>, vector<256x1xf32>, vector<256x1xf32>, vector<256x1xf32>, vector<256x1xf32>, vector<256x1xf32>, vector<256x1xf32>, vector<256x1xf32> -> vector<4096x1xf32>
    %get3A_246 = arith.constant 0 : index
    %get3A_247 = arith.constant 0 : index
    %get3A_248 = vector.load %arg12[%get3A_246, %get3A_247] : memref<1x64xf32, #tpu.memory_space<vmem>>, vector<1x64xf32>
    %sub3A_249 = vector.broadcast %concatenate3A : vector<4096x1xf32> to vector<4096x64xf32>
    %sub3A_250 = vector.broadcast %get3A_248 : vector<1x64xf32> to vector<4096x64xf32>
    %sub3A_251 = arith.subf %sub3A_249, %sub3A_250 : vector<4096x64xf32>
    %div3A = arith.constant 5.000000e-01 : f32
    %div3A_252 = vector.broadcast %div3A : f32 to vector<4096x64xf32>
    %div3A_253 = arith.divf %sub3A_251, %div3A_252 : vector<4096x64xf32>
    %integer_pow3A = arith.mulf %div3A_253, %div3A_253 : vector<4096x64xf32>
    %neg3A = arith.constant 0.000000e+00 : f32
    %neg3A_254 = vector.broadcast %neg3A : f32 to vector<4096x64xf32>
    %neg3A_255 = arith.subf %neg3A_254, %integer_pow3A : vector<4096x64xf32>
    %exp3A = math.exp %neg3A_255 : vector<4096x64xf32>
    %convert_element_type3A_256 = arith.truncf %exp3A : vector<4096x64xf32> to vector<4096x64xbf16>
    %get3A_257 = arith.constant 0 : index
    %get3A_258 = arith.constant 0 : index
    %get3A_259 = vector.load %arg9[%get3A_257, %get3A_258] : memref<64x128xf32, #tpu.memory_space<vmem>>, vector<64x128xf32>
    %convert_element_type3A_260 = arith.truncf %get3A_259 : vector<64x128xf32> to vector<64x128xbf16>
    %dot_general3A_261 = arith.constant dense<0.000000e+00> : vector<4096x128xf32>
    %dot_general3A_262 = tpu.matmul %convert_element_type3A_256, %convert_element_type3A_260, %dot_general3A_261 {dimension_numbers = #tpu.dot_dimension_numbers<[1], [0], [0], [1], [0, 0, 1, 1], [], []>, transpose_lhs_hint = false} : vector<4096x64xbf16>, vector<64x128xbf16>, vector<4096x128xf32> -> vector<4096x128xf32>
    %get3A_263 = arith.constant 0 : index
    %get3A_264 = arith.constant 0 : index
    %get3A_265 = vector.load %arg10[%get3A_263, %get3A_264] : memref<1x128xf32, #tpu.memory_space<vmem>>, vector<1x128xf32>
    %add3A_266 = vector.broadcast %get3A_265 : vector<1x128xf32> to vector<4096x128xf32>
    %add3A_267 = arith.addf %dot_general3A_262, %add3A_266 : vector<4096x128xf32>
    %get3A_268 = arith.constant 0 : index
    %get3A_269 = arith.constant 0 : index
    %get3A_270 = vector.load %arg8[%get3A_268, %get3A_269] : memref<1x128xf32, #tpu.memory_space<vmem>>, vector<1x128xf32>
    %add3A_271 = vector.broadcast %get3A_270 : vector<1x128xf32> to vector<4096x128xf32>
    %add3A_272 = arith.addf %reshape3A_26, %add3A_271 : vector<4096x128xf32>
    %logistic3A = arith.negf %add3A_272 : vector<4096x128xf32>
    %logistic3A_273 = math.exp %logistic3A : vector<4096x128xf32>
    %logistic3A_274 = arith.constant 1.000000e+00 : f32
    %logistic3A_275 = vector.broadcast %logistic3A_274 : f32 to vector<4096x128xf32>
    %logistic3A_276 = arith.addf %logistic3A_275, %logistic3A_273 : vector<4096x128xf32>
    %logistic3A_277 = arith.divf %logistic3A_275, %logistic3A_276 : vector<4096x128xf32>
    %mul3A_278 = arith.mulf %add3A_267, %logistic3A_277 : vector<4096x128xf32>
    %convert_element_type3A_279 = arith.truncf %mul3A_278 : vector<4096x128xf32> to vector<4096x128xbf16>
    %get3A_280 = arith.constant 0 : index
    %get3A_281 = arith.constant 0 : index
    %get3A_282 = vector.load %arg11[%get3A_280, %get3A_281] : memref<128x128xf32, #tpu.memory_space<vmem>>, vector<128x128xf32>
    %convert_element_type3A_283 = arith.truncf %get3A_282 : vector<128x128xf32> to vector<128x128xbf16>
    %dot_general3A_284 = arith.constant dense<0.000000e+00> : vector<4096x128xf32>
    %dot_general3A_285 = tpu.matmul %convert_element_type3A_279, %convert_element_type3A_283, %dot_general3A_284 {dimension_numbers = #tpu.dot_dimension_numbers<[1], [0], [0], [1], [0, 0, 1, 1], [], []>, transpose_lhs_hint = false} : vector<4096x128xbf16>, vector<128x128xbf16>, vector<4096x128xf32> -> vector<4096x128xf32>
    %swap3A = arith.constant 0 : index
    %swap3A_286 = arith.constant 0 : index
    %swap3A_287 = vector.load %arg13[%swap3A, %swap3A_286] : memref<4096x128xf32, #tpu.memory_space<vmem>>, vector<4096x128xf32>
    tpu.vector_store %arg13[%swap3A, %swap3A_286], %dot_general3A_285 {strides = array<i32>} : memref<4096x128xf32, #tpu.memory_space<vmem>>, vector<4096x128xf32>,
    return
  }
  func.func @transform_0(%arg0: i32) -> (i32, i32) {
    %c0_i32 = arith.constant 0 : i32
    %c0_i32_0 = arith.constant 0 : i32
    %c0_i32_1 = arith.constant 0 : i32
    return %c0_i32, %c0_i32_0 : i32, i32
  }
  func.func @transform_1(%arg0: i32) -> (i32, i32) {
    %c0_i32 = arith.constant 0 : i32
    %c0_i32_0 = arith.constant 0 : i32
    %c0_i32_1 = arith.constant 0 : i32
    return %c0_i32, %c0_i32_0 : i32, i32
  }
  func.func @transform_2(%arg0: i32) -> (i32, i32) {
    %c0_i32 = arith.constant 0 : i32
    %c0_i32_0 = arith.constant 0 : i32
    %c0_i32_1 = arith.constant 0 : i32
    return %c0_i32, %c0_i32_0 : i32, i32
  }
  func.func @transform_3(%arg0: i32) -> (i32, i32) {
    %c0_i32 = arith.constant 0 : i32
    %c0_i32_0 = arith.constant 0 : i32
    %c0_i32_1 = arith.constant 0 : i32
    return %c0_i32, %c0_i32_0 : i32, i32
  }
  func.func @transform_4(%arg0: i32) -> (i32, i32) {
    %c0_i32 = arith.constant 0 : i32
    %c0_i32_0 = arith.constant 0 : i32
    %c0_i32_1 = arith.constant 0 : i32
    return %c0_i32, %c0_i32_0 : i32, i32
  }
  func.func @transform_5(%arg0: i32) -> (i32, i32) {
    %c0_i32 = arith.constant 0 : i32
    %c0_i32_0 = arith.constant 0 : i32
    %c0_i32_1 = arith.constant 0 : i32
    return %c0_i32, %c0_i32_0 : i32, i32
  }
  func.func @transform_6(%arg0: i32) -> (i32, i32) {
    %c0_i32 = arith.constant 0 : i32
    %c0_i32_0 = arith.constant 0 : i32
    %c0_i32_1 = arith.constant 0 : i32
    return %c0_i32, %c0_i32_0 : i32, i32
  }
  func.func @transform_7(%arg0: i32) -> (i32, i32) {
    %c0_i32 = arith.constant 0 : i32
    %c0_i32_0 = arith.constant 0 : i32
    %c0_i32_1 = arith.constant 0 : i32
    return %c0_i32, %c0_i32_0 : i32, i32
  }
  func.func @transform_8(%arg0: i32) -> (i32, i32) {
    %c0_i32 = arith.constant 0 : i32
    %c0_i32_0 = arith.constant 0 : i32
    %c0_i32_1 = arith.constant 0 : i32
    return %c0_i32, %c0_i32_0 : i32, i32
  }
  func.func @transform_9(%arg0: i32) -> (i32, i32) {
    %c0_i32 = arith.constant 0 : i32
    %c0_i32_0 = arith.constant 0 : i32
    %c0_i32_1 = arith.constant 0 : i32
    return %c0_i32, %c0_i32_0 : i32, i32
  }
  func.func @transform_10(%arg0: i32) -> (i32, i32) {
    %c0_i32 = arith.constant 0 : i32
    %c0_i32_0 = arith.constant 0 : i32
    %c0_i32_1 = arith.constant 0 : i32
    return %c0_i32, %c0_i32_0 : i32, i32
  }
  func.func @transform_11(%arg0: i32) -> (i32, i32) {
    %c0_i32 = arith.constant 0 : i32
    %c0_i32_0 = arith.constant 0 : i32
    %c0_i32_1 = arith.constant 0 : i32
    return %c0_i32, %c0_i32_0 : i32, i32
  }
  func.func @transform_12(%arg0: i32) -> (i32, i32) {
    %c0_i32 = arith.constant 0 : i32
    %c0_i32_0 = arith.constant 0 : i32
    return %arg0, %c0_i32 : i32, i32
  }
}

module attributes {stable_mosaic.version = 14 : i64} {
  func.func @_attn_body(%arg0: i32, %arg1: memref<256x128xf32, #tpu.memory_space<vmem>>, %arg2: memref<256x128xf32, #tpu.memory_space<vmem>>, %arg3: memref<1x128xf32, #tpu.memory_space<vmem>>, %arg4: memref<1x128xf32, #tpu.memory_space<vmem>>, %arg5: memref<128x128xf32, #tpu.memory_space<vmem>>, %arg6: memref<128x128xf32, #tpu.memory_space<vmem>>, %arg7: memref<128x128xf32, #tpu.memory_space<vmem>>, %arg8: memref<128x128xf32, #tpu.memory_space<vmem>>, %arg9: memref<1x128xf32, #tpu.memory_space<vmem>>, %arg10: memref<128x128xf32, #tpu.memory_space<vmem>>, %arg11: memref<1x128xf32, #tpu.memory_space<vmem>>, %arg12: memref<256x128xf32, #tpu.memory_space<vmem>>) attributes {dimension_semantics = [#tpu.dimension_semantics<arbitrary>], iteration_bounds = array<i64: 32>, scalar_prefetch = 0 : i64, scratch_operands = 0 : i64, tpu.core_type = #tpu.core_type<tc>, window_params = [{transform_indices = @transform_0, window_bounds = array<i64: 256, 128>}, {transform_indices = @transform_1, window_bounds = array<i64: 256, 128>}, {pipeline_mode = #tpu.pipeline_mode<synchronous>, transform_indices = @transform_2, window_bounds = array<i64: 1, 128>}, {pipeline_mode = #tpu.pipeline_mode<synchronous>, transform_indices = @transform_3, window_bounds = array<i64: 1, 128>}, {pipeline_mode = #tpu.pipeline_mode<synchronous>, transform_indices = @transform_4, window_bounds = array<i64: 128, 128>}, {pipeline_mode = #tpu.pipeline_mode<synchronous>, transform_indices = @transform_5, window_bounds = array<i64: 128, 128>}, {pipeline_mode = #tpu.pipeline_mode<synchronous>, transform_indices = @transform_6, window_bounds = array<i64: 128, 128>}, {pipeline_mode = #tpu.pipeline_mode<synchronous>, transform_indices = @transform_7, window_bounds = array<i64: 128, 128>}, {pipeline_mode = #tpu.pipeline_mode<synchronous>, transform_indices = @transform_8, window_bounds = array<i64: 1, 128>}, {pipeline_mode = #tpu.pipeline_mode<synchronous>, transform_indices = @transform_9, window_bounds = array<i64: 128, 128>}, {pipeline_mode = #tpu.pipeline_mode<synchronous>, transform_indices = @transform_10, window_bounds = array<i64: 1, 128>}, {transform_indices = @transform_11, window_bounds = array<i64: 256, 128>}]} {
    %get3A = arith.constant 0 : index
    %get3A_0 = arith.constant 0 : index
    %get3A_1 = vector.load %arg1[%get3A, %get3A_0] : memref<256x128xf32, #tpu.memory_space<vmem>>, vector<256x128xf32>
    %get3A_2 = arith.constant 0 : index
    %get3A_3 = arith.constant 0 : index
    %get3A_4 = vector.load %arg3[%get3A_2, %get3A_3] : memref<1x128xf32, #tpu.memory_space<vmem>>, vector<1x128xf32>
    %get3A_5 = arith.constant 0 : index
    %get3A_6 = arith.constant 0 : index
    %get3A_7 = vector.load %arg4[%get3A_5, %get3A_6] : memref<1x128xf32, #tpu.memory_space<vmem>>, vector<1x128xf32>
    %reduce_sum3A = arith.constant dense<0.000000e+00> : vector<256xf32>
    %reduce_sum3A_8 = vector.multi_reduction <add>, %get3A_1, %reduce_sum3A [1] : vector<256x128xf32> to vector<256xf32>
    %broadcast_in_dim3A = vector.shape_cast %reduce_sum3A_8 : vector<256xf32> to vector<256x1xf32>
    %div3A = arith.constant 1.280000e+02 : f32
    %div3A_9 = vector.broadcast %div3A : f32 to vector<256x1xf32>
    %div3A_10 = arith.divf %broadcast_in_dim3A, %div3A_9 : vector<256x1xf32>
    %sub3A = vector.broadcast %div3A_10 : vector<256x1xf32> to vector<256x128xf32>
    %sub3A_11 = arith.subf %get3A_1, %sub3A : vector<256x128xf32>
    %integer_pow3A = arith.mulf %sub3A_11, %sub3A_11 : vector<256x128xf32>
    %reduce_sum3A_12 = arith.constant dense<0.000000e+00> : vector<256xf32>
    %reduce_sum3A_13 = vector.multi_reduction <add>, %integer_pow3A, %reduce_sum3A_12 [1] : vector<256x128xf32> to vector<256xf32>
    %broadcast_in_dim3A_14 = vector.shape_cast %reduce_sum3A_13 : vector<256xf32> to vector<256x1xf32>
    %div3A_15 = arith.constant 1.280000e+02 : f32
    %div3A_16 = vector.broadcast %div3A_15 : f32 to vector<256x1xf32>
    %div3A_17 = arith.divf %broadcast_in_dim3A_14, %div3A_16 : vector<256x1xf32>
    %sub3A_18 = vector.broadcast %div3A_10 : vector<256x1xf32> to vector<256x128xf32>
    %sub3A_19 = arith.subf %get3A_1, %sub3A_18 : vector<256x128xf32>
    %add3A = arith.constant 9.99999974E-6 : f32
    %add3A_20 = vector.broadcast %add3A : f32 to vector<256x1xf32>
    %add3A_21 = arith.addf %div3A_17, %add3A_20 : vector<256x1xf32>
    %sqrt3A = math.sqrt %add3A_21 : vector<256x1xf32>
    %div3A_22 = vector.broadcast %sqrt3A : vector<256x1xf32> to vector<256x128xf32>
    %div3A_23 = arith.divf %sub3A_19, %div3A_22 : vector<256x128xf32>
    %mul3A = vector.broadcast %get3A_4 : vector<1x128xf32> to vector<256x128xf32>
    %mul3A_24 = arith.mulf %div3A_23, %mul3A : vector<256x128xf32>
    %add3A_25 = vector.broadcast %get3A_7 : vector<1x128xf32> to vector<256x128xf32>
    %add3A_26 = arith.addf %mul3A_24, %add3A_25 : vector<256x128xf32>
    %convert_element_type3A = arith.truncf %add3A_26 : vector<256x128xf32> to vector<256x128xbf16>
    %get3A_27 = arith.constant 0 : index
    %get3A_28 = arith.constant 0 : index
    %get3A_29 = vector.load %arg5[%get3A_27, %get3A_28] : memref<128x128xf32, #tpu.memory_space<vmem>>, vector<128x128xf32>
    %convert_element_type3A_30 = arith.truncf %get3A_29 : vector<128x128xf32> to vector<128x128xbf16>
    %dot_general3A = arith.constant dense<0.000000e+00> : vector<256x128xf32>
    %dot_general3A_31 = tpu.matmul %convert_element_type3A, %convert_element_type3A_30, %dot_general3A {dimension_numbers = #tpu.dot_dimension_numbers<[1], [0], [0], [1], [0, 0, 1, 1], [], []>, transpose_lhs_hint = false} : vector<256x128xbf16>, vector<128x128xbf16>, vector<256x128xf32> -> vector<256x128xf32>
    %mul3A_32 = arith.constant 0.176776692 : f32
    %mul3A_33 = vector.broadcast %mul3A_32 : f32 to vector<256x128xf32>
    %mul3A_34 = arith.mulf %dot_general3A_31, %mul3A_33 : vector<256x128xf32>
    %convert_element_type3A_35 = arith.truncf %mul3A_34 : vector<256x128xf32> to vector<256x128xbf16>
    %get3A_36 = arith.constant 0 : index
    %get3A_37 = arith.constant 0 : index
    %get3A_38 = vector.load %arg6[%get3A_36, %get3A_37] : memref<128x128xf32, #tpu.memory_space<vmem>>, vector<128x128xf32>
    %convert_element_type3A_39 = arith.truncf %get3A_38 : vector<128x128xf32> to vector<128x128xbf16>
    %dot_general3A_40 = arith.constant dense<0.000000e+00> : vector<256x128xf32>
    %dot_general3A_41 = tpu.matmul %convert_element_type3A, %convert_element_type3A_39, %dot_general3A_40 {dimension_numbers = #tpu.dot_dimension_numbers<[1], [0], [0], [1], [0, 0, 1, 1], [], []>, transpose_lhs_hint = false} : vector<256x128xbf16>, vector<128x128xbf16>, vector<256x128xf32> -> vector<256x128xf32>
    %convert_element_type3A_42 = arith.truncf %dot_general3A_41 : vector<256x128xf32> to vector<256x128xbf16>
    %get3A_43 = arith.constant 0 : index
    %get3A_44 = arith.constant 0 : index
    %get3A_45 = vector.load %arg7[%get3A_43, %get3A_44] : memref<128x128xf32, #tpu.memory_space<vmem>>, vector<128x128xf32>
    %convert_element_type3A_46 = arith.truncf %get3A_45 : vector<128x128xf32> to vector<128x128xbf16>
    %dot_general3A_47 = arith.constant dense<0.000000e+00> : vector<256x128xf32>
    %dot_general3A_48 = tpu.matmul %convert_element_type3A, %convert_element_type3A_46, %dot_general3A_47 {dimension_numbers = #tpu.dot_dimension_numbers<[1], [0], [0], [1], [0, 0, 1, 1], [], []>, transpose_lhs_hint = false} : vector<256x128xbf16>, vector<128x128xbf16>, vector<256x128xf32> -> vector<256x128xf32>
    %convert_element_type3A_49 = arith.truncf %dot_general3A_48 : vector<256x128xf32> to vector<256x128xbf16>
    %get3A_50 = arith.constant 0 : index
    %get3A_51 = arith.constant 0 : index
    %get3A_52 = vector.load %arg8[%get3A_50, %get3A_51] : memref<128x128xf32, #tpu.memory_space<vmem>>, vector<128x128xf32>
    %convert_element_type3A_53 = arith.truncf %get3A_52 : vector<128x128xf32> to vector<128x128xbf16>
    %dot_general3A_54 = arith.constant dense<0.000000e+00> : vector<256x128xf32>
    %dot_general3A_55 = tpu.matmul %convert_element_type3A, %convert_element_type3A_53, %dot_general3A_54 {dimension_numbers = #tpu.dot_dimension_numbers<[1], [0], [0], [1], [0, 0, 1, 1], [], []>, transpose_lhs_hint = false} : vector<256x128xbf16>, vector<128x128xbf16>, vector<256x128xf32> -> vector<256x128xf32>
    %get3A_56 = arith.constant 0 : index
    %get3A_57 = arith.constant 0 : index
    %get3A_58 = vector.load %arg9[%get3A_56, %get3A_57] : memref<1x128xf32, #tpu.memory_space<vmem>>, vector<1x128xf32>
    %add3A_59 = vector.broadcast %get3A_58 : vector<1x128xf32> to vector<256x128xf32>
    %add3A_60 = arith.addf %dot_general3A_55, %add3A_59 : vector<256x128xf32>
    %logistic3A = arith.negf %add3A_60 : vector<256x128xf32>
    %logistic3A_61 = math.exp %logistic3A : vector<256x128xf32>
    %logistic3A_62 = arith.constant 1.000000e+00 : f32
    %logistic3A_63 = vector.broadcast %logistic3A_62 : f32 to vector<256x128xf32>
    %logistic3A_64 = arith.addf %logistic3A_63, %logistic3A_61 : vector<256x128xf32>
    %logistic3A_65 = arith.divf %logistic3A_63, %logistic3A_64 : vector<256x128xf32>
    %iota3A = tpu.iota {dimensions = array<i32: 0>} : vector<256x256xi32>
    %jit3A = arith.constant 32 : i32
    %div3A_66 = vector.broadcast %jit3A : i32 to vector<256x256xi32>
    %div3A_67 = arith.divsi %iota3A, %div3A_66 : vector<256x256xi32>
    %sign3A = arith.constant 0 : i32
    %sign3A_68 = vector.broadcast %sign3A : i32 to vector<256x256xi32>
    %sign3A_69 = arith.cmpi sgt, %iota3A, %sign3A_68 : vector<256x256xi32>
    %sign3A_70 = arith.extui %sign3A_69 : vector<256x256xi1> to vector<256x256xi32>
    %sign3A_71 = arith.constant 0 : i32
    %sign3A_72 = vector.broadcast %sign3A_71 : i32 to vector<256x256xi32>
    %sign3A_73 = arith.cmpi slt, %iota3A, %sign3A_72 : vector<256x256xi32>
    %sign3A_74 = arith.extui %sign3A_73 : vector<256x256xi1> to vector<256x256xi32>
    %sign3A_75 = arith.subi %sign3A_70, %sign3A_74 : vector<256x256xi32>
    %sign3A_76 = arith.constant 0 : i32
    %sign3A_77 = arith.cmpi sgt, %jit3A, %sign3A_76 : i32
    %sign3A_78 = arith.extui %sign3A_77 : i1 to i32
    %sign3A_79 = arith.constant 0 : i32
    %sign3A_80 = arith.cmpi slt, %jit3A, %sign3A_79 : i32
    %sign3A_81 = arith.extui %sign3A_80 : i1 to i32
    %sign3A_82 = arith.subi %sign3A_78, %sign3A_81 : i32
    %ne3A = vector.broadcast %sign3A_82 : i32 to vector<256x256xi32>
    %ne3A_83 = arith.cmpi ne, %sign3A_75, %ne3A : vector<256x256xi32>
    %rem3A = vector.broadcast %jit3A : i32 to vector<256x256xi32>
    %rem3A_84 = arith.remsi %iota3A, %rem3A : vector<256x256xi32>
    %ne3A_85 = arith.constant 0 : i32
    %ne3A_86 = vector.broadcast %ne3A_85 : i32 to vector<256x256xi32>
    %ne3A_87 = arith.cmpi ne, %rem3A_84, %ne3A_86 : vector<256x256xi32>
    %and3A = arith.andi %ne3A_83, %ne3A_87 : vector<256x256xi1>
    %sub3A_88 = arith.constant 1 : i32
    %sub3A_89 = vector.broadcast %sub3A_88 : i32 to vector<256x256xi32>
    %sub3A_90 = arith.subi %div3A_67, %sub3A_89 : vector<256x256xi32>
    %select_n3A = arith.select %and3A, %sub3A_90, %div3A_67 : vector<256x256xi1>, vector<256x256xi32>
    %iota3A_91 = tpu.iota {dimensions = array<i32: 1>} : vector<256x256xi32>
    %jit3A_92 = arith.constant 32 : i32
    %div3A_93 = vector.broadcast %jit3A_92 : i32 to vector<256x256xi32>
    %div3A_94 = arith.divsi %iota3A_91, %div3A_93 : vector<256x256xi32>
    %sign3A_95 = arith.constant 0 : i32
    %sign3A_96 = vector.broadcast %sign3A_95 : i32 to vector<256x256xi32>
    %sign3A_97 = arith.cmpi sgt, %iota3A_91, %sign3A_96 : vector<256x256xi32>
    %sign3A_98 = arith.extui %sign3A_97 : vector<256x256xi1> to vector<256x256xi32>
    %sign3A_99 = arith.constant 0 : i32
    %sign3A_100 = vector.broadcast %sign3A_99 : i32 to vector<256x256xi32>
    %sign3A_101 = arith.cmpi slt, %iota3A_91, %sign3A_100 : vector<256x256xi32>
    %sign3A_102 = arith.extui %sign3A_101 : vector<256x256xi1> to vector<256x256xi32>
    %sign3A_103 = arith.subi %sign3A_98, %sign3A_102 : vector<256x256xi32>
    %sign3A_104 = arith.constant 0 : i32
    %sign3A_105 = arith.cmpi sgt, %jit3A_92, %sign3A_104 : i32
    %sign3A_106 = arith.extui %sign3A_105 : i1 to i32
    %sign3A_107 = arith.constant 0 : i32
    %sign3A_108 = arith.cmpi slt, %jit3A_92, %sign3A_107 : i32
    %sign3A_109 = arith.extui %sign3A_108 : i1 to i32
    %sign3A_110 = arith.subi %sign3A_106, %sign3A_109 : i32
    %ne3A_111 = vector.broadcast %sign3A_110 : i32 to vector<256x256xi32>
    %ne3A_112 = arith.cmpi ne, %sign3A_103, %ne3A_111 : vector<256x256xi32>
    %rem3A_113 = vector.broadcast %jit3A_92 : i32 to vector<256x256xi32>
    %rem3A_114 = arith.remsi %iota3A_91, %rem3A_113 : vector<256x256xi32>
    %ne3A_115 = arith.constant 0 : i32
    %ne3A_116 = vector.broadcast %ne3A_115 : i32 to vector<256x256xi32>
    %ne3A_117 = arith.cmpi ne, %rem3A_114, %ne3A_116 : vector<256x256xi32>
    %and3A_118 = arith.andi %ne3A_112, %ne3A_117 : vector<256x256xi1>
    %sub3A_119 = arith.constant 1 : i32
    %sub3A_120 = vector.broadcast %sub3A_119 : i32 to vector<256x256xi32>
    %sub3A_121 = arith.subi %div3A_94, %sub3A_120 : vector<256x256xi32>
    %select_n3A_122 = arith.select %and3A_118, %sub3A_121, %div3A_94 : vector<256x256xi1>, vector<256x256xi32>
    %eq3A = arith.cmpi eq, %select_n3A, %select_n3A_122 : vector<256x256xi32>
    %slice3A = vector.extract_strided_slice %convert_element_type3A_35 {offsets = [0, 0], sizes = [256, 32], strides = [1, 1]} : vector<256x128xbf16> to vector<256x32xbf16>
    %slice3A_123 = vector.extract_strided_slice %convert_element_type3A_42 {offsets = [0, 0], sizes = [256, 32], strides = [1, 1]} : vector<256x128xbf16> to vector<256x32xbf16>
    %dot_general3A_124 = arith.constant dense<0.000000e+00> : vector<256x256xf32>
    %dot_general3A_125 = tpu.matmul %slice3A, %slice3A_123, %dot_general3A_124 {dimension_numbers = #tpu.dot_dimension_numbers<[1], [1], [0], [0], [0, 0, 1, 0], [], []>, transpose_lhs_hint = false} : vector<256x32xbf16>, vector<256x32xbf16>, vector<256x256xf32> -> vector<256x256xf32>
    %get3A_126 = arith.constant 0 : index
    %get3A_127 = arith.constant 0 : index
    %get3A_128 = vector.load %arg2[%get3A_126, %get3A_127] : memref<256x128xf32, #tpu.memory_space<vmem>>, vector<256x1xf32>
    %transpose3A = tpu.transpose %get3A_128, [1, 0] : vector<256x1xf32> -> vector<1x256xf32>
    %add3A_129 = vector.broadcast %transpose3A : vector<1x256xf32> to vector<256x256xf32>
    %add3A_130 = arith.addf %dot_general3A_125, %add3A_129 : vector<256x256xf32>
    %jit3A_131 = arith.constant -1.000000e+30 : f32
    %broadcast_in_dim3A_132 = vector.broadcast %jit3A_131 : f32 to vector<256x256xf32>
    %select_n3A_133 = arith.select %eq3A, %add3A_130, %broadcast_in_dim3A_132 : vector<256x256xi1>, vector<256x256xf32>
    %reduce_max3A = arith.constant dense<0xFF800000> : vector<256xf32>
    %reduce_max3A_134 = vector.multi_reduction <maximumf>, %select_n3A_133, %reduce_max3A [1] : vector<256x256xf32> to vector<256xf32>
    %broadcast_in_dim3A_135 = vector.shape_cast %reduce_max3A_134 : vector<256xf32> to vector<256x1xf32>
    %sub3A_136 = vector.broadcast %broadcast_in_dim3A_135 : vector<256x1xf32> to vector<256x256xf32>
    %sub3A_137 = arith.subf %select_n3A_133, %sub3A_136 : vector<256x256xf32>
    %exp3A = math.exp %sub3A_137 : vector<256x256xf32>
    %reduce_sum3A_138 = arith.constant dense<0.000000e+00> : vector<256xf32>
    %reduce_sum3A_139 = vector.multi_reduction <add>, %exp3A, %reduce_sum3A_138 [1] : vector<256x256xf32> to vector<256xf32>
    %broadcast_in_dim3A_140 = vector.shape_cast %reduce_sum3A_139 : vector<256xf32> to vector<256x1xf32>
    %convert_element_type3A_141 = arith.truncf %exp3A : vector<256x256xf32> to vector<256x256xbf16>
    %slice3A_142 = vector.extract_strided_slice %convert_element_type3A_49 {offsets = [0, 0], sizes = [256, 32], strides = [1, 1]} : vector<256x128xbf16> to vector<256x32xbf16>
    %dot_general3A_143 = arith.constant dense<0.000000e+00> : vector<256x32xf32>
    %dot_general3A_144 = tpu.matmul %convert_element_type3A_141, %slice3A_142, %dot_general3A_143 {dimension_numbers = #tpu.dot_dimension_numbers<[1], [0], [0], [1], [0, 0, 1, 1], [], []>, transpose_lhs_hint = false} : vector<256x256xbf16>, vector<256x32xbf16>, vector<256x32xf32> -> vector<256x32xf32>
    %div3A_145 = vector.broadcast %broadcast_in_dim3A_140 : vector<256x1xf32> to vector<256x32xf32>
    %div3A_146 = arith.divf %dot_general3A_144, %div3A_145 : vector<256x32xf32>
    %slice3A_147 = vector.extract_strided_slice %convert_element_type3A_35 {offsets = [0, 32], sizes = [256, 32], strides = [1, 1]} : vector<256x128xbf16> to vector<256x32xbf16>
    %slice3A_148 = vector.extract_strided_slice %convert_element_type3A_42 {offsets = [0, 32], sizes = [256, 32], strides = [1, 1]} : vector<256x128xbf16> to vector<256x32xbf16>
    %dot_general3A_149 = arith.constant dense<0.000000e+00> : vector<256x256xf32>
    %dot_general3A_150 = tpu.matmul %slice3A_147, %slice3A_148, %dot_general3A_149 {dimension_numbers = #tpu.dot_dimension_numbers<[1], [1], [0], [0], [0, 0, 1, 0], [], []>, transpose_lhs_hint = false} : vector<256x32xbf16>, vector<256x32xbf16>, vector<256x256xf32> -> vector<256x256xf32>
    %get3A_151 = arith.constant 0 : index
    %get3A_152 = arith.constant 1 : index
    %get3A_153 = vector.load %arg2[%get3A_151, %get3A_152] : memref<256x128xf32, #tpu.memory_space<vmem>>, vector<256x1xf32>
    %transpose3A_154 = tpu.transpose %get3A_153, [1, 0] : vector<256x1xf32> -> vector<1x256xf32>
    %add3A_155 = vector.broadcast %transpose3A_154 : vector<1x256xf32> to vector<256x256xf32>
    %add3A_156 = arith.addf %dot_general3A_150, %add3A_155 : vector<256x256xf32>
    %jit3A_157 = arith.constant -1.000000e+30 : f32
    %broadcast_in_dim3A_158 = vector.broadcast %jit3A_157 : f32 to vector<256x256xf32>
    %select_n3A_159 = arith.select %eq3A, %add3A_156, %broadcast_in_dim3A_158 : vector<256x256xi1>, vector<256x256xf32>
    %reduce_max3A_160 = arith.constant dense<0xFF800000> : vector<256xf32>
    %reduce_max3A_161 = vector.multi_reduction <maximumf>, %select_n3A_159, %reduce_max3A_160 [1] : vector<256x256xf32> to vector<256xf32>
    %broadcast_in_dim3A_162 = vector.shape_cast %reduce_max3A_161 : vector<256xf32> to vector<256x1xf32>
    %sub3A_163 = vector.broadcast %broadcast_in_dim3A_162 : vector<256x1xf32> to vector<256x256xf32>
    %sub3A_164 = arith.subf %select_n3A_159, %sub3A_163 : vector<256x256xf32>
    %exp3A_165 = math.exp %sub3A_164 : vector<256x256xf32>
    %reduce_sum3A_166 = arith.constant dense<0.000000e+00> : vector<256xf32>
    %reduce_sum3A_167 = vector.multi_reduction <add>, %exp3A_165, %reduce_sum3A_166 [1] : vector<256x256xf32> to vector<256xf32>
    %broadcast_in_dim3A_168 = vector.shape_cast %reduce_sum3A_167 : vector<256xf32> to vector<256x1xf32>
    %convert_element_type3A_169 = arith.truncf %exp3A_165 : vector<256x256xf32> to vector<256x256xbf16>
    %slice3A_170 = vector.extract_strided_slice %convert_element_type3A_49 {offsets = [0, 32], sizes = [256, 32], strides = [1, 1]} : vector<256x128xbf16> to vector<256x32xbf16>
    %dot_general3A_171 = arith.constant dense<0.000000e+00> : vector<256x32xf32>
    %dot_general3A_172 = tpu.matmul %convert_element_type3A_169, %slice3A_170, %dot_general3A_171 {dimension_numbers = #tpu.dot_dimension_numbers<[1], [0], [0], [1], [0, 0, 1, 1], [], []>, transpose_lhs_hint = false} : vector<256x256xbf16>, vector<256x32xbf16>, vector<256x32xf32> -> vector<256x32xf32>
    %div3A_173 = vector.broadcast %broadcast_in_dim3A_168 : vector<256x1xf32> to vector<256x32xf32>
    %div3A_174 = arith.divf %dot_general3A_172, %div3A_173 : vector<256x32xf32>
    %slice3A_175 = vector.extract_strided_slice %convert_element_type3A_35 {offsets = [0, 64], sizes = [256, 32], strides = [1, 1]} : vector<256x128xbf16> to vector<256x32xbf16>
    %slice3A_176 = vector.extract_strided_slice %convert_element_type3A_42 {offsets = [0, 64], sizes = [256, 32], strides = [1, 1]} : vector<256x128xbf16> to vector<256x32xbf16>
    %dot_general3A_177 = arith.constant dense<0.000000e+00> : vector<256x256xf32>
    %dot_general3A_178 = tpu.matmul %slice3A_175, %slice3A_176, %dot_general3A_177 {dimension_numbers = #tpu.dot_dimension_numbers<[1], [1], [0], [0], [0, 0, 1, 0], [], []>, transpose_lhs_hint = false} : vector<256x32xbf16>, vector<256x32xbf16>, vector<256x256xf32> -> vector<256x256xf32>
    %get3A_179 = arith.constant 0 : index
    %get3A_180 = arith.constant 2 : index
    %get3A_181 = vector.load %arg2[%get3A_179, %get3A_180] : memref<256x128xf32, #tpu.memory_space<vmem>>, vector<256x1xf32>
    %transpose3A_182 = tpu.transpose %get3A_181, [1, 0] : vector<256x1xf32> -> vector<1x256xf32>
    %add3A_183 = vector.broadcast %transpose3A_182 : vector<1x256xf32> to vector<256x256xf32>
    %add3A_184 = arith.addf %dot_general3A_178, %add3A_183 : vector<256x256xf32>
    %jit3A_185 = arith.constant -1.000000e+30 : f32
    %broadcast_in_dim3A_186 = vector.broadcast %jit3A_185 : f32 to vector<256x256xf32>
    %select_n3A_187 = arith.select %eq3A, %add3A_184, %broadcast_in_dim3A_186 : vector<256x256xi1>, vector<256x256xf32>
    %reduce_max3A_188 = arith.constant dense<0xFF800000> : vector<256xf32>
    %reduce_max3A_189 = vector.multi_reduction <maximumf>, %select_n3A_187, %reduce_max3A_188 [1] : vector<256x256xf32> to vector<256xf32>
    %broadcast_in_dim3A_190 = vector.shape_cast %reduce_max3A_189 : vector<256xf32> to vector<256x1xf32>
    %sub3A_191 = vector.broadcast %broadcast_in_dim3A_190 : vector<256x1xf32> to vector<256x256xf32>
    %sub3A_192 = arith.subf %select_n3A_187, %sub3A_191 : vector<256x256xf32>
    %exp3A_193 = math.exp %sub3A_192 : vector<256x256xf32>
    %reduce_sum3A_194 = arith.constant dense<0.000000e+00> : vector<256xf32>
    %reduce_sum3A_195 = vector.multi_reduction <add>, %exp3A_193, %reduce_sum3A_194 [1] : vector<256x256xf32> to vector<256xf32>
    %broadcast_in_dim3A_196 = vector.shape_cast %reduce_sum3A_195 : vector<256xf32> to vector<256x1xf32>
    %convert_element_type3A_197 = arith.truncf %exp3A_193 : vector<256x256xf32> to vector<256x256xbf16>
    %slice3A_198 = vector.extract_strided_slice %convert_element_type3A_49 {offsets = [0, 64], sizes = [256, 32], strides = [1, 1]} : vector<256x128xbf16> to vector<256x32xbf16>
    %dot_general3A_199 = arith.constant dense<0.000000e+00> : vector<256x32xf32>
    %dot_general3A_200 = tpu.matmul %convert_element_type3A_197, %slice3A_198, %dot_general3A_199 {dimension_numbers = #tpu.dot_dimension_numbers<[1], [0], [0], [1], [0, 0, 1, 1], [], []>, transpose_lhs_hint = false} : vector<256x256xbf16>, vector<256x32xbf16>, vector<256x32xf32> -> vector<256x32xf32>
    %div3A_201 = vector.broadcast %broadcast_in_dim3A_196 : vector<256x1xf32> to vector<256x32xf32>
    %div3A_202 = arith.divf %dot_general3A_200, %div3A_201 : vector<256x32xf32>
    %slice3A_203 = vector.extract_strided_slice %convert_element_type3A_35 {offsets = [0, 96], sizes = [256, 32], strides = [1, 1]} : vector<256x128xbf16> to vector<256x32xbf16>
    %slice3A_204 = vector.extract_strided_slice %convert_element_type3A_42 {offsets = [0, 96], sizes = [256, 32], strides = [1, 1]} : vector<256x128xbf16> to vector<256x32xbf16>
    %dot_general3A_205 = arith.constant dense<0.000000e+00> : vector<256x256xf32>
    %dot_general3A_206 = tpu.matmul %slice3A_203, %slice3A_204, %dot_general3A_205 {dimension_numbers = #tpu.dot_dimension_numbers<[1], [1], [0], [0], [0, 0, 1, 0], [], []>, transpose_lhs_hint = false} : vector<256x32xbf16>, vector<256x32xbf16>, vector<256x256xf32> -> vector<256x256xf32>
    %get3A_207 = arith.constant 0 : index
    %get3A_208 = arith.constant 3 : index
    %get3A_209 = vector.load %arg2[%get3A_207, %get3A_208] : memref<256x128xf32, #tpu.memory_space<vmem>>, vector<256x1xf32>
    %transpose3A_210 = tpu.transpose %get3A_209, [1, 0] : vector<256x1xf32> -> vector<1x256xf32>
    %add3A_211 = vector.broadcast %transpose3A_210 : vector<1x256xf32> to vector<256x256xf32>
    %add3A_212 = arith.addf %dot_general3A_206, %add3A_211 : vector<256x256xf32>
    %jit3A_213 = arith.constant -1.000000e+30 : f32
    %broadcast_in_dim3A_214 = vector.broadcast %jit3A_213 : f32 to vector<256x256xf32>
    %select_n3A_215 = arith.select %eq3A, %add3A_212, %broadcast_in_dim3A_214 : vector<256x256xi1>, vector<256x256xf32>
    %reduce_max3A_216 = arith.constant dense<0xFF800000> : vector<256xf32>
    %reduce_max3A_217 = vector.multi_reduction <maximumf>, %select_n3A_215, %reduce_max3A_216 [1] : vector<256x256xf32> to vector<256xf32>
    %broadcast_in_dim3A_218 = vector.shape_cast %reduce_max3A_217 : vector<256xf32> to vector<256x1xf32>
    %sub3A_219 = vector.broadcast %broadcast_in_dim3A_218 : vector<256x1xf32> to vector<256x256xf32>
    %sub3A_220 = arith.subf %select_n3A_215, %sub3A_219 : vector<256x256xf32>
    %exp3A_221 = math.exp %sub3A_220 : vector<256x256xf32>
    %reduce_sum3A_222 = arith.constant dense<0.000000e+00> : vector<256xf32>
    %reduce_sum3A_223 = vector.multi_reduction <add>, %exp3A_221, %reduce_sum3A_222 [1] : vector<256x256xf32> to vector<256xf32>
    %broadcast_in_dim3A_224 = vector.shape_cast %reduce_sum3A_223 : vector<256xf32> to vector<256x1xf32>
    %convert_element_type3A_225 = arith.truncf %exp3A_221 : vector<256x256xf32> to vector<256x256xbf16>
    %slice3A_226 = vector.extract_strided_slice %convert_element_type3A_49 {offsets = [0, 96], sizes = [256, 32], strides = [1, 1]} : vector<256x128xbf16> to vector<256x32xbf16>
    %dot_general3A_227 = arith.constant dense<0.000000e+00> : vector<256x32xf32>
    %dot_general3A_228 = tpu.matmul %convert_element_type3A_225, %slice3A_226, %dot_general3A_227 {dimension_numbers = #tpu.dot_dimension_numbers<[1], [0], [0], [1], [0, 0, 1, 1], [], []>, transpose_lhs_hint = false} : vector<256x256xbf16>, vector<256x32xbf16>, vector<256x32xf32> -> vector<256x32xf32>
    %div3A_229 = vector.broadcast %broadcast_in_dim3A_224 : vector<256x1xf32> to vector<256x32xf32>
    %div3A_230 = arith.divf %dot_general3A_228, %div3A_229 : vector<256x32xf32>
    %concatenate3A = tpu.concatenate %div3A_146, %div3A_174, %div3A_202, %div3A_230 in 1 : vector<256x32xf32>, vector<256x32xf32>, vector<256x32xf32>, vector<256x32xf32> -> vector<256x128xf32>
    %mul3A_231 = arith.mulf %concatenate3A, %logistic3A_65 : vector<256x128xf32>
    %convert_element_type3A_232 = arith.truncf %mul3A_231 : vector<256x128xf32> to vector<256x128xbf16>
    %get3A_233 = arith.constant 0 : index
    %get3A_234 = arith.constant 0 : index
    %get3A_235 = vector.load %arg10[%get3A_233, %get3A_234] : memref<128x128xf32, #tpu.memory_space<vmem>>, vector<128x128xf32>
    %convert_element_type3A_236 = arith.truncf %get3A_235 : vector<128x128xf32> to vector<128x128xbf16>
    %dot_general3A_237 = arith.constant dense<0.000000e+00> : vector<256x128xf32>
    %dot_general3A_238 = tpu.matmul %convert_element_type3A_232, %convert_element_type3A_236, %dot_general3A_237 {dimension_numbers = #tpu.dot_dimension_numbers<[1], [0], [0], [1], [0, 0, 1, 1], [], []>, transpose_lhs_hint = false} : vector<256x128xbf16>, vector<128x128xbf16>, vector<256x128xf32> -> vector<256x128xf32>
    %get3A_239 = arith.constant 0 : index
    %get3A_240 = arith.constant 0 : index
    %get3A_241 = vector.load %arg11[%get3A_239, %get3A_240] : memref<1x128xf32, #tpu.memory_space<vmem>>, vector<1x128xf32>
    %add3A_242 = vector.broadcast %get3A_241 : vector<1x128xf32> to vector<256x128xf32>
    %add3A_243 = arith.addf %dot_general3A_238, %add3A_242 : vector<256x128xf32>
    %add3A_244 = arith.addf %add3A_243, %get3A_1 : vector<256x128xf32>
    %swap3A = arith.constant 0 : index
    %swap3A_245 = arith.constant 0 : index
    %swap3A_246 = vector.load %arg12[%swap3A, %swap3A_245] : memref<256x128xf32, #tpu.memory_space<vmem>>, vector<256x128xf32>
    tpu.vector_store %arg12[%swap3A, %swap3A_245], %add3A_244 {strides = array<i32>} : memref<256x128xf32, #tpu.memory_space<vmem>>, vector<256x128xf32>,
    return
  }
  func.func @transform_0(%arg0: i32) -> (i32, i32) {
    %c0_i32 = arith.constant 0 : i32
    %c0_i32_0 = arith.constant 0 : i32
    return %arg0, %c0_i32 : i32, i32
  }
  func.func @transform_1(%arg0: i32) -> (i32, i32) {
    %c0_i32 = arith.constant 0 : i32
    %c0_i32_0 = arith.constant 0 : i32
    return %arg0, %c0_i32 : i32, i32
  }
  func.func @transform_2(%arg0: i32) -> (i32, i32) {
    %c0_i32 = arith.constant 0 : i32
    %c0_i32_0 = arith.constant 0 : i32
    %c0_i32_1 = arith.constant 0 : i32
    return %c0_i32, %c0_i32_0 : i32, i32
  }
  func.func @transform_3(%arg0: i32) -> (i32, i32) {
    %c0_i32 = arith.constant 0 : i32
    %c0_i32_0 = arith.constant 0 : i32
    %c0_i32_1 = arith.constant 0 : i32
    return %c0_i32, %c0_i32_0 : i32, i32
  }
  func.func @transform_4(%arg0: i32) -> (i32, i32) {
    %c0_i32 = arith.constant 0 : i32
    %c0_i32_0 = arith.constant 0 : i32
    %c0_i32_1 = arith.constant 0 : i32
    return %c0_i32, %c0_i32_0 : i32, i32
  }
  func.func @transform_5(%arg0: i32) -> (i32, i32) {
    %c0_i32 = arith.constant 0 : i32
    %c0_i32_0 = arith.constant 0 : i32
    %c0_i32_1 = arith.constant 0 : i32
    return %c0_i32, %c0_i32_0 : i32, i32
  }
  func.func @transform_6(%arg0: i32) -> (i32, i32) {
    %c0_i32 = arith.constant 0 : i32
    %c0_i32_0 = arith.constant 0 : i32
    %c0_i32_1 = arith.constant 0 : i32
    return %c0_i32, %c0_i32_0 : i32, i32
  }
  func.func @transform_7(%arg0: i32) -> (i32, i32) {
    %c0_i32 = arith.constant 0 : i32
    %c0_i32_0 = arith.constant 0 : i32
    %c0_i32_1 = arith.constant 0 : i32
    return %c0_i32, %c0_i32_0 : i32, i32
  }
  func.func @transform_8(%arg0: i32) -> (i32, i32) {
    %c0_i32 = arith.constant 0 : i32
    %c0_i32_0 = arith.constant 0 : i32
    %c0_i32_1 = arith.constant 0 : i32
    return %c0_i32, %c0_i32_0 : i32, i32
  }
  func.func @transform_9(%arg0: i32) -> (i32, i32) {
    %c0_i32 = arith.constant 0 : i32
    %c0_i32_0 = arith.constant 0 : i32
    %c0_i32_1 = arith.constant 0 : i32
    return %c0_i32, %c0_i32_0 : i32, i32
  }
  func.func @transform_10(%arg0: i32) -> (i32, i32) {
    %c0_i32 = arith.constant 0 : i32
    %c0_i32_0 = arith.constant 0 : i32
    %c0_i32_1 = arith.constant 0 : i32
    return %c0_i32, %c0_i32_0 : i32, i32
  }
  func.func @transform_11(%arg0: i32) -> (i32, i32) {
    %c0_i32 = arith.constant 0 : i32
    %c0_i32_0 = arith.constant 0 : i32
    return %arg0, %c0_i32 : i32, i32
  }
}

module attributes {stable_mosaic.version = 14 : i64} {
  func.func @_attn_body(%arg0: i32, %arg1: memref<256x128xf32, #tpu.memory_space<vmem>>, %arg2: memref<256x128xf32, #tpu.memory_space<vmem>>, %arg3: memref<1x128xf32, #tpu.memory_space<vmem>>, %arg4: memref<1x128xf32, #tpu.memory_space<vmem>>, %arg5: memref<128x128xf32, #tpu.memory_space<vmem>>, %arg6: memref<128x128xf32, #tpu.memory_space<vmem>>, %arg7: memref<128x128xf32, #tpu.memory_space<vmem>>, %arg8: memref<128x128xf32, #tpu.memory_space<vmem>>, %arg9: memref<1x128xf32, #tpu.memory_space<vmem>>, %arg10: memref<128x128xf32, #tpu.memory_space<vmem>>, %arg11: memref<1x128xf32, #tpu.memory_space<vmem>>, %arg12: memref<256x128xf32, #tpu.memory_space<vmem>>) attributes {dimension_semantics = [#tpu.dimension_semantics<arbitrary>], iteration_bounds = array<i64: 32>, scalar_prefetch = 0 : i64, scratch_operands = 0 : i64, tpu.core_type = #tpu.core_type<tc>, window_params = [{transform_indices = @transform_0, window_bounds = array<i64: 256, 128>}, {transform_indices = @transform_1, window_bounds = array<i64: 256, 128>}, {pipeline_mode = #tpu.pipeline_mode<synchronous>, transform_indices = @transform_2, window_bounds = array<i64: 1, 128>}, {pipeline_mode = #tpu.pipeline_mode<synchronous>, transform_indices = @transform_3, window_bounds = array<i64: 1, 128>}, {pipeline_mode = #tpu.pipeline_mode<synchronous>, transform_indices = @transform_4, window_bounds = array<i64: 128, 128>}, {pipeline_mode = #tpu.pipeline_mode<synchronous>, transform_indices = @transform_5, window_bounds = array<i64: 128, 128>}, {pipeline_mode = #tpu.pipeline_mode<synchronous>, transform_indices = @transform_6, window_bounds = array<i64: 128, 128>}, {pipeline_mode = #tpu.pipeline_mode<synchronous>, transform_indices = @transform_7, window_bounds = array<i64: 128, 128>}, {pipeline_mode = #tpu.pipeline_mode<synchronous>, transform_indices = @transform_8, window_bounds = array<i64: 1, 128>}, {pipeline_mode = #tpu.pipeline_mode<synchronous>, transform_indices = @transform_9, window_bounds = array<i64: 128, 128>}, {pipeline_mode = #tpu.pipeline_mode<synchronous>, transform_indices = @transform_10, window_bounds = array<i64: 1, 128>}, {transform_indices = @transform_11, window_bounds = array<i64: 256, 128>}]} {
    %get3A = arith.constant 0 : index
    %get3A_0 = arith.constant 0 : index
    %get3A_1 = vector.load %arg1[%get3A, %get3A_0] : memref<256x128xf32, #tpu.memory_space<vmem>>, vector<256x128xf32>
    %get3A_2 = arith.constant 0 : index
    %get3A_3 = arith.constant 0 : index
    %get3A_4 = vector.load %arg3[%get3A_2, %get3A_3] : memref<1x128xf32, #tpu.memory_space<vmem>>, vector<1x128xf32>
    %get3A_5 = arith.constant 0 : index
    %get3A_6 = arith.constant 0 : index
    %get3A_7 = vector.load %arg4[%get3A_5, %get3A_6] : memref<1x128xf32, #tpu.memory_space<vmem>>, vector<1x128xf32>
    %reduce_sum3A = arith.constant dense<0.000000e+00> : vector<256xf32>
    %reduce_sum3A_8 = vector.multi_reduction <add>, %get3A_1, %reduce_sum3A [1] : vector<256x128xf32> to vector<256xf32>
    %broadcast_in_dim3A = vector.shape_cast %reduce_sum3A_8 : vector<256xf32> to vector<256x1xf32>
    %div3A = arith.constant 1.280000e+02 : f32
    %div3A_9 = vector.broadcast %div3A : f32 to vector<256x1xf32>
    %div3A_10 = arith.divf %broadcast_in_dim3A, %div3A_9 : vector<256x1xf32>
    %sub3A = vector.broadcast %div3A_10 : vector<256x1xf32> to vector<256x128xf32>
    %sub3A_11 = arith.subf %get3A_1, %sub3A : vector<256x128xf32>
    %integer_pow3A = arith.mulf %sub3A_11, %sub3A_11 : vector<256x128xf32>
    %reduce_sum3A_12 = arith.constant dense<0.000000e+00> : vector<256xf32>
    %reduce_sum3A_13 = vector.multi_reduction <add>, %integer_pow3A, %reduce_sum3A_12 [1] : vector<256x128xf32> to vector<256xf32>
    %broadcast_in_dim3A_14 = vector.shape_cast %reduce_sum3A_13 : vector<256xf32> to vector<256x1xf32>
    %div3A_15 = arith.constant 1.280000e+02 : f32
    %div3A_16 = vector.broadcast %div3A_15 : f32 to vector<256x1xf32>
    %div3A_17 = arith.divf %broadcast_in_dim3A_14, %div3A_16 : vector<256x1xf32>
    %sub3A_18 = vector.broadcast %div3A_10 : vector<256x1xf32> to vector<256x128xf32>
    %sub3A_19 = arith.subf %get3A_1, %sub3A_18 : vector<256x128xf32>
    %add3A = arith.constant 9.99999974E-6 : f32
    %add3A_20 = vector.broadcast %add3A : f32 to vector<256x1xf32>
    %add3A_21 = arith.addf %div3A_17, %add3A_20 : vector<256x1xf32>
    %sqrt3A = math.sqrt %add3A_21 : vector<256x1xf32>
    %div3A_22 = vector.broadcast %sqrt3A : vector<256x1xf32> to vector<256x128xf32>
    %div3A_23 = arith.divf %sub3A_19, %div3A_22 : vector<256x128xf32>
    %mul3A = vector.broadcast %get3A_4 : vector<1x128xf32> to vector<256x128xf32>
    %mul3A_24 = arith.mulf %div3A_23, %mul3A : vector<256x128xf32>
    %add3A_25 = vector.broadcast %get3A_7 : vector<1x128xf32> to vector<256x128xf32>
    %add3A_26 = arith.addf %mul3A_24, %add3A_25 : vector<256x128xf32>
    %convert_element_type3A = arith.truncf %add3A_26 : vector<256x128xf32> to vector<256x128xbf16>
    %get3A_27 = arith.constant 0 : index
    %get3A_28 = arith.constant 0 : index
    %get3A_29 = vector.load %arg5[%get3A_27, %get3A_28] : memref<128x128xf32, #tpu.memory_space<vmem>>, vector<128x128xf32>
    %convert_element_type3A_30 = arith.truncf %get3A_29 : vector<128x128xf32> to vector<128x128xbf16>
    %dot_general3A = arith.constant dense<0.000000e+00> : vector<256x128xf32>
    %dot_general3A_31 = tpu.matmul %convert_element_type3A, %convert_element_type3A_30, %dot_general3A {dimension_numbers = #tpu.dot_dimension_numbers<[1], [0], [0], [1], [0, 0, 1, 1], [], []>, transpose_lhs_hint = false} : vector<256x128xbf16>, vector<128x128xbf16>, vector<256x128xf32> -> vector<256x128xf32>
    %mul3A_32 = arith.constant 0.176776692 : f32
    %mul3A_33 = vector.broadcast %mul3A_32 : f32 to vector<256x128xf32>
    %mul3A_34 = arith.mulf %dot_general3A_31, %mul3A_33 : vector<256x128xf32>
    %convert_element_type3A_35 = arith.truncf %mul3A_34 : vector<256x128xf32> to vector<256x128xbf16>
    %get3A_36 = arith.constant 0 : index
    %get3A_37 = arith.constant 0 : index
    %get3A_38 = vector.load %arg6[%get3A_36, %get3A_37] : memref<128x128xf32, #tpu.memory_space<vmem>>, vector<128x128xf32>
    %convert_element_type3A_39 = arith.truncf %get3A_38 : vector<128x128xf32> to vector<128x128xbf16>
    %dot_general3A_40 = arith.constant dense<0.000000e+00> : vector<256x128xf32>
    %dot_general3A_41 = tpu.matmul %convert_element_type3A, %convert_element_type3A_39, %dot_general3A_40 {dimension_numbers = #tpu.dot_dimension_numbers<[1], [0], [0], [1], [0, 0, 1, 1], [], []>, transpose_lhs_hint = false} : vector<256x128xbf16>, vector<128x128xbf16>, vector<256x128xf32> -> vector<256x128xf32>
    %convert_element_type3A_42 = arith.truncf %dot_general3A_41 : vector<256x128xf32> to vector<256x128xbf16>
    %get3A_43 = arith.constant 0 : index
    %get3A_44 = arith.constant 0 : index
    %get3A_45 = vector.load %arg7[%get3A_43, %get3A_44] : memref<128x128xf32, #tpu.memory_space<vmem>>, vector<128x128xf32>
    %convert_element_type3A_46 = arith.truncf %get3A_45 : vector<128x128xf32> to vector<128x128xbf16>
    %dot_general3A_47 = arith.constant dense<0.000000e+00> : vector<256x128xf32>
    %dot_general3A_48 = tpu.matmul %convert_element_type3A, %convert_element_type3A_46, %dot_general3A_47 {dimension_numbers = #tpu.dot_dimension_numbers<[1], [0], [0], [1], [0, 0, 1, 1], [], []>, transpose_lhs_hint = false} : vector<256x128xbf16>, vector<128x128xbf16>, vector<256x128xf32> -> vector<256x128xf32>
    %convert_element_type3A_49 = arith.truncf %dot_general3A_48 : vector<256x128xf32> to vector<256x128xbf16>
    %get3A_50 = arith.constant 0 : index
    %get3A_51 = arith.constant 0 : index
    %get3A_52 = vector.load %arg8[%get3A_50, %get3A_51] : memref<128x128xf32, #tpu.memory_space<vmem>>, vector<128x128xf32>
    %convert_element_type3A_53 = arith.truncf %get3A_52 : vector<128x128xf32> to vector<128x128xbf16>
    %dot_general3A_54 = arith.constant dense<0.000000e+00> : vector<256x128xf32>
    %dot_general3A_55 = tpu.matmul %convert_element_type3A, %convert_element_type3A_53, %dot_general3A_54 {dimension_numbers = #tpu.dot_dimension_numbers<[1], [0], [0], [1], [0, 0, 1, 1], [], []>, transpose_lhs_hint = false} : vector<256x128xbf16>, vector<128x128xbf16>, vector<256x128xf32> -> vector<256x128xf32>
    %get3A_56 = arith.constant 0 : index
    %get3A_57 = arith.constant 0 : index
    %get3A_58 = vector.load %arg9[%get3A_56, %get3A_57] : memref<1x128xf32, #tpu.memory_space<vmem>>, vector<1x128xf32>
    %add3A_59 = vector.broadcast %get3A_58 : vector<1x128xf32> to vector<256x128xf32>
    %add3A_60 = arith.addf %dot_general3A_55, %add3A_59 : vector<256x128xf32>
    %logistic3A = arith.negf %add3A_60 : vector<256x128xf32>
    %logistic3A_61 = math.exp %logistic3A : vector<256x128xf32>
    %logistic3A_62 = arith.constant 1.000000e+00 : f32
    %logistic3A_63 = vector.broadcast %logistic3A_62 : f32 to vector<256x128xf32>
    %logistic3A_64 = arith.addf %logistic3A_63, %logistic3A_61 : vector<256x128xf32>
    %logistic3A_65 = arith.divf %logistic3A_63, %logistic3A_64 : vector<256x128xf32>
    %iota3A = tpu.iota {dimensions = array<i32: 0>} : vector<256x256xi32>
    %jit3A = arith.constant 32 : i32
    %div3A_66 = vector.broadcast %jit3A : i32 to vector<256x256xi32>
    %div3A_67 = arith.divsi %iota3A, %div3A_66 : vector<256x256xi32>
    %sign3A = arith.constant 0 : i32
    %sign3A_68 = vector.broadcast %sign3A : i32 to vector<256x256xi32>
    %sign3A_69 = arith.cmpi sgt, %iota3A, %sign3A_68 : vector<256x256xi32>
    %sign3A_70 = arith.extui %sign3A_69 : vector<256x256xi1> to vector<256x256xi32>
    %sign3A_71 = arith.constant 0 : i32
    %sign3A_72 = vector.broadcast %sign3A_71 : i32 to vector<256x256xi32>
    %sign3A_73 = arith.cmpi slt, %iota3A, %sign3A_72 : vector<256x256xi32>
    %sign3A_74 = arith.extui %sign3A_73 : vector<256x256xi1> to vector<256x256xi32>
    %sign3A_75 = arith.subi %sign3A_70, %sign3A_74 : vector<256x256xi32>
    %sign3A_76 = arith.constant 0 : i32
    %sign3A_77 = arith.cmpi sgt, %jit3A, %sign3A_76 : i32
    %sign3A_78 = arith.extui %sign3A_77 : i1 to i32
    %sign3A_79 = arith.constant 0 : i32
    %sign3A_80 = arith.cmpi slt, %jit3A, %sign3A_79 : i32
    %sign3A_81 = arith.extui %sign3A_80 : i1 to i32
    %sign3A_82 = arith.subi %sign3A_78, %sign3A_81 : i32
    %ne3A = vector.broadcast %sign3A_82 : i32 to vector<256x256xi32>
    %ne3A_83 = arith.cmpi ne, %sign3A_75, %ne3A : vector<256x256xi32>
    %rem3A = vector.broadcast %jit3A : i32 to vector<256x256xi32>
    %rem3A_84 = arith.remsi %iota3A, %rem3A : vector<256x256xi32>
    %ne3A_85 = arith.constant 0 : i32
    %ne3A_86 = vector.broadcast %ne3A_85 : i32 to vector<256x256xi32>
    %ne3A_87 = arith.cmpi ne, %rem3A_84, %ne3A_86 : vector<256x256xi32>
    %and3A = arith.andi %ne3A_83, %ne3A_87 : vector<256x256xi1>
    %sub3A_88 = arith.constant 1 : i32
    %sub3A_89 = vector.broadcast %sub3A_88 : i32 to vector<256x256xi32>
    %sub3A_90 = arith.subi %div3A_67, %sub3A_89 : vector<256x256xi32>
    %select_n3A = arith.select %and3A, %sub3A_90, %div3A_67 : vector<256x256xi1>, vector<256x256xi32>
    %iota3A_91 = tpu.iota {dimensions = array<i32: 1>} : vector<256x256xi32>
    %jit3A_92 = arith.constant 32 : i32
    %div3A_93 = vector.broadcast %jit3A_92 : i32 to vector<256x256xi32>
    %div3A_94 = arith.divsi %iota3A_91, %div3A_93 : vector<256x256xi32>
    %sign3A_95 = arith.constant 0 : i32
    %sign3A_96 = vector.broadcast %sign3A_95 : i32 to vector<256x256xi32>
    %sign3A_97 = arith.cmpi sgt, %iota3A_91, %sign3A_96 : vector<256x256xi32>
    %sign3A_98 = arith.extui %sign3A_97 : vector<256x256xi1> to vector<256x256xi32>
    %sign3A_99 = arith.constant 0 : i32
    %sign3A_100 = vector.broadcast %sign3A_99 : i32 to vector<256x256xi32>
    %sign3A_101 = arith.cmpi slt, %iota3A_91, %sign3A_100 : vector<256x256xi32>
    %sign3A_102 = arith.extui %sign3A_101 : vector<256x256xi1> to vector<256x256xi32>
    %sign3A_103 = arith.subi %sign3A_98, %sign3A_102 : vector<256x256xi32>
    %sign3A_104 = arith.constant 0 : i32
    %sign3A_105 = arith.cmpi sgt, %jit3A_92, %sign3A_104 : i32
    %sign3A_106 = arith.extui %sign3A_105 : i1 to i32
    %sign3A_107 = arith.constant 0 : i32
    %sign3A_108 = arith.cmpi slt, %jit3A_92, %sign3A_107 : i32
    %sign3A_109 = arith.extui %sign3A_108 : i1 to i32
    %sign3A_110 = arith.subi %sign3A_106, %sign3A_109 : i32
    %ne3A_111 = vector.broadcast %sign3A_110 : i32 to vector<256x256xi32>
    %ne3A_112 = arith.cmpi ne, %sign3A_103, %ne3A_111 : vector<256x256xi32>
    %rem3A_113 = vector.broadcast %jit3A_92 : i32 to vector<256x256xi32>
    %rem3A_114 = arith.remsi %iota3A_91, %rem3A_113 : vector<256x256xi32>
    %ne3A_115 = arith.constant 0 : i32
    %ne3A_116 = vector.broadcast %ne3A_115 : i32 to vector<256x256xi32>
    %ne3A_117 = arith.cmpi ne, %rem3A_114, %ne3A_116 : vector<256x256xi32>
    %and3A_118 = arith.andi %ne3A_112, %ne3A_117 : vector<256x256xi1>
    %sub3A_119 = arith.constant 1 : i32
    %sub3A_120 = vector.broadcast %sub3A_119 : i32 to vector<256x256xi32>
    %sub3A_121 = arith.subi %div3A_94, %sub3A_120 : vector<256x256xi32>
    %select_n3A_122 = arith.select %and3A_118, %sub3A_121, %div3A_94 : vector<256x256xi1>, vector<256x256xi32>
    %eq3A = arith.cmpi eq, %select_n3A, %select_n3A_122 : vector<256x256xi32>
    %slice3A = vector.extract_strided_slice %convert_element_type3A_35 {offsets = [0, 0], sizes = [256, 32], strides = [1, 1]} : vector<256x128xbf16> to vector<256x32xbf16>
    %slice3A_123 = vector.extract_strided_slice %convert_element_type3A_42 {offsets = [0, 0], sizes = [256, 32], strides = [1, 1]} : vector<256x128xbf16> to vector<256x32xbf16>
    %dot_general3A_124 = arith.constant dense<0.000000e+00> : vector<256x256xf32>
    %dot_general3A_125 = tpu.matmul %slice3A, %slice3A_123, %dot_general3A_124 {dimension_numbers = #tpu.dot_dimension_numbers<[1], [1], [0], [0], [0, 0, 1, 0], [], []>, transpose_lhs_hint = false} : vector<256x32xbf16>, vector<256x32xbf16>, vector<256x256xf32> -> vector<256x256xf32>
    %get3A_126 = arith.constant 0 : index
    %get3A_127 = arith.constant 0 : index
    %get3A_128 = vector.load %arg2[%get3A_126, %get3A_127] : memref<256x128xf32, #tpu.memory_space<vmem>>, vector<256x1xf32>
    %transpose3A = tpu.transpose %get3A_128, [1, 0] : vector<256x1xf32> -> vector<1x256xf32>
    %add3A_129 = vector.broadcast %transpose3A : vector<1x256xf32> to vector<256x256xf32>
    %add3A_130 = arith.addf %dot_general3A_125, %add3A_129 : vector<256x256xf32>
    %jit3A_131 = arith.constant -1.000000e+30 : f32
    %broadcast_in_dim3A_132 = vector.broadcast %jit3A_131 : f32 to vector<256x256xf32>
    %select_n3A_133 = arith.select %eq3A, %add3A_130, %broadcast_in_dim3A_132 : vector<256x256xi1>, vector<256x256xf32>
    %reduce_max3A = arith.constant dense<0xFF800000> : vector<256xf32>
    %reduce_max3A_134 = vector.multi_reduction <maximumf>, %select_n3A_133, %reduce_max3A [1] : vector<256x256xf32> to vector<256xf32>
    %broadcast_in_dim3A_135 = vector.shape_cast %reduce_max3A_134 : vector<256xf32> to vector<256x1xf32>
    %sub3A_136 = vector.broadcast %broadcast_in_dim3A_135 : vector<256x1xf32> to vector<256x256xf32>
    %sub3A_137 = arith.subf %select_n3A_133, %sub3A_136 : vector<256x256xf32>
    %exp3A = math.exp %sub3A_137 : vector<256x256xf32>
    %reduce_sum3A_138 = arith.constant dense<0.000000e+00> : vector<256xf32>
    %reduce_sum3A_139 = vector.multi_reduction <add>, %exp3A, %reduce_sum3A_138 [1] : vector<256x256xf32> to vector<256xf32>
    %broadcast_in_dim3A_140 = vector.shape_cast %reduce_sum3A_139 : vector<256xf32> to vector<256x1xf32>
    %convert_element_type3A_141 = arith.truncf %exp3A : vector<256x256xf32> to vector<256x256xbf16>
    %slice3A_142 = vector.extract_strided_slice %convert_element_type3A_49 {offsets = [0, 0], sizes = [256, 32], strides = [1, 1]} : vector<256x128xbf16> to vector<256x32xbf16>
    %dot_general3A_143 = arith.constant dense<0.000000e+00> : vector<256x32xf32>
    %dot_general3A_144 = tpu.matmul %convert_element_type3A_141, %slice3A_142, %dot_general3A_143 {dimension_numbers = #tpu.dot_dimension_numbers<[1], [0], [0], [1], [0, 0, 1, 1], [], []>, transpose_lhs_hint = false} : vector<256x256xbf16>, vector<256x32xbf16>, vector<256x32xf32> -> vector<256x32xf32>
    %div3A_145 = vector.broadcast %broadcast_in_dim3A_140 : vector<256x1xf32> to vector<256x32xf32>
    %div3A_146 = arith.divf %dot_general3A_144, %div3A_145 : vector<256x32xf32>
    %slice3A_147 = vector.extract_strided_slice %convert_element_type3A_35 {offsets = [0, 32], sizes = [256, 32], strides = [1, 1]} : vector<256x128xbf16> to vector<256x32xbf16>
    %slice3A_148 = vector.extract_strided_slice %convert_element_type3A_42 {offsets = [0, 32], sizes = [256, 32], strides = [1, 1]} : vector<256x128xbf16> to vector<256x32xbf16>
    %dot_general3A_149 = arith.constant dense<0.000000e+00> : vector<256x256xf32>
    %dot_general3A_150 = tpu.matmul %slice3A_147, %slice3A_148, %dot_general3A_149 {dimension_numbers = #tpu.dot_dimension_numbers<[1], [1], [0], [0], [0, 0, 1, 0], [], []>, transpose_lhs_hint = false} : vector<256x32xbf16>, vector<256x32xbf16>, vector<256x256xf32> -> vector<256x256xf32>
    %get3A_151 = arith.constant 0 : index
    %get3A_152 = arith.constant 1 : index
    %get3A_153 = vector.load %arg2[%get3A_151, %get3A_152] : memref<256x128xf32, #tpu.memory_space<vmem>>, vector<256x1xf32>
    %transpose3A_154 = tpu.transpose %get3A_153, [1, 0] : vector<256x1xf32> -> vector<1x256xf32>
    %add3A_155 = vector.broadcast %transpose3A_154 : vector<1x256xf32> to vector<256x256xf32>
    %add3A_156 = arith.addf %dot_general3A_150, %add3A_155 : vector<256x256xf32>
    %jit3A_157 = arith.constant -1.000000e+30 : f32
    %broadcast_in_dim3A_158 = vector.broadcast %jit3A_157 : f32 to vector<256x256xf32>
    %select_n3A_159 = arith.select %eq3A, %add3A_156, %broadcast_in_dim3A_158 : vector<256x256xi1>, vector<256x256xf32>
    %reduce_max3A_160 = arith.constant dense<0xFF800000> : vector<256xf32>
    %reduce_max3A_161 = vector.multi_reduction <maximumf>, %select_n3A_159, %reduce_max3A_160 [1] : vector<256x256xf32> to vector<256xf32>
    %broadcast_in_dim3A_162 = vector.shape_cast %reduce_max3A_161 : vector<256xf32> to vector<256x1xf32>
    %sub3A_163 = vector.broadcast %broadcast_in_dim3A_162 : vector<256x1xf32> to vector<256x256xf32>
    %sub3A_164 = arith.subf %select_n3A_159, %sub3A_163 : vector<256x256xf32>
    %exp3A_165 = math.exp %sub3A_164 : vector<256x256xf32>
    %reduce_sum3A_166 = arith.constant dense<0.000000e+00> : vector<256xf32>
    %reduce_sum3A_167 = vector.multi_reduction <add>, %exp3A_165, %reduce_sum3A_166 [1] : vector<256x256xf32> to vector<256xf32>
    %broadcast_in_dim3A_168 = vector.shape_cast %reduce_sum3A_167 : vector<256xf32> to vector<256x1xf32>
    %convert_element_type3A_169 = arith.truncf %exp3A_165 : vector<256x256xf32> to vector<256x256xbf16>
    %slice3A_170 = vector.extract_strided_slice %convert_element_type3A_49 {offsets = [0, 32], sizes = [256, 32], strides = [1, 1]} : vector<256x128xbf16> to vector<256x32xbf16>
    %dot_general3A_171 = arith.constant dense<0.000000e+00> : vector<256x32xf32>
    %dot_general3A_172 = tpu.matmul %convert_element_type3A_169, %slice3A_170, %dot_general3A_171 {dimension_numbers = #tpu.dot_dimension_numbers<[1], [0], [0], [1], [0, 0, 1, 1], [], []>, transpose_lhs_hint = false} : vector<256x256xbf16>, vector<256x32xbf16>, vector<256x32xf32> -> vector<256x32xf32>
    %div3A_173 = vector.broadcast %broadcast_in_dim3A_168 : vector<256x1xf32> to vector<256x32xf32>
    %div3A_174 = arith.divf %dot_general3A_172, %div3A_173 : vector<256x32xf32>
    %slice3A_175 = vector.extract_strided_slice %convert_element_type3A_35 {offsets = [0, 64], sizes = [256, 32], strides = [1, 1]} : vector<256x128xbf16> to vector<256x32xbf16>
    %slice3A_176 = vector.extract_strided_slice %convert_element_type3A_42 {offsets = [0, 64], sizes = [256, 32], strides = [1, 1]} : vector<256x128xbf16> to vector<256x32xbf16>
    %dot_general3A_177 = arith.constant dense<0.000000e+00> : vector<256x256xf32>
    %dot_general3A_178 = tpu.matmul %slice3A_175, %slice3A_176, %dot_general3A_177 {dimension_numbers = #tpu.dot_dimension_numbers<[1], [1], [0], [0], [0, 0, 1, 0], [], []>, transpose_lhs_hint = false} : vector<256x32xbf16>, vector<256x32xbf16>, vector<256x256xf32> -> vector<256x256xf32>
    %get3A_179 = arith.constant 0 : index
    %get3A_180 = arith.constant 2 : index
    %get3A_181 = vector.load %arg2[%get3A_179, %get3A_180] : memref<256x128xf32, #tpu.memory_space<vmem>>, vector<256x1xf32>
    %transpose3A_182 = tpu.transpose %get3A_181, [1, 0] : vector<256x1xf32> -> vector<1x256xf32>
    %add3A_183 = vector.broadcast %transpose3A_182 : vector<1x256xf32> to vector<256x256xf32>
    %add3A_184 = arith.addf %dot_general3A_178, %add3A_183 : vector<256x256xf32>
    %jit3A_185 = arith.constant -1.000000e+30 : f32
    %broadcast_in_dim3A_186 = vector.broadcast %jit3A_185 : f32 to vector<256x256xf32>
    %select_n3A_187 = arith.select %eq3A, %add3A_184, %broadcast_in_dim3A_186 : vector<256x256xi1>, vector<256x256xf32>
    %reduce_max3A_188 = arith.constant dense<0xFF800000> : vector<256xf32>
    %reduce_max3A_189 = vector.multi_reduction <maximumf>, %select_n3A_187, %reduce_max3A_188 [1] : vector<256x256xf32> to vector<256xf32>
    %broadcast_in_dim3A_190 = vector.shape_cast %reduce_max3A_189 : vector<256xf32> to vector<256x1xf32>
    %sub3A_191 = vector.broadcast %broadcast_in_dim3A_190 : vector<256x1xf32> to vector<256x256xf32>
    %sub3A_192 = arith.subf %select_n3A_187, %sub3A_191 : vector<256x256xf32>
    %exp3A_193 = math.exp %sub3A_192 : vector<256x256xf32>
    %reduce_sum3A_194 = arith.constant dense<0.000000e+00> : vector<256xf32>
    %reduce_sum3A_195 = vector.multi_reduction <add>, %exp3A_193, %reduce_sum3A_194 [1] : vector<256x256xf32> to vector<256xf32>
    %broadcast_in_dim3A_196 = vector.shape_cast %reduce_sum3A_195 : vector<256xf32> to vector<256x1xf32>
    %convert_element_type3A_197 = arith.truncf %exp3A_193 : vector<256x256xf32> to vector<256x256xbf16>
    %slice3A_198 = vector.extract_strided_slice %convert_element_type3A_49 {offsets = [0, 64], sizes = [256, 32], strides = [1, 1]} : vector<256x128xbf16> to vector<256x32xbf16>
    %dot_general3A_199 = arith.constant dense<0.000000e+00> : vector<256x32xf32>
    %dot_general3A_200 = tpu.matmul %convert_element_type3A_197, %slice3A_198, %dot_general3A_199 {dimension_numbers = #tpu.dot_dimension_numbers<[1], [0], [0], [1], [0, 0, 1, 1], [], []>, transpose_lhs_hint = false} : vector<256x256xbf16>, vector<256x32xbf16>, vector<256x32xf32> -> vector<256x32xf32>
    %div3A_201 = vector.broadcast %broadcast_in_dim3A_196 : vector<256x1xf32> to vector<256x32xf32>
    %div3A_202 = arith.divf %dot_general3A_200, %div3A_201 : vector<256x32xf32>
    %slice3A_203 = vector.extract_strided_slice %convert_element_type3A_35 {offsets = [0, 96], sizes = [256, 32], strides = [1, 1]} : vector<256x128xbf16> to vector<256x32xbf16>
    %slice3A_204 = vector.extract_strided_slice %convert_element_type3A_42 {offsets = [0, 96], sizes = [256, 32], strides = [1, 1]} : vector<256x128xbf16> to vector<256x32xbf16>
    %dot_general3A_205 = arith.constant dense<0.000000e+00> : vector<256x256xf32>
    %dot_general3A_206 = tpu.matmul %slice3A_203, %slice3A_204, %dot_general3A_205 {dimension_numbers = #tpu.dot_dimension_numbers<[1], [1], [0], [0], [0, 0, 1, 0], [], []>, transpose_lhs_hint = false} : vector<256x32xbf16>, vector<256x32xbf16>, vector<256x256xf32> -> vector<256x256xf32>
    %get3A_207 = arith.constant 0 : index
    %get3A_208 = arith.constant 3 : index
    %get3A_209 = vector.load %arg2[%get3A_207, %get3A_208] : memref<256x128xf32, #tpu.memory_space<vmem>>, vector<256x1xf32>
    %transpose3A_210 = tpu.transpose %get3A_209, [1, 0] : vector<256x1xf32> -> vector<1x256xf32>
    %add3A_211 = vector.broadcast %transpose3A_210 : vector<1x256xf32> to vector<256x256xf32>
    %add3A_212 = arith.addf %dot_general3A_206, %add3A_211 : vector<256x256xf32>
    %jit3A_213 = arith.constant -1.000000e+30 : f32
    %broadcast_in_dim3A_214 = vector.broadcast %jit3A_213 : f32 to vector<256x256xf32>
    %select_n3A_215 = arith.select %eq3A, %add3A_212, %broadcast_in_dim3A_214 : vector<256x256xi1>, vector<256x256xf32>
    %reduce_max3A_216 = arith.constant dense<0xFF800000> : vector<256xf32>
    %reduce_max3A_217 = vector.multi_reduction <maximumf>, %select_n3A_215, %reduce_max3A_216 [1] : vector<256x256xf32> to vector<256xf32>
    %broadcast_in_dim3A_218 = vector.shape_cast %reduce_max3A_217 : vector<256xf32> to vector<256x1xf32>
    %sub3A_219 = vector.broadcast %broadcast_in_dim3A_218 : vector<256x1xf32> to vector<256x256xf32>
    %sub3A_220 = arith.subf %select_n3A_215, %sub3A_219 : vector<256x256xf32>
    %exp3A_221 = math.exp %sub3A_220 : vector<256x256xf32>
    %reduce_sum3A_222 = arith.constant dense<0.000000e+00> : vector<256xf32>
    %reduce_sum3A_223 = vector.multi_reduction <add>, %exp3A_221, %reduce_sum3A_222 [1] : vector<256x256xf32> to vector<256xf32>
    %broadcast_in_dim3A_224 = vector.shape_cast %reduce_sum3A_223 : vector<256xf32> to vector<256x1xf32>
    %convert_element_type3A_225 = arith.truncf %exp3A_221 : vector<256x256xf32> to vector<256x256xbf16>
    %slice3A_226 = vector.extract_strided_slice %convert_element_type3A_49 {offsets = [0, 96], sizes = [256, 32], strides = [1, 1]} : vector<256x128xbf16> to vector<256x32xbf16>
    %dot_general3A_227 = arith.constant dense<0.000000e+00> : vector<256x32xf32>
    %dot_general3A_228 = tpu.matmul %convert_element_type3A_225, %slice3A_226, %dot_general3A_227 {dimension_numbers = #tpu.dot_dimension_numbers<[1], [0], [0], [1], [0, 0, 1, 1], [], []>, transpose_lhs_hint = false} : vector<256x256xbf16>, vector<256x32xbf16>, vector<256x32xf32> -> vector<256x32xf32>
    %div3A_229 = vector.broadcast %broadcast_in_dim3A_224 : vector<256x1xf32> to vector<256x32xf32>
    %div3A_230 = arith.divf %dot_general3A_228, %div3A_229 : vector<256x32xf32>
    %concatenate3A = tpu.concatenate %div3A_146, %div3A_174, %div3A_202, %div3A_230 in 1 : vector<256x32xf32>, vector<256x32xf32>, vector<256x32xf32>, vector<256x32xf32> -> vector<256x128xf32>
    %mul3A_231 = arith.mulf %concatenate3A, %logistic3A_65 : vector<256x128xf32>
    %convert_element_type3A_232 = arith.truncf %mul3A_231 : vector<256x128xf32> to vector<256x128xbf16>
    %get3A_233 = arith.constant 0 : index
    %get3A_234 = arith.constant 0 : index
    %get3A_235 = vector.load %arg10[%get3A_233, %get3A_234] : memref<128x128xf32, #tpu.memory_space<vmem>>, vector<128x128xf32>
    %convert_element_type3A_236 = arith.truncf %get3A_235 : vector<128x128xf32> to vector<128x128xbf16>
    %dot_general3A_237 = arith.constant dense<0.000000e+00> : vector<256x128xf32>
    %dot_general3A_238 = tpu.matmul %convert_element_type3A_232, %convert_element_type3A_236, %dot_general3A_237 {dimension_numbers = #tpu.dot_dimension_numbers<[1], [0], [0], [1], [0, 0, 1, 1], [], []>, transpose_lhs_hint = false} : vector<256x128xbf16>, vector<128x128xbf16>, vector<256x128xf32> -> vector<256x128xf32>
    %get3A_239 = arith.constant 0 : index
    %get3A_240 = arith.constant 0 : index
    %get3A_241 = vector.load %arg11[%get3A_239, %get3A_240] : memref<1x128xf32, #tpu.memory_space<vmem>>, vector<1x128xf32>
    %add3A_242 = vector.broadcast %get3A_241 : vector<1x128xf32> to vector<256x128xf32>
    %add3A_243 = arith.addf %dot_general3A_238, %add3A_242 : vector<256x128xf32>
    %swap3A = arith.constant 0 : index
    %swap3A_244 = arith.constant 0 : index
    %swap3A_245 = vector.load %arg12[%swap3A, %swap3A_244] : memref<256x128xf32, #tpu.memory_space<vmem>>, vector<256x128xf32>
    tpu.vector_store %arg12[%swap3A, %swap3A_244], %add3A_243 {strides = array<i32>} : memref<256x128xf32, #tpu.memory_space<vmem>>, vector<256x128xf32>,
    return
  }
  func.func @transform_0(%arg0: i32) -> (i32, i32) {
    %c0_i32 = arith.constant 0 : i32
    %c0_i32_0 = arith.constant 0 : i32
    return %arg0, %c0_i32 : i32, i32
  }
  func.func @transform_1(%arg0: i32) -> (i32, i32) {
    %c0_i32 = arith.constant 0 : i32
    %c0_i32_0 = arith.constant 0 : i32
    return %arg0, %c0_i32 : i32, i32
  }
  func.func @transform_2(%arg0: i32) -> (i32, i32) {
    %c0_i32 = arith.constant 0 : i32
    %c0_i32_0 = arith.constant 0 : i32
    %c0_i32_1 = arith.constant 0 : i32
    return %c0_i32, %c0_i32_0 : i32, i32
  }
  func.func @transform_3(%arg0: i32) -> (i32, i32) {
    %c0_i32 = arith.constant 0 : i32
    %c0_i32_0 = arith.constant 0 : i32
    %c0_i32_1 = arith.constant 0 : i32
    return %c0_i32, %c0_i32_0 : i32, i32
  }
  func.func @transform_4(%arg0: i32) -> (i32, i32) {
    %c0_i32 = arith.constant 0 : i32
    %c0_i32_0 = arith.constant 0 : i32
    %c0_i32_1 = arith.constant 0 : i32
    return %c0_i32, %c0_i32_0 : i32, i32
  }
  func.func @transform_5(%arg0: i32) -> (i32, i32) {
    %c0_i32 = arith.constant 0 : i32
    %c0_i32_0 = arith.constant 0 : i32
    %c0_i32_1 = arith.constant 0 : i32
    return %c0_i32, %c0_i32_0 : i32, i32
  }
  func.func @transform_6(%arg0: i32) -> (i32, i32) {
    %c0_i32 = arith.constant 0 : i32
    %c0_i32_0 = arith.constant 0 : i32
    %c0_i32_1 = arith.constant 0 : i32
    return %c0_i32, %c0_i32_0 : i32, i32
  }
  func.func @transform_7(%arg0: i32) -> (i32, i32) {
    %c0_i32 = arith.constant 0 : i32
    %c0_i32_0 = arith.constant 0 : i32
    %c0_i32_1 = arith.constant 0 : i32
    return %c0_i32, %c0_i32_0 : i32, i32
  }
  func.func @transform_8(%arg0: i32) -> (i32, i32) {
    %c0_i32 = arith.constant 0 : i32
    %c0_i32_0 = arith.constant 0 : i32
    %c0_i32_1 = arith.constant 0 : i32
    return %c0_i32, %c0_i32_0 : i32, i32
  }
  func.func @transform_9(%arg0: i32) -> (i32, i32) {
    %c0_i32 = arith.constant 0 : i32
    %c0_i32_0 = arith.constant 0 : i32
    %c0_i32_1 = arith.constant 0 : i32
    return %c0_i32, %c0_i32_0 : i32, i32
  }
  func.func @transform_10(%arg0: i32) -> (i32, i32) {
    %c0_i32 = arith.constant 0 : i32
    %c0_i32_0 = arith.constant 0 : i32
    %c0_i32_1 = arith.constant 0 : i32
    return %c0_i32, %c0_i32_0 : i32, i32
  }
  func.func @transform_11(%arg0: i32) -> (i32, i32) {
    %c0_i32 = arith.constant 0 : i32
    %c0_i32_0 = arith.constant 0 : i32
    return %arg0, %c0_i32 : i32, i32
  }
}

module attributes {stable_mosaic.version = 14 : i64} {
  func.func @_scatadd_body(%arg0: i32, %arg1: memref<256x8x128xf32, #tpu.memory_space<vmem>>, %arg2: memref<256x128xf32, #tpu.memory_space<vmem>>, %arg3: memref<256x1xi32, #tpu.memory_space<vmem>>, %arg4: memref<256x8x128xf32, #tpu.memory_space<vmem>>) attributes {dimension_semantics = [#tpu.dimension_semantics<arbitrary>], iteration_bounds = array<i64: 32>, scalar_prefetch = 0 : i64, scratch_operands = 0 : i64, tpu.core_type = #tpu.core_type<tc>, window_params = [{transform_indices = @transform_0, window_bounds = array<i64: 256, 8, 128>}, {transform_indices = @transform_1, window_bounds = array<i64: 256, 128>}, {transform_indices = @transform_2, window_bounds = array<i64: 256, 1>}, {transform_indices = @transform_3, window_bounds = array<i64: 256, 8, 128>}]} {
    %get3A = arith.constant 0 : index
    %get3A_0 = arith.constant 0 : index
    %get3A_1 = vector.load %arg2[%get3A, %get3A_0] : memref<256x128xf32, #tpu.memory_space<vmem>>, vector<256x128xf32>
    %convert_element_type3A = arith.truncf %get3A_1 : vector<256x128xf32> to vector<256x128xbf16>
    %concatenate3A = tpu.concatenate %convert_element_type3A, %convert_element_type3A, %convert_element_type3A, %convert_element_type3A, %convert_element_type3A, %convert_element_type3A, %convert_element_type3A, %convert_element_type3A in 1 : vector<256x128xbf16>, vector<256x128xbf16>, vector<256x128xbf16>, vector<256x128xbf16>, vector<256x128xbf16>, vector<256x128xbf16>, vector<256x128xbf16>, vector<256x128xbf16> -> vector<256x1024xbf16>
    %iota3A = tpu.iota {dimensions = array<i32: 0>} : vector<256x1024xi32>
    %jit3A = arith.constant 32 : i32
    %div3A = vector.broadcast %jit3A : i32 to vector<256x1024xi32>
    %div3A_2 = arith.divsi %iota3A, %div3A : vector<256x1024xi32>
    %sign3A = arith.constant 0 : i32
    %sign3A_3 = vector.broadcast %sign3A : i32 to vector<256x1024xi32>
    %sign3A_4 = arith.cmpi sgt, %iota3A, %sign3A_3 : vector<256x1024xi32>
    %sign3A_5 = arith.extui %sign3A_4 : vector<256x1024xi1> to vector<256x1024xi32>
    %sign3A_6 = arith.constant 0 : i32
    %sign3A_7 = vector.broadcast %sign3A_6 : i32 to vector<256x1024xi32>
    %sign3A_8 = arith.cmpi slt, %iota3A, %sign3A_7 : vector<256x1024xi32>
    %sign3A_9 = arith.extui %sign3A_8 : vector<256x1024xi1> to vector<256x1024xi32>
    %sign3A_10 = arith.subi %sign3A_5, %sign3A_9 : vector<256x1024xi32>
    %sign3A_11 = arith.constant 0 : i32
    %sign3A_12 = arith.cmpi sgt, %jit3A, %sign3A_11 : i32
    %sign3A_13 = arith.extui %sign3A_12 : i1 to i32
    %sign3A_14 = arith.constant 0 : i32
    %sign3A_15 = arith.cmpi slt, %jit3A, %sign3A_14 : i32
    %sign3A_16 = arith.extui %sign3A_15 : i1 to i32
    %sign3A_17 = arith.subi %sign3A_13, %sign3A_16 : i32
    %ne3A = vector.broadcast %sign3A_17 : i32 to vector<256x1024xi32>
    %ne3A_18 = arith.cmpi ne, %sign3A_10, %ne3A : vector<256x1024xi32>
    %rem3A = vector.broadcast %jit3A : i32 to vector<256x1024xi32>
    %rem3A_19 = arith.remsi %iota3A, %rem3A : vector<256x1024xi32>
    %ne3A_20 = arith.constant 0 : i32
    %ne3A_21 = vector.broadcast %ne3A_20 : i32 to vector<256x1024xi32>
    %ne3A_22 = arith.cmpi ne, %rem3A_19, %ne3A_21 : vector<256x1024xi32>
    %and3A = arith.andi %ne3A_18, %ne3A_22 : vector<256x1024xi1>
    %sub3A = arith.constant 1 : i32
    %sub3A_23 = vector.broadcast %sub3A : i32 to vector<256x1024xi32>
    %sub3A_24 = arith.subi %div3A_2, %sub3A_23 : vector<256x1024xi32>
    %select_n3A = arith.select %and3A, %sub3A_24, %div3A_2 : vector<256x1024xi1>, vector<256x1024xi32>
    %iota3A_25 = tpu.iota {dimensions = array<i32: 1>} : vector<256x1024xi32>
    %jit3A_26 = arith.constant 128 : i32
    %div3A_27 = vector.broadcast %jit3A_26 : i32 to vector<256x1024xi32>
    %div3A_28 = arith.divsi %iota3A_25, %div3A_27 : vector<256x1024xi32>
    %sign3A_29 = arith.constant 0 : i32
    %sign3A_30 = vector.broadcast %sign3A_29 : i32 to vector<256x1024xi32>
    %sign3A_31 = arith.cmpi sgt, %iota3A_25, %sign3A_30 : vector<256x1024xi32>
    %sign3A_32 = arith.extui %sign3A_31 : vector<256x1024xi1> to vector<256x1024xi32>
    %sign3A_33 = arith.constant 0 : i32
    %sign3A_34 = vector.broadcast %sign3A_33 : i32 to vector<256x1024xi32>
    %sign3A_35 = arith.cmpi slt, %iota3A_25, %sign3A_34 : vector<256x1024xi32>
    %sign3A_36 = arith.extui %sign3A_35 : vector<256x1024xi1> to vector<256x1024xi32>
    %sign3A_37 = arith.subi %sign3A_32, %sign3A_36 : vector<256x1024xi32>
    %sign3A_38 = arith.constant 0 : i32
    %sign3A_39 = arith.cmpi sgt, %jit3A_26, %sign3A_38 : i32
    %sign3A_40 = arith.extui %sign3A_39 : i1 to i32
    %sign3A_41 = arith.constant 0 : i32
    %sign3A_42 = arith.cmpi slt, %jit3A_26, %sign3A_41 : i32
    %sign3A_43 = arith.extui %sign3A_42 : i1 to i32
    %sign3A_44 = arith.subi %sign3A_40, %sign3A_43 : i32
    %ne3A_45 = vector.broadcast %sign3A_44 : i32 to vector<256x1024xi32>
    %ne3A_46 = arith.cmpi ne, %sign3A_37, %ne3A_45 : vector<256x1024xi32>
    %rem3A_47 = vector.broadcast %jit3A_26 : i32 to vector<256x1024xi32>
    %rem3A_48 = arith.remsi %iota3A_25, %rem3A_47 : vector<256x1024xi32>
    %ne3A_49 = arith.constant 0 : i32
    %ne3A_50 = vector.broadcast %ne3A_49 : i32 to vector<256x1024xi32>
    %ne3A_51 = arith.cmpi ne, %rem3A_48, %ne3A_50 : vector<256x1024xi32>
    %and3A_52 = arith.andi %ne3A_46, %ne3A_51 : vector<256x1024xi1>
    %sub3A_53 = arith.constant 1 : i32
    %sub3A_54 = vector.broadcast %sub3A_53 : i32 to vector<256x1024xi32>
    %sub3A_55 = arith.subi %div3A_28, %sub3A_54 : vector<256x1024xi32>
    %select_n3A_56 = arith.select %and3A_52, %sub3A_55, %div3A_28 : vector<256x1024xi1>, vector<256x1024xi32>
    %eq3A = arith.cmpi eq, %select_n3A, %select_n3A_56 : vector<256x1024xi32>
    %jit3A_57 = arith.constant 0.000000e+00 : bf16
    %broadcast_in_dim3A = vector.broadcast %jit3A_57 : bf16 to vector<256x1024xbf16>
    %select_n3A_58 = arith.select %eq3A, %concatenate3A, %broadcast_in_dim3A : vector<256x1024xi1>, vector<256x1024xbf16>
    %get3A_59 = arith.constant 0 : index
    %get3A_60 = arith.constant 0 : index
    %get3A_61 = vector.load %arg3[%get3A_59, %get3A_60] : memref<256x1xi32, #tpu.memory_space<vmem>>, vector<256x1xi32>
    %transpose3A = tpu.transpose %get3A_61, [1, 0] : vector<256x1xi32> -> vector<1x256xi32>
    %iota3A_62 = tpu.iota {dimensions = array<i32: 0>} : vector<256x256xi32>
    %eq3A_63 = vector.broadcast %transpose3A : vector<1x256xi32> to vector<256x256xi32>
    %eq3A_64 = arith.cmpi eq, %iota3A_62, %eq3A_63 : vector<256x256xi32>
    %convert_element_type3A_65 = arith.extui %eq3A_64 : vector<256x256xi1> to vector<256x256xi32>
    %convert_element_type3A_66 = arith.sitofp %convert_element_type3A_65 : vector<256x256xi32> to vector<256x256xf32>
    %convert_element_type3A_67 = arith.truncf %convert_element_type3A_66 : vector<256x256xf32> to vector<256x256xbf16>
    %dot_general3A = arith.constant dense<0.000000e+00> : vector<256x1024xf32>
    %dot_general3A_68 = tpu.matmul %convert_element_type3A_67, %select_n3A_58, %dot_general3A {dimension_numbers = #tpu.dot_dimension_numbers<[1], [0], [0], [1], [0, 0, 1, 1], [], []>, transpose_lhs_hint = false} : vector<256x256xbf16>, vector<256x1024xbf16>, vector<256x1024xf32> -> vector<256x1024xf32>
    %get3A_69 = arith.constant 0 : index
    %get3A_70 = arith.constant 0 : index
    %get3A_71 = arith.constant 0 : index
    %get3A_72 = vector.load %arg1[%get3A_69, %get3A_70, %get3A_71] : memref<256x8x128xf32, #tpu.memory_space<vmem>>, vector<256x1x128xf32>
    %get3A_73 = vector.shape_cast %get3A_72 : vector<256x1x128xf32> to vector<256x128xf32>
    %slice3A = vector.extract_strided_slice %dot_general3A_68 {offsets = [0, 0], sizes = [256, 128], strides = [1, 1]} : vector<256x1024xf32> to vector<256x128xf32>
    %add3A = arith.addf %get3A_73, %slice3A : vector<256x128xf32>
    %swap3A = arith.constant 0 : index
    %swap3A_74 = arith.constant 0 : index
    %swap3A_75 = arith.constant 0 : index
    %swap3A_76 = vector.load %arg4[%swap3A, %swap3A_74, %swap3A_75] : memref<256x8x128xf32, #tpu.memory_space<vmem>>, vector<256x1x128xf32>
    %swap3A_77 = vector.shape_cast %swap3A_76 : vector<256x1x128xf32> to vector<256x128xf32>
    %swap3A_78 = vector.shape_cast %add3A : vector<256x128xf32> to vector<256x1x128xf32>
    tpu.vector_store %arg4[%swap3A, %swap3A_74, %swap3A_75], %swap3A_78 {strides = array<i32>} : memref<256x8x128xf32, #tpu.memory_space<vmem>>, vector<256x1x128xf32>,
    %get3A_79 = arith.constant 0 : index
    %get3A_80 = arith.constant 1 : index
    %get3A_81 = arith.constant 0 : index
    %get3A_82 = vector.load %arg1[%get3A_79, %get3A_80, %get3A_81] : memref<256x8x128xf32, #tpu.memory_space<vmem>>, vector<256x1x128xf32>
    %get3A_83 = vector.shape_cast %get3A_82 : vector<256x1x128xf32> to vector<256x128xf32>
    %slice3A_84 = vector.extract_strided_slice %dot_general3A_68 {offsets = [0, 128], sizes = [256, 128], strides = [1, 1]} : vector<256x1024xf32> to vector<256x128xf32>
    %add3A_85 = arith.addf %get3A_83, %slice3A_84 : vector<256x128xf32>
    %swap3A_86 = arith.constant 0 : index
    %swap3A_87 = arith.constant 1 : index
    %swap3A_88 = arith.constant 0 : index
    %swap3A_89 = vector.load %arg4[%swap3A_86, %swap3A_87, %swap3A_88] : memref<256x8x128xf32, #tpu.memory_space<vmem>>, vector<256x1x128xf32>
    %swap3A_90 = vector.shape_cast %swap3A_89 : vector<256x1x128xf32> to vector<256x128xf32>
    %swap3A_91 = vector.shape_cast %add3A_85 : vector<256x128xf32> to vector<256x1x128xf32>
    tpu.vector_store %arg4[%swap3A_86, %swap3A_87, %swap3A_88], %swap3A_91 {strides = array<i32>} : memref<256x8x128xf32, #tpu.memory_space<vmem>>, vector<256x1x128xf32>,
    %get3A_92 = arith.constant 0 : index
    %get3A_93 = arith.constant 2 : index
    %get3A_94 = arith.constant 0 : index
    %get3A_95 = vector.load %arg1[%get3A_92, %get3A_93, %get3A_94] : memref<256x8x128xf32, #tpu.memory_space<vmem>>, vector<256x1x128xf32>
    %get3A_96 = vector.shape_cast %get3A_95 : vector<256x1x128xf32> to vector<256x128xf32>
    %slice3A_97 = vector.extract_strided_slice %dot_general3A_68 {offsets = [0, 256], sizes = [256, 128], strides = [1, 1]} : vector<256x1024xf32> to vector<256x128xf32>
    %add3A_98 = arith.addf %get3A_96, %slice3A_97 : vector<256x128xf32>
    %swap3A_99 = arith.constant 0 : index
    %swap3A_100 = arith.constant 2 : index
    %swap3A_101 = arith.constant 0 : index
    %swap3A_102 = vector.load %arg4[%swap3A_99, %swap3A_100, %swap3A_101] : memref<256x8x128xf32, #tpu.memory_space<vmem>>, vector<256x1x128xf32>
    %swap3A_103 = vector.shape_cast %swap3A_102 : vector<256x1x128xf32> to vector<256x128xf32>
    %swap3A_104 = vector.shape_cast %add3A_98 : vector<256x128xf32> to vector<256x1x128xf32>
    tpu.vector_store %arg4[%swap3A_99, %swap3A_100, %swap3A_101], %swap3A_104 {strides = array<i32>} : memref<256x8x128xf32, #tpu.memory_space<vmem>>, vector<256x1x128xf32>,
    %get3A_105 = arith.constant 0 : index
    %get3A_106 = arith.constant 3 : index
    %get3A_107 = arith.constant 0 : index
    %get3A_108 = vector.load %arg1[%get3A_105, %get3A_106, %get3A_107] : memref<256x8x128xf32, #tpu.memory_space<vmem>>, vector<256x1x128xf32>
    %get3A_109 = vector.shape_cast %get3A_108 : vector<256x1x128xf32> to vector<256x128xf32>
    %slice3A_110 = vector.extract_strided_slice %dot_general3A_68 {offsets = [0, 384], sizes = [256, 128], strides = [1, 1]} : vector<256x1024xf32> to vector<256x128xf32>
    %add3A_111 = arith.addf %get3A_109, %slice3A_110 : vector<256x128xf32>
    %swap3A_112 = arith.constant 0 : index
    %swap3A_113 = arith.constant 3 : index
    %swap3A_114 = arith.constant 0 : index
    %swap3A_115 = vector.load %arg4[%swap3A_112, %swap3A_113, %swap3A_114] : memref<256x8x128xf32, #tpu.memory_space<vmem>>, vector<256x1x128xf32>
    %swap3A_116 = vector.shape_cast %swap3A_115 : vector<256x1x128xf32> to vector<256x128xf32>
    %swap3A_117 = vector.shape_cast %add3A_111 : vector<256x128xf32> to vector<256x1x128xf32>
    tpu.vector_store %arg4[%swap3A_112, %swap3A_113, %swap3A_114], %swap3A_117 {strides = array<i32>} : memref<256x8x128xf32, #tpu.memory_space<vmem>>, vector<256x1x128xf32>,
    %get3A_118 = arith.constant 0 : index
    %get3A_119 = arith.constant 4 : index
    %get3A_120 = arith.constant 0 : index
    %get3A_121 = vector.load %arg1[%get3A_118, %get3A_119, %get3A_120] : memref<256x8x128xf32, #tpu.memory_space<vmem>>, vector<256x1x128xf32>
    %get3A_122 = vector.shape_cast %get3A_121 : vector<256x1x128xf32> to vector<256x128xf32>
    %slice3A_123 = vector.extract_strided_slice %dot_general3A_68 {offsets = [0, 512], sizes = [256, 128], strides = [1, 1]} : vector<256x1024xf32> to vector<256x128xf32>
    %add3A_124 = arith.addf %get3A_122, %slice3A_123 : vector<256x128xf32>
    %swap3A_125 = arith.constant 0 : index
    %swap3A_126 = arith.constant 4 : index
    %swap3A_127 = arith.constant 0 : index
    %swap3A_128 = vector.load %arg4[%swap3A_125, %swap3A_126, %swap3A_127] : memref<256x8x128xf32, #tpu.memory_space<vmem>>, vector<256x1x128xf32>
    %swap3A_129 = vector.shape_cast %swap3A_128 : vector<256x1x128xf32> to vector<256x128xf32>
    %swap3A_130 = vector.shape_cast %add3A_124 : vector<256x128xf32> to vector<256x1x128xf32>
    tpu.vector_store %arg4[%swap3A_125, %swap3A_126, %swap3A_127], %swap3A_130 {strides = array<i32>} : memref<256x8x128xf32, #tpu.memory_space<vmem>>, vector<256x1x128xf32>,
    %get3A_131 = arith.constant 0 : index
    %get3A_132 = arith.constant 5 : index
    %get3A_133 = arith.constant 0 : index
    %get3A_134 = vector.load %arg1[%get3A_131, %get3A_132, %get3A_133] : memref<256x8x128xf32, #tpu.memory_space<vmem>>, vector<256x1x128xf32>
    %get3A_135 = vector.shape_cast %get3A_134 : vector<256x1x128xf32> to vector<256x128xf32>
    %slice3A_136 = vector.extract_strided_slice %dot_general3A_68 {offsets = [0, 640], sizes = [256, 128], strides = [1, 1]} : vector<256x1024xf32> to vector<256x128xf32>
    %add3A_137 = arith.addf %get3A_135, %slice3A_136 : vector<256x128xf32>
    %swap3A_138 = arith.constant 0 : index
    %swap3A_139 = arith.constant 5 : index
    %swap3A_140 = arith.constant 0 : index
    %swap3A_141 = vector.load %arg4[%swap3A_138, %swap3A_139, %swap3A_140] : memref<256x8x128xf32, #tpu.memory_space<vmem>>, vector<256x1x128xf32>
    %swap3A_142 = vector.shape_cast %swap3A_141 : vector<256x1x128xf32> to vector<256x128xf32>
    %swap3A_143 = vector.shape_cast %add3A_137 : vector<256x128xf32> to vector<256x1x128xf32>
    tpu.vector_store %arg4[%swap3A_138, %swap3A_139, %swap3A_140], %swap3A_143 {strides = array<i32>} : memref<256x8x128xf32, #tpu.memory_space<vmem>>, vector<256x1x128xf32>,
    %get3A_144 = arith.constant 0 : index
    %get3A_145 = arith.constant 6 : index
    %get3A_146 = arith.constant 0 : index
    %get3A_147 = vector.load %arg1[%get3A_144, %get3A_145, %get3A_146] : memref<256x8x128xf32, #tpu.memory_space<vmem>>, vector<256x1x128xf32>
    %get3A_148 = vector.shape_cast %get3A_147 : vector<256x1x128xf32> to vector<256x128xf32>
    %slice3A_149 = vector.extract_strided_slice %dot_general3A_68 {offsets = [0, 768], sizes = [256, 128], strides = [1, 1]} : vector<256x1024xf32> to vector<256x128xf32>
    %add3A_150 = arith.addf %get3A_148, %slice3A_149 : vector<256x128xf32>
    %swap3A_151 = arith.constant 0 : index
    %swap3A_152 = arith.constant 6 : index
    %swap3A_153 = arith.constant 0 : index
    %swap3A_154 = vector.load %arg4[%swap3A_151, %swap3A_152, %swap3A_153] : memref<256x8x128xf32, #tpu.memory_space<vmem>>, vector<256x1x128xf32>
    %swap3A_155 = vector.shape_cast %swap3A_154 : vector<256x1x128xf32> to vector<256x128xf32>
    %swap3A_156 = vector.shape_cast %add3A_150 : vector<256x128xf32> to vector<256x1x128xf32>
    tpu.vector_store %arg4[%swap3A_151, %swap3A_152, %swap3A_153], %swap3A_156 {strides = array<i32>} : memref<256x8x128xf32, #tpu.memory_space<vmem>>, vector<256x1x128xf32>,
    %get3A_157 = arith.constant 0 : index
    %get3A_158 = arith.constant 7 : index
    %get3A_159 = arith.constant 0 : index
    %get3A_160 = vector.load %arg1[%get3A_157, %get3A_158, %get3A_159] : memref<256x8x128xf32, #tpu.memory_space<vmem>>, vector<256x1x128xf32>
    %get3A_161 = vector.shape_cast %get3A_160 : vector<256x1x128xf32> to vector<256x128xf32>
    %slice3A_162 = vector.extract_strided_slice %dot_general3A_68 {offsets = [0, 896], sizes = [256, 128], strides = [1, 1]} : vector<256x1024xf32> to vector<256x128xf32>
    %add3A_163 = arith.addf %get3A_161, %slice3A_162 : vector<256x128xf32>
    %swap3A_164 = arith.constant 0 : index
    %swap3A_165 = arith.constant 7 : index
    %swap3A_166 = arith.constant 0 : index
    %swap3A_167 = vector.load %arg4[%swap3A_164, %swap3A_165, %swap3A_166] : memref<256x8x128xf32, #tpu.memory_space<vmem>>, vector<256x1x128xf32>
    %swap3A_168 = vector.shape_cast %swap3A_167 : vector<256x1x128xf32> to vector<256x128xf32>
    %swap3A_169 = vector.shape_cast %add3A_163 : vector<256x128xf32> to vector<256x1x128xf32>
    tpu.vector_store %arg4[%swap3A_164, %swap3A_165, %swap3A_166], %swap3A_169 {strides = array<i32>} : memref<256x8x128xf32, #tpu.memory_space<vmem>>, vector<256x1x128xf32>,
    return
  }
  func.func @transform_0(%arg0: i32) -> (i32, i32, i32) {
    %c0_i32 = arith.constant 0 : i32
    %c0_i32_0 = arith.constant 0 : i32
    %c0_i32_1 = arith.constant 0 : i32
    return %c0_i32, %arg0, %c0_i32_0 : i32, i32, i32
  }
  func.func @transform_1(%arg0: i32) -> (i32, i32) {
    %c0_i32 = arith.constant 0 : i32
    %c0_i32_0 = arith.constant 0 : i32
    return %arg0, %c0_i32 : i32, i32
  }
  func.func @transform_2(%arg0: i32) -> (i32, i32) {
    %c0_i32 = arith.constant 0 : i32
    %c0_i32_0 = arith.constant 0 : i32
    return %arg0, %c0_i32 : i32, i32
  }
  func.func @transform_3(%arg0: i32) -> (i32, i32, i32) {
    %c0_i32 = arith.constant 0 : i32
    %c0_i32_0 = arith.constant 0 : i32
    %c0_i32_1 = arith.constant 0 : i32
    return %c0_i32, %arg0, %c0_i32_0 : i32, i32, i32
  }
}

</mosaic_0001>

<sc_bundles>
// kernel: kernel.16.cloned.1.call-start
scs
__scs_entry_jumppad:
0x0: {  	(pc) =	sbr.rel $0x88, $3  }
0x1: {  	(tag) =	ssettag $0x0;
	lr =	simm.s32 $0x1  }
0x2: {  	[smem:$0x3F65] =	sst lr;
	_ =	strace $0xD0000000  }
0x3: {  	_ = 	snop  }
0x4: {  	_ = 	snop  }
0x5: {  	_ = 	snop  }
0x6: {  	_ = 	snop  }
0x7: {  	_ = 	snop  }
__scs_overlays_trampoline_lowered:
0x8: {  	[smem:$0x3F74] =	sst s0  }
0x9: {  	[smem:$0x3F75] =	sst s1  }
0xa: {  	[smem:$0x3F76] =	sst s2  }
0xb: {  	[smem:$0x3F77] =	sst s3  }
0xc: {  	[smem:$0x3F78] =	sst s4  }
0xd: {  	[smem:$0x3F79] =	sst s5  }
0xe: {  	[smem:$0x3F7A] =	sst s6  }
0xf: {  	[smem:$0x3F7B] =	sst s7  }
0x10: {  	[smem:$0x3F7C] =	sst s8  }
0x11: {  	[smem:$0x3F7D] =	sst s9;
	s0 =	simm.s32 @!p0 $0x0  }
0x12: {  	s1 =	sld [smem:$0x3F63];
	s0 =	simm.s32 @p0 $0x1  }
0x13: {  	[smem:$0x3F7E] =	sst s0;
	s0 =	simm.s32 @!p1 $0x0  }
0x14: {  	s2 =	sld [smem:$0x3F62];
	s0 =	simm.s32 @p1 $0x1  }
0x15: {  	[smem:$0x3F7F] =	sst s0;
	s0 =	simm.s32 @!p2 $0x0  }
0x16: {  	s3 =	sld [smem:$0x3FDB];
	s0 =	simm.s32 @p2 $0x1  }
0x17: {  	s4 =	simm.s32 $0x1BF5;
	[smem:$0x3F81] =	sst s0  }
0x18: {  	s0 =	sld [smem:$0x3F64];
	_ =	swait.ge [sflag:s4], $0x0  }
0x19: {  	s7 =	sld [smem:$0x3F65]  }
0x1a: {  	s8 =	sadd.s32 $0xFFFFE003, lr  }
0x1b: {  	s9 =	sadd.s32 $0xFFFFFEF7, lr;
	s5 =	simm.s32 $0xFFFFFFFF;
	p2 =	slt.u32 s8, $0xFFFFF086  }
0x1c: {  	p1 =	slt.u32 s9, $0xF7A;
	s5 =	simm.s32 @!p2 $0x0  }
0x1d: {  	s5 =	simm.s32 @p1 $0x1;
	p0 =	seq.s32 s7, s2  }
0x1e: {  	s7 =	smul.u32 @!p0 $0xF7A, s2;
	p2 =	seq.s32 @!p0 s5, $0x0  }
0x1f: {  	s9 =	smul.u32 $0xF7A, s1;
	s8 =	simm.s32 @!p0 $0x1BF5;
	p2 =	por !p2, p0  }
0x20: {  	[sflag:s8] =	ssyncset.s32 @!p0 $0xFFFFF086;
	s6 =	sadd.s32 @!p0 s3, s7;
	s7 =	simm.s32 @!p0 $0x108  }
0x21: {  	s3 =	sadd.s32 s3, s9;
	s6 =	sadd.s32 @!p0 $0x88, s6;
	s7 =	simm.s32 @p2 $0x1082  }
0x22: {  	[simem:s7], [sflag:s8] =	dma.local @!p0 [hbm:s6], $0xF7A  }
0x23: {  	s9 =	sor.u32 $0xD0000000, s2;
	s6 =	simm.s32 $0x108;
	_ =	swait.ge @!p0 [sflag:s8], $0x0  }
0x24: {  	s3 =	sadd.s32 $0x88, s3;
	s6 =	simm.s32 @!p1 $0x1082;
	[sflag:s4] =	ssyncset.s32 $0xFFFFF086  }
0x25: {  	[simem:s6], [sflag:s4] =	dma.local [hbm:s3], $0xF7A  }
0x26: {  	[smem:$0x3F65] =	sst s1;
	(tag) =	ssettag s2;
	_ =	strace s9  }
0x27: {  	s1 =	sld [smem:$0x3F75]  }
0x28: {  	s2 =	sld [smem:$0x3F76]  }
0x29: {  	s4 =	sld [smem:$0x3F78]  }
0x2a: {  	p0 =	seq.s32 s5, $0x0;
	s5 =	sld [smem:$0x3F79]  }
0x2b: {  	s6 =	sld [smem:$0x3F7A]  }
0x2c: {  	s7 =	sld [smem:$0x3F7B]  }
0x2d: {  	s3 =	simm.s32 $0x108;
	s8 =	sld [smem:$0x3F7C]  }
0x2e: {  	s3 =	simm.s32 @!p0 $0x1082;
	s9 =	sld [smem:$0x3F7D]  }
0x2f: {  	lr =	sadd.s32 s0, s3;
	s0 =	sld [smem:$0x3F74]  }
0x30: {  	s3 =	sld [smem:$0x3F77]  }
0x31: {  	[smem:$0x3F80] =	sst s10  }
0x32: {  	s10 =	sld [smem:$0x3F7E];
	_ =	sdelay $0x3  }
0x33: {  	p0 =	seq.s32 s10, $0x1;
	s10 =	sld [smem:$0x3F80];
	_ =	sdelay $0x3  }
0x34: {  	[smem:$0x3F80] =	sst s10  }
0x35: {  	s10 =	sld [smem:$0x3F7F];
	_ =	sdelay $0x3  }
0x36: {  	p1 =	seq.s32 s10, $0x1;
	s10 =	sld [smem:$0x3F80];
	_ =	sdelay $0x3  }
0x37: {  	[smem:$0x3F80] =	sst s10  }
0x38: {  	s10 =	sld [smem:$0x3F81]  }
0x39: {  	_ = 	snop;
	(pc) =	sbr.ind lr, $3  }
0x3a: {  	_ = 	snop  }
0x3b: {  	_ = 	snop  }
0x3c: {  	p2 =	seq.s32 s10, $0x1;
	s10 =	sld [smem:$0x3F80]  }
0x3d: {  	_ =	shalt  }
0x3e: {  	_ =	shalt  }
0x3f: {  	_ =	shalt  }
0x40: {  	_ =	shalt  }
0x41: {  	_ =	shalt  }
0x42: {  	_ =	shalt  }
0x43: {  	_ =	shalt  }
0x44: {  	_ =	shalt  }
0x45: {  	_ =	shalt  }
0x46: {  	_ =	shalt  }
0x47: {  	_ =	shalt  }
0x48: {  	_ =	shalt  }
0x49: {  	_ =	shalt  }
0x4a: {  	_ =	shalt  }
0x4b: {  	_ =	shalt  }
0x4c: {  	_ =	shalt  }
0x4d: {  	_ =	shalt  }
0x4e: {  	_ =	shalt  }
0x4f: {  	_ =	shalt  }
0x50: {  	_ =	shalt  }
0x51: {  	_ =	shalt  }
0x52: {  	_ =	shalt  }
0x53: {  	_ =	shalt  }
0x54: {  	_ =	shalt  }
0x55: {  	_ =	shalt  }
0x56: {  	_ =	shalt  }
0x57: {  	_ =	shalt  }
0x58: {  	_ =	shalt  }
0x59: {  	_ =	shalt  }
0x5a: {  	_ =	shalt  }
0x5b: {  	_ =	shalt  }
0x5c: {  	_ =	shalt  }
0x5d: {  	_ =	shalt  }
0x5e: {  	_ =	shalt  }
0x5f: {  	_ =	shalt  }
0x60: {  	_ =	shalt  }
0x61: {  	_ =	shalt  }
0x62: {  	_ =	shalt  }
0x63: {  	_ =	shalt  }
0x64: {  	_ =	shalt  }
0x65: {  	_ =	shalt  }
0x66: {  	_ =	shalt  }
0x67: {  	_ =	shalt  }
0x68: {  	_ =	shalt  }
0x69: {  	_ =	shalt  }
0x6a: {  	_ =	shalt  }
0x6b: {  	_ =	shalt  }
0x6c: {  	_ =	shalt  }
0x6d: {  	_ =	shalt  }
0x6e: {  	_ =	shalt  }
0x6f: {  	_ =	shalt  }
0x70: {  	_ =	shalt  }
0x71: {  	_ =	shalt  }
0x72: {  	_ =	shalt  }
0x73: {  	_ =	shalt  }
0x74: {  	_ =	shalt  }
0x75: {  	_ =	shalt  }
0x76: {  	_ =	shalt  }
0x77: {  	_ =	shalt  }
0x78: {  	_ =	shalt  }
0x79: {  	_ =	shalt  }
0x7a: {  	_ =	shalt  }
0x7b: {  	_ =	shalt  }
0x7c: {  	_ =	shalt  }
0x7d: {  	_ =	shalt  }
0x7e: {  	_ =	shalt  }
0x7f: {  	_ =	shalt  }
0x80: {  	_ =	shalt  }
0x81: {  	_ =	shalt  }
0x82: {  	_ =	shalt  }
0x83: {  	_ =	shalt  }
0x84: {  	_ =	shalt  }
0x85: {  	_ =	shalt  }
0x86: {  	_ =	shalt  }
0x87: {  	_ =	shalt  }
.Lfunc_end0:
.L_simem_size_0:
called_computation.2_lowered:
.L_overlay_start_0:
0x88: {  	s2 =	sld [smem:$0x3FD9]  }
0x89: {  	s3 =	sld [smem:$0x3FFE];
	_ =	sdelay $0x1  }
0x8a: {  	s1 =	srdreg.scid  }
0x8b: {  	s0 =	sand.u32 $0x1, s1  }
0x8c: {  	s17 =	sshll.u32 s0, $0xA;
	s2 =	sadd.s32 s3, s2  }
0x8d: {  	s2 =	sadd.s32 s2, s17  }
0x8e: {  	[smem:$0x3F8C] =	sst s2  }
0x8f: {  	_ = 	snop  }
0x90: {  	s2 =	sld [smem:$0x3FD0];
	(tm) =	ssettm $0x1  }
0x91: {  	s18 =	sld [smem:$0x3FFB];
	_ =	sdelay $0x3  }
0x92: {  	_ =	strace s18  }
0x93: {  	s3 =	sld [smem:$0x3FFC];
	_ =	sdelay $0x3  }
0x94: {  	_ =	strace s3  }
0x95: {  	s3 =	sld [smem:$0x3FFD];
	_ =	sdelay $0x3  }
0x96: {  	_ =	strace s3  }
0x97: {  	_ =	strace $0x8FFFFFFF  }
0x98: {  	s19 =	sld [smem:$0x3FDB];
	_ =	sdelay $0x1  }
0x99: {  	s4 =	simm.s32 $_scs_section_size  }
0x9a: {  	s5 =	simm.s32 $_size__tile_overlayer_lowered;
	s6 =	simm.s32 $_tile_overlayer_lowered  }
0x9b: {  	s22 =	simm.s32 $0x1BFF;
	s21 =	sshll.u32 s6, $0x1;
	s3 =	sadd.s32 s4, s19  }
0x9c: {  	s7 =	simm.s32 $0x0;
	s20 =	sshll.u32 s5, $0x1;
	s5 =	sadd.s32 s21, s3  }
0x9d: {  	[timem:s7], [sflag:s22] =	dma.local [hbm:s5], s20  }
0x9e: {  	_ =	swait.ge [sflag:s22], s20  }
0x9f: {  	s4 =	ssub.s32 $0x0, s20;
	[sflag:s22] =	ssyncset.done $0x0  }
0xa0: {  	[sflag:s22] =	ssyncadd.s32 s4;
	_ =	sdelay $0x1  }
0xa1: {  	s23 =	simm.s32 $0x1B8B  }
0xa2: {  	_ =	swait.ge [sflag:s23], $0x1  }
0xa3: {  	[sflag:s23] =	ssyncset.done $0x0  }
0xa4: {  	s25 =	simm.s32 $0x1B8E;
	s24 =	sld [smem:$0x3FFE];
	[sflag:s23] =	ssyncadd.s32 $0xFFFFFFFF  }
0xa5: {  	s26 =	simm.s32 $execute0_lowered;
	[smem:$0x3FD2] =	sst s25  }
0xa6: {  	s5 =	sshll.u32 s26, $0x1;
	_ =	strace $0x8000004C;
	[dreg:$0x1] =	wrdreg $0xFFFFFFFF  }
0xa7: {  	s28 =	simm.s32 $_size_execute0_lowered;
	s3 =	sadd.s32 s3, s5;
	[dreg:$0x0] =	wrdreg $0x0  }
0xa8: {  	s5 =	sshll.u32 s28, $0x1;
	[dreg:$0x2] =	wrdreg s3  }
0xa9: {  	[dreg:$0x3] =	wrdreg s5  }
0xaa: {  	[dreg:$0x4] =	wrdreg $0xC0  }
0xab: {  	_ =	task [dreg:s7], $0x5FFFF  }
0xac: {  	[dreg:$0x1] =	wrdreg $0xFFFFFFFF  }
0xad: {  	[dreg:$0x0] =	wrdreg $0x60  }
0xae: {  	[dreg:$0x2] =	wrdreg s24  }
0xaf: {  	[dreg:$0x3] =	wrdreg s2  }
0xb0: {  	[dreg:$0x4] =	wrdreg $0x9  }
0xb1: {  	_ =	task.clear_ibuf [dreg:s7], $0x5FFFF;
	_ =	strace $0x9000004C  }
0xb2: {  	s29 =	simm.s32 $0x9;
	_ =	strace $0x8000004E  }
0xb3: {  	_ =	swait.ge [sflag:s29], $0x1  }
0xb4: {  	[sflag:s29] =	ssyncadd.s32 $0xFFFFFFFF  }
0xb5: {  	_ =	strace $0x9000004E  }
0xb6: {  	_ =	sfence  }
0xb7: {  	s30 =	sld [smem:$0x0];
	_ =	sdelay $0x2  }
0xb8: {  	s31 =	sshll.u32 s1, $0xD;
	s1 =	sshrl.u32 s1, $0x2  }
0xb9: {  	s3 =	sand.u32 $0x4000, s31;
	s1 =	sadd.s32 s1, s30  }
0xba: {  	s0 =	sor.u32 s3, s0;
	s1 =	sshll.u32 s1, $0x11  }
0xbb: {  	s0 =	sor.u32 s1, s0  }
0xbc: {  	s0 =	sadd.s32 $0x8F2B, s0  }
0xbd: {  	[sflag:s0] =	ssyncadd.remote.s32 $0x1  }
0xbe: {  	_ =	sfence.sel $0xFFFF  }
0xbf: {  	[dreg:$0x0] =	wrdreg $0xFFFFFFFF;
	(pc) =	sbr.abs _section_cstart, $3  }
0xc0: {  	[dreg:$0x1] =	wrdreg $0xFFFFFFFF  }
0xc1: {  	_ =	task.clear_ibuf [dreg:s7], $0x2FFFF;
	_ =	strace $0x9FFFFFFF  }
0xc2: {  	(tm) =	ssettm $0x7FFFFFFF  }
0xc3: {  	_ =	shalt  }
tec
execute0_lowered:
.L_overlay_start_1:
0x0: {  	(tag) =	ssettag $0x1  }
0x1: {  	s1 =	srdreg.scid;
	s0 =	stileid.u32  }
0x2: {  	s17 =	rddreg [dreg:$0x0];
	s16 =	sand.u32 $0x1, s1;
	s30 =	sshll.u32 s0, $0x1  }
0x3: {  	s18 =	rddreg [dreg:$0x1];
	s19 =	sor.u32 s16, s30  }
0x4: {  	s2 =	simm.s32 $0x0;
	s1 =	rddreg [dreg:$0x2];
	s3 =	sshll.u32 s19, $0x5  }
0x5: {  	[smem:$0x7FF] =	sst s2;
	s3 =	sadd.s32 s3, s17  }
0x6: {  	_ =	strace $0x8000004D;
	s4 =	sadd.s32 $0x20CA00, s3;
	s3 =	simm.s32 $0x3  }
0x7: {  	[tilespmem:s2], [sflag:$0x3] =	stream.linear.gather [hbm4b:s4+s2], $0x100, $0x38;
	[tilespmem:$0x10200] =	vst v63  }
0x8: {  	_ =	swait.ge [sflag:s3], $0x100  }
0x9: {  	[sflag:s3] =	ssyncset.done $0x0  }
0xa: {  	s5 =	simm.s32 $0x100;
	[sflag:s3] =	ssyncadd.s32 $0xFFFFFF00  }
0xb: {  	[tilespmem:s5], [sflag:$0x3] =	stream.linear.gather [hbm4b:s4+s2], $0x100, $0x38;
	[tilespmem:$0x10200] =	vst v63  }
0xc: {  	_ =	swait.ge [sflag:s3], $0x100  }
0xd: {  	s7 =	simm.s32 $0x80;
	[sflag:s3] =	ssyncset.done $0x0  }
0xe: {  	s8 =	simm.s32 $0x200;
	s6 =	sadd.s32 $0x10AA00, s17;
	[sflag:s3] =	ssyncadd.s32 $0xFFFFFF00  }
0xf: {  	[tilespmem:s8], [sflag:$0x1] =	stream.indirect.gather [hbm4b:s6+s7], $0x80, s2, s7, $0xb8;
	[tilespmem:$0x10200] =	vst v63  }
0x10: {  	s10 =	simm.s32 $0x8200;
	s9 =	sadd.s32 $0x20CE00, s17  }
0x11: {  	[tilespmem:s10], [sflag:$0x2] =	stream.indirect.gather [hbm4b:s9+s7], $0x80, s5, s7, $0xb8;
	[tilespmem:$0x10200] =	vst v63  }
0x12: {  	s11 =	simm.s32 $0x4200  }
0x13: {  	[tilespmem:s11], [sflag:$0x1] =	stream.indirect.gather [hbm4b:s6+s7], $0x80, s7, s7, $0xb8;
	[tilespmem:$0x10200] =	vst v63  }
0x14: {  	s12 =	simm.s32 $0x180;
	s13 =	simm.s32 $0xC200;
	s14 =	simm.s32 $0x1  }
0x15: {  	[tilespmem:s13], [sflag:$0x2] =	stream.indirect.gather [hbm4b:s9+s7], $0x80, s12, s7, $0xb8;
	[tilespmem:$0x10200] =	vst v63  }
0x16: {  	_ =	swait.ge [sflag:s14], $0x4000  }
0x17: {  	[sflag:s14] =	ssyncset.done $0x0  }
0x18: {  	s15 =	simm.s32 $0x2;
	[sflag:s14] =	ssyncadd.s32 $0xFFFFC000  }
0x19: {  	_ =	swait.ge [sflag:s15], $0x4000  }
0x1a: {  	[sflag:s15] =	ssyncset.done $0x0  }
0x1b: {  	[sflag:s15] =	ssyncadd.s32 $0xFFFFC000  }
0x1c: {  	_ =	swait.ge [sflag:s14], $0x4000  }
0x1d: {  	[sflag:s14] =	ssyncset.done $0x0  }
0x1e: {  	s20 =	ssub.s32 $0x2, s16;
	[sflag:s14] =	ssyncadd.s32 $0xFFFFC000  }
0x1f: {  	s19 =	sshll.u32 s19, $0xC;
	s31 =	sshrl.u32 s20, $0x1;
	_ =	swait.ge [sflag:s15], $0x4000  }
0x20: {  	s16 =	sadd.s32 s18, s19;
	s18 =	ssub.s32 s20, s31;
	[sflag:s15] =	ssyncset.done $0x0  }
0x21: {  	s18 =	smax.u32 s18, $0x1;
	[sflag:s15] =	ssyncadd.s32 $0xFFFFC000  }
0x22: {  	[hbm4b:s16+s2] =	stream.linear.scatter [tilespmem:s8], [sflag:$0x3], $0x8000, $0x38;
	[tilespmem:$0x10200] =	vst v63  }
0x23: {  	p0 =	sne.s32 s18, $0x1;
	_ =	swait.ge [sflag:s3], $0x8000  }
.Ltmp0:
0x24: {  	s17 =	sadd.s32 s19, s17;
	[sflag:s3] =	ssyncset.done $0x0;
	(pc) =	sbr.rel @!p0 .LBB2_2-.Ltmp0, $4  }
0x25: {  	s17 =	sadd.s32 $0xAA00, s17;
	[sflag:s3] =	ssyncadd.s32 $0xFFFF8000  }
0x26: {  	[hbm4b:s17+s2] =	stream.linear.scatter [tilespmem:s10], [sflag:$0x3], $0x8000, $0x38;
	[tilespmem:$0x10200] =	vst v63  }
0x27: {  	_ =	swait.ge [sflag:s3], $0x8000  }
0x28: {  	s18 =	sadd.s32 $0xFFFFFFFF, s18;
	[sflag:s3] =	ssyncset.done $0x0  }
.LBB2_1:
0x29: {  	p0 =	sne.s32 s18, $0x1;
	s18 =	sadd.s32 $0xFFFFFFFF, s18;
	[sflag:s3] =	ssyncadd.s32 $0xFFFF8000  }
0x2a: {  	[tilespmem:s2], [sflag:$0x3] =	stream.linear.gather [hbm4b:s4+s2], $0x100, $0x38;
	[tilespmem:$0x10200] =	vst v63  }
0x2b: {  	_ =	swait.ge [sflag:s3], $0x100  }
0x2c: {  	[sflag:s3] =	ssyncset.done $0x0  }
0x2d: {  	[sflag:s3] =	ssyncadd.s32 $0xFFFFFF00  }
0x2e: {  	[tilespmem:s5], [sflag:$0x3] =	stream.linear.gather [hbm4b:s4+s2], $0x100, $0x38;
	[tilespmem:$0x10200] =	vst v63  }
0x2f: {  	_ =	swait.ge [sflag:s3], $0x100  }
0x30: {  	[sflag:s3] =	ssyncset.done $0x0  }
0x31: {  	[sflag:s3] =	ssyncadd.s32 $0xFFFFFF00  }
0x32: {  	[tilespmem:s8], [sflag:$0x1] =	stream.indirect.gather [hbm4b:s6+s7], $0x80, s2, s7, $0xb8;
	[tilespmem:$0x10200] =	vst v63  }
0x33: {  	_ = 	snop  }
0x34: {  	[tilespmem:s10], [sflag:$0x2] =	stream.indirect.gather [hbm4b:s9+s7], $0x80, s5, s7, $0xb8;
	[tilespmem:$0x10200] =	vst v63  }
0x35: {  	_ = 	snop  }
0x36: {  	[tilespmem:s11], [sflag:$0x1] =	stream.indirect.gather [hbm4b:s6+s7], $0x80, s7, s7, $0xb8;
	[tilespmem:$0x10200] =	vst v63  }
0x37: {  	_ = 	snop  }
0x38: {  	[tilespmem:s13], [sflag:$0x2] =	stream.indirect.gather [hbm4b:s9+s7], $0x80, s12, s7, $0xb8;
	[tilespmem:$0x10200] =	vst v63  }
0x39: {  	_ =	swait.ge [sflag:s14], $0x4000  }
0x3a: {  	[sflag:s14] =	ssyncset.done $0x0  }
0x3b: {  	[sflag:s14] =	ssyncadd.s32 $0xFFFFC000  }
0x3c: {  	_ =	swait.ge [sflag:s15], $0x4000  }
0x3d: {  	[sflag:s15] =	ssyncset.done $0x0  }
0x3e: {  	[sflag:s15] =	ssyncadd.s32 $0xFFFFC000  }
0x3f: {  	_ =	swait.ge [sflag:s14], $0x4000  }
0x40: {  	[sflag:s14] =	ssyncset.done $0x0  }
0x41: {  	[sflag:s14] =	ssyncadd.s32 $0xFFFFC000  }
0x42: {  	_ =	swait.ge [sflag:s15], $0x4000  }
0x43: {  	[sflag:s15] =	ssyncset.done $0x0  }
0x44: {  	[sflag:s15] =	ssyncadd.s32 $0xFFFFC000  }
0x45: {  	[hbm4b:s16+s2] =	stream.linear.scatter [tilespmem:s8], [sflag:$0x3], $0x8000, $0x38;
	[tilespmem:$0x10200] =	vst v63  }
0x46: {  	_ =	swait.ge [sflag:s3], $0x8000  }
.Ltmp1:
0x47: {  	[sflag:s3] =	ssyncset.done $0x0;
	(pc) =	sbr.rel @p0 .LBB2_1-.Ltmp1, $4  }
0x48: {  	[sflag:s3] =	ssyncadd.s32 $0xFFFF8000  }
0x49: {  	[hbm4b:s17+s2] =	stream.linear.scatter [tilespmem:s10], [sflag:$0x3], $0x8000, $0x38;
	[tilespmem:$0x10200] =	vst v63  }
0x4a: {  	_ =	swait.ge [sflag:s3], $0x8000  }
0x4b: {  	[sflag:s3] =	ssyncset.done $0x0  }
.LBB2_2:
0x4c: {  	[sflag:s3] =	ssyncadd.s32 $0xFFFF8000  }
0x4d: {  	_ =	sfence.sel $0x180000  }
0x4e: {  	[bflag:$0x0] =	sbarrier.arrive $0xFFFF  }
0x4f: {  	p0 =	sne.s32 s0, $0x0;
	_ =	strace $0x9000004D  }
0x50: {  	s0 =	sadd.s32 @!p0 $0x100000, s1;
	[bflag:$0x2] =	sbarrier.arrive $0xFFFF  }
0x51: {  	[sflag:s0] =	ssyncadd.tile.s32 @!p0 $0x1;
	_ =	shalt  }
.Lfunc_end2:
_tile_overlayer_lowered:
.L_overlay_start_2:
0x52: {  	(tag) =	ssettag $0x2  }
0x53: {  	s0 =	rddreg [dreg:$0x0];
	s2 =	stileid.u32  }
0x54: {  	s1 =	rddreg [dreg:$0x1];
	p0 =	sne.s32 s2, $0x0  }
0x55: {  	s3 =	rddreg [dreg:$0x2];
	[bflag:$0x3] =	sbarrier.arrive $0xFFFF;
	s2 =	simm.s32 @!p0 $0x1C03  }
0x56: {  	[timem:s3], [sflag:s2] =	dma.local @!p0 [hbm:s0], s1  }
0x57: {  	s0 =	simm.s32 @!p0 $0x3  }
0x58: {  	_ =	swait.ge @!p0 [sflag:s0], s1  }
0x59: {  	s1 =	ssub.s32 @!p0 $0x0, s1;
	[sflag:s0] =	ssyncset.done @!p0 $0x0  }
0x5a: {  	[sflag:s0] =	ssyncadd.s32 @!p0 s1  }
0x5b: {  	[bflag:$0x3] =	sbarrier.arrive $0xFFFF  }
0x5c: {  	_ =	shalt  }

// kernel: kernel.19.cloned.1.call-start
scs
__scs_entry_jumppad:
0x0: {  	(pc) =	sbr.rel $0x88, $3  }
0x1: {  	(tag) =	ssettag $0x0;
	lr =	simm.s32 $0x1  }
0x2: {  	[smem:$0x3F65] =	sst lr;
	_ =	strace $0xD0000000  }
0x3: {  	_ = 	snop  }
0x4: {  	_ = 	snop  }
0x5: {  	_ = 	snop  }
0x6: {  	_ = 	snop  }
0x7: {  	_ = 	snop  }
__scs_overlays_trampoline_lowered:
0x8: {  	[smem:$0x3F74] =	sst s0  }
0x9: {  	[smem:$0x3F75] =	sst s1  }
0xa: {  	[smem:$0x3F76] =	sst s2  }
0xb: {  	[smem:$0x3F77] =	sst s3  }
0xc: {  	[smem:$0x3F78] =	sst s4  }
0xd: {  	[smem:$0x3F79] =	sst s5  }
0xe: {  	[smem:$0x3F7A] =	sst s6  }
0xf: {  	[smem:$0x3F7B] =	sst s7  }
0x10: {  	[smem:$0x3F7C] =	sst s8  }
0x11: {  	[smem:$0x3F7D] =	sst s9;
	s0 =	simm.s32 @!p0 $0x0  }
0x12: {  	s1 =	sld [smem:$0x3F63];
	s0 =	simm.s32 @p0 $0x1  }
0x13: {  	[smem:$0x3F7E] =	sst s0;
	s0 =	simm.s32 @!p1 $0x0  }
0x14: {  	s2 =	sld [smem:$0x3F62];
	s0 =	simm.s32 @p1 $0x1  }
0x15: {  	[smem:$0x3F7F] =	sst s0;
	s0 =	simm.s32 @!p2 $0x0  }
0x16: {  	s3 =	sld [smem:$0x3FDB];
	s0 =	simm.s32 @p2 $0x1  }
0x17: {  	s4 =	simm.s32 $0x1BF5;
	[smem:$0x3F81] =	sst s0  }
0x18: {  	s0 =	sld [smem:$0x3F64];
	_ =	swait.ge [sflag:s4], $0x0  }
0x19: {  	s7 =	sld [smem:$0x3F65]  }
0x1a: {  	s8 =	sadd.s32 $0xFFFFE003, lr  }
0x1b: {  	s9 =	sadd.s32 $0xFFFFFEF7, lr;
	s5 =	simm.s32 $0xFFFFFFFF;
	p2 =	slt.u32 s8, $0xFFFFF086  }
0x1c: {  	p1 =	slt.u32 s9, $0xF7A;
	s5 =	simm.s32 @!p2 $0x0  }
0x1d: {  	s5 =	simm.s32 @p1 $0x1;
	p0 =	seq.s32 s7, s2  }
0x1e: {  	s7 =	smul.u32 @!p0 $0xF7A, s2;
	p2 =	seq.s32 @!p0 s5, $0x0  }
0x1f: {  	s9 =	smul.u32 $0xF7A, s1;
	s8 =	simm.s32 @!p0 $0x1BF5;
	p2 =	por !p2, p0  }
0x20: {  	[sflag:s8] =	ssyncset.s32 @!p0 $0xFFFFF086;
	s6 =	sadd.s32 @!p0 s3, s7;
	s7 =	simm.s32 @!p0 $0x108  }
0x21: {  	s3 =	sadd.s32 s3, s9;
	s6 =	sadd.s32 @!p0 $0x88, s6;
	s7 =	simm.s32 @p2 $0x1082  }
0x22: {  	[simem:s7], [sflag:s8] =	dma.local @!p0 [hbm:s6], $0xF7A  }
0x23: {  	s9 =	sor.u32 $0xD0000000, s2;
	s6 =	simm.s32 $0x108;
	_ =	swait.ge @!p0 [sflag:s8], $0x0  }
0x24: {  	s3 =	sadd.s32 $0x88, s3;
	s6 =	simm.s32 @!p1 $0x1082;
	[sflag:s4] =	ssyncset.s32 $0xFFFFF086  }
0x25: {  	[simem:s6], [sflag:s4] =	dma.local [hbm:s3], $0xF7A  }
0x26: {  	[smem:$0x3F65] =	sst s1;
	(tag) =	ssettag s2;
	_ =	strace s9  }
0x27: {  	s1 =	sld [smem:$0x3F75]  }
0x28: {  	s2 =	sld [smem:$0x3F76]  }
0x29: {  	s4 =	sld [smem:$0x3F78]  }
0x2a: {  	p0 =	seq.s32 s5, $0x0;
	s5 =	sld [smem:$0x3F79]  }
0x2b: {  	s6 =	sld [smem:$0x3F7A]  }
0x2c: {  	s7 =	sld [smem:$0x3F7B]  }
0x2d: {  	s3 =	simm.s32 $0x108;
	s8 =	sld [smem:$0x3F7C]  }
0x2e: {  	s3 =	simm.s32 @!p0 $0x1082;
	s9 =	sld [smem:$0x3F7D]  }
0x2f: {  	lr =	sadd.s32 s0, s3;
	s0 =	sld [smem:$0x3F74]  }
0x30: {  	s3 =	sld [smem:$0x3F77]  }
0x31: {  	[smem:$0x3F80] =	sst s10  }
0x32: {  	s10 =	sld [smem:$0x3F7E];
	_ =	sdelay $0x3  }
0x33: {  	p0 =	seq.s32 s10, $0x1;
	s10 =	sld [smem:$0x3F80];
	_ =	sdelay $0x3  }
0x34: {  	[smem:$0x3F80] =	sst s10  }
0x35: {  	s10 =	sld [smem:$0x3F7F];
	_ =	sdelay $0x3  }
0x36: {  	p1 =	seq.s32 s10, $0x1;
	s10 =	sld [smem:$0x3F80];
	_ =	sdelay $0x3  }
0x37: {  	[smem:$0x3F80] =	sst s10  }
0x38: {  	s10 =	sld [smem:$0x3F81]  }
0x39: {  	_ = 	snop;
	(pc) =	sbr.ind lr, $3  }
0x3a: {  	_ = 	snop  }
0x3b: {  	_ = 	snop  }
0x3c: {  	p2 =	seq.s32 s10, $0x1;
	s10 =	sld [smem:$0x3F80]  }
0x3d: {  	_ =	shalt  }
0x3e: {  	_ =	shalt  }
0x3f: {  	_ =	shalt  }
0x40: {  	_ =	shalt  }
0x41: {  	_ =	shalt  }
0x42: {  	_ =	shalt  }
0x43: {  	_ =	shalt  }
0x44: {  	_ =	shalt  }
0x45: {  	_ =	shalt  }
0x46: {  	_ =	shalt  }
0x47: {  	_ =	shalt  }
0x48: {  	_ =	shalt  }
0x49: {  	_ =	shalt  }
0x4a: {  	_ =	shalt  }
0x4b: {  	_ =	shalt  }
0x4c: {  	_ =	shalt  }
0x4d: {  	_ =	shalt  }
0x4e: {  	_ =	shalt  }
0x4f: {  	_ =	shalt  }
0x50: {  	_ =	shalt  }
0x51: {  	_ =	shalt  }
0x52: {  	_ =	shalt  }
0x53: {  	_ =	shalt  }
0x54: {  	_ =	shalt  }
0x55: {  	_ =	shalt  }
0x56: {  	_ =	shalt  }
0x57: {  	_ =	shalt  }
0x58: {  	_ =	shalt  }
0x59: {  	_ =	shalt  }
0x5a: {  	_ =	shalt  }
0x5b: {  	_ =	shalt  }
0x5c: {  	_ =	shalt  }
0x5d: {  	_ =	shalt  }
0x5e: {  	_ =	shalt  }
0x5f: {  	_ =	shalt  }
0x60: {  	_ =	shalt  }
0x61: {  	_ =	shalt  }
0x62: {  	_ =	shalt  }
0x63: {  	_ =	shalt  }
0x64: {  	_ =	shalt  }
0x65: {  	_ =	shalt  }
0x66: {  	_ =	shalt  }
0x67: {  	_ =	shalt  }
0x68: {  	_ =	shalt  }
0x69: {  	_ =	shalt  }
0x6a: {  	_ =	shalt  }
0x6b: {  	_ =	shalt  }
0x6c: {  	_ =	shalt  }
0x6d: {  	_ =	shalt  }
0x6e: {  	_ =	shalt  }
0x6f: {  	_ =	shalt  }
0x70: {  	_ =	shalt  }
0x71: {  	_ =	shalt  }
0x72: {  	_ =	shalt  }
0x73: {  	_ =	shalt  }
0x74: {  	_ =	shalt  }
0x75: {  	_ =	shalt  }
0x76: {  	_ =	shalt  }
0x77: {  	_ =	shalt  }
0x78: {  	_ =	shalt  }
0x79: {  	_ =	shalt  }
0x7a: {  	_ =	shalt  }
0x7b: {  	_ =	shalt  }
0x7c: {  	_ =	shalt  }
0x7d: {  	_ =	shalt  }
0x7e: {  	_ =	shalt  }
0x7f: {  	_ =	shalt  }
0x80: {  	_ =	shalt  }
0x81: {  	_ =	shalt  }
0x82: {  	_ =	shalt  }
0x83: {  	_ =	shalt  }
0x84: {  	_ =	shalt  }
0x85: {  	_ =	shalt  }
0x86: {  	_ =	shalt  }
0x87: {  	_ =	shalt  }
.Lfunc_end0:
.L_simem_size_0:
called_computation.3_lowered:
.L_overlay_start_0:
0x88: {  	s2 =	sld [smem:$0x3FD9]  }
0x89: {  	s3 =	sld [smem:$0x3FFE];
	_ =	sdelay $0x1  }
0x8a: {  	s1 =	srdreg.scid  }
0x8b: {  	s0 =	sand.u32 $0x1, s1  }
0x8c: {  	s17 =	sshll.u32 s0, $0xA;
	s2 =	sadd.s32 s3, s2  }
0x8d: {  	s2 =	sadd.s32 s2, s17  }
0x8e: {  	[smem:$0x3F8C] =	sst s2  }
0x8f: {  	_ = 	snop  }
0x90: {  	s2 =	sld [smem:$0x3FD0];
	(tm) =	ssettm $0x1  }
0x91: {  	s18 =	sld [smem:$0x3FFB];
	_ =	sdelay $0x3  }
0x92: {  	_ =	strace s18  }
0x93: {  	s3 =	sld [smem:$0x3FFC];
	_ =	sdelay $0x3  }
0x94: {  	_ =	strace s3  }
0x95: {  	s3 =	sld [smem:$0x3FFD];
	_ =	sdelay $0x3  }
0x96: {  	_ =	strace s3  }
0x97: {  	_ =	strace $0x8FFFFFFF  }
0x98: {  	s19 =	sld [smem:$0x3FDB];
	_ =	sdelay $0x1  }
0x99: {  	s4 =	simm.s32 $_scs_section_size  }
0x9a: {  	s5 =	simm.s32 $_size__tile_overlayer_lowered;
	s6 =	simm.s32 $_tile_overlayer_lowered  }
0x9b: {  	s22 =	simm.s32 $0x1BFF;
	s21 =	sshll.u32 s6, $0x1;
	s3 =	sadd.s32 s4, s19  }
0x9c: {  	s7 =	simm.s32 $0x0;
	s20 =	sshll.u32 s5, $0x1;
	s5 =	sadd.s32 s21, s3  }
0x9d: {  	[timem:s7], [sflag:s22] =	dma.local [hbm:s5], s20  }
0x9e: {  	_ =	swait.ge [sflag:s22], s20  }
0x9f: {  	s4 =	ssub.s32 $0x0, s20;
	[sflag:s22] =	ssyncset.done $0x0  }
0xa0: {  	[sflag:s22] =	ssyncadd.s32 s4;
	_ =	sdelay $0x1  }
0xa1: {  	s23 =	simm.s32 $0x1B8B  }
0xa2: {  	_ =	swait.ge [sflag:s23], $0x1  }
0xa3: {  	[sflag:s23] =	ssyncset.done $0x0  }
0xa4: {  	s25 =	simm.s32 $0x1B8E;
	s24 =	sld [smem:$0x3FFE];
	[sflag:s23] =	ssyncadd.s32 $0xFFFFFFFF  }
0xa5: {  	s26 =	simm.s32 $execute0_lowered;
	[smem:$0x3FD2] =	sst s25  }
0xa6: {  	s5 =	sshll.u32 s26, $0x1;
	_ =	strace $0x8000004F;
	[dreg:$0x1] =	wrdreg $0xFFFFFFFF  }
0xa7: {  	s28 =	simm.s32 $_size_execute0_lowered;
	s3 =	sadd.s32 s3, s5;
	[dreg:$0x0] =	wrdreg $0x0  }
0xa8: {  	s5 =	sshll.u32 s28, $0x1;
	[dreg:$0x2] =	wrdreg s3  }
0xa9: {  	[dreg:$0x3] =	wrdreg s5  }
0xaa: {  	[dreg:$0x4] =	wrdreg $0xC0  }
0xab: {  	_ =	task [dreg:s7], $0x5FFFF  }
0xac: {  	[dreg:$0x1] =	wrdreg $0xFFFFFFFF  }
0xad: {  	[dreg:$0x0] =	wrdreg $0x60  }
0xae: {  	[dreg:$0x2] =	wrdreg s24  }
0xaf: {  	[dreg:$0x3] =	wrdreg s2  }
0xb0: {  	[dreg:$0x4] =	wrdreg $0x9  }
0xb1: {  	_ =	task.clear_ibuf [dreg:s7], $0x5FFFF;
	_ =	strace $0x9000004F  }
0xb2: {  	s29 =	simm.s32 $0x9;
	_ =	strace $0x80000051  }
0xb3: {  	_ =	swait.ge [sflag:s29], $0x1  }
0xb4: {  	[sflag:s29] =	ssyncadd.s32 $0xFFFFFFFF  }
0xb5: {  	_ =	strace $0x90000051  }
0xb6: {  	_ =	sfence  }
0xb7: {  	s30 =	sld [smem:$0x0];
	_ =	sdelay $0x2  }
0xb8: {  	s31 =	sshll.u32 s1, $0xD;
	s1 =	sshrl.u32 s1, $0x2  }
0xb9: {  	s3 =	sand.u32 $0x4000, s31;
	s1 =	sadd.s32 s1, s30  }
0xba: {  	s0 =	sor.u32 s3, s0;
	s1 =	sshll.u32 s1, $0x11  }
0xbb: {  	s0 =	sor.u32 s1, s0  }
0xbc: {  	s0 =	sadd.s32 $0x8F2B, s0  }
0xbd: {  	[sflag:s0] =	ssyncadd.remote.s32 $0x1  }
0xbe: {  	_ =	sfence.sel $0xFFFF  }
0xbf: {  	[dreg:$0x0] =	wrdreg $0xFFFFFFFF;
	(pc) =	sbr.abs _section_cstart, $3  }
0xc0: {  	[dreg:$0x1] =	wrdreg $0xFFFFFFFF  }
0xc1: {  	_ =	task.clear_ibuf [dreg:s7], $0x2FFFF;
	_ =	strace $0x9FFFFFFF  }
0xc2: {  	(tm) =	ssettm $0x7FFFFFFF  }
0xc3: {  	_ =	shalt  }
tec
execute0_lowered:
.L_overlay_start_1:
0x0: {  	(tag) =	ssettag $0x1  }
0x1: {  	s14 =	rddreg [dreg:$0x0]  }
0x2: {  	s15 =	rddreg [dreg:$0x1]  }
0x3: {  	s3 =	srdreg.scid;
	s1 =	stileid.u32  }
0x4: {  	s0 =	rddreg [dreg:$0x2];
	s18 =	sand.u32 $0x1, s3;
	s31 =	sshll.u32 s1, $0x1  }
0x5: {  	s2 =	simm.s32 $0x0;
	s4 =	simm.s32 $0x8100;
	s16 =	sor.u32 s18, s31  }
0x6: {  	[smem:$0x7FF] =	sst s2;
	s12 =	sadd.s32 $0x10AA00, s14;
	s13 =	sshll.u32 s16, $0xF  }
0x7: {  	s5 =	simm.s32 $0x2;
	_ =	strace $0x80000050;
	s3 =	sadd.s32 s12, s13  }
0x8: {  	[tilespmem:s4], [sflag:$0x2] =	stream.linear.gather [hbm4b:s3+s2], $0x10000, $0x38;
	[tilespmem:$0x18100] =	vst v63  }
0x9: {  	_ =	swait.ge [sflag:s5], $0x10000  }
0xa: {  	s6 =	sadd.s32 $0xAA00, s14;
	[sflag:s5] =	ssyncset.done $0x0  }
0xb: {  	s7 =	sadd.s32 s6, s13;
	[sflag:s5] =	ssyncadd.s32 $0xFFFF0000  }
0xc: {  	[hbm4b:s7+s2] =	stream.linear.scatter [tilespmem:s4], [sflag:$0x2], $0x10000, $0x38;
	[tilespmem:$0x18100] =	vst v63  }
0xd: {  	_ =	swait.ge [sflag:s5], $0x10000  }
0xe: {  	s9 =	sor.u32 $0x2000, s13;
	[sflag:s5] =	ssyncset.done $0x0  }
0xf: {  	s8 =	sadd.s32 s12, s9;
	[sflag:s5] =	ssyncadd.s32 $0xFFFF0000  }
0x10: {  	[tilespmem:s4], [sflag:$0x2] =	stream.linear.gather [hbm4b:s8+s2], $0x10000, $0x38;
	[tilespmem:$0x18100] =	vst v63  }
0x11: {  	_ =	swait.ge [sflag:s5], $0x10000  }
0x12: {  	[sflag:s5] =	ssyncset.done $0x0  }
0x13: {  	s9 =	sadd.s32 s6, s9;
	[sflag:s5] =	ssyncadd.s32 $0xFFFF0000  }
0x14: {  	[hbm4b:s9+s2] =	stream.linear.scatter [tilespmem:s4], [sflag:$0x2], $0x10000, $0x38;
	[tilespmem:$0x18100] =	vst v63  }
0x15: {  	_ =	swait.ge [sflag:s5], $0x10000  }
0x16: {  	s11 =	sor.u32 $0x4000, s13;
	[sflag:s5] =	ssyncset.done $0x0  }
0x17: {  	s10 =	sadd.s32 s12, s11;
	[sflag:s5] =	ssyncadd.s32 $0xFFFF0000  }
0x18: {  	[tilespmem:s4], [sflag:$0x2] =	stream.linear.gather [hbm4b:s10+s2], $0x10000, $0x38;
	[tilespmem:$0x18100] =	vst v63  }
0x19: {  	_ =	swait.ge [sflag:s5], $0x10000  }
0x1a: {  	[sflag:s5] =	ssyncset.done $0x0  }
0x1b: {  	s11 =	sadd.s32 s6, s11;
	[sflag:s5] =	ssyncadd.s32 $0xFFFF0000  }
0x1c: {  	[hbm4b:s11+s2] =	stream.linear.scatter [tilespmem:s4], [sflag:$0x2], $0x10000, $0x38;
	[tilespmem:$0x18100] =	vst v63  }
0x1d: {  	_ =	swait.ge [sflag:s5], $0x10000  }
0x1e: {  	s13 =	sor.u32 $0x6000, s13;
	[sflag:s5] =	ssyncset.done $0x0  }
0x1f: {  	s12 =	sadd.s32 s12, s13;
	[sflag:s5] =	ssyncadd.s32 $0xFFFF0000  }
0x20: {  	[tilespmem:s4], [sflag:$0x2] =	stream.linear.gather [hbm4b:s12+s2], $0x10000, $0x38;
	[tilespmem:$0x18100] =	vst v63  }
0x21: {  	_ =	swait.ge [sflag:s5], $0x10000  }
0x22: {  	[sflag:s5] =	ssyncset.done $0x0  }
0x23: {  	s13 =	sadd.s32 s6, s13;
	[sflag:s5] =	ssyncadd.s32 $0xFFFF0000  }
0x24: {  	[hbm4b:s13+s2] =	stream.linear.scatter [tilespmem:s4], [sflag:$0x2], $0x10000, $0x38;
	[tilespmem:$0x18100] =	vst v63  }
0x25: {  	s17 =	sshll.u32 s16, $0x5;
	_ =	swait.ge [sflag:s5], $0x10000  }
0x26: {  	s14 =	sadd.s32 s17, s14;
	[sflag:s5] =	ssyncset.done $0x0  }
0x27: {  	s14 =	sadd.s32 $0x20CA00, s14;
	[sflag:s5] =	ssyncadd.s32 $0xFFFF0000  }
0x28: {  	[tilespmem:s2], [sflag:$0x2] =	stream.linear.gather [hbm4b:s14+s2], $0x100, $0x38;
	[tilespmem:$0x18100] =	vst v63  }
0x29: {  	_ =	swait.ge [sflag:s5], $0x100  }
0x2a: {  	s20 =	ssub.s32 $0x2, s18;
	s16 =	sshll.u32 s16, $0xC;
	[sflag:s5] =	ssyncset.done $0x0  }
0x2b: {  	s15 =	sadd.s32 s15, s16;
	s16 =	simm.s32 $0x100;
	[sflag:s5] =	ssyncadd.s32 $0xFFFFFF00  }
0x2c: {  	[tilespmem:s16], [sflag:$0x2] =	stream.linear.gather [hbm4b:s15+s2], $0x8000, $0x38;
	[tilespmem:$0x18100] =	vst v63  }
0x2d: {  	s21 =	sshrl.u32 s20, $0x1;
	_ =	swait.ge [sflag:s5], $0x8000  }
0x2e: {  	s20 =	ssub.s32 s20, s21;
	[sflag:s5] =	ssyncset.done $0x0  }
0x2f: {  	s17 =	simm.s32 $0x80;
	s20 =	smax.u32 s20, $0x1;
	[sflag:s5] =	ssyncadd.s32 $0xFFFF8000  }
0x30: {  	[hbm4b:s6+s17] =	stream.indirect.scatter [tilespmem:s16], [sflag:$0x1], $0x80, s2, s17, $0xb8;
	[tilespmem:$0x18100] =	vst v63  }
0x31: {  	s19 =	simm.s32 $0x4100;
	s18 =	simm.s32 $0x1;
	p0 =	sne.s32 s20, $0x1  }
0x32: {  	[hbm4b:s6+s17] =	stream.indirect.scatter [tilespmem:s19], [sflag:$0x1], $0x80, s17, s17, $0xb8;
	[tilespmem:$0x18100] =	vst v63  }
.Ltmp0:
0x33: {  	_ =	swait.ge [sflag:s18], $0x4000;
	(pc) =	sbr.rel @!p0 .LBB2_2-.Ltmp0, $4  }
0x34: {  	[sflag:s18] =	ssyncset.done $0x0  }
0x35: {  	[sflag:s18] =	ssyncadd.s32 $0xFFFFC000  }
0x36: {  	_ =	swait.ge [sflag:s18], $0x4000  }
0x37: {  	s20 =	sadd.s32 $0xFFFFFFFF, s20;
	[sflag:s18] =	ssyncset.done $0x0  }
.LBB2_1:
0x38: {  	p0 =	sne.s32 s20, $0x1;
	s20 =	sadd.s32 $0xFFFFFFFF, s20;
	[sflag:s18] =	ssyncadd.s32 $0xFFFFC000  }
0x39: {  	[tilespmem:s4], [sflag:$0x2] =	stream.linear.gather [hbm4b:s3+s2], $0x10000, $0x38;
	[tilespmem:$0x18100] =	vst v63  }
0x3a: {  	_ =	swait.ge [sflag:s5], $0x10000  }
0x3b: {  	[sflag:s5] =	ssyncset.done $0x0  }
0x3c: {  	[sflag:s5] =	ssyncadd.s32 $0xFFFF0000  }
0x3d: {  	[hbm4b:s7+s2] =	stream.linear.scatter [tilespmem:s4], [sflag:$0x2], $0x10000, $0x38;
	[tilespmem:$0x18100] =	vst v63  }
0x3e: {  	_ =	swait.ge [sflag:s5], $0x10000  }
0x3f: {  	[sflag:s5] =	ssyncset.done $0x0  }
0x40: {  	[sflag:s5] =	ssyncadd.s32 $0xFFFF0000  }
0x41: {  	[tilespmem:s4], [sflag:$0x2] =	stream.linear.gather [hbm4b:s8+s2], $0x10000, $0x38;
	[tilespmem:$0x18100] =	vst v63  }
0x42: {  	_ =	swait.ge [sflag:s5], $0x10000  }
0x43: {  	[sflag:s5] =	ssyncset.done $0x0  }
0x44: {  	[sflag:s5] =	ssyncadd.s32 $0xFFFF0000  }
0x45: {  	[hbm4b:s9+s2] =	stream.linear.scatter [tilespmem:s4], [sflag:$0x2], $0x10000, $0x38;
	[tilespmem:$0x18100] =	vst v63  }
0x46: {  	_ =	swait.ge [sflag:s5], $0x10000  }
0x47: {  	[sflag:s5] =	ssyncset.done $0x0  }
0x48: {  	[sflag:s5] =	ssyncadd.s32 $0xFFFF0000  }
0x49: {  	[tilespmem:s4], [sflag:$0x2] =	stream.linear.gather [hbm4b:s10+s2], $0x10000, $0x38;
	[tilespmem:$0x18100] =	vst v63  }
0x4a: {  	_ =	swait.ge [sflag:s5], $0x10000  }
0x4b: {  	[sflag:s5] =	ssyncset.done $0x0  }
0x4c: {  	[sflag:s5] =	ssyncadd.s32 $0xFFFF0000  }
0x4d: {  	[hbm4b:s11+s2] =	stream.linear.scatter [tilespmem:s4], [sflag:$0x2], $0x10000, $0x38;
	[tilespmem:$0x18100] =	vst v63  }
0x4e: {  	_ =	swait.ge [sflag:s5], $0x10000  }
0x4f: {  	[sflag:s5] =	ssyncset.done $0x0  }
0x50: {  	[sflag:s5] =	ssyncadd.s32 $0xFFFF0000  }
0x51: {  	[tilespmem:s4], [sflag:$0x2] =	stream.linear.gather [hbm4b:s12+s2], $0x10000, $0x38;
	[tilespmem:$0x18100] =	vst v63  }
0x52: {  	_ =	swait.ge [sflag:s5], $0x10000  }
0x53: {  	[sflag:s5] =	ssyncset.done $0x0  }
0x54: {  	[sflag:s5] =	ssyncadd.s32 $0xFFFF0000  }
0x55: {  	[hbm4b:s13+s2] =	stream.linear.scatter [tilespmem:s4], [sflag:$0x2], $0x10000, $0x38;
	[tilespmem:$0x18100] =	vst v63  }
0x56: {  	_ =	swait.ge [sflag:s5], $0x10000  }
0x57: {  	[sflag:s5] =	ssyncset.done $0x0  }
0x58: {  	[sflag:s5] =	ssyncadd.s32 $0xFFFF0000  }
0x59: {  	[tilespmem:s2], [sflag:$0x2] =	stream.linear.gather [hbm4b:s14+s2], $0x100, $0x38;
	[tilespmem:$0x18100] =	vst v63  }
0x5a: {  	_ =	swait.ge [sflag:s5], $0x100  }
0x5b: {  	[sflag:s5] =	ssyncset.done $0x0  }
0x5c: {  	[sflag:s5] =	ssyncadd.s32 $0xFFFFFF00  }
0x5d: {  	[tilespmem:s16], [sflag:$0x2] =	stream.linear.gather [hbm4b:s15+s2], $0x8000, $0x38;
	[tilespmem:$0x18100] =	vst v63  }
0x5e: {  	_ =	swait.ge [sflag:s5], $0x8000  }
0x5f: {  	[sflag:s5] =	ssyncset.done $0x0  }
0x60: {  	[sflag:s5] =	ssyncadd.s32 $0xFFFF8000  }
0x61: {  	[hbm4b:s6+s17] =	stream.indirect.scatter [tilespmem:s16], [sflag:$0x1], $0x80, s2, s17, $0xb8;
	[tilespmem:$0x18100] =	vst v63  }
0x62: {  	_ = 	snop  }
0x63: {  	[hbm4b:s6+s17] =	stream.indirect.scatter [tilespmem:s19], [sflag:$0x1], $0x80, s17, s17, $0xb8;
	[tilespmem:$0x18100] =	vst v63  }
.Ltmp1:
0x64: {  	_ =	swait.ge [sflag:s18], $0x4000;
	(pc) =	sbr.rel @p0 .LBB2_1-.Ltmp1, $4  }
0x65: {  	[sflag:s18] =	ssyncset.done $0x0  }
0x66: {  	[sflag:s18] =	ssyncadd.s32 $0xFFFFC000  }
0x67: {  	_ =	swait.ge [sflag:s18], $0x4000  }
0x68: {  	[sflag:s18] =	ssyncset.done $0x0  }
.LBB2_2:
0x69: {  	[sflag:s18] =	ssyncadd.s32 $0xFFFFC000  }
0x6a: {  	_ =	sfence.sel $0x180000  }
0x6b: {  	[bflag:$0x0] =	sbarrier.arrive $0xFFFF  }
0x6c: {  	p0 =	sne.s32 s1, $0x0;
	_ =	strace $0x90000050  }
0x6d: {  	s0 =	sadd.s32 @!p0 $0x100000, s0;
	[bflag:$0x2] =	sbarrier.arrive $0xFFFF  }
0x6e: {  	[sflag:s0] =	ssyncadd.tile.s32 @!p0 $0x1;
	_ =	shalt  }
.Lfunc_end2:
_tile_overlayer_lowered:
.L_overlay_start_2:
0x6f: {  	(tag) =	ssettag $0x2  }
0x70: {  	s0 =	rddreg [dreg:$0x0];
	s2 =	stileid.u32  }
0x71: {  	s1 =	rddreg [dreg:$0x1];
	p0 =	sne.s32 s2, $0x0  }
0x72: {  	s3 =	rddreg [dreg:$0x2];
	[bflag:$0x3] =	sbarrier.arrive $0xFFFF;
	s2 =	simm.s32 @!p0 $0x1C02  }
0x73: {  	[timem:s3], [sflag:s2] =	dma.local @!p0 [hbm:s0], s1  }
0x74: {  	s0 =	simm.s32 @!p0 $0x2  }
0x75: {  	_ =	swait.ge @!p0 [sflag:s0], s1  }
0x76: {  	s1 =	ssub.s32 @!p0 $0x0, s1;
	[sflag:s0] =	ssyncset.done @!p0 $0x0  }
0x77: {  	[sflag:s0] =	ssyncadd.s32 @!p0 s1  }
0x78: {  	[bflag:$0x3] =	sbarrier.arrive $0xFFFF  }
0x79: {  	_ =	shalt  }

// kernel: kernel.22.cloned.1.call-start
scs
__scs_entry_jumppad:
0x0: {  	(pc) =	sbr.rel $0x88, $3  }
0x1: {  	(tag) =	ssettag $0x0;
	lr =	simm.s32 $0x1  }
0x2: {  	[smem:$0x3F65] =	sst lr;
	_ =	strace $0xD0000000  }
0x3: {  	_ = 	snop  }
0x4: {  	_ = 	snop  }
0x5: {  	_ = 	snop  }
0x6: {  	_ = 	snop  }
0x7: {  	_ = 	snop  }
__scs_overlays_trampoline_lowered:
0x8: {  	[smem:$0x3F74] =	sst s0  }
0x9: {  	[smem:$0x3F75] =	sst s1  }
0xa: {  	[smem:$0x3F76] =	sst s2  }
0xb: {  	[smem:$0x3F77] =	sst s3  }
0xc: {  	[smem:$0x3F78] =	sst s4  }
0xd: {  	[smem:$0x3F79] =	sst s5  }
0xe: {  	[smem:$0x3F7A] =	sst s6  }
0xf: {  	[smem:$0x3F7B] =	sst s7  }
0x10: {  	[smem:$0x3F7C] =	sst s8  }
0x11: {  	[smem:$0x3F7D] =	sst s9;
	s0 =	simm.s32 @!p0 $0x0  }
0x12: {  	s1 =	sld [smem:$0x3F63];
	s0 =	simm.s32 @p0 $0x1  }
0x13: {  	[smem:$0x3F7E] =	sst s0;
	s0 =	simm.s32 @!p1 $0x0  }
0x14: {  	s2 =	sld [smem:$0x3F62];
	s0 =	simm.s32 @p1 $0x1  }
0x15: {  	[smem:$0x3F7F] =	sst s0;
	s0 =	simm.s32 @!p2 $0x0  }
0x16: {  	s3 =	sld [smem:$0x3FDB];
	s0 =	simm.s32 @p2 $0x1  }
0x17: {  	s4 =	simm.s32 $0x1BF5;
	[smem:$0x3F81] =	sst s0  }
0x18: {  	s0 =	sld [smem:$0x3F64];
	_ =	swait.ge [sflag:s4], $0x0  }
0x19: {  	s7 =	sld [smem:$0x3F65]  }
0x1a: {  	s8 =	sadd.s32 $0xFFFFE003, lr  }
0x1b: {  	s9 =	sadd.s32 $0xFFFFFEF7, lr;
	s5 =	simm.s32 $0xFFFFFFFF;
	p2 =	slt.u32 s8, $0xFFFFF086  }
0x1c: {  	p1 =	slt.u32 s9, $0xF7A;
	s5 =	simm.s32 @!p2 $0x0  }
0x1d: {  	s5 =	simm.s32 @p1 $0x1;
	p0 =	seq.s32 s7, s2  }
0x1e: {  	s7 =	smul.u32 @!p0 $0xF7A, s2;
	p2 =	seq.s32 @!p0 s5, $0x0  }
0x1f: {  	s9 =	smul.u32 $0xF7A, s1;
	s8 =	simm.s32 @!p0 $0x1BF5;
	p2 =	por !p2, p0  }
0x20: {  	[sflag:s8] =	ssyncset.s32 @!p0 $0xFFFFF086;
	s6 =	sadd.s32 @!p0 s3, s7;
	s7 =	simm.s32 @!p0 $0x108  }
0x21: {  	s3 =	sadd.s32 s3, s9;
	s6 =	sadd.s32 @!p0 $0x88, s6;
	s7 =	simm.s32 @p2 $0x1082  }
0x22: {  	[simem:s7], [sflag:s8] =	dma.local @!p0 [hbm:s6], $0xF7A  }
0x23: {  	s9 =	sor.u32 $0xD0000000, s2;
	s6 =	simm.s32 $0x108;
	_ =	swait.ge @!p0 [sflag:s8], $0x0  }
0x24: {  	s3 =	sadd.s32 $0x88, s3;
	s6 =	simm.s32 @!p1 $0x1082;
	[sflag:s4] =	ssyncset.s32 $0xFFFFF086  }
0x25: {  	[simem:s6], [sflag:s4] =	dma.local [hbm:s3], $0xF7A  }
0x26: {  	[smem:$0x3F65] =	sst s1;
	(tag) =	ssettag s2;
	_ =	strace s9  }
0x27: {  	s1 =	sld [smem:$0x3F75]  }
0x28: {  	s2 =	sld [smem:$0x3F76]  }
0x29: {  	s4 =	sld [smem:$0x3F78]  }
0x2a: {  	p0 =	seq.s32 s5, $0x0;
	s5 =	sld [smem:$0x3F79]  }
0x2b: {  	s6 =	sld [smem:$0x3F7A]  }
0x2c: {  	s7 =	sld [smem:$0x3F7B]  }
0x2d: {  	s3 =	simm.s32 $0x108;
	s8 =	sld [smem:$0x3F7C]  }
0x2e: {  	s3 =	simm.s32 @!p0 $0x1082;
	s9 =	sld [smem:$0x3F7D]  }
0x2f: {  	lr =	sadd.s32 s0, s3;
	s0 =	sld [smem:$0x3F74]  }
0x30: {  	s3 =	sld [smem:$0x3F77]  }
0x31: {  	[smem:$0x3F80] =	sst s10  }
0x32: {  	s10 =	sld [smem:$0x3F7E];
	_ =	sdelay $0x3  }
0x33: {  	p0 =	seq.s32 s10, $0x1;
	s10 =	sld [smem:$0x3F80];
	_ =	sdelay $0x3  }
0x34: {  	[smem:$0x3F80] =	sst s10  }
0x35: {  	s10 =	sld [smem:$0x3F7F];
	_ =	sdelay $0x3  }
0x36: {  	p1 =	seq.s32 s10, $0x1;
	s10 =	sld [smem:$0x3F80];
	_ =	sdelay $0x3  }
0x37: {  	[smem:$0x3F80] =	sst s10  }
0x38: {  	s10 =	sld [smem:$0x3F81]  }
0x39: {  	_ = 	snop;
	(pc) =	sbr.ind lr, $3  }
0x3a: {  	_ = 	snop  }
0x3b: {  	_ = 	snop  }
0x3c: {  	p2 =	seq.s32 s10, $0x1;
	s10 =	sld [smem:$0x3F80]  }
0x3d: {  	_ =	shalt  }
0x3e: {  	_ =	shalt  }
0x3f: {  	_ =	shalt  }
0x40: {  	_ =	shalt  }
0x41: {  	_ =	shalt  }
0x42: {  	_ =	shalt  }
0x43: {  	_ =	shalt  }
0x44: {  	_ =	shalt  }
0x45: {  	_ =	shalt  }
0x46: {  	_ =	shalt  }
0x47: {  	_ =	shalt  }
0x48: {  	_ =	shalt  }
0x49: {  	_ =	shalt  }
0x4a: {  	_ =	shalt  }
0x4b: {  	_ =	shalt  }
0x4c: {  	_ =	shalt  }
0x4d: {  	_ =	shalt  }
0x4e: {  	_ =	shalt  }
0x4f: {  	_ =	shalt  }
0x50: {  	_ =	shalt  }
0x51: {  	_ =	shalt  }
0x52: {  	_ =	shalt  }
0x53: {  	_ =	shalt  }
0x54: {  	_ =	shalt  }
0x55: {  	_ =	shalt  }
0x56: {  	_ =	shalt  }
0x57: {  	_ =	shalt  }
0x58: {  	_ =	shalt  }
0x59: {  	_ =	shalt  }
0x5a: {  	_ =	shalt  }
0x5b: {  	_ =	shalt  }
0x5c: {  	_ =	shalt  }
0x5d: {  	_ =	shalt  }
0x5e: {  	_ =	shalt  }
0x5f: {  	_ =	shalt  }
0x60: {  	_ =	shalt  }
0x61: {  	_ =	shalt  }
0x62: {  	_ =	shalt  }
0x63: {  	_ =	shalt  }
0x64: {  	_ =	shalt  }
0x65: {  	_ =	shalt  }
0x66: {  	_ =	shalt  }
0x67: {  	_ =	shalt  }
0x68: {  	_ =	shalt  }
0x69: {  	_ =	shalt  }
0x6a: {  	_ =	shalt  }
0x6b: {  	_ =	shalt  }
0x6c: {  	_ =	shalt  }
0x6d: {  	_ =	shalt  }
0x6e: {  	_ =	shalt  }
0x6f: {  	_ =	shalt  }
0x70: {  	_ =	shalt  }
0x71: {  	_ =	shalt  }
0x72: {  	_ =	shalt  }
0x73: {  	_ =	shalt  }
0x74: {  	_ =	shalt  }
0x75: {  	_ =	shalt  }
0x76: {  	_ =	shalt  }
0x77: {  	_ =	shalt  }
0x78: {  	_ =	shalt  }
0x79: {  	_ =	shalt  }
0x7a: {  	_ =	shalt  }
0x7b: {  	_ =	shalt  }
0x7c: {  	_ =	shalt  }
0x7d: {  	_ =	shalt  }
0x7e: {  	_ =	shalt  }
0x7f: {  	_ =	shalt  }
0x80: {  	_ =	shalt  }
0x81: {  	_ =	shalt  }
0x82: {  	_ =	shalt  }
0x83: {  	_ =	shalt  }
0x84: {  	_ =	shalt  }
0x85: {  	_ =	shalt  }
0x86: {  	_ =	shalt  }
0x87: {  	_ =	shalt  }
.Lfunc_end0:
.L_simem_size_0:
called_computation.4_lowered:
.L_overlay_start_0:
0x88: {  	s2 =	sld [smem:$0x3FD9]  }
0x89: {  	s3 =	sld [smem:$0x3FFE];
	_ =	sdelay $0x1  }
0x8a: {  	s1 =	srdreg.scid  }
0x8b: {  	s0 =	sand.u32 $0x1, s1  }
0x8c: {  	s17 =	sshll.u32 s0, $0xA;
	s2 =	sadd.s32 s3, s2  }
0x8d: {  	s2 =	sadd.s32 s2, s17  }
0x8e: {  	[smem:$0x3F8C] =	sst s2  }
0x8f: {  	_ = 	snop  }
0x90: {  	s2 =	sld [smem:$0x3FD0];
	(tm) =	ssettm $0x1  }
0x91: {  	s18 =	sld [smem:$0x3FFB];
	_ =	sdelay $0x3  }
0x92: {  	_ =	strace s18  }
0x93: {  	s3 =	sld [smem:$0x3FFC];
	_ =	sdelay $0x3  }
0x94: {  	_ =	strace s3  }
0x95: {  	s3 =	sld [smem:$0x3FFD];
	_ =	sdelay $0x3  }
0x96: {  	_ =	strace s3  }
0x97: {  	_ =	strace $0x8FFFFFFF  }
0x98: {  	s19 =	sld [smem:$0x3FDB];
	_ =	sdelay $0x1  }
0x99: {  	s4 =	simm.s32 $_scs_section_size  }
0x9a: {  	s5 =	simm.s32 $_size__tile_overlayer_lowered;
	s6 =	simm.s32 $_tile_overlayer_lowered  }
0x9b: {  	s22 =	simm.s32 $0x1BFF;
	s21 =	sshll.u32 s6, $0x1;
	s3 =	sadd.s32 s4, s19  }
0x9c: {  	s7 =	simm.s32 $0x0;
	s20 =	sshll.u32 s5, $0x1;
	s5 =	sadd.s32 s21, s3  }
0x9d: {  	[timem:s7], [sflag:s22] =	dma.local [hbm:s5], s20  }
0x9e: {  	_ =	swait.ge [sflag:s22], s20  }
0x9f: {  	s4 =	ssub.s32 $0x0, s20;
	[sflag:s22] =	ssyncset.done $0x0  }
0xa0: {  	[sflag:s22] =	ssyncadd.s32 s4;
	_ =	sdelay $0x1  }
0xa1: {  	s23 =	simm.s32 $0x1B8B  }
0xa2: {  	_ =	swait.ge [sflag:s23], $0x1  }
0xa3: {  	[sflag:s23] =	ssyncset.done $0x0  }
0xa4: {  	s25 =	simm.s32 $0x1B8E;
	s24 =	sld [smem:$0x3FFE];
	[sflag:s23] =	ssyncadd.s32 $0xFFFFFFFF  }
0xa5: {  	s26 =	simm.s32 $execute0_lowered;
	[smem:$0x3FD2] =	sst s25  }
0xa6: {  	s5 =	sshll.u32 s26, $0x1;
	_ =	strace $0x80000052;
	[dreg:$0x1] =	wrdreg $0xFFFFFFFF  }
0xa7: {  	s28 =	simm.s32 $_size_execute0_lowered;
	s3 =	sadd.s32 s3, s5;
	[dreg:$0x0] =	wrdreg $0x0  }
0xa8: {  	s5 =	sshll.u32 s28, $0x1;
	[dreg:$0x2] =	wrdreg s3  }
0xa9: {  	[dreg:$0x3] =	wrdreg s5  }
0xaa: {  	[dreg:$0x4] =	wrdreg $0xC0  }
0xab: {  	_ =	task [dreg:s7], $0x5FFFF  }
0xac: {  	[dreg:$0x1] =	wrdreg $0xFFFFFFFF  }
0xad: {  	[dreg:$0x0] =	wrdreg $0x60  }
0xae: {  	[dreg:$0x2] =	wrdreg s24  }
0xaf: {  	[dreg:$0x3] =	wrdreg s2  }
0xb0: {  	[dreg:$0x4] =	wrdreg $0x9  }
0xb1: {  	_ =	task.clear_ibuf [dreg:s7], $0x5FFFF;
	_ =	strace $0x90000052  }
0xb2: {  	s29 =	simm.s32 $0x9;
	_ =	strace $0x80000054  }
0xb3: {  	_ =	swait.ge [sflag:s29], $0x1  }
0xb4: {  	[sflag:s29] =	ssyncadd.s32 $0xFFFFFFFF  }
0xb5: {  	_ =	strace $0x90000054  }
0xb6: {  	_ =	sfence  }
0xb7: {  	s30 =	sld [smem:$0x0];
	_ =	sdelay $0x2  }
0xb8: {  	s31 =	sshll.u32 s1, $0xD;
	s1 =	sshrl.u32 s1, $0x2  }
0xb9: {  	s3 =	sand.u32 $0x4000, s31;
	s1 =	sadd.s32 s1, s30  }
0xba: {  	s0 =	sor.u32 s3, s0;
	s1 =	sshll.u32 s1, $0x11  }
0xbb: {  	s0 =	sor.u32 s1, s0  }
0xbc: {  	s0 =	sadd.s32 $0x8F2B, s0  }
0xbd: {  	[sflag:s0] =	ssyncadd.remote.s32 $0x1  }
0xbe: {  	_ =	sfence.sel $0xFFFF  }
0xbf: {  	[dreg:$0x0] =	wrdreg $0xFFFFFFFF;
	(pc) =	sbr.abs _section_cstart, $3  }
0xc0: {  	[dreg:$0x1] =	wrdreg $0xFFFFFFFF  }
0xc1: {  	_ =	task.clear_ibuf [dreg:s7], $0x2FFFF;
	_ =	strace $0x9FFFFFFF  }
0xc2: {  	(tm) =	ssettm $0x7FFFFFFF  }
0xc3: {  	_ =	shalt  }
tec
execute0_lowered:
.L_overlay_start_1:
0x0: {  	(tag) =	ssettag $0x1  }
0x1: {  	s1 =	srdreg.scid;
	s0 =	stileid.u32  }
0x2: {  	s17 =	rddreg [dreg:$0x0];
	s16 =	sand.u32 $0x1, s1;
	s30 =	sshll.u32 s0, $0x1  }
0x3: {  	s18 =	rddreg [dreg:$0x1];
	s19 =	sor.u32 s16, s30  }
0x4: {  	s2 =	simm.s32 $0x0;
	s1 =	rddreg [dreg:$0x2];
	s3 =	sshll.u32 s19, $0x5  }
0x5: {  	[smem:$0x7FF] =	sst s2;
	s3 =	sadd.s32 s3, s17  }
0x6: {  	_ =	strace $0x80000053;
	s4 =	sadd.s32 $0x20BA00, s3;
	s3 =	simm.s32 $0x3  }
0x7: {  	[tilespmem:s2], [sflag:$0x3] =	stream.linear.gather [hbm4b:s4+s2], $0x100, $0x38;
	[tilespmem:$0x10200] =	vst v63  }
0x8: {  	_ =	swait.ge [sflag:s3], $0x100  }
0x9: {  	[sflag:s3] =	ssyncset.done $0x0  }
0xa: {  	s5 =	simm.s32 $0x100;
	[sflag:s3] =	ssyncadd.s32 $0xFFFFFF00  }
0xb: {  	[tilespmem:s5], [sflag:$0x3] =	stream.linear.gather [hbm4b:s4+s2], $0x100, $0x38;
	[tilespmem:$0x10200] =	vst v63  }
0xc: {  	_ =	swait.ge [sflag:s3], $0x100  }
0xd: {  	s7 =	simm.s32 $0x80;
	[sflag:s3] =	ssyncset.done $0x0  }
0xe: {  	s8 =	simm.s32 $0x200;
	s6 =	sadd.s32 $0xAA00, s17;
	[sflag:s3] =	ssyncadd.s32 $0xFFFFFF00  }
0xf: {  	[tilespmem:s8], [sflag:$0x1] =	stream.indirect.gather [hbm4b:s6+s7], $0x80, s2, s7, $0xb8;
	[tilespmem:$0x10200] =	vst v63  }
0x10: {  	s10 =	simm.s32 $0x8200;
	s9 =	sadd.s32 $0x20CE00, s17  }
0x11: {  	[tilespmem:s10], [sflag:$0x2] =	stream.indirect.gather [hbm4b:s9+s7], $0x80, s5, s7, $0xb8;
	[tilespmem:$0x10200] =	vst v63  }
0x12: {  	s11 =	simm.s32 $0x4200  }
0x13: {  	[tilespmem:s11], [sflag:$0x1] =	stream.indirect.gather [hbm4b:s6+s7], $0x80, s7, s7, $0xb8;
	[tilespmem:$0x10200] =	vst v63  }
0x14: {  	s12 =	simm.s32 $0x180;
	s13 =	simm.s32 $0xC200;
	s14 =	simm.s32 $0x1  }
0x15: {  	[tilespmem:s13], [sflag:$0x2] =	stream.indirect.gather [hbm4b:s9+s7], $0x80, s12, s7, $0xb8;
	[tilespmem:$0x10200] =	vst v63  }
0x16: {  	_ =	swait.ge [sflag:s14], $0x4000  }
0x17: {  	[sflag:s14] =	ssyncset.done $0x0  }
0x18: {  	s15 =	simm.s32 $0x2;
	[sflag:s14] =	ssyncadd.s32 $0xFFFFC000  }
0x19: {  	_ =	swait.ge [sflag:s15], $0x4000  }
0x1a: {  	[sflag:s15] =	ssyncset.done $0x0  }
0x1b: {  	[sflag:s15] =	ssyncadd.s32 $0xFFFFC000  }
0x1c: {  	_ =	swait.ge [sflag:s14], $0x4000  }
0x1d: {  	[sflag:s14] =	ssyncset.done $0x0  }
0x1e: {  	s20 =	ssub.s32 $0x2, s16;
	[sflag:s14] =	ssyncadd.s32 $0xFFFFC000  }
0x1f: {  	s19 =	sshll.u32 s19, $0xC;
	s31 =	sshrl.u32 s20, $0x1;
	_ =	swait.ge [sflag:s15], $0x4000  }
0x20: {  	s16 =	sadd.s32 s18, s19;
	s18 =	ssub.s32 s20, s31;
	[sflag:s15] =	ssyncset.done $0x0  }
0x21: {  	s18 =	smax.u32 s18, $0x1;
	[sflag:s15] =	ssyncadd.s32 $0xFFFFC000  }
0x22: {  	[hbm4b:s16+s2] =	stream.linear.scatter [tilespmem:s8], [sflag:$0x3], $0x8000, $0x38;
	[tilespmem:$0x10200] =	vst v63  }
0x23: {  	p0 =	sne.s32 s18, $0x1;
	_ =	swait.ge [sflag:s3], $0x8000  }
.Ltmp0:
0x24: {  	s17 =	sadd.s32 s19, s17;
	[sflag:s3] =	ssyncset.done $0x0;
	(pc) =	sbr.rel @!p0 .LBB2_2-.Ltmp0, $4  }
0x25: {  	s17 =	sadd.s32 $0x10AA00, s17;
	[sflag:s3] =	ssyncadd.s32 $0xFFFF8000  }
0x26: {  	[hbm4b:s17+s2] =	stream.linear.scatter [tilespmem:s10], [sflag:$0x3], $0x8000, $0x38;
	[tilespmem:$0x10200] =	vst v63  }
0x27: {  	_ =	swait.ge [sflag:s3], $0x8000  }
0x28: {  	s18 =	sadd.s32 $0xFFFFFFFF, s18;
	[sflag:s3] =	ssyncset.done $0x0  }
.LBB2_1:
0x29: {  	p0 =	sne.s32 s18, $0x1;
	s18 =	sadd.s32 $0xFFFFFFFF, s18;
	[sflag:s3] =	ssyncadd.s32 $0xFFFF8000  }
0x2a: {  	[tilespmem:s2], [sflag:$0x3] =	stream.linear.gather [hbm4b:s4+s2], $0x100, $0x38;
	[tilespmem:$0x10200] =	vst v63  }
0x2b: {  	_ =	swait.ge [sflag:s3], $0x100  }
0x2c: {  	[sflag:s3] =	ssyncset.done $0x0  }
0x2d: {  	[sflag:s3] =	ssyncadd.s32 $0xFFFFFF00  }
0x2e: {  	[tilespmem:s5], [sflag:$0x3] =	stream.linear.gather [hbm4b:s4+s2], $0x100, $0x38;
	[tilespmem:$0x10200] =	vst v63  }
0x2f: {  	_ =	swait.ge [sflag:s3], $0x100  }
0x30: {  	[sflag:s3] =	ssyncset.done $0x0  }
0x31: {  	[sflag:s3] =	ssyncadd.s32 $0xFFFFFF00  }
0x32: {  	[tilespmem:s8], [sflag:$0x1] =	stream.indirect.gather [hbm4b:s6+s7], $0x80, s2, s7, $0xb8;
	[tilespmem:$0x10200] =	vst v63  }
0x33: {  	_ = 	snop  }
0x34: {  	[tilespmem:s10], [sflag:$0x2] =	stream.indirect.gather [hbm4b:s9+s7], $0x80, s5, s7, $0xb8;
	[tilespmem:$0x10200] =	vst v63  }
0x35: {  	_ = 	snop  }
0x36: {  	[tilespmem:s11], [sflag:$0x1] =	stream.indirect.gather [hbm4b:s6+s7], $0x80, s7, s7, $0xb8;
	[tilespmem:$0x10200] =	vst v63  }
0x37: {  	_ = 	snop  }
0x38: {  	[tilespmem:s13], [sflag:$0x2] =	stream.indirect.gather [hbm4b:s9+s7], $0x80, s12, s7, $0xb8;
	[tilespmem:$0x10200] =	vst v63  }
0x39: {  	_ =	swait.ge [sflag:s14], $0x4000  }
0x3a: {  	[sflag:s14] =	ssyncset.done $0x0  }
0x3b: {  	[sflag:s14] =	ssyncadd.s32 $0xFFFFC000  }
0x3c: {  	_ =	swait.ge [sflag:s15], $0x4000  }
0x3d: {  	[sflag:s15] =	ssyncset.done $0x0  }
0x3e: {  	[sflag:s15] =	ssyncadd.s32 $0xFFFFC000  }
0x3f: {  	_ =	swait.ge [sflag:s14], $0x4000  }
0x40: {  	[sflag:s14] =	ssyncset.done $0x0  }
0x41: {  	[sflag:s14] =	ssyncadd.s32 $0xFFFFC000  }
0x42: {  	_ =	swait.ge [sflag:s15], $0x4000  }
0x43: {  	[sflag:s15] =	ssyncset.done $0x0  }
0x44: {  	[sflag:s15] =	ssyncadd.s32 $0xFFFFC000  }
0x45: {  	[hbm4b:s16+s2] =	stream.linear.scatter [tilespmem:s8], [sflag:$0x3], $0x8000, $0x38;
	[tilespmem:$0x10200] =	vst v63  }
0x46: {  	_ =	swait.ge [sflag:s3], $0x8000  }
.Ltmp1:
0x47: {  	[sflag:s3] =	ssyncset.done $0x0;
	(pc) =	sbr.rel @p0 .LBB2_1-.Ltmp1, $4  }
0x48: {  	[sflag:s3] =	ssyncadd.s32 $0xFFFF8000  }
0x49: {  	[hbm4b:s17+s2] =	stream.linear.scatter [tilespmem:s10], [sflag:$0x3], $0x8000, $0x38;
	[tilespmem:$0x10200] =	vst v63  }
0x4a: {  	_ =	swait.ge [sflag:s3], $0x8000  }
0x4b: {  	[sflag:s3] =	ssyncset.done $0x0  }
.LBB2_2:
0x4c: {  	[sflag:s3] =	ssyncadd.s32 $0xFFFF8000  }
0x4d: {  	_ =	sfence.sel $0x180000  }
0x4e: {  	[bflag:$0x0] =	sbarrier.arrive $0xFFFF  }
0x4f: {  	p0 =	sne.s32 s0, $0x0;
	_ =	strace $0x90000053  }
0x50: {  	s0 =	sadd.s32 @!p0 $0x100000, s1;
	[bflag:$0x2] =	sbarrier.arrive $0xFFFF  }
0x51: {  	[sflag:s0] =	ssyncadd.tile.s32 @!p0 $0x1;
	_ =	shalt  }
.Lfunc_end2:
_tile_overlayer_lowered:
.L_overlay_start_2:
0x52: {  	(tag) =	ssettag $0x2  }
0x53: {  	s0 =	rddreg [dreg:$0x0];
	s2 =	stileid.u32  }
0x54: {  	s1 =	rddreg [dreg:$0x1];
	p0 =	sne.s32 s2, $0x0  }
0x55: {  	s3 =	rddreg [dreg:$0x2];
	[bflag:$0x3] =	sbarrier.arrive $0xFFFF;
	s2 =	simm.s32 @!p0 $0x1C03  }
0x56: {  	[timem:s3], [sflag:s2] =	dma.local @!p0 [hbm:s0], s1  }
0x57: {  	s0 =	simm.s32 @!p0 $0x3  }
0x58: {  	_ =	swait.ge @!p0 [sflag:s0], s1  }
0x59: {  	s1 =	ssub.s32 @!p0 $0x0, s1;
	[sflag:s0] =	ssyncset.done @!p0 $0x0  }
0x5a: {  	[sflag:s0] =	ssyncadd.s32 @!p0 s1  }
0x5b: {  	[bflag:$0x3] =	sbarrier.arrive $0xFFFF  }
0x5c: {  	_ =	shalt  }

// kernel: sparse-core-data-format-call.1.cloned.1.call-start
scs
called_computation.1_lowered:
.L_overlay_start_0:
0x0: {  	s2 =	sld [smem:$0x3FD9]  }
0x1: {  	s3 =	sld [smem:$0x3FFE];
	_ =	sdelay $0x1  }
0x2: {  	s1 =	srdreg.scid  }
0x3: {  	s0 =	sand.u32 $0x1, s1  }
0x4: {  	s18 =	sshll.u32 s0, $0xA;
	s2 =	sadd.s32 s3, s2  }
0x5: {  	s2 =	sadd.s32 s2, s18  }
0x6: {  	[smem:$0x3F8C] =	sst s2  }
0x7: {  	_ = 	snop  }
0x8: {  	s2 =	sld [smem:$0x3FD0];
	(tm) =	ssettm $0x1  }
0x9: {  	s19 =	sld [smem:$0x3FFB];
	_ =	sdelay $0x3  }
0xa: {  	_ =	strace s19  }
0xb: {  	s3 =	sld [smem:$0x3FFC];
	_ =	sdelay $0x3  }
0xc: {  	_ =	strace s3  }
0xd: {  	s3 =	sld [smem:$0x3FFD];
	_ =	sdelay $0x3  }
0xe: {  	_ =	strace s3  }
0xf: {  	_ =	strace $0x8FFFFFFF  }
0x10: {  	s20 =	sld [smem:$0x3FDB];
	_ =	sdelay $0x1  }
0x11: {  	s4 =	simm.s32 $_scs_section_size  }
0x12: {  	s5 =	simm.s32 $_size__tile_overlayer_lowered;
	s6 =	simm.s32 $_tile_overlayer_lowered  }
0x13: {  	s23 =	simm.s32 $0x1BFF;
	s22 =	sshll.u32 s6, $0x1;
	s3 =	sadd.s32 s4, s20  }
0x14: {  	s7 =	simm.s32 $0x0;
	s21 =	sshll.u32 s5, $0x1;
	s5 =	sadd.s32 s22, s3  }
0x15: {  	[timem:s7], [sflag:s23] =	dma.local [hbm:s5], s21  }
0x16: {  	_ =	swait.ge [sflag:s23], s21  }
0x17: {  	s4 =	ssub.s32 $0x0, s21;
	[sflag:s23] =	ssyncset.done $0x0  }
0x18: {  	[sflag:s23] =	ssyncadd.s32 s4;
	_ =	sdelay $0x1  }
0x19: {  	s24 =	simm.s32 $0x1B8B  }
0x1a: {  	_ =	swait.ge [sflag:s24], $0x1  }
0x1b: {  	[sflag:s24] =	ssyncset.done $0x0  }
0x1c: {  	s26 =	simm.s32 $0x1B8E;
	s25 =	sld [smem:$0x3FFE];
	[sflag:s24] =	ssyncadd.s32 $0xFFFFFFFF  }
0x1d: {  	s27 =	simm.s32 $execute0_lowered;
	[smem:$0x3FD2] =	sst s26  }
0x1e: {  	s5 =	sshll.u32 s27, $0x1;
	_ =	strace $0x80000046;
	[dreg:$0x1] =	wrdreg $0xFFFFFFFF  }
0x1f: {  	s28 =	simm.s32 $_size_execute0_lowered;
	s3 =	sadd.s32 s3, s5;
	[dreg:$0x0] =	wrdreg $0x0  }
0x20: {  	s5 =	sshll.u32 s28, $0x1;
	[dreg:$0x2] =	wrdreg s3  }
0x21: {  	[dreg:$0x3] =	wrdreg s5  }
0x22: {  	[dreg:$0x4] =	wrdreg $0xC0  }
0x23: {  	_ =	task [dreg:s7], $0x5FFFF  }
0x24: {  	[dreg:$0x1] =	wrdreg $0xFFFFFFFF  }
0x25: {  	[dreg:$0x0] =	wrdreg $0x60  }
0x26: {  	[dreg:$0x2] =	wrdreg s2  }
0x27: {  	[dreg:$0x3] =	wrdreg s25  }
0x28: {  	[dreg:$0x4] =	wrdreg $0x9  }
0x29: {  	_ =	task.clear_ibuf [dreg:s7], $0x5FFFF;
	_ =	strace $0x90000046  }
0x2a: {  	s29 =	simm.s32 $0x9;
	_ =	strace $0x80000048  }
0x2b: {  	_ =	swait.ge [sflag:s29], $0x1  }
0x2c: {  	[sflag:s29] =	ssyncadd.s32 $0xFFFFFFFF  }
0x2d: {  	_ =	strace $0x90000048  }
0x2e: {  	_ =	sfence  }
0x2f: {  	s30 =	sld [smem:$0x0];
	_ =	sdelay $0x2  }
0x30: {  	s31 =	sshll.u32 s1, $0xD;
	s1 =	sshrl.u32 s1, $0x2  }
0x31: {  	s3 =	sand.u32 $0x4000, s31;
	s1 =	sadd.s32 s1, s30  }
0x32: {  	s0 =	sor.u32 s3, s0;
	s1 =	sshll.u32 s1, $0x11  }
0x33: {  	s0 =	sor.u32 s1, s0  }
0x34: {  	s0 =	sadd.s32 $0x8F2B, s0  }
0x35: {  	[sflag:s0] =	ssyncadd.remote.s32 $0x1  }
0x36: {  	_ =	sfence.sel $0xFFFF  }
0x37: {  	[dreg:$0x0] =	wrdreg $0xFFFFFFFF;
	(pc) =	sbr.abs _section_cstart, $3  }
0x38: {  	[dreg:$0x1] =	wrdreg $0xFFFFFFFF  }
0x39: {  	_ =	task.clear_ibuf [dreg:s7], $0x2FFFF;
	_ =	strace $0x9FFFFFFF  }
0x3a: {  	(tm) =	ssettm $0x7FFFFFFF  }
0x3b: {  	_ =	shalt  }
tec
execute0_lowered:
.L_overlay_start_1:
0x0: {  	(tag) =	ssettag $0x1  }
0x1: {  	s2 =	rddreg [dreg:$0x0]  }
0x2: {  	s1 =	rddreg [dreg:$0x1]  }
0x3: {  	s3 =	srdreg.scid;
	s0 =	rddreg [dreg:$0x2]  }
0x4: {  	_ =	strace $0x80000047;
	s5 =	simm.s32 $0x1;
	s8 =	simm.s32 $0x2  }
0x5: {  	s14 =	simm.s32 $0x0;
	p0 =	por $0x0, $0x0;
	s15 =	simm.s32 $0x0  }
0x6: {  	s17 =	simm.s32 $0x0;
	s16 =	simm.s32 $0x0;
	s10 =	simm.s32 $0x0  }
0x7: {  	s11 =	simm.s32 $0x0;
	s13 =	stileid.u32;
	s3 =	sand.u32 $0x1, s3  }
.Ltmp0:
0x8: {  	s4 =	sadd.s32 $0xAA00, s1;
	s6 =	ssub.s32 $0x8, s3;
	(pc) =	sbr.rel .LBB1_1-.Ltmp0, $4  }
0x9: {  	s1 =	stileid.u32;
	[sflag:s5] =	ssyncpa.u1 $0x0;
	s7 =	sshrl.u32 s6, $0x1  }
0xa: {  	[sflag:s8] =	ssyncpa.u1 $0x0;
	s8 =	simm.s32 $0x800;
	s9 =	sadd.s32 s3, s7  }
0xb: {  	s12 =	smov.u32 s3;
	s6 =	ssub.s32 s6, s7;
	s31 =	sshll.u32 s9, $0x2  }
0xc: {  	s6 =	sshll.u32 s6, $0x2;
	s9 =	simm.s32 $0x0;
	s7 =	ssub.s32 $0x22, s31  }
.LBB1_4:
0xd: {  	_ =	sdelay $0x3  }
0xe: {  	[tilespmem:v0+s20+$0xFFFFFFA0 ss:$0x1] =	vst.idx.msk $0xffff, v6  }
0xf: {  	v56 =	vld.idx.msk [tilespmem:v1+s19+$0x30 ss:$0x1], $0xffff;
	[tilespmem:v0+s20+$0xFFFFFFB0 ss:$0x1] =	vst.idx.msk $0xffff, v4  }
0x10: {  	v57 =	vld.idx.msk [tilespmem:v1+s19+$0xFFFFFFC0 ss:$0x1], $0xffff;
	[tilespmem:v0+s20+$0xFFFFFFC0 ss:$0x1] =	vst.idx.msk $0xffff, v2  }
0x11: {  	v58 =	vld.idx.msk [tilespmem:v1+s19+$0xFFFFFFD0 ss:$0x1], $0xffff;
	[tilespmem:v0+s20+$0xFFFFFFD0 ss:$0x1] =	vst.idx.msk $0xffff, v3  }
0x12: {  	v59 =	vld.idx.msk [tilespmem:v1+s19+$0xFFFFFFE0 ss:$0x1], $0xffff;
	[tilespmem:v0+s20+$0xFFFFFFE0 ss:$0x1] =	vst.idx.msk $0xffff, v5  }
0x13: {  	v60 =	vld.idx.msk [tilespmem:v1+s19+$0xFFFFFFF0 ss:$0x1], $0xffff;
	[tilespmem:v0+s20+$0xFFFFFFF0 ss:$0x1] =	vst.idx.msk $0xffff, v7  }
0x14: {  	v61 =	vld.idx.msk [tilespmem:v1+s19+$0x0 ss:$0x1], $0xffff;
	[tilespmem:v0+s19+$0x0 ss:$0x1] =	vst.idx.msk $0xffff, v56  }
0x15: {  	v62 =	vld.idx.msk [tilespmem:v1+s19+$0x10 ss:$0x1], $0xffff;
	[tilespmem:v0+s19+$0xFFFFFF90 ss:$0x1] =	vst.idx.msk $0xffff, v57  }
0x16: {  	s17 =	sshll.u32 s17, $0x7;
	v63 =	vld.idx.msk [tilespmem:v1+s19+$0x20 ss:$0x1], $0xffff;
	s29 =	sand.u32 $0x78, s14;
	[tilespmem:v0+s19+$0xFFFFFFA0 ss:$0x1] =	vst.idx.msk $0xffff, v58  }
0x17: {  	s30 =	sshll.u32 s14, $0x3;
	s16 =	sshll.u32 s16, $0x10;
	s17 =	sand.u32 $0x380, s17;
	[tilespmem:v0+s19+$0xFFFFFFB0 ss:$0x1] =	vst.idx.msk $0xffff, v59  }
0x18: {  	s15 =	sshll.u32 s15, $0x8;
	s20 =	sand.u32 $0x400, s30;
	s17 =	sor.u32 s29, s17;
	[tilespmem:v0+s19+$0xFFFFFFC0 ss:$0x1] =	vst.idx.msk $0xffff, v60  }
0x19: {  	s31 =	sand.u32 $0x7, s14;
	s16 =	sadd.s32 s4, s16;
	s17 =	sor.u32 s20, s17;
	[tilespmem:v0+s19+$0xFFFFFFD0 ss:$0x1] =	vst.idx.msk $0xffff, v61  }
0x1a: {  	s14 =	sshll.u32 s31, $0x12;
	s15 =	sadd.s32 s15, s16;
	s17 =	sshrl.u32 s17, $0x3;
	[tilespmem:v0+s19+$0xFFFFFFE0 ss:$0x1] =	vst.idx.msk $0xffff, v62  }
0x1b: {  	s14 =	sor.u32 $0x80, s14;
	[tilespmem:v0+s19+$0xFFFFFFF0 ss:$0x1] =	vst.idx.msk $0xffff, v63;
	s15 =	sadd.s32 s17, s15  }
0x1c: {  	[hbm4b:s15+s14] =	stream.strided.scatter [tilespmem:s18], [sflag:$0x2], $0x4000, s8, s14, $0x38;
	[tilespmem:$0x10000] =	vst v63  }
.LBB1_5:
0x1d: {  	s18 =	sadd.s32 $0x80, s10  }
0x1e: {  	s14 =	sadd.s32 $0x80, s11;
	s19 =	smov.u32 s11;
	p2 =	sgt.s32 s18, $0xFF  }
0x1f: {  	s19 =	smov.u32 @p2 s14  }
0x20: {  	s20 =	smov.u32 s12;
	s14 =	sadd.s32 $0x2, s12;
	p3 =	sgt.s32 s19, $0xFF  }
0x21: {  	s20 =	smov.u32 @p3 s14  }
0x22: {  	s21 =	smov.u32 s13;
	s14 =	sadd.s32 $0x10, s13;
	p4 =	sgt.s32 s20, $0x7  }
0x23: {  	p1 =	slt.u32 s9, $0x2;
	s21 =	smov.u32 @p4 s14  }
0x24: {  	s9 =	sadd.s32 $0x1, s9;
	s18 =	simm.s32 @p2 $0x0;
	p2 =	sgt.s32 s21, $0xF  }
0x25: {  	s22 =	simm.s32 @!p1 $0x2;
	s21 =	smov.u32 @p2 s1;
	p2 =	sne.s32 s9, s7  }
.Ltmp1:
0x26: {  	s15 =	smov.u32 s11;
	_ =	swait.ge @!p1 [sflag:s22], $0x4000;
	(pc) =	sbr.rel @!p2 .LBB1_6-.Ltmp1, $4  }
0x27: {  	s17 =	smov.u32 s12;
	s16 =	smov.u32 s13;
	[sflag:s22] =	ssyncset.done @!p1 $0x0  }
0x28: {  	p0 =	por !p0, !p0;
	s19 =	simm.s32 @p3 $0x0;
	[sflag:s22] =	ssyncadd.s32 @!p1 $0xFFFFC000  }
0x29: {  	s11 =	smov.u32 s19;
	s20 =	smov.u32 @p4 s3;
	s14 =	smov.u32 s10  }
0x2a: {  	s10 =	smov.u32 s18;
	s12 =	smov.u32 s20;
	s13 =	smov.u32 s21  }
.LBB1_1:
0x2b: {  	p1 =	sge.u32 s9, s6;
	s31 =	sadd.s32 $0xFFFFFFFF, s9  }
0x2c: {  	s18 =	sxor.u32 @!p1 $0xFFFFFFFF, s9;
	s19 =	sand.u32 @!p1 $0x78, s10;
	s20 =	sshll.u32 @!p1 s11, $0x8  }
0x2d: {  	s21 =	sshll.u32 @!p1 s10, $0x3;
	s22 =	sshll.u32 @!p1 s11, $0x7;
	s18 =	sshll.u32 @!p1 s18, $0xE  }
0x2e: {  	s20 =	sand.u32 @!p1 $0xF800, s20;
	s21 =	sand.u32 @!p1 $0xFC00, s21;
	s18 =	sand.u32 @!p1 $0x4000, s18  }
0x2f: {  	s20 =	sadd.s32 @!p1 s20, s21;
	s21 =	sand.u32 @!p1 $0x300, s22;
	s22 =	sand.u32 @!p1 $0x80, s22  }
0x30: {  	s20 =	sor.u32 @!p1 s21, s20;
	s19 =	sor.u32 @!p1 s19, s22;
	s21 =	sshll.u32 @!p1 s13, $0x10  }
0x31: {  	s22 =	sshll.u32 @!p1 s12, $0xD;
	s20 =	sshrl.u32 @!p1 s20, $0x3;
	s21 =	sadd.s32 @!p1 s2, s21  }
0x32: {  	s19 =	sshrl.u32 @!p1 s19, $0x3;
	s21 =	sadd.s32 @!p1 s22, s21;
	s22 =	sand.u32 @!p1 $0x7, s10  }
0x33: {  	s20 =	sand.u32 @!p1 $0x1FE0, s20;
	s19 =	sadd.s32 @!p1 s19, s21;
	s21 =	sshll.u32 @!p1 s22, $0x12  }
0x34: {  	s19 =	sadd.s32 @!p1 s20, s19;
	s20 =	sor.u32 @!p1 $0x400, s21;
	s21 =	simm.s32 @!p1 $0x800  }
0x35: {  	[tilespmem:s18], [sflag:$0x1] =	stream.strided.gather @!p1 [hbm4b:s19+s20], $0x4000, s21, s20, $0x38;
	[tilespmem:$0x10000] =	vst v63  }
0x36: {  	p1 =	sge.u32 s31, s6  }
.Ltmp2:
0x37: {  	_ = 	snop;
	(pc) =	sbr.rel @p1 .LBB1_5-.Ltmp2, $1  }
0x38: {  	_ =	sdelay $0x3  }
0x39: {  	s18 =	simm.s32 $0x1  }
0x3a: {  	s18 =	simm.s32 @!p0 $0x0  }
0x3b: {  	s18 =	sshll.u32 s18, $0xE  }
0x3c: {  	s19 =	sor.u32 $0x40, s18  }
0x3d: {  	v1 =	vmov s19;
	_ =	sdelay $0x1  }
0x3e: {  	_ =	swait.ge [sflag:s5], $0x4000  }
0x3f: {  	[sflag:s5] =	ssyncset.done $0x0  }
0x40: {  	s20 =	simm.s32 $0x0;
	[sflag:s5] =	ssyncadd.s32 $0xFFFFC000  }
0x41: {  	s18 =	sor.u32 $0x8070, s18;
	v7 =	vld.idx.msk [tilespmem:v1+s20+$0x30 ss:$0x1], $0xffff  }
0x42: {  	v0 =	vmov s18;
	v8 =	vld.idx.msk [tilespmem:v1+s20+$0xFFFFFFC0 ss:$0x1], $0xffff  }
0x43: {  	v6 =	vld.idx.msk [tilespmem:v1+s20+$0xFFFFFFD0 ss:$0x1], $0xffff  }
0x44: {  	v4 =	vld.idx.msk [tilespmem:v1+s20+$0xFFFFFFE0 ss:$0x1], $0xffff  }
0x45: {  	v2 =	vld.idx.msk [tilespmem:v1+s20+$0xFFFFFFF0 ss:$0x1], $0xffff  }
0x46: {  	s31 =	sshll.u32 s9, $0xE;
	v3 =	vld.idx.msk [tilespmem:v1+s20+$0x0 ss:$0x1], $0xffff  }
0x47: {  	s18 =	sand.u32 $0x4000, s31;
	v5 =	vld.idx.msk [tilespmem:v1+s20+$0x10 ss:$0x1], $0xffff;
	[tilespmem:v0+s20+$0x0 ss:$0x1] =	vst.idx.msk $0xffff, v7  }
0x48: {  	s21 =	simm.s32 $0x400;
	s19 =	simm.s32 $0x80;
	s18 =	sor.u32 $0x8000, s18;
	[tilespmem:v0+s20+$0xFFFFFF90 ss:$0x1] =	vst.idx.msk $0xffff, v8;
	v7 =	vld.idx.msk [tilespmem:v1+s20+$0x20 ss:$0x1], $0xffff  }
.LBB1_3:
0x49: {  	p1 =	sne.s32 s21, $0xFE00;
	v8 =	vld.idx.msk [tilespmem:v1+s19+$0x30 ss:$0x1], $0xffff;
	[tilespmem:v0+s20+$0xFFFFFFA0 ss:$0x1] =	vst.idx.msk $0xffff, v6  }
0x4a: {  	v9 =	vld.idx.msk [tilespmem:v1+s19+$0xFFFFFFC0 ss:$0x1], $0xffff;
	[tilespmem:v0+s20+$0xFFFFFFB0 ss:$0x1] =	vst.idx.msk $0xffff, v4  }
0x4b: {  	v6 =	vld.idx.msk [tilespmem:v1+s19+$0xFFFFFFD0 ss:$0x1], $0xffff;
	[tilespmem:v0+s20+$0xFFFFFFC0 ss:$0x1] =	vst.idx.msk $0xffff, v2  }
.Ltmp3:
0x4c: {  	v4 =	vld.idx.msk [tilespmem:v1+s19+$0xFFFFFFE0 ss:$0x1], $0xffff;
	[tilespmem:v0+s20+$0xFFFFFFD0 ss:$0x1] =	vst.idx.msk $0xffff, v3;
	(pc) =	sbr.rel @p1 .LBB1_3-.Ltmp3, $4  }
0x4d: {  	v2 =	vld.idx.msk [tilespmem:v1+s19+$0xFFFFFFF0 ss:$0x1], $0xffff;
	[tilespmem:v0+s20+$0xFFFFFFE0 ss:$0x1] =	vst.idx.msk $0xffff, v5  }
0x4e: {  	v3 =	vld.idx.msk [tilespmem:v1+s19+$0x0 ss:$0x1], $0xffff;
	[tilespmem:v0+s20+$0xFFFFFFF0 ss:$0x1] =	vst.idx.msk $0xffff, v7;
	s20 =	smov.u32 s19  }
0x4f: {  	v5 =	vld.idx.msk [tilespmem:v1+s20+$0x10 ss:$0x1], $0xffff;
	[tilespmem:v0+s20+$0x0 ss:$0x1] =	vst.idx.msk $0xffff, v8  }
0x50: {  	s19 =	sshra.s32 s21, $0x2;
	s21 =	sadd.s32 $0x200, s21;
	[tilespmem:v0+s20+$0xFFFFFF90 ss:$0x1] =	vst.idx.msk $0xffff, v9;
	v7 =	vld.idx.msk [tilespmem:v1+s20+$0x20 ss:$0x1], $0xffff  }
.Ltmp4:
0x51: {  	_ = 	snop;
	(pc) =	sbr.rel .LBB1_4-.Ltmp4, $1  }
0x52: {  	_ =	sdelay $0x3  }
.LBB1_6:
0x53: {  	_ =	sfence.sel $0x180000  }
0x54: {  	s2 =	simm.s32 $0x1;
	[bflag:$0x0] =	sbarrier.arrive $0xFFFF  }
0x55: {  	s31 =	simm.s32 $0x2;
	[sflag:s2] =	ssyncpa.u1 $0x1  }
0x56: {  	[sflag:s31] =	ssyncpa.u1 $0x1  }
0x57: {  	p0 =	sne.s32 s1, $0x0;
	_ =	strace $0x90000047  }
0x58: {  	s0 =	sadd.s32 @!p0 $0x100000, s0;
	[bflag:$0x2] =	sbarrier.arrive $0xFFFF  }
0x59: {  	[sflag:s0] =	ssyncadd.tile.s32 @!p0 $0x1;
	_ =	shalt  }
.Lfunc_end1:
_tile_overlayer_lowered:
.L_overlay_start_2:
0x5a: {  	(tag) =	ssettag $0x2  }
0x5b: {  	s0 =	rddreg [dreg:$0x0];
	s2 =	stileid.u32  }
0x5c: {  	s1 =	rddreg [dreg:$0x1];
	p0 =	sne.s32 s2, $0x0  }
0x5d: {  	s3 =	rddreg [dreg:$0x2];
	[bflag:$0x3] =	sbarrier.arrive $0xFFFF;
	s2 =	simm.s32 @!p0 $0x1C01  }
0x5e: {  	[timem:s3], [sflag:s2] =	dma.local @!p0 [hbm:s0], s1  }
0x5f: {  	s0 =	simm.s32 @!p0 $0x1  }
0x60: {  	_ =	swait.ge @!p0 [sflag:s0], s1  }
0x61: {  	s1 =	ssub.s32 @!p0 $0x0, s1;
	[sflag:s0] =	ssyncset.done @!p0 $0x0  }
0x62: {  	[sflag:s0] =	ssyncadd.s32 @!p0 s1  }
0x63: {  	[bflag:$0x3] =	sbarrier.arrive $0xFFFF  }
0x64: {  	_ =	shalt  }

// kernel: sparse-core-data-format-call.cloned.1.call-start
scs
called_computation_lowered:
.L_overlay_start_0:
0x0: {  	s1 =	sld [smem:$0x3FD9]  }
0x1: {  	s2 =	sld [smem:$0x3FFE];
	_ =	sdelay $0x1  }
0x2: {  	s3 =	srdreg.scid  }
0x3: {  	s0 =	sand.u32 $0x1, s3  }
0x4: {  	s17 =	sshll.u32 s0, $0xA;
	s1 =	sadd.s32 s2, s1  }
0x5: {  	s1 =	sadd.s32 s1, s17  }
0x6: {  	[smem:$0x3F8C] =	sst s1  }
0x7: {  	_ = 	snop  }
0x8: {  	(tm) =	ssettm $0x1  }
0x9: {  	s18 =	sld [smem:$0x3FFB];
	_ =	sdelay $0x3  }
0xa: {  	_ =	strace s18  }
0xb: {  	s1 =	sld [smem:$0x3FFC];
	_ =	sdelay $0x3  }
0xc: {  	_ =	strace s1  }
0xd: {  	s1 =	sld [smem:$0x3FFD];
	_ =	sdelay $0x3  }
0xe: {  	_ =	strace s1  }
0xf: {  	_ =	strace $0x8FFFFFFF  }
0x10: {  	s19 =	sld [smem:$0x3FDB];
	_ =	sdelay $0x1  }
0x11: {  	s20 =	simm.s32 $_scs_section_size  }
0x12: {  	s4 =	simm.s32 $_size__tile_overlayer_lowered;
	s5 =	simm.s32 $_tile_overlayer_lowered  }
0x13: {  	s23 =	simm.s32 $0x1BFF;
	s22 =	sshll.u32 s5, $0x1;
	s1 =	sadd.s32 s20, s19  }
0x14: {  	s6 =	simm.s32 $0x0;
	s21 =	sshll.u32 s4, $0x1;
	s4 =	sadd.s32 s22, s1  }
0x15: {  	[timem:s6], [sflag:s23] =	dma.local [hbm:s4], s21  }
0x16: {  	_ =	swait.ge [sflag:s23], s21  }
0x17: {  	s2 =	ssub.s32 $0x0, s21;
	[sflag:s23] =	ssyncset.done $0x0  }
0x18: {  	[sflag:s23] =	ssyncadd.s32 s2;
	_ =	sdelay $0x1  }
0x19: {  	s24 =	simm.s32 $0x1B8B  }
0x1a: {  	_ =	swait.ge [sflag:s24], $0x1  }
0x1b: {  	[sflag:s24] =	ssyncset.done $0x0  }
0x1c: {  	s26 =	simm.s32 $0x1B8E;
	s25 =	sld [smem:$0x3FFE];
	[sflag:s24] =	ssyncadd.s32 $0xFFFFFFFF  }
0x1d: {  	s27 =	simm.s32 $execute0_lowered;
	[smem:$0x3FD2] =	sst s26  }
0x1e: {  	s4 =	sshll.u32 s27, $0x1;
	_ =	strace $0x80000049;
	[dreg:$0x1] =	wrdreg $0xFFFFFFFF  }
0x1f: {  	s28 =	simm.s32 $_size_execute0_lowered;
	s1 =	sadd.s32 s1, s4;
	[dreg:$0x0] =	wrdreg $0x0  }
0x20: {  	s4 =	sshll.u32 s28, $0x1;
	[dreg:$0x2] =	wrdreg s1  }
0x21: {  	[dreg:$0x3] =	wrdreg s4  }
0x22: {  	[dreg:$0x4] =	wrdreg $0xC0  }
0x23: {  	_ =	task [dreg:s6], $0x5FFFF  }
0x24: {  	[dreg:$0x1] =	wrdreg $0xFFFFFFFF  }
0x25: {  	[dreg:$0x0] =	wrdreg $0x60  }
0x26: {  	[dreg:$0x2] =	wrdreg s25  }
0x27: {  	[dreg:$0x3] =	wrdreg $0x9  }
0x28: {  	_ =	task.clear_ibuf [dreg:s6], $0x4FFFF;
	_ =	strace $0x90000049  }
0x29: {  	s29 =	simm.s32 $0x9;
	_ =	strace $0x8000004B  }
0x2a: {  	_ =	swait.ge [sflag:s29], $0x1  }
0x2b: {  	[sflag:s29] =	ssyncadd.s32 $0xFFFFFFFF  }
0x2c: {  	_ =	strace $0x9000004B  }
0x2d: {  	_ =	sfence  }
0x2e: {  	s30 =	sld [smem:$0x0];
	_ =	sdelay $0x2  }
0x2f: {  	s31 =	sshll.u32 s3, $0xD;
	s3 =	sshrl.u32 s3, $0x2  }
0x30: {  	s2 =	sand.u32 $0x4000, s31;
	s1 =	sadd.s32 s3, s30  }
0x31: {  	s0 =	sor.u32 s2, s0;
	s1 =	sshll.u32 s1, $0x11  }
0x32: {  	s0 =	sor.u32 s1, s0  }
0x33: {  	s0 =	sadd.s32 $0x8F2B, s0  }
0x34: {  	[sflag:s0] =	ssyncadd.remote.s32 $0x1  }
0x35: {  	_ =	sfence.sel $0xFFFF  }
0x36: {  	[dreg:$0x0] =	wrdreg $0xFFFFFFFF;
	(pc) =	sbr.abs _section_cstart, $3  }
0x37: {  	[dreg:$0x1] =	wrdreg $0xFFFFFFFF  }
0x38: {  	_ =	task.clear_ibuf [dreg:s6], $0x2FFFF;
	_ =	strace $0x9FFFFFFF  }
0x39: {  	(tm) =	ssettm $0x7FFFFFFF  }
tec
execute0_lowered:
.L_overlay_start_1:
0x0: {  	(tag) =	ssettag $0x1  }
0x1: {  	s1 =	rddreg [dreg:$0x0]  }
0x2: {  	s0 =	rddreg [dreg:$0x1];
	s2 =	srdreg.scid;
	_ =	strace $0x8000004A  }
0x3: {  	s5 =	simm.s32 $0x1;
	s8 =	simm.s32 $0x2;
	s14 =	simm.s32 $0x0  }
0x4: {  	p0 =	por $0x0, $0x0;
	s15 =	simm.s32 $0x0;
	s17 =	simm.s32 $0x0  }
0x5: {  	s16 =	simm.s32 $0x0;
	s10 =	simm.s32 $0x0;
	s11 =	simm.s32 $0x0  }
0x6: {  	s13 =	stileid.u32;
	s2 =	sand.u32 $0x1, s2;
	s3 =	sadd.s32 $0x10AA00, s1  }
.Ltmp0:
0x7: {  	s4 =	sadd.s32 $0xAA00, s1;
	s6 =	ssub.s32 $0x8, s2;
	(pc) =	sbr.rel .LBB1_1-.Ltmp0, $4  }
0x8: {  	s1 =	stileid.u32;
	[sflag:s5] =	ssyncpa.u1 $0x0;
	s7 =	sshrl.u32 s6, $0x1  }
0x9: {  	[sflag:s8] =	ssyncpa.u1 $0x0;
	s8 =	simm.s32 $0x800;
	s9 =	sadd.s32 s2, s7  }
0xa: {  	s12 =	smov.u32 s2;
	s6 =	ssub.s32 s6, s7;
	s31 =	sshll.u32 s9, $0x2  }
0xb: {  	s6 =	sshll.u32 s6, $0x2;
	s9 =	simm.s32 $0x0;
	s7 =	ssub.s32 $0x22, s31  }
.LBB1_4:
0xc: {  	_ =	sdelay $0x3  }
0xd: {  	[tilespmem:v0+s20+$0xFFFFFFA0 ss:$0x1] =	vst.idx.msk $0xffff, v6  }
0xe: {  	v56 =	vld.idx.msk [tilespmem:v1+s19+$0x30 ss:$0x1], $0xffff;
	[tilespmem:v0+s20+$0xFFFFFFB0 ss:$0x1] =	vst.idx.msk $0xffff, v4  }
0xf: {  	v57 =	vld.idx.msk [tilespmem:v1+s19+$0xFFFFFFC0 ss:$0x1], $0xffff;
	[tilespmem:v0+s20+$0xFFFFFFC0 ss:$0x1] =	vst.idx.msk $0xffff, v2  }
0x10: {  	v58 =	vld.idx.msk [tilespmem:v1+s19+$0xFFFFFFD0 ss:$0x1], $0xffff;
	[tilespmem:v0+s20+$0xFFFFFFD0 ss:$0x1] =	vst.idx.msk $0xffff, v3  }
0x11: {  	v59 =	vld.idx.msk [tilespmem:v1+s19+$0xFFFFFFE0 ss:$0x1], $0xffff;
	[tilespmem:v0+s20+$0xFFFFFFE0 ss:$0x1] =	vst.idx.msk $0xffff, v5  }
0x12: {  	v60 =	vld.idx.msk [tilespmem:v1+s19+$0xFFFFFFF0 ss:$0x1], $0xffff;
	[tilespmem:v0+s20+$0xFFFFFFF0 ss:$0x1] =	vst.idx.msk $0xffff, v7  }
0x13: {  	v61 =	vld.idx.msk [tilespmem:v1+s19+$0x0 ss:$0x1], $0xffff;
	[tilespmem:v0+s19+$0x0 ss:$0x1] =	vst.idx.msk $0xffff, v56  }
0x14: {  	v62 =	vld.idx.msk [tilespmem:v1+s19+$0x10 ss:$0x1], $0xffff;
	[tilespmem:v0+s19+$0xFFFFFF90 ss:$0x1] =	vst.idx.msk $0xffff, v57  }
0x15: {  	s17 =	sshll.u32 s17, $0x7;
	v63 =	vld.idx.msk [tilespmem:v1+s19+$0x20 ss:$0x1], $0xffff;
	s29 =	sand.u32 $0x78, s14;
	[tilespmem:v0+s19+$0xFFFFFFA0 ss:$0x1] =	vst.idx.msk $0xffff, v58  }
0x16: {  	s30 =	sshll.u32 s14, $0x3;
	s16 =	sshll.u32 s16, $0x10;
	s17 =	sand.u32 $0x380, s17;
	[tilespmem:v0+s19+$0xFFFFFFB0 ss:$0x1] =	vst.idx.msk $0xffff, v59  }
0x17: {  	s15 =	sshll.u32 s15, $0x8;
	s20 =	sand.u32 $0x400, s30;
	s17 =	sor.u32 s29, s17;
	[tilespmem:v0+s19+$0xFFFFFFC0 ss:$0x1] =	vst.idx.msk $0xffff, v60  }
0x18: {  	s31 =	sand.u32 $0x7, s14;
	s16 =	sadd.s32 s4, s16;
	s17 =	sor.u32 s20, s17;
	[tilespmem:v0+s19+$0xFFFFFFD0 ss:$0x1] =	vst.idx.msk $0xffff, v61  }
0x19: {  	s14 =	sshll.u32 s31, $0x12;
	s15 =	sadd.s32 s15, s16;
	s17 =	sshrl.u32 s17, $0x3;
	[tilespmem:v0+s19+$0xFFFFFFE0 ss:$0x1] =	vst.idx.msk $0xffff, v62  }
0x1a: {  	s14 =	sor.u32 $0x80, s14;
	[tilespmem:v0+s19+$0xFFFFFFF0 ss:$0x1] =	vst.idx.msk $0xffff, v63;
	s15 =	sadd.s32 s17, s15  }
0x1b: {  	[hbm4b:s15+s14] =	stream.strided.scatter [tilespmem:s18], [sflag:$0x2], $0x4000, s8, s14, $0x38;
	[tilespmem:$0x10000] =	vst v63  }
.LBB1_5:
0x1c: {  	s18 =	sadd.s32 $0x80, s10  }
0x1d: {  	s14 =	sadd.s32 $0x80, s11;
	s19 =	smov.u32 s11;
	p2 =	sgt.s32 s18, $0xFF  }
0x1e: {  	s19 =	smov.u32 @p2 s14  }
0x1f: {  	s20 =	smov.u32 s12;
	s14 =	sadd.s32 $0x2, s12;
	p3 =	sgt.s32 s19, $0xFF  }
0x20: {  	s20 =	smov.u32 @p3 s14  }
0x21: {  	s21 =	smov.u32 s13;
	s14 =	sadd.s32 $0x10, s13;
	p4 =	sgt.s32 s20, $0x7  }
0x22: {  	p1 =	slt.u32 s9, $0x2;
	s21 =	smov.u32 @p4 s14  }
0x23: {  	s9 =	sadd.s32 $0x1, s9;
	s18 =	simm.s32 @p2 $0x0;
	p2 =	sgt.s32 s21, $0xF  }
0x24: {  	s22 =	simm.s32 @!p1 $0x2;
	s21 =	smov.u32 @p2 s1;
	p2 =	sne.s32 s9, s7  }
.Ltmp1:
0x25: {  	s15 =	smov.u32 s11;
	_ =	swait.ge @!p1 [sflag:s22], $0x4000;
	(pc) =	sbr.rel @!p2 .LBB1_6-.Ltmp1, $4  }
0x26: {  	s17 =	smov.u32 s12;
	s16 =	smov.u32 s13;
	[sflag:s22] =	ssyncset.done @!p1 $0x0  }
0x27: {  	p0 =	por !p0, !p0;
	s19 =	simm.s32 @p3 $0x0;
	[sflag:s22] =	ssyncadd.s32 @!p1 $0xFFFFC000  }
0x28: {  	s11 =	smov.u32 s19;
	s20 =	smov.u32 @p4 s2;
	s14 =	smov.u32 s10  }
0x29: {  	s10 =	smov.u32 s18;
	s12 =	smov.u32 s20;
	s13 =	smov.u32 s21  }
.LBB1_1:
0x2a: {  	p1 =	sge.u32 s9, s6;
	s31 =	sadd.s32 $0xFFFFFFFF, s9  }
0x2b: {  	s18 =	sxor.u32 @!p1 $0xFFFFFFFF, s9;
	s19 =	sand.u32 @!p1 $0x78, s10;
	s20 =	sshll.u32 @!p1 s11, $0x8  }
0x2c: {  	s21 =	sshll.u32 @!p1 s10, $0x3;
	s22 =	sshll.u32 @!p1 s11, $0x7;
	s18 =	sshll.u32 @!p1 s18, $0xE  }
0x2d: {  	s20 =	sand.u32 @!p1 $0xF800, s20;
	s21 =	sand.u32 @!p1 $0xFC00, s21;
	s18 =	sand.u32 @!p1 $0x4000, s18  }
0x2e: {  	s20 =	sadd.s32 @!p1 s20, s21;
	s21 =	sand.u32 @!p1 $0x300, s22;
	s22 =	sand.u32 @!p1 $0x80, s22  }
0x2f: {  	s20 =	sor.u32 @!p1 s21, s20;
	s19 =	sor.u32 @!p1 s19, s22;
	s21 =	sshll.u32 @!p1 s13, $0x10  }
0x30: {  	s22 =	sshll.u32 @!p1 s12, $0xD;
	s20 =	sshrl.u32 @!p1 s20, $0x3;
	s21 =	sadd.s32 @!p1 s3, s21  }
0x31: {  	s19 =	sshrl.u32 @!p1 s19, $0x3;
	s21 =	sadd.s32 @!p1 s22, s21;
	s22 =	sand.u32 @!p1 $0x7, s10  }
0x32: {  	s20 =	sand.u32 @!p1 $0x1FE0, s20;
	s19 =	sadd.s32 @!p1 s19, s21;
	s21 =	sshll.u32 @!p1 s22, $0x12  }
0x33: {  	s19 =	sadd.s32 @!p1 s20, s19;
	s20 =	sor.u32 @!p1 $0x400, s21;
	s21 =	simm.s32 @!p1 $0x800  }
0x34: {  	[tilespmem:s18], [sflag:$0x1] =	stream.strided.gather @!p1 [hbm4b:s19+s20], $0x4000, s21, s20, $0x38;
	[tilespmem:$0x10000] =	vst v63  }
0x35: {  	p1 =	sge.u32 s31, s6  }
.Ltmp2:
0x36: {  	_ = 	snop;
	(pc) =	sbr.rel @p1 .LBB1_5-.Ltmp2, $1  }
0x37: {  	_ =	sdelay $0x3  }
0x38: {  	s18 =	simm.s32 $0x1  }
0x39: {  	s18 =	simm.s32 @!p0 $0x0  }
0x3a: {  	s18 =	sshll.u32 s18, $0xE  }
0x3b: {  	s19 =	sor.u32 $0x40, s18  }
0x3c: {  	v1 =	vmov s19;
	_ =	sdelay $0x1  }
0x3d: {  	_ =	swait.ge [sflag:s5], $0x4000  }
0x3e: {  	[sflag:s5] =	ssyncset.done $0x0  }
0x3f: {  	s20 =	simm.s32 $0x0;
	[sflag:s5] =	ssyncadd.s32 $0xFFFFC000  }
0x40: {  	s18 =	sor.u32 $0x8070, s18;
	v7 =	vld.idx.msk [tilespmem:v1+s20+$0x30 ss:$0x1], $0xffff  }
0x41: {  	v0 =	vmov s18;
	v8 =	vld.idx.msk [tilespmem:v1+s20+$0xFFFFFFC0 ss:$0x1], $0xffff  }
0x42: {  	v6 =	vld.idx.msk [tilespmem:v1+s20+$0xFFFFFFD0 ss:$0x1], $0xffff  }
0x43: {  	v4 =	vld.idx.msk [tilespmem:v1+s20+$0xFFFFFFE0 ss:$0x1], $0xffff  }
0x44: {  	v2 =	vld.idx.msk [tilespmem:v1+s20+$0xFFFFFFF0 ss:$0x1], $0xffff  }
0x45: {  	s31 =	sshll.u32 s9, $0xE;
	v3 =	vld.idx.msk [tilespmem:v1+s20+$0x0 ss:$0x1], $0xffff  }
0x46: {  	s18 =	sand.u32 $0x4000, s31;
	v5 =	vld.idx.msk [tilespmem:v1+s20+$0x10 ss:$0x1], $0xffff;
	[tilespmem:v0+s20+$0x0 ss:$0x1] =	vst.idx.msk $0xffff, v7  }
0x47: {  	s21 =	simm.s32 $0x400;
	s19 =	simm.s32 $0x80;
	s18 =	sor.u32 $0x8000, s18;
	[tilespmem:v0+s20+$0xFFFFFF90 ss:$0x1] =	vst.idx.msk $0xffff, v8;
	v7 =	vld.idx.msk [tilespmem:v1+s20+$0x20 ss:$0x1], $0xffff  }
.LBB1_3:
0x48: {  	p1 =	sne.s32 s21, $0xFE00;
	v8 =	vld.idx.msk [tilespmem:v1+s19+$0x30 ss:$0x1], $0xffff;
	[tilespmem:v0+s20+$0xFFFFFFA0 ss:$0x1] =	vst.idx.msk $0xffff, v6  }
0x49: {  	v9 =	vld.idx.msk [tilespmem:v1+s19+$0xFFFFFFC0 ss:$0x1], $0xffff;
	[tilespmem:v0+s20+$0xFFFFFFB0 ss:$0x1] =	vst.idx.msk $0xffff, v4  }
0x4a: {  	v6 =	vld.idx.msk [tilespmem:v1+s19+$0xFFFFFFD0 ss:$0x1], $0xffff;
	[tilespmem:v0+s20+$0xFFFFFFC0 ss:$0x1] =	vst.idx.msk $0xffff, v2  }
.Ltmp3:
0x4b: {  	v4 =	vld.idx.msk [tilespmem:v1+s19+$0xFFFFFFE0 ss:$0x1], $0xffff;
	[tilespmem:v0+s20+$0xFFFFFFD0 ss:$0x1] =	vst.idx.msk $0xffff, v3;
	(pc) =	sbr.rel @p1 .LBB1_3-.Ltmp3, $4  }
0x4c: {  	v2 =	vld.idx.msk [tilespmem:v1+s19+$0xFFFFFFF0 ss:$0x1], $0xffff;
	[tilespmem:v0+s20+$0xFFFFFFE0 ss:$0x1] =	vst.idx.msk $0xffff, v5  }
0x4d: {  	v3 =	vld.idx.msk [tilespmem:v1+s19+$0x0 ss:$0x1], $0xffff;
	[tilespmem:v0+s20+$0xFFFFFFF0 ss:$0x1] =	vst.idx.msk $0xffff, v7;
	s20 =	smov.u32 s19  }
0x4e: {  	v5 =	vld.idx.msk [tilespmem:v1+s20+$0x10 ss:$0x1], $0xffff;
	[tilespmem:v0+s20+$0x0 ss:$0x1] =	vst.idx.msk $0xffff, v8  }
0x4f: {  	s19 =	sshra.s32 s21, $0x2;
	s21 =	sadd.s32 $0x200, s21;
	[tilespmem:v0+s20+$0xFFFFFF90 ss:$0x1] =	vst.idx.msk $0xffff, v9;
	v7 =	vld.idx.msk [tilespmem:v1+s20+$0x20 ss:$0x1], $0xffff  }
.Ltmp4:
0x50: {  	_ = 	snop;
	(pc) =	sbr.rel .LBB1_4-.Ltmp4, $1  }
0x51: {  	_ =	sdelay $0x3  }
.LBB1_6:
0x52: {  	_ =	sfence.sel $0x180000  }
0x53: {  	s2 =	simm.s32 $0x1;
	[bflag:$0x0] =	sbarrier.arrive $0xFFFF  }
0x54: {  	s31 =	simm.s32 $0x2;
	[sflag:s2] =	ssyncpa.u1 $0x1  }
0x55: {  	[sflag:s31] =	ssyncpa.u1 $0x1  }
0x56: {  	p0 =	sne.s32 s1, $0x0;
	_ =	strace $0x9000004A  }
0x57: {  	s0 =	sadd.s32 @!p0 $0x100000, s0;
	[bflag:$0x2] =	sbarrier.arrive $0xFFFF  }
0x58: {  	[sflag:s0] =	ssyncadd.tile.s32 @!p0 $0x1;
	_ =	shalt  }
.Lfunc_end1:
_tile_overlayer_lowered:
.L_overlay_start_2:
0x59: {  	(tag) =	ssettag $0x2  }
0x5a: {  	s0 =	rddreg [dreg:$0x0];
	s2 =	stileid.u32  }
0x5b: {  	s1 =	rddreg [dreg:$0x1];
	p0 =	sne.s32 s2, $0x0  }
0x5c: {  	s3 =	rddreg [dreg:$0x2];
	[bflag:$0x3] =	sbarrier.arrive $0xFFFF;
	s2 =	simm.s32 @!p0 $0x1C01  }
0x5d: {  	[timem:s3], [sflag:s2] =	dma.local @!p0 [hbm:s0], s1  }
0x5e: {  	s0 =	simm.s32 @!p0 $0x1  }
0x5f: {  	_ =	swait.ge @!p0 [sflag:s0], s1  }
0x60: {  	s1 =	ssub.s32 @!p0 $0x0, s1;
	[sflag:s0] =	ssyncset.done @!p0 $0x0  }
0x61: {  	[sflag:s0] =	ssyncadd.s32 @!p0 s1  }
0x62: {  	[bflag:$0x3] =	sbarrier.arrive $0xFFFF  }
0x63: {  	_ =	shalt  }

</sc_bundles>
